<compile_context>
chip_gen: v7x
topology: tpu7x:2x2x1
jax: 0.10.2.dev20260603
libtpu: 0.0.44.dev20260713+nightly
codegen_flags: <defaults>
</compile_context>

<pallas_src>
import functools

import jax
import jax.numpy as jnp
from jax import lax
from jax.experimental import pallas as pl
from jax.experimental.pallas import tpu as pltpu
from jax.experimental.pallas import tpu_sc as plsc

N = 10000
E = 320000
DF = 128
DE = 16
B = 16
H = 128

NC = 2
NS = 16
NW = NC * NS
CK = 40
NCHUNK = E // CK
CPW = NCHUNK // NW
NPT = 624

_SELU_ALPHA = 1.6732632423543772
_SELU_SCALE = 1.0507009873554805


def _selu(h):
    return _SELU_SCALE * jnp.where(
        h > 0, h, _SELU_ALPHA * (jnp.exp(jnp.minimum(h, 0.0)) - 1.0)
    )




def _mm_kernel(x_ref, w_ref, b_ref, o_ref):
    o_ref[:] = (
        jnp.dot(x_ref[:], w_ref[:], preferred_element_type=jnp.float32)
        + b_ref[0:1, :]
    ).astype(o_ref.dtype)


def _mm(x, w, b, block_m, out_dtype=jnp.float32):
    m, k = x.shape
    _, h = w.shape
    b8 = jnp.broadcast_to(b.reshape(1, h), (8, h))
    return pl.pallas_call(
        _mm_kernel,
        grid=(m // block_m,),
        in_specs=[
            pl.BlockSpec((block_m, k), lambda i: (i, 0)),
            pl.BlockSpec((k, h), lambda i: (0, 0)),
            pl.BlockSpec((8, h), lambda i: (0, 0)),
        ],
        out_specs=pl.BlockSpec((block_m, h), lambda i: (i, 0)),
        out_shape=jax.ShapeDtypeStruct((m, h), out_dtype),
    )(x, w, b8)


def _edge_mm(edge_attr, w, b):
    ea_r = edge_attr.reshape(E // 8, 8 * DE)
    wb = jnp.zeros((8, DE, 8, H), jnp.float32)
    wb = wb.at[jnp.arange(8), :, jnp.arange(8), :].set(
        jnp.broadcast_to(w, (8, DE, H))
    )
    wb = wb.reshape(8 * DE, 8 * H)
    out_r = _mm(ea_r, wb, jnp.tile(b, 8), 2000)
    return out_r.reshape(E, H)


def _stage2_kernel(s0_ref, s1_ref, rec_ref, x_ref, ub_ref,
                   w2_ref, w3a_ref, w3b_ref, w3c_ref, b3_ref,
                   h2_ref, st_ref):
    i = pl.program_id(0)
    agg = jnp.dot(s0_ref[:] + s1_ref[:], w2_ref[:],
                  preferred_element_type=jnp.float32) * rec_ref[:]
    h2 = (
        jnp.dot(x_ref[:], w3a_ref[:], preferred_element_type=jnp.float32)
        + jnp.dot(agg, w3b_ref[:], preferred_element_type=jnp.float32)
        + jnp.dot(ub_ref[:], w3c_ref[:], preferred_element_type=jnp.float32)
        + b3_ref[0:1, :]
    )
    h2_ref[:] = h2

    @pl.when(i == 0)
    def _init():
        st_ref[:] = jnp.zeros_like(st_ref)

    st_ref[0:1, :] += jnp.sum(h2, axis=0, keepdims=True)
    st_ref[8:9, :] += jnp.sum(h2 * h2, axis=0, keepdims=True)


def _stage2(seg0, seg1, rec, x, ub, W2, W3a, W3b, W3c, b3, block_m):
    m, k = x.shape
    bm = block_m
    full = lambda i: (0, 0)
    blk = lambda i: (i, 0)
    return pl.pallas_call(
        _stage2_kernel,
        grid=(m // bm,),
        in_specs=[
            pl.BlockSpec((bm, k), blk),
            pl.BlockSpec((bm, k), blk),
            pl.BlockSpec((bm, k), blk),
            pl.BlockSpec((bm, k), blk),
            pl.BlockSpec((bm, k), blk),
            pl.BlockSpec((k, H), full),
            pl.BlockSpec((k, H), full),
            pl.BlockSpec((k, H), full),
            pl.BlockSpec((k, H), full),
            pl.BlockSpec((8, H), full),
        ],
        out_specs=[
            pl.BlockSpec((bm, H), blk),
            pl.BlockSpec((16, H), full),
        ],
        out_shape=[
            jax.ShapeDtypeStruct((m, H), jnp.float32),
            jax.ShapeDtypeStruct((16, H), jnp.float32),
        ],
    )(seg0, seg1, rec, x, ub, W2, W3a, W3b, W3c,
      jnp.broadcast_to(b3.reshape(1, H), (8, H)))


def _affine_selu_mm_kernel(x_ref, s_ref, o_ref, w_ref, b_ref, out_ref):
    y = _selu(x_ref[:] * s_ref[0:1, :] + o_ref[0:1, :])
    out_ref[:] = (
        jnp.dot(y, w_ref[:], preferred_element_type=jnp.float32) + b_ref[0:1, :]
    )


def _affine_selu_mm(x, scale, off, w, b, block_m):
    m, k = x.shape
    _, h = w.shape
    return pl.pallas_call(
        _affine_selu_mm_kernel,
        grid=(m // block_m,),
        in_specs=[
            pl.BlockSpec((block_m, k), lambda i: (i, 0)),
            pl.BlockSpec((8, k), lambda i: (0, 0)),
            pl.BlockSpec((8, k), lambda i: (0, 0)),
            pl.BlockSpec((k, h), lambda i: (0, 0)),
            pl.BlockSpec((8, h), lambda i: (0, 0)),
        ],
        out_specs=pl.BlockSpec((block_m, h), lambda i: (i, 0)),
        out_shape=jax.ShapeDtypeStruct((m, h), jnp.float32),
    )(x, jnp.broadcast_to(scale.reshape(1, k), (8, k)),
      jnp.broadcast_to(off.reshape(1, k), (8, k)), w,
      jnp.broadcast_to(b.reshape(1, h), (8, h)))



_MESH = plsc.VectorSubcoreMesh(
    core_axis_name="c", subcore_axis_name="s", num_cores=NC, num_subcores=NS
)

KB = 10
NBLK = CPW // KB


@functools.partial(
    pl.kernel,
    out_type=(
        jax.ShapeDtypeStruct((NW, 16, 16), jnp.float32),
        jax.ShapeDtypeStruct((NC, N, H), jnp.float32),
    ),
    mesh=_MESH,
    scratch_types=[
        pltpu.VMEM((2, KB, 2, CK), jnp.int32),
        pltpu.VMEM((2, CK, H), jnp.float32),
        pltpu.VMEM((2, CK, H), jnp.float32),
        pltpu.VMEM((16, 16), jnp.float32),
        pltpu.VMEM((CK, H), jnp.float32),
        pltpu.VMEM_SHARED((N, H), jnp.float32),
        pltpu.SemaphoreType.DMA,
        pltpu.SemaphoreType.DMA,
        pltpu.SemaphoreType.DMA,
        pltpu.SemaphoreType.DMA,
        pltpu.SemaphoreType.DMA,
        pltpu.SemaphoreType.DMA,
    ],
)
def _sc_stats(xw_hbm, ea_hbm, ri_hbm, zcnt_hbm, ones_hbm,
              part_hbm, cnt_hbm,
              idxq, gbuf, ebuf, accv, onesv, scnt,
              gsem0, gsem1, esem0, esem1, csem0, csem1):
    c = lax.axis_index("c")
    s = lax.axis_index("s")
    wid = c * NS + s
    base = wid * CPW
    gsem = (gsem0, gsem1)
    esem = (esem0, esem1)
    csem = (csem0, csem1)

    pltpu.sync_copy(ones_hbm, onesv)
    nbase = s * NPT
    pltpu.sync_copy(zcnt_hbm.at[pl.ds(0, NPT)], scnt.at[pl.ds(nbase, NPT)])

    @pl.when(s == NS - 1)
    def _zero_tail():
        pltpu.sync_copy(zcnt_hbm.at[pl.ds(0, 16)],
                        scnt.at[pl.ds(NS * NPT, 16)])

    plsc.subcore_barrier()

    def _load_blk(blk, slot):
        bstart = base + blk * KB
        pltpu.sync_copy(ri_hbm.at[pl.ds(bstart, KB)], idxq.at[slot])

    def _issue_g(rel, slot):
        bs = (rel // KB) % 2
        k = rel % KB
        pltpu.async_copy(xw_hbm.at[idxq.at[bs, k, 0]], gbuf.at[slot],
                         gsem[slot])

    def _issue_e(rel, slot):
        off = pl.multiple_of((base + rel) * CK, CK)
        pltpu.async_copy(ea_hbm.at[pl.ds(off, CK)], ebuf.at[slot], esem[slot])

    def _issue_c(rel, slot):
        bs = (rel // KB) % 2
        k = rel % KB
        pltpu.async_copy(onesv, scnt.at[idxq.at[bs, k, 1]], csem[slot],
                         add=True)

    def _drain_g(slot):
        pltpu.make_async_copy(
            xw_hbm.at[idxq.at[0, 0, 0]], gbuf.at[slot], gsem[slot]).wait()

    def _drain_e(slot):
        pltpu.make_async_copy(
            ea_hbm.at[pl.ds(0, CK)], ebuf.at[slot], esem[slot]).wait()

    def _drain_c(slot):
        pltpu.make_async_copy(
            zcnt_hbm.at[pl.ds(0, CK)], onesv, csem[slot]).wait()

    _load_blk(0, 0)
    _load_blk(1, 1)
    _issue_g(0, 0)
    _issue_e(0, 0)

    zero = jnp.zeros((16,), jnp.float32)
    init = tuple(zero for _ in range(16))

    def _accumulate(slot, accs):
        def row_body(rr, acc):
            new = []
            for j in range(8):
                sl = pl.ds(j * 16, 16)
                h = gbuf[slot, rr, sl] + ebuf[slot, rr, sl]
                new.append(acc[j] + h)
                new.append(acc[j + 8] + h * h)
            return tuple(new[i] for i in range(0, 16, 2)) + tuple(
                new[i] for i in range(1, 16, 2)
            )

        return lax.fori_loop(0, CK, row_body, accs)

    def pair_body(q, accs):
        for b in (0, 1):
            rel = 2 * q + b
            nxt = 1 - b

            if b == 0:
                @pl.when((q > 0) & (q % (KB // 2) == 0))
                def _next_blk():
                    blk = q // (KB // 2) + 1

                    @pl.when(blk < NBLK)
                    def _do():
                        _load_blk(blk, blk % 2)

            def _prefetch():
                @pl.when(rel > 0)
                def _reuse():
                    _drain_c(nxt)

                _issue_g(rel + 1, nxt)
                _issue_e(rel + 1, nxt)

            if b == 0:
                _prefetch()
            else:
                pl.when(q < CPW // 2 - 1)(_prefetch)
            _drain_g(b)
            _drain_e(b)
            accs = _accumulate(b, accs)
            _issue_c(rel, b)
        return accs

    accs = lax.fori_loop(0, CPW // 2, pair_body, init)
    _drain_c(0)
    _drain_c(1)
    for i in range(16):
        accv[i, :] = accs[i]
    pltpu.sync_copy(accv, part_hbm.at[wid])

    plsc.subcore_barrier()
    pltpu.sync_copy(scnt.at[pl.ds(nbase, NPT)],
                    cnt_hbm.at[c, pl.ds(nbase, NPT)])

    @pl.when(s == NS - 1)
    def _write_tail():
        pltpu.sync_copy(scnt.at[pl.ds(NS * NPT, 16)],
                        cnt_hbm.at[c, pl.ds(NS * NPT, 16)])


@functools.partial(
    pl.kernel,
    out_type=jax.ShapeDtypeStruct((NC, N, H), jnp.float32),
    mesh=_MESH,
    scratch_types=[
        pltpu.VMEM((2, KB, 2, CK), jnp.int32),
        pltpu.VMEM((2, CK, H), jnp.float32),
        pltpu.VMEM((2, CK, H), jnp.float32),
        pltpu.VMEM((H,), jnp.float32),
        pltpu.VMEM((H,), jnp.float32),
        pltpu.VMEM_SHARED((N, H), jnp.float32),
        pltpu.SemaphoreType.DMA,
        pltpu.SemaphoreType.DMA,
        pltpu.SemaphoreType.DMA,
        pltpu.SemaphoreType.DMA,
        pltpu.SemaphoreType.DMA,
        pltpu.SemaphoreType.DMA,
    ],
)
def _sc_scatter(xw_hbm, ea_hbm, ri_hbm, scale_hbm, off_hbm,
                zseg_hbm, seg_hbm,
                idxq, gbuf, ebuf, scale_v, off_v, sseg,
                gsem0, gsem1, esem0, esem1, ssem0, ssem1):
    c = lax.axis_index("c")
    s = lax.axis_index("s")
    wid = c * NS + s
    base = wid * CPW
    gsem = (gsem0, gsem1)
    esem = (esem0, esem1)
    ssem = (ssem0, ssem1)

    pltpu.sync_copy(scale_hbm, scale_v)
    pltpu.sync_copy(off_hbm, off_v)
    nbase = s * NPT
    pltpu.sync_copy(zseg_hbm.at[pl.ds(0, NPT)], sseg.at[pl.ds(nbase, NPT)])

    @pl.when(s == NS - 1)
    def _zero_tail():
        pltpu.sync_copy(zseg_hbm.at[pl.ds(0, 16)],
                        sseg.at[pl.ds(NS * NPT, 16)])

    plsc.subcore_barrier()

    scs = [scale_v[pl.ds(j * 16, 16)] for j in range(8)]
    ofs = [off_v[pl.ds(j * 16, 16)] for j in range(8)]

    def _load_blk(blk, slot):
        bstart = base + blk * KB
        pltpu.sync_copy(ri_hbm.at[pl.ds(bstart, KB)], idxq.at[slot])

    def _issue_g(rel, slot):
        bs = (rel // KB) % 2
        k = rel % KB
        pltpu.async_copy(xw_hbm.at[idxq.at[bs, k, 0]], gbuf.at[slot],
                         gsem[slot])

    def _issue_e(rel, slot):
        off = pl.multiple_of((base + rel) * CK, CK)
        pltpu.async_copy(ea_hbm.at[pl.ds(off, CK)], ebuf.at[slot], esem[slot])

    def _issue_s(rel, slot):
        bs = (rel // KB) % 2
        k = rel % KB
        pltpu.async_copy(gbuf.at[slot], sseg.at[idxq.at[bs, k, 1]],
                         ssem[slot], add=True)

    def _drain_g(slot):
        pltpu.make_async_copy(
            xw_hbm.at[idxq.at[0, 0, 0]], gbuf.at[slot], gsem[slot]).wait()

    def _drain_e(slot):
        pltpu.make_async_copy(
            ea_hbm.at[pl.ds(0, CK)], ebuf.at[slot], esem[slot]).wait()

    def _drain_s(slot):
        pltpu.make_async_copy(
            zseg_hbm.at[pl.ds(0, CK)], gbuf.at[slot], ssem[slot]).wait()

    _load_blk(0, 0)
    _load_blk(1, 1)
    _issue_g(0, 0)
    _issue_e(0, 0)

    def _selu_rows(slot):
        def row_body(rr, cin):
            for j in range(8):
                sl = pl.ds(j * 16, 16)
                h = (gbuf[slot, rr, sl] + ebuf[slot, rr, sl]) * scs[j] + ofs[j]
                neg = _SELU_ALPHA * (jnp.exp(jnp.minimum(h, 0.0)) - 1.0)
                gbuf[slot, rr, sl] = _SELU_SCALE * jnp.where(h > 0, h, neg)
            return cin

        lax.fori_loop(0, CK, row_body, 0)

    def pair_body(q, carry):
        for b in (0, 1):
            rel = 2 * q + b
            nxt = 1 - b

            if b == 0:
                @pl.when((q > 0) & (q % (KB // 2) == 0))
                def _next_blk():
                    blk = q // (KB // 2) + 1

                    @pl.when(blk < NBLK)
                    def _do():
                        _load_blk(blk, blk % 2)

            def _prefetch():
                @pl.when(rel > 0)
                def _reuse():
                    _drain_s(nxt)

                _issue_g(rel + 1, nxt)
                _issue_e(rel + 1, nxt)

            if b == 0:
                _prefetch()
            else:
                pl.when(q < CPW // 2 - 1)(_prefetch)
            _drain_g(b)
            _drain_e(b)
            _selu_rows(b)
            _issue_s(rel, b)
        return carry

    lax.fori_loop(0, CPW // 2, pair_body, 0)
    _drain_s(0)
    _drain_s(1)
    plsc.subcore_barrier()

    pltpu.sync_copy(sseg.at[pl.ds(nbase, NPT)],
                    seg_hbm.at[c, pl.ds(nbase, NPT)])

    @pl.when(s == NS - 1)
    def _write_tail():
        pltpu.sync_copy(sseg.at[pl.ds(NS * NPT, 16)],
                        seg_hbm.at[c, pl.ds(NS * NPT, 16)])




def kernel(x, edge_index, edge_attr, u, batch, W1, b1, g1, be1, W2, b2,
           W3, b3, g2, be2, W4, b4):
    row = edge_index[0]
    col = edge_index[1]
    zeros_h = jnp.zeros((H,), jnp.float32)

    xW = _mm(x, W1[:DF], zeros_h, 1000)
    eaW1 = _edge_mm(edge_attr, W1[DF:], b1)

    riG = jnp.stack([row.reshape(NCHUNK, CK), col.reshape(NCHUNK, CK)],
                    axis=1)
    zcnt = jnp.zeros((NPT, H), jnp.float32)
    ones_ck = jnp.ones((CK, H), jnp.float32)
    parts, cnt16 = _sc_stats(xW, eaW1, riG, zcnt, ones_ck)
    sums = parts[:, 0:8, :].reshape(NW, H).sum(axis=0)
    sqs = parts[:, 8:16, :].reshape(NW, H).sum(axis=0)
    mean1 = sums / E
    var1 = sqs / E - mean1 * mean1
    inv1 = g1 / jnp.sqrt(var1 + 1e-5)
    scale1 = inv1
    off1 = be1 - mean1 * inv1

    zseg = jnp.zeros((NPT, H), jnp.float32)
    seg = _sc_scatter(xW, eaW1, riG, scale1, off1, zseg)

    cnt = cnt16[0, :, 0] + cnt16[1, :, 0]
    rec = jnp.broadcast_to(
        (1.0 / jnp.maximum(cnt, 1.0))[:, None], (N, H)
    )
    ub = u[batch]
    h2, st = _stage2(seg[0], seg[1], rec, x, ub, W2,
                     W3[:DF], W3[DF:2 * DF], W3[2 * DF:], b3, 1000)
    mean2 = st[0] / N
    var2 = st[8] / N - mean2 * mean2
    inv2 = g2 / jnp.sqrt(var2 + 1e-5)
    return _affine_selu_mm(h2, inv2, be2 - mean2 * inv2, W4, b4, 1000)

# --- scband reference (transcript-rebuilt; emitter-appended) ---
"""Pipeline reference for scband-node-mlpmodel-15745350107780 (READ-ONLY COPY).

The authoritative reference and input builder live on the scoring server;
editing this copy changes nothing except your own understanding.
"""

import jax, jax.numpy as jnp
import numpy as np

N = 10000
E = 320000
DF = 128
DE = 16
B = 16
H = 128
D1 = DF + DE      # 144, input to node_mlp_1
D2 = DF + H + DF  # 384, input to node_mlp_2


def setup_inputs(seed: int = 0) -> dict:
    key = jax.random.key(seed)
    ks = jax.random.split(key, 20)
    x = jax.random.normal(ks[0], (N, DF), dtype=jnp.float32)
    edge_index = jax.random.randint(ks[1], (2, E), 0, N, dtype=jnp.int32)
    edge_attr = jax.random.normal(ks[2], (E, DE), dtype=jnp.float32)
    u = jax.random.normal(ks[3], (B, DF), dtype=jnp.float32)
    batch = jnp.sort(jax.random.randint(ks[4], (N,), 0, B, dtype=jnp.int32))
    W1 = jax.random.normal(ks[5], (D1, H), dtype=jnp.float32) / np.sqrt(D1)
    b1 = jnp.zeros((H,), jnp.float32)
    g1 = jnp.ones((H,), jnp.float32)
    be1 = jnp.zeros((H,), jnp.float32)
    W2 = jax.random.normal(ks[6], (H, H), dtype=jnp.float32) / np.sqrt(H)
    b2 = jnp.zeros((H,), jnp.float32)
    W3 = jax.random.normal(ks[7], (D2, H), dtype=jnp.float32) / np.sqrt(D2)
    b3 = jnp.zeros((H,), jnp.float32)
    g2 = jnp.ones((H,), jnp.float32)
    be2 = jnp.zeros((H,), jnp.float32)
    W4 = jax.random.normal(ks[8], (H, H), dtype=jnp.float32) / np.sqrt(H)
    b4 = jnp.zeros((H,), jnp.float32)
    return {"x": x, "edge_index": edge_index, "edge_attr": edge_attr, "u": u, "batch": batch,
            "W1": W1, "b1": b1, "g1": g1, "be1": be1, "W2": W2, "b2": b2,
            "W3": W3, "b3": b3, "g2": g2, "be2": be2, "W4": W4, "b4": b4}


def _mlp(h, Wa, ba, g, be, Wb, bb):
    # Linear -> BatchNorm1d (training-mode batch stats, eps=1e-5) -> SELU -> Linear
    h = h @ Wa + ba
    mean = jnp.mean(h, axis=0)
    var = jnp.var(h, axis=0)
    h = (h - mean) / jnp.sqrt(var + 1e-5) * g + be
    h = jax.nn.selu(h)
    return h @ Wb + bb


def reference(x, edge_index, edge_attr, u, batch, W1, b1, g1, be1, W2, b2, W3, b3, g2, be2, W4, b4):
    row = edge_index[0]
    col = edge_index[1]
    out = jnp.concatenate([x[row], edge_attr], axis=1)
    out = _mlp(out, W1, b1, g1, be1, W2, b2)
    n = x.shape[0]
    s = jax.ops.segment_sum(out, col, num_segments=n)
    cnt = jax.ops.segment_sum(jnp.ones((col.shape[0],), out.dtype), col, num_segments=n)
    agg = s / jnp.maximum(cnt, 1.0)[:, None]
    h2 = jnp.concatenate([x, agg, u[batch]], axis=1)
    return _mlp(h2, W3, b3, g2, be2, W4, b4)

if __name__ == "__main__":
    import jax
    _d = setup_inputs()
    print(jax.jit(kernel)(*tuple(_d.values())))

</pallas_src>

<mosaic_0001>
#map = affine_map<(d0, d1) -> (0, 0)>
#map1 = affine_map<(d0, d1) -> (0, 0, 0)>
module attributes {stable_mosaic.version = 14 : i64} {
  func.func @_sc_stats(%arg0: i32, %arg1: i32, %arg2: memref<10000x128xf32, #tpu.memory_space<hbm>>, %arg3: memref<320000x128xf32, #tpu.memory_space<hbm>>, %arg4: memref<8000x2x40xi32, #tpu.memory_space<hbm>>, %arg5: memref<624x128xf32, #tpu.memory_space<hbm>>, %arg6: memref<40x128xf32, #tpu.memory_space<hbm>>, %arg7: memref<32x16x16xf32, #tpu.memory_space<hbm>>, %arg8: memref<2x10000x128xf32, #tpu.memory_space<hbm>>, %arg9: memref<2x10x2x40xi32, #tpu.memory_space<vmem>>, %arg10: memref<2x40x128xf32, #tpu.memory_space<vmem>>, %arg11: memref<2x40x128xf32, #tpu.memory_space<vmem>>, %arg12: memref<16x16xf32, #tpu.memory_space<vmem>>, %arg13: memref<40x128xf32, #tpu.memory_space<vmem>>, %arg14: memref<10000x128xf32, #tpu.memory_space<vmem_shared>>, %arg15: memref<!tpu.dma_semaphore, #tpu.memory_space<semaphore_mem>>, %arg16: memref<!tpu.dma_semaphore, #tpu.memory_space<semaphore_mem>>, %arg17: memref<!tpu.dma_semaphore, #tpu.memory_space<semaphore_mem>>, %arg18: memref<!tpu.dma_semaphore, #tpu.memory_space<semaphore_mem>>, %arg19: memref<!tpu.dma_semaphore, #tpu.memory_space<semaphore_mem>>, %arg20: memref<!tpu.dma_semaphore, #tpu.memory_space<semaphore_mem>>) attributes {dimension_semantics = [#tpu.dimension_semantics<core_parallel>, #tpu.dimension_semantics<subcore_parallel>], iteration_bounds = array<i64: 2, 16>, scalar_prefetch = 0 : i64, scratch_operands = 12 : i64, tpu.core_type = #tpu.core_type<sc_vector_subcore>, window_params = [{transform_indices = #map}, {transform_indices = #map}, {transform_indices = #map1}, {transform_indices = #map}, {transform_indices = #map}, {transform_indices = #map1}, {transform_indices = #map1}]} {
    %mul3A = arith.constant 16 : i32
    %mul3A_0 = arith.muli %arg0, %mul3A : i32
    %add3A = arith.addi %mul3A_0, %arg1 : i32
    %mul3A_1 = arith.constant 250 : i32
    %mul3A_2 = arith.muli %add3A, %mul3A_1 : i32
    "tpu.region"() ({
      %run_scoped3A_160 = tpu.sem_alloc : memref<!tpu.dma_semaphore, #tpu.memory_space<semaphore_mem>>
      tpu.enqueue_dma source(%arg6 : memref<40x128xf32, #tpu.memory_space<hbm>>) target(%arg13 : memref<40x128xf32, #tpu.memory_space<vmem>>) target_semaphore(%run_scoped3A_160 : memref<!tpu.dma_semaphore, #tpu.memory_space<semaphore_mem>>)
      tpu.wait_dma2 semaphore(%run_scoped3A_160 : memref<!tpu.dma_semaphore, #tpu.memory_space<semaphore_mem>>) src(%arg6 : memref<40x128xf32, #tpu.memory_space<hbm>>) dst(%arg13 : memref<40x128xf32, #tpu.memory_space<vmem>>)
      tpu.yield
    }) : () -> ()
    %mul3A_3 = arith.constant 624 : i32
    %mul3A_4 = arith.muli %arg1, %mul3A_3 : i32
    "tpu.region"() ({
      %run_scoped3A_160 = tpu.sem_alloc : memref<!tpu.dma_semaphore, #tpu.memory_space<semaphore_mem>>
      %dma_start3A_161 = arith.constant 0 : i32
      %dma_start3A_162 = tpu.memref_slice %arg14[%mul3A_4, %dma_start3A_161] : memref<10000x128xf32, #tpu.memory_space<vmem_shared>> -> memref<624x128xf32, #tpu.memory_space<vmem_shared>>
      %dma_start3A_163 = arith.constant 0 : i32
      %dma_start3A_164 = arith.constant 0 : i32
      %dma_start3A_165 = tpu.memref_slice %arg5[%dma_start3A_163, %dma_start3A_164] : memref<624x128xf32, #tpu.memory_space<hbm>> -> memref<624x128xf32, #tpu.memory_space<hbm>>
      tpu.enqueue_dma source(%dma_start3A_165 : memref<624x128xf32, #tpu.memory_space<hbm>>) target(%dma_start3A_162 : memref<624x128xf32, #tpu.memory_space<vmem_shared>>) target_semaphore(%run_scoped3A_160 : memref<!tpu.dma_semaphore, #tpu.memory_space<semaphore_mem>>)
      %dma_wait3A_166 = arith.constant 0 : i32
      %dma_wait3A_167 = tpu.memref_slice %arg14[%mul3A_4, %dma_wait3A_166] : memref<10000x128xf32, #tpu.memory_space<vmem_shared>> -> memref<624x128xf32, #tpu.memory_space<vmem_shared>>
      %dma_wait3A_168 = arith.constant 0 : i32
      %dma_wait3A_169 = arith.constant 0 : i32
      %dma_wait3A_170 = tpu.memref_slice %arg5[%dma_wait3A_168, %dma_wait3A_169] : memref<624x128xf32, #tpu.memory_space<hbm>> -> memref<624x128xf32, #tpu.memory_space<hbm>>
      tpu.wait_dma2 semaphore(%run_scoped3A_160 : memref<!tpu.dma_semaphore, #tpu.memory_space<semaphore_mem>>) src(%dma_wait3A_170 : memref<624x128xf32, #tpu.memory_space<hbm>>) dst(%dma_wait3A_167 : memref<624x128xf32, #tpu.memory_space<vmem_shared>>)
      tpu.yield
    }) : () -> ()
    %eq3A = arith.constant 15 : i32
    %eq3A_5 = arith.cmpi eq, %arg1, %eq3A : i32
    %convert_element_type3A = arith.extui %eq3A_5 : i1 to i32
    %cond3A = arith.constant 0 : i32
    %cond3A_6 = arith.cmpi ne, %convert_element_type3A, %cond3A : i32
    scf.if %cond3A_6 {
      "tpu.region"() ({
        %run_scoped3A_160 = tpu.sem_alloc : memref<!tpu.dma_semaphore, #tpu.memory_space<semaphore_mem>>
        %dma_start3A_161 = arith.constant 9984 : i32
        %dma_start3A_162 = arith.constant 0 : i32
        %dma_start3A_163 = tpu.memref_slice %arg14[%dma_start3A_161, %dma_start3A_162] : memref<10000x128xf32, #tpu.memory_space<vmem_shared>> -> memref<16x128xf32, #tpu.memory_space<vmem_shared>>
        %dma_start3A_164 = arith.constant 0 : i32
        %dma_start3A_165 = arith.constant 0 : i32
        %dma_start3A_166 = tpu.memref_slice %arg5[%dma_start3A_164, %dma_start3A_165] : memref<624x128xf32, #tpu.memory_space<hbm>> -> memref<16x128xf32, #tpu.memory_space<hbm>>
        tpu.enqueue_dma source(%dma_start3A_166 : memref<16x128xf32, #tpu.memory_space<hbm>>) target(%dma_start3A_163 : memref<16x128xf32, #tpu.memory_space<vmem_shared>>) target_semaphore(%run_scoped3A_160 : memref<!tpu.dma_semaphore, #tpu.memory_space<semaphore_mem>>)
        %dma_wait3A_167 = arith.constant 9984 : i32
        %dma_wait3A_168 = arith.constant 0 : i32
        %dma_wait3A_169 = tpu.memref_slice %arg14[%dma_wait3A_167, %dma_wait3A_168] : memref<10000x128xf32, #tpu.memory_space<vmem_shared>> -> memref<16x128xf32, #tpu.memory_space<vmem_shared>>
        %dma_wait3A_170 = arith.constant 0 : i32
        %dma_wait3A_171 = arith.constant 0 : i32
        %dma_wait3A_172 = tpu.memref_slice %arg5[%dma_wait3A_170, %dma_wait3A_171] : memref<624x128xf32, #tpu.memory_space<hbm>> -> memref<16x128xf32, #tpu.memory_space<hbm>>
        tpu.wait_dma2 semaphore(%run_scoped3A_160 : memref<!tpu.dma_semaphore, #tpu.memory_space<semaphore_mem>>) src(%dma_wait3A_172 : memref<16x128xf32, #tpu.memory_space<hbm>>) dst(%dma_wait3A_169 : memref<16x128xf32, #tpu.memory_space<vmem_shared>>)
        tpu.yield
      }) : () -> ()
    } else {
    }
    %barrier3A = arith.constant 0 : index
    tpu.barrier barrier_id(%barrier3A)
    %add3A_7 = arith.constant 0 : i32
    %add3A_8 = arith.addi %mul3A_2, %add3A_7 : i32
    %run_scoped3A = arith.constant 0 : i32
    "tpu.region"() ({
      %run_scoped3A_160 = tpu.sem_alloc : memref<!tpu.dma_semaphore, #tpu.memory_space<semaphore_mem>>
      %dma_start3A_161 = arith.constant 0 : i32
      %dma_start3A_162 = arith.constant 0 : i32
      %dma_start3A_163 = arith.constant 0 : i32
      %dma_start3A_164 = tpu.memref_slice %arg9[%run_scoped3A, %dma_start3A_161, %dma_start3A_162, %dma_start3A_163] : memref<2x10x2x40xi32, #tpu.memory_space<vmem>> -> memref<1x10x2x40xi32, #tpu.memory_space<vmem>>
      %dma_start3A_165 = tpu.memref_squeeze %dma_start3A_164 : memref<1x10x2x40xi32, #tpu.memory_space<vmem>> -> memref<10x2x40xi32, #tpu.memory_space<vmem>>
      %dma_start3A_166 = arith.constant 0 : i32
      %dma_start3A_167 = arith.constant 0 : i32
      %dma_start3A_168 = tpu.memref_slice %arg4[%add3A_8, %dma_start3A_166, %dma_start3A_167] : memref<8000x2x40xi32, #tpu.memory_space<hbm>> -> memref<10x2x40xi32, #tpu.memory_space<hbm>>
      %dma_start3A_169 = arith.constant 0 : i32
      %dma_start3A_170 = arith.constant 0 : i32
      %dma_start3A_171 = arith.constant 0 : i32
      %dma_start3A_172 = tpu.memref_slice %arg9[%run_scoped3A, %dma_start3A_169, %dma_start3A_170, %dma_start3A_171] : memref<2x10x2x40xi32, #tpu.memory_space<vmem>> -> memref<1x10x2x40xi32, #tpu.memory_space<vmem>>
      %dma_start3A_173 = tpu.memref_squeeze %dma_start3A_172 : memref<1x10x2x40xi32, #tpu.memory_space<vmem>> -> memref<10x2x40xi32, #tpu.memory_space<vmem>>
      %dma_start3A_174 = arith.constant 0 : i32
      %dma_start3A_175 = arith.constant 0 : i32
      %dma_start3A_176 = tpu.memref_slice %arg4[%add3A_8, %dma_start3A_174, %dma_start3A_175] : memref<8000x2x40xi32, #tpu.memory_space<hbm>> -> memref<10x2x40xi32, #tpu.memory_space<hbm>>
      tpu.enqueue_dma source(%dma_start3A_176 : memref<10x2x40xi32, #tpu.memory_space<hbm>>) target(%dma_start3A_173 : memref<10x2x40xi32, #tpu.memory_space<vmem>>) target_semaphore(%run_scoped3A_160 : memref<!tpu.dma_semaphore, #tpu.memory_space<semaphore_mem>>)
      %dma_wait3A_177 = arith.constant 0 : i32
      %dma_wait3A_178 = arith.constant 0 : i32
      %dma_wait3A_179 = arith.constant 0 : i32
      %dma_wait3A_180 = tpu.memref_slice %arg9[%run_scoped3A, %dma_wait3A_177, %dma_wait3A_178, %dma_wait3A_179] : memref<2x10x2x40xi32, #tpu.memory_space<vmem>> -> memref<1x10x2x40xi32, #tpu.memory_space<vmem>>
      %dma_wait3A_181 = tpu.memref_squeeze %dma_wait3A_180 : memref<1x10x2x40xi32, #tpu.memory_space<vmem>> -> memref<10x2x40xi32, #tpu.memory_space<vmem>>
      %dma_wait3A_182 = arith.constant 0 : i32
      %dma_wait3A_183 = arith.constant 0 : i32
      %dma_wait3A_184 = tpu.memref_slice %arg4[%add3A_8, %dma_wait3A_182, %dma_wait3A_183] : memref<8000x2x40xi32, #tpu.memory_space<hbm>> -> memref<10x2x40xi32, #tpu.memory_space<hbm>>
      %dma_wait3A_185 = arith.constant 0 : i32
      %dma_wait3A_186 = arith.constant 0 : i32
      %dma_wait3A_187 = arith.constant 0 : i32
      %dma_wait3A_188 = tpu.memref_slice %arg9[%run_scoped3A, %dma_wait3A_185, %dma_wait3A_186, %dma_wait3A_187] : memref<2x10x2x40xi32, #tpu.memory_space<vmem>> -> memref<1x10x2x40xi32, #tpu.memory_space<vmem>>
      %dma_wait3A_189 = tpu.memref_squeeze %dma_wait3A_188 : memref<1x10x2x40xi32, #tpu.memory_space<vmem>> -> memref<10x2x40xi32, #tpu.memory_space<vmem>>
      %dma_wait3A_190 = arith.constant 0 : i32
      %dma_wait3A_191 = arith.constant 0 : i32
      %dma_wait3A_192 = tpu.memref_slice %arg4[%add3A_8, %dma_wait3A_190, %dma_wait3A_191] : memref<8000x2x40xi32, #tpu.memory_space<hbm>> -> memref<10x2x40xi32, #tpu.memory_space<hbm>>
      tpu.wait_dma2 semaphore(%run_scoped3A_160 : memref<!tpu.dma_semaphore, #tpu.memory_space<semaphore_mem>>) src(%dma_wait3A_192 : memref<10x2x40xi32, #tpu.memory_space<hbm>>) dst(%dma_wait3A_189 : memref<10x2x40xi32, #tpu.memory_space<vmem>>)
      tpu.yield
    }) : () -> ()
    %add3A_9 = arith.constant 10 : i32
    %add3A_10 = arith.addi %mul3A_2, %add3A_9 : i32
    %run_scoped3A_11 = arith.constant 1 : i32
    "tpu.region"() ({
      %run_scoped3A_160 = tpu.sem_alloc : memref<!tpu.dma_semaphore, #tpu.memory_space<semaphore_mem>>
      %dma_start3A_161 = arith.constant 0 : i32
      %dma_start3A_162 = arith.constant 0 : i32
      %dma_start3A_163 = arith.constant 0 : i32
      %dma_start3A_164 = tpu.memref_slice %arg9[%run_scoped3A_11, %dma_start3A_161, %dma_start3A_162, %dma_start3A_163] : memref<2x10x2x40xi32, #tpu.memory_space<vmem>> -> memref<1x10x2x40xi32, #tpu.memory_space<vmem>>
      %dma_start3A_165 = tpu.memref_squeeze %dma_start3A_164 : memref<1x10x2x40xi32, #tpu.memory_space<vmem>> -> memref<10x2x40xi32, #tpu.memory_space<vmem>>
      %dma_start3A_166 = arith.constant 0 : i32
      %dma_start3A_167 = arith.constant 0 : i32
      %dma_start3A_168 = tpu.memref_slice %arg4[%add3A_10, %dma_start3A_166, %dma_start3A_167] : memref<8000x2x40xi32, #tpu.memory_space<hbm>> -> memref<10x2x40xi32, #tpu.memory_space<hbm>>
      %dma_start3A_169 = arith.constant 0 : i32
      %dma_start3A_170 = arith.constant 0 : i32
      %dma_start3A_171 = arith.constant 0 : i32
      %dma_start3A_172 = tpu.memref_slice %arg9[%run_scoped3A_11, %dma_start3A_169, %dma_start3A_170, %dma_start3A_171] : memref<2x10x2x40xi32, #tpu.memory_space<vmem>> -> memref<1x10x2x40xi32, #tpu.memory_space<vmem>>
      %dma_start3A_173 = tpu.memref_squeeze %dma_start3A_172 : memref<1x10x2x40xi32, #tpu.memory_space<vmem>> -> memref<10x2x40xi32, #tpu.memory_space<vmem>>
      %dma_start3A_174 = arith.constant 0 : i32
      %dma_start3A_175 = arith.constant 0 : i32
      %dma_start3A_176 = tpu.memref_slice %arg4[%add3A_10, %dma_start3A_174, %dma_start3A_175] : memref<8000x2x40xi32, #tpu.memory_space<hbm>> -> memref<10x2x40xi32, #tpu.memory_space<hbm>>
      tpu.enqueue_dma source(%dma_start3A_176 : memref<10x2x40xi32, #tpu.memory_space<hbm>>) target(%dma_start3A_173 : memref<10x2x40xi32, #tpu.memory_space<vmem>>) target_semaphore(%run_scoped3A_160 : memref<!tpu.dma_semaphore, #tpu.memory_space<semaphore_mem>>)
      %dma_wait3A_177 = arith.constant 0 : i32
      %dma_wait3A_178 = arith.constant 0 : i32
      %dma_wait3A_179 = arith.constant 0 : i32
      %dma_wait3A_180 = tpu.memref_slice %arg9[%run_scoped3A_11, %dma_wait3A_177, %dma_wait3A_178, %dma_wait3A_179] : memref<2x10x2x40xi32, #tpu.memory_space<vmem>> -> memref<1x10x2x40xi32, #tpu.memory_space<vmem>>
      %dma_wait3A_181 = tpu.memref_squeeze %dma_wait3A_180 : memref<1x10x2x40xi32, #tpu.memory_space<vmem>> -> memref<10x2x40xi32, #tpu.memory_space<vmem>>
      %dma_wait3A_182 = arith.constant 0 : i32
      %dma_wait3A_183 = arith.constant 0 : i32
      %dma_wait3A_184 = tpu.memref_slice %arg4[%add3A_10, %dma_wait3A_182, %dma_wait3A_183] : memref<8000x2x40xi32, #tpu.memory_space<hbm>> -> memref<10x2x40xi32, #tpu.memory_space<hbm>>
      %dma_wait3A_185 = arith.constant 0 : i32
      %dma_wait3A_186 = arith.constant 0 : i32
      %dma_wait3A_187 = arith.constant 0 : i32
      %dma_wait3A_188 = tpu.memref_slice %arg9[%run_scoped3A_11, %dma_wait3A_185, %dma_wait3A_186, %dma_wait3A_187] : memref<2x10x2x40xi32, #tpu.memory_space<vmem>> -> memref<1x10x2x40xi32, #tpu.memory_space<vmem>>
      %dma_wait3A_189 = tpu.memref_squeeze %dma_wait3A_188 : memref<1x10x2x40xi32, #tpu.memory_space<vmem>> -> memref<10x2x40xi32, #tpu.memory_space<vmem>>
      %dma_wait3A_190 = arith.constant 0 : i32
      %dma_wait3A_191 = arith.constant 0 : i32
      %dma_wait3A_192 = tpu.memref_slice %arg4[%add3A_10, %dma_wait3A_190, %dma_wait3A_191] : memref<8000x2x40xi32, #tpu.memory_space<hbm>> -> memref<10x2x40xi32, #tpu.memory_space<hbm>>
      tpu.wait_dma2 semaphore(%run_scoped3A_160 : memref<!tpu.dma_semaphore, #tpu.memory_space<semaphore_mem>>) src(%dma_wait3A_192 : memref<10x2x40xi32, #tpu.memory_space<hbm>>) dst(%dma_wait3A_189 : memref<10x2x40xi32, #tpu.memory_space<vmem>>)
      tpu.yield
    }) : () -> ()
    %dma_start3A = arith.constant 0 : i32
    %dma_start3A_12 = arith.constant 0 : i32
    %dma_start3A_13 = arith.constant 0 : i32
    %dma_start3A_14 = arith.constant 0 : i32
    %dma_start3A_15 = arith.constant 0 : i32
    %dma_start3A_16 = arith.constant 0 : i32
    %dma_start3A_17 = tpu.memref_slice %arg10[%dma_start3A_14, %dma_start3A_15, %dma_start3A_16] : memref<2x40x128xf32, #tpu.memory_space<vmem>> -> memref<1x40x128xf32, #tpu.memory_space<vmem>>
    %dma_start3A_18 = tpu.memref_squeeze %dma_start3A_17 : memref<1x40x128xf32, #tpu.memory_space<vmem>> -> memref<40x128xf32, #tpu.memory_space<vmem>>
    %dma_start3A_19 = arith.constant 0 : i32
    %dma_start3A_20 = tpu.memref_slice %arg9[%dma_start3A, %dma_start3A_12, %dma_start3A_13, %dma_start3A_19] : memref<2x10x2x40xi32, #tpu.memory_space<vmem>> -> memref<1x1x1x40xi32, #tpu.memory_space<vmem>>
    %dma_start3A_21 = tpu.memref_squeeze %dma_start3A_20 : memref<1x1x1x40xi32, #tpu.memory_space<vmem>> -> memref<40xi32, #tpu.memory_space<vmem>>
    %dma_start3A_22 = arith.constant 0 : i32
    %dma_start3A_23 = arith.constant 0 : i32
    %dma_start3A_24 = tpu.memref_slice %arg2[%dma_start3A_22, %dma_start3A_23] : memref<10000x128xf32, #tpu.memory_space<hbm>> -> memref<10000x128xf32, #tpu.memory_space<hbm>>
    tpu.enqueue_indirect_dma source(%dma_start3A_24 : memref<10000x128xf32, #tpu.memory_space<hbm>>) target(%dma_start3A_18 : memref<40x128xf32, #tpu.memory_space<vmem>>) offsets(%dma_start3A_21 : memref<40xi32, #tpu.memory_space<vmem>>) semaphore(%arg15 : memref<!tpu.dma_semaphore, #tpu.memory_space<semaphore_mem>>)
    %add3A_25 = arith.constant 0 : i32
    %add3A_26 = arith.addi %mul3A_2, %add3A_25 : i32
    %mul3A_27 = arith.constant 40 : i32
    %mul3A_28 = arith.muli %add3A_26, %mul3A_27 : i32
    %multiple_of3A = tpu.assume_multiple %mul3A_28, 40 : i32
    %dma_start3A_29 = arith.constant 0 : i32
    %dma_start3A_30 = arith.constant 0 : i32
    %dma_start3A_31 = arith.constant 0 : i32
    %dma_start3A_32 = tpu.memref_slice %arg11[%dma_start3A_29, %dma_start3A_30, %dma_start3A_31] : memref<2x40x128xf32, #tpu.memory_space<vmem>> -> memref<1x40x128xf32, #tpu.memory_space<vmem>>
    %dma_start3A_33 = tpu.memref_squeeze %dma_start3A_32 : memref<1x40x128xf32, #tpu.memory_space<vmem>> -> memref<40x128xf32, #tpu.memory_space<vmem>>
    %dma_start3A_34 = arith.constant 0 : i32
    %dma_start3A_35 = tpu.memref_slice %arg3[%multiple_of3A, %dma_start3A_34] : memref<320000x128xf32, #tpu.memory_space<hbm>> -> memref<40x128xf32, #tpu.memory_space<hbm>>
    %dma_start3A_36 = arith.constant 0 : i32
    %dma_start3A_37 = arith.constant 0 : i32
    %dma_start3A_38 = tpu.memref_slice %arg11[%dma_start3A_29, %dma_start3A_36, %dma_start3A_37] : memref<2x40x128xf32, #tpu.memory_space<vmem>> -> memref<1x40x128xf32, #tpu.memory_space<vmem>>
    %dma_start3A_39 = tpu.memref_squeeze %dma_start3A_38 : memref<1x40x128xf32, #tpu.memory_space<vmem>> -> memref<40x128xf32, #tpu.memory_space<vmem>>
    %dma_start3A_40 = arith.constant 0 : i32
    %dma_start3A_41 = tpu.memref_slice %arg3[%multiple_of3A, %dma_start3A_40] : memref<320000x128xf32, #tpu.memory_space<hbm>> -> memref<40x128xf32, #tpu.memory_space<hbm>>
    tpu.enqueue_dma source(%dma_start3A_41 : memref<40x128xf32, #tpu.memory_space<hbm>>) target(%dma_start3A_39 : memref<40x128xf32, #tpu.memory_space<vmem>>) target_semaphore(%arg17 : memref<!tpu.dma_semaphore, #tpu.memory_space<semaphore_mem>>)
    %broadcast_in_dim3A = arith.constant 0.000000e+00 : f32
    %broadcast_in_dim3A_42 = vector.broadcast %broadcast_in_dim3A : f32 to vector<16xf32>
    %scan3A = arith.constant 0 : i32
    %scan3A_43 = arith.constant 125 : i32
    %scan3A_44 = arith.addi %scan3A, %scan3A_43 : i32
    %scan3A_45 = arith.constant 1 : i32
    %scan3A_46:16 = scf.for %scan3A_160 = %scan3A to %scan3A_44 step %scan3A_45 iter_args(%scan3A_161 = %broadcast_in_dim3A_42, %scan3A_162 = %broadcast_in_dim3A_42, %scan3A_163 = %broadcast_in_dim3A_42, %scan3A_164 = %broadcast_in_dim3A_42, %scan3A_165 = %broadcast_in_dim3A_42, %scan3A_166 = %broadcast_in_dim3A_42, %scan3A_167 = %broadcast_in_dim3A_42, %scan3A_168 = %broadcast_in_dim3A_42, %scan3A_169 = %broadcast_in_dim3A_42, %scan3A_170 = %broadcast_in_dim3A_42, %scan3A_171 = %broadcast_in_dim3A_42, %scan3A_172 = %broadcast_in_dim3A_42, %scan3A_173 = %broadcast_in_dim3A_42, %scan3A_174 = %broadcast_in_dim3A_42, %scan3A_175 = %broadcast_in_dim3A_42, %scan3A_176 = %broadcast_in_dim3A_42) -> (vector<16xf32>, vector<16xf32>, vector<16xf32>, vector<16xf32>, vector<16xf32>, vector<16xf32>, vector<16xf32>, vector<16xf32>, vector<16xf32>, vector<16xf32>, vector<16xf32>, vector<16xf32>, vector<16xf32>, vector<16xf32>, vector<16xf32>, vector<16xf32>)  : i32 {
      %mul3A_177 = arith.constant 2 : i32
      %mul3A_178 = arith.muli %mul3A_177, %scan3A_160 : i32
      %add3A_179 = arith.constant 0 : i32
      %add3A_180 = arith.addi %mul3A_178, %add3A_179 : i32
      %gt3A = arith.constant 0 : i32
      %gt3A_181 = arith.cmpi sgt, %scan3A_160, %gt3A : i32
      %jit3A = arith.constant 5 : i32
      %eq3A_182 = arith.constant 0 : i32
      %eq3A_183 = arith.cmpi eq, %jit3A, %eq3A_182 : i32
      %jit3A_184 = arith.constant 1 : i32
      %select_n3A = arith.select %eq3A_183, %jit3A_184, %jit3A : i32
      %rem3A = arith.remsi %scan3A_160, %select_n3A : i32
      %ne3A = arith.constant 0 : i32
      %ne3A_185 = arith.cmpi ne, %rem3A, %ne3A : i32
      %lt3A = arith.constant 0 : i32
      %lt3A_186 = arith.cmpi slt, %rem3A, %lt3A : i32
      %lt3A_187 = arith.constant 0 : i32
      %lt3A_188 = arith.cmpi slt, %select_n3A, %lt3A_187 : i32
      %ne3A_189 = arith.xori %lt3A_186, %lt3A_188 : i1
      %and3A = arith.andi %ne3A_189, %ne3A_185 : i1
      %add3A_190 = arith.addi %rem3A, %select_n3A : i32
      %select_n3A_191 = arith.select %and3A, %add3A_190, %rem3A : i32
      %eq3A_192 = arith.constant 0 : i32
      %eq3A_193 = arith.cmpi eq, %select_n3A_191, %eq3A_192 : i32
      %and3A_194 = arith.andi %gt3A_181, %eq3A_193 : i1
      %convert_element_type3A_195 = arith.extui %and3A_194 : i1 to i32
      %cond3A_196 = arith.constant 0 : i32
      %cond3A_197 = arith.cmpi ne, %convert_element_type3A_195, %cond3A_196 : i32
      scf.if %cond3A_197 {
        %jit3A_494 = arith.constant 5 : i32
        %div3A_495 = arith.divsi %scan3A_160, %jit3A_494 : i32
        %sign3A_496 = arith.constant 0 : i32
        %sign3A_497 = arith.cmpi sgt, %scan3A_160, %sign3A_496 : i32
        %sign3A_498 = arith.extui %sign3A_497 : i1 to i32
        %sign3A_499 = arith.constant 0 : i32
        %sign3A_500 = arith.cmpi slt, %scan3A_160, %sign3A_499 : i32
        %sign3A_501 = arith.extui %sign3A_500 : i1 to i32
        %sign3A_502 = arith.subi %sign3A_498, %sign3A_501 : i32
        %sign3A_503 = arith.constant 0 : i32
        %sign3A_504 = arith.cmpi sgt, %jit3A_494, %sign3A_503 : i32
        %sign3A_505 = arith.extui %sign3A_504 : i1 to i32
        %sign3A_506 = arith.constant 0 : i32
        %sign3A_507 = arith.cmpi slt, %jit3A_494, %sign3A_506 : i32
        %sign3A_508 = arith.extui %sign3A_507 : i1 to i32
        %sign3A_509 = arith.subi %sign3A_505, %sign3A_508 : i32
        %ne3A_510 = arith.cmpi ne, %sign3A_502, %sign3A_509 : i32
        %rem3A_511 = arith.remsi %scan3A_160, %jit3A_494 : i32
        %ne3A_512 = arith.constant 0 : i32
        %ne3A_513 = arith.cmpi ne, %rem3A_511, %ne3A_512 : i32
        %and3A_514 = arith.andi %ne3A_510, %ne3A_513 : i1
        %sub3A_515 = arith.constant 1 : i32
        %sub3A_516 = arith.subi %div3A_495, %sub3A_515 : i32
        %select_n3A_517 = arith.select %and3A_514, %sub3A_516, %div3A_495 : i32
        %add3A_518 = arith.constant 1 : i32
        %add3A_519 = arith.addi %select_n3A_517, %add3A_518 : i32
        %lt3A_520 = arith.constant 25 : i32
        %lt3A_521 = arith.cmpi slt, %add3A_519, %lt3A_520 : i32
        %convert_element_type3A_522 = arith.extui %lt3A_521 : i1 to i32
        %cond3A_523 = arith.constant 0 : i32
        %cond3A_524 = arith.cmpi ne, %convert_element_type3A_522, %cond3A_523 : i32
        scf.if %cond3A_524 {
          %jit3A_525 = arith.constant 2 : i32
          %eq3A_526 = arith.constant 0 : i32
          %eq3A_527 = arith.cmpi eq, %jit3A_525, %eq3A_526 : i32
          %jit3A_528 = arith.constant 1 : i32
          %select_n3A_529 = arith.select %eq3A_527, %jit3A_528, %jit3A_525 : i32
          %rem3A_530 = arith.remsi %add3A_519, %select_n3A_529 : i32
          %ne3A_531 = arith.constant 0 : i32
          %ne3A_532 = arith.cmpi ne, %rem3A_530, %ne3A_531 : i32
          %lt3A_533 = arith.constant 0 : i32
          %lt3A_534 = arith.cmpi slt, %rem3A_530, %lt3A_533 : i32
          %lt3A_535 = arith.constant 0 : i32
          %lt3A_536 = arith.cmpi slt, %select_n3A_529, %lt3A_535 : i32
          %ne3A_537 = arith.xori %lt3A_534, %lt3A_536 : i1
          %and3A_538 = arith.andi %ne3A_537, %ne3A_532 : i1
          %add3A_539 = arith.addi %rem3A_530, %select_n3A_529 : i32
          %select_n3A_540 = arith.select %and3A_538, %add3A_539, %rem3A_530 : i32
          %mul3A_541 = arith.constant 10 : i32
          %mul3A_542 = arith.muli %add3A_519, %mul3A_541 : i32
          %add3A_543 = arith.addi %mul3A_2, %mul3A_542 : i32
          "tpu.region"() ({
            %run_scoped3A_544 = tpu.sem_alloc : memref<!tpu.dma_semaphore, #tpu.memory_space<semaphore_mem>>
            %dma_start3A_545 = arith.constant 0 : i32
            %dma_start3A_546 = arith.constant 0 : i32
            %dma_start3A_547 = arith.constant 0 : i32
            %dma_start3A_548 = tpu.memref_slice %arg9[%select_n3A_540, %dma_start3A_545, %dma_start3A_546, %dma_start3A_547] : memref<2x10x2x40xi32, #tpu.memory_space<vmem>> -> memref<1x10x2x40xi32, #tpu.memory_space<vmem>>
            %dma_start3A_549 = tpu.memref_squeeze %dma_start3A_548 : memref<1x10x2x40xi32, #tpu.memory_space<vmem>> -> memref<10x2x40xi32, #tpu.memory_space<vmem>>
            %dma_start3A_550 = arith.constant 0 : i32
            %dma_start3A_551 = arith.constant 0 : i32
            %dma_start3A_552 = tpu.memref_slice %arg4[%add3A_543, %dma_start3A_550, %dma_start3A_551] : memref<8000x2x40xi32, #tpu.memory_space<hbm>> -> memref<10x2x40xi32, #tpu.memory_space<hbm>>
            %dma_start3A_553 = arith.constant 0 : i32
            %dma_start3A_554 = arith.constant 0 : i32
            %dma_start3A_555 = arith.constant 0 : i32
            %dma_start3A_556 = tpu.memref_slice %arg9[%select_n3A_540, %dma_start3A_553, %dma_start3A_554, %dma_start3A_555] : memref<2x10x2x40xi32, #tpu.memory_space<vmem>> -> memref<1x10x2x40xi32, #tpu.memory_space<vmem>>
            %dma_start3A_557 = tpu.memref_squeeze %dma_start3A_556 : memref<1x10x2x40xi32, #tpu.memory_space<vmem>> -> memref<10x2x40xi32, #tpu.memory_space<vmem>>
            %dma_start3A_558 = arith.constant 0 : i32
            %dma_start3A_559 = arith.constant 0 : i32
            %dma_start3A_560 = tpu.memref_slice %arg4[%add3A_543, %dma_start3A_558, %dma_start3A_559] : memref<8000x2x40xi32, #tpu.memory_space<hbm>> -> memref<10x2x40xi32, #tpu.memory_space<hbm>>
            tpu.enqueue_dma source(%dma_start3A_560 : memref<10x2x40xi32, #tpu.memory_space<hbm>>) target(%dma_start3A_557 : memref<10x2x40xi32, #tpu.memory_space<vmem>>) target_semaphore(%run_scoped3A_544 : memref<!tpu.dma_semaphore, #tpu.memory_space<semaphore_mem>>)
            %dma_wait3A_561 = arith.constant 0 : i32
            %dma_wait3A_562 = arith.constant 0 : i32
            %dma_wait3A_563 = arith.constant 0 : i32
            %dma_wait3A_564 = tpu.memref_slice %arg9[%select_n3A_540, %dma_wait3A_561, %dma_wait3A_562, %dma_wait3A_563] : memref<2x10x2x40xi32, #tpu.memory_space<vmem>> -> memref<1x10x2x40xi32, #tpu.memory_space<vmem>>
            %dma_wait3A_565 = tpu.memref_squeeze %dma_wait3A_564 : memref<1x10x2x40xi32, #tpu.memory_space<vmem>> -> memref<10x2x40xi32, #tpu.memory_space<vmem>>
            %dma_wait3A_566 = arith.constant 0 : i32
            %dma_wait3A_567 = arith.constant 0 : i32
            %dma_wait3A_568 = tpu.memref_slice %arg4[%add3A_543, %dma_wait3A_566, %dma_wait3A_567] : memref<8000x2x40xi32, #tpu.memory_space<hbm>> -> memref<10x2x40xi32, #tpu.memory_space<hbm>>
            %dma_wait3A_569 = arith.constant 0 : i32
            %dma_wait3A_570 = arith.constant 0 : i32
            %dma_wait3A_571 = arith.constant 0 : i32
            %dma_wait3A_572 = tpu.memref_slice %arg9[%select_n3A_540, %dma_wait3A_569, %dma_wait3A_570, %dma_wait3A_571] : memref<2x10x2x40xi32, #tpu.memory_space<vmem>> -> memref<1x10x2x40xi32, #tpu.memory_space<vmem>>
            %dma_wait3A_573 = tpu.memref_squeeze %dma_wait3A_572 : memref<1x10x2x40xi32, #tpu.memory_space<vmem>> -> memref<10x2x40xi32, #tpu.memory_space<vmem>>
            %dma_wait3A_574 = arith.constant 0 : i32
            %dma_wait3A_575 = arith.constant 0 : i32
            %dma_wait3A_576 = tpu.memref_slice %arg4[%add3A_543, %dma_wait3A_574, %dma_wait3A_575] : memref<8000x2x40xi32, #tpu.memory_space<hbm>> -> memref<10x2x40xi32, #tpu.memory_space<hbm>>
            tpu.wait_dma2 semaphore(%run_scoped3A_544 : memref<!tpu.dma_semaphore, #tpu.memory_space<semaphore_mem>>) src(%dma_wait3A_576 : memref<10x2x40xi32, #tpu.memory_space<hbm>>) dst(%dma_wait3A_573 : memref<10x2x40xi32, #tpu.memory_space<vmem>>)
            tpu.yield
          }) : () -> ()
        } else {
        }
      } else {
      }
      %gt3A_198 = arith.constant 0 : i32
      %gt3A_199 = arith.cmpi sgt, %add3A_180, %gt3A_198 : i32
      %convert_element_type3A_200 = arith.extui %gt3A_199 : i1 to i32
      %cond3A_201 = arith.constant 0 : i32
      %cond3A_202 = arith.cmpi ne, %convert_element_type3A_200, %cond3A_201 : i32
      scf.if %cond3A_202 {
        %dma_wait3A_494 = arith.constant 0 : i32
        %dma_wait3A_495 = arith.constant 0 : i32
        %dma_wait3A_496 = tpu.memref_slice %arg5[%dma_wait3A_494, %dma_wait3A_495] : memref<624x128xf32, #tpu.memory_space<hbm>> -> memref<40x128xf32, #tpu.memory_space<hbm>>
        %dma_wait3A_497 = arith.constant 0 : i32
        %dma_wait3A_498 = arith.constant 0 : i32
        %dma_wait3A_499 = tpu.memref_slice %arg5[%dma_wait3A_497, %dma_wait3A_498] : memref<624x128xf32, #tpu.memory_space<hbm>> -> memref<40x128xf32, #tpu.memory_space<hbm>>
        tpu.wait_dma2 semaphore(%arg20 : memref<!tpu.dma_semaphore, #tpu.memory_space<semaphore_mem>>) src(%dma_wait3A_499 : memref<40x128xf32, #tpu.memory_space<hbm>>) dst(%arg13 : memref<40x128xf32, #tpu.memory_space<vmem>>)
      } else {
      }
      %add3A_203 = arith.constant 1 : i32
      %add3A_204 = arith.addi %add3A_180, %add3A_203 : i32
      %jit3A_205 = arith.constant 10 : i32
      %div3A = arith.divsi %add3A_204, %jit3A_205 : i32
      %sign3A = arith.constant 0 : i32
      %sign3A_206 = arith.cmpi sgt, %add3A_204, %sign3A : i32
      %sign3A_207 = arith.extui %sign3A_206 : i1 to i32
      %sign3A_208 = arith.constant 0 : i32
      %sign3A_209 = arith.cmpi slt, %add3A_204, %sign3A_208 : i32
      %sign3A_210 = arith.extui %sign3A_209 : i1 to i32
      %sign3A_211 = arith.subi %sign3A_207, %sign3A_210 : i32
      %sign3A_212 = arith.constant 0 : i32
      %sign3A_213 = arith.cmpi sgt, %jit3A_205, %sign3A_212 : i32
      %sign3A_214 = arith.extui %sign3A_213 : i1 to i32
      %sign3A_215 = arith.constant 0 : i32
      %sign3A_216 = arith.cmpi slt, %jit3A_205, %sign3A_215 : i32
      %sign3A_217 = arith.extui %sign3A_216 : i1 to i32
      %sign3A_218 = arith.subi %sign3A_214, %sign3A_217 : i32
      %ne3A_219 = arith.cmpi ne, %sign3A_211, %sign3A_218 : i32
      %rem3A_220 = arith.remsi %add3A_204, %jit3A_205 : i32
      %ne3A_221 = arith.constant 0 : i32
      %ne3A_222 = arith.cmpi ne, %rem3A_220, %ne3A_221 : i32
      %and3A_223 = arith.andi %ne3A_219, %ne3A_222 : i1
      %sub3A = arith.constant 1 : i32
      %sub3A_224 = arith.subi %div3A, %sub3A : i32
      %select_n3A_225 = arith.select %and3A_223, %sub3A_224, %div3A : i32
      %jit3A_226 = arith.constant 2 : i32
      %eq3A_227 = arith.constant 0 : i32
      %eq3A_228 = arith.cmpi eq, %jit3A_226, %eq3A_227 : i32
      %jit3A_229 = arith.constant 1 : i32
      %select_n3A_230 = arith.select %eq3A_228, %jit3A_229, %jit3A_226 : i32
      %rem3A_231 = arith.remsi %select_n3A_225, %select_n3A_230 : i32
      %ne3A_232 = arith.constant 0 : i32
      %ne3A_233 = arith.cmpi ne, %rem3A_231, %ne3A_232 : i32
      %lt3A_234 = arith.constant 0 : i32
      %lt3A_235 = arith.cmpi slt, %rem3A_231, %lt3A_234 : i32
      %lt3A_236 = arith.constant 0 : i32
      %lt3A_237 = arith.cmpi slt, %select_n3A_230, %lt3A_236 : i32
      %ne3A_238 = arith.xori %lt3A_235, %lt3A_237 : i1
      %and3A_239 = arith.andi %ne3A_238, %ne3A_233 : i1
      %add3A_240 = arith.addi %rem3A_231, %select_n3A_230 : i32
      %select_n3A_241 = arith.select %and3A_239, %add3A_240, %rem3A_231 : i32
      %jit3A_242 = arith.constant 10 : i32
      %eq3A_243 = arith.constant 0 : i32
      %eq3A_244 = arith.cmpi eq, %jit3A_242, %eq3A_243 : i32
      %jit3A_245 = arith.constant 1 : i32
      %select_n3A_246 = arith.select %eq3A_244, %jit3A_245, %jit3A_242 : i32
      %rem3A_247 = arith.remsi %add3A_204, %select_n3A_246 : i32
      %ne3A_248 = arith.constant 0 : i32
      %ne3A_249 = arith.cmpi ne, %rem3A_247, %ne3A_248 : i32
      %lt3A_250 = arith.constant 0 : i32
      %lt3A_251 = arith.cmpi slt, %rem3A_247, %lt3A_250 : i32
      %lt3A_252 = arith.constant 0 : i32
      %lt3A_253 = arith.cmpi slt, %select_n3A_246, %lt3A_252 : i32
      %ne3A_254 = arith.xori %lt3A_251, %lt3A_253 : i1
      %and3A_255 = arith.andi %ne3A_254, %ne3A_249 : i1
      %add3A_256 = arith.addi %rem3A_247, %select_n3A_246 : i32
      %select_n3A_257 = arith.select %and3A_255, %add3A_256, %rem3A_247 : i32
      %dma_start3A_258 = arith.constant 0 : i32
      %dma_start3A_259 = arith.constant 1 : i32
      %dma_start3A_260 = arith.constant 0 : i32
      %dma_start3A_261 = arith.constant 0 : i32
      %dma_start3A_262 = tpu.memref_slice %arg10[%dma_start3A_259, %dma_start3A_260, %dma_start3A_261] : memref<2x40x128xf32, #tpu.memory_space<vmem>> -> memref<1x40x128xf32, #tpu.memory_space<vmem>>
      %dma_start3A_263 = tpu.memref_squeeze %dma_start3A_262 : memref<1x40x128xf32, #tpu.memory_space<vmem>> -> memref<40x128xf32, #tpu.memory_space<vmem>>
      %dma_start3A_264 = arith.constant 0 : i32
      %dma_start3A_265 = tpu.memref_slice %arg9[%select_n3A_241, %select_n3A_257, %dma_start3A_258, %dma_start3A_264] : memref<2x10x2x40xi32, #tpu.memory_space<vmem>> -> memref<1x1x1x40xi32, #tpu.memory_space<vmem>>
      %dma_start3A_266 = tpu.memref_squeeze %dma_start3A_265 : memref<1x1x1x40xi32, #tpu.memory_space<vmem>> -> memref<40xi32, #tpu.memory_space<vmem>>
      %dma_start3A_267 = arith.constant 0 : i32
      %dma_start3A_268 = arith.constant 0 : i32
      %dma_start3A_269 = tpu.memref_slice %arg2[%dma_start3A_267, %dma_start3A_268] : memref<10000x128xf32, #tpu.memory_space<hbm>> -> memref<10000x128xf32, #tpu.memory_space<hbm>>
      tpu.enqueue_indirect_dma source(%dma_start3A_269 : memref<10000x128xf32, #tpu.memory_space<hbm>>) target(%dma_start3A_263 : memref<40x128xf32, #tpu.memory_space<vmem>>) offsets(%dma_start3A_266 : memref<40xi32, #tpu.memory_space<vmem>>) semaphore(%arg16 : memref<!tpu.dma_semaphore, #tpu.memory_space<semaphore_mem>>)
      %add3A_270 = arith.constant 1 : i32
      %add3A_271 = arith.addi %add3A_180, %add3A_270 : i32
      %add3A_272 = arith.addi %mul3A_2, %add3A_271 : i32
      %mul3A_273 = arith.constant 40 : i32
      %mul3A_274 = arith.muli %add3A_272, %mul3A_273 : i32
      %multiple_of3A_275 = tpu.assume_multiple %mul3A_274, 40 : i32
      %dma_start3A_276 = arith.constant 1 : i32
      %dma_start3A_277 = arith.constant 0 : i32
      %dma_start3A_278 = arith.constant 0 : i32
      %dma_start3A_279 = tpu.memref_slice %arg11[%dma_start3A_276, %dma_start3A_277, %dma_start3A_278] : memref<2x40x128xf32, #tpu.memory_space<vmem>> -> memref<1x40x128xf32, #tpu.memory_space<vmem>>
      %dma_start3A_280 = tpu.memref_squeeze %dma_start3A_279 : memref<1x40x128xf32, #tpu.memory_space<vmem>> -> memref<40x128xf32, #tpu.memory_space<vmem>>
      %dma_start3A_281 = arith.constant 0 : i32
      %dma_start3A_282 = tpu.memref_slice %arg3[%multiple_of3A_275, %dma_start3A_281] : memref<320000x128xf32, #tpu.memory_space<hbm>> -> memref<40x128xf32, #tpu.memory_space<hbm>>
      %dma_start3A_283 = arith.constant 0 : i32
      %dma_start3A_284 = arith.constant 0 : i32
      %dma_start3A_285 = tpu.memref_slice %arg11[%dma_start3A_276, %dma_start3A_283, %dma_start3A_284] : memref<2x40x128xf32, #tpu.memory_space<vmem>> -> memref<1x40x128xf32, #tpu.memory_space<vmem>>
      %dma_start3A_286 = tpu.memref_squeeze %dma_start3A_285 : memref<1x40x128xf32, #tpu.memory_space<vmem>> -> memref<40x128xf32, #tpu.memory_space<vmem>>
      %dma_start3A_287 = arith.constant 0 : i32
      %dma_start3A_288 = tpu.memref_slice %arg3[%multiple_of3A_275, %dma_start3A_287] : memref<320000x128xf32, #tpu.memory_space<hbm>> -> memref<40x128xf32, #tpu.memory_space<hbm>>
      tpu.enqueue_dma source(%dma_start3A_288 : memref<40x128xf32, #tpu.memory_space<hbm>>) target(%dma_start3A_286 : memref<40x128xf32, #tpu.memory_space<vmem>>) target_semaphore(%arg18 : memref<!tpu.dma_semaphore, #tpu.memory_space<semaphore_mem>>)
      %dma_wait3A_289 = arith.constant 0 : i32
      %dma_wait3A_290 = arith.constant 0 : i32
      %dma_wait3A_291 = arith.constant 0 : i32
      %dma_wait3A_292 = arith.constant 0 : i32
      %dma_wait3A_293 = arith.constant 0 : i32
      %dma_wait3A_294 = arith.constant 0 : i32
      %dma_wait3A_295 = tpu.memref_slice %arg10[%dma_wait3A_292, %dma_wait3A_293, %dma_wait3A_294] : memref<2x40x128xf32, #tpu.memory_space<vmem>> -> memref<1x40x128xf32, #tpu.memory_space<vmem>>
      %dma_wait3A_296 = tpu.memref_squeeze %dma_wait3A_295 : memref<1x40x128xf32, #tpu.memory_space<vmem>> -> memref<40x128xf32, #tpu.memory_space<vmem>>
      %dma_wait3A_297 = arith.constant 0 : i32
      %dma_wait3A_298 = tpu.memref_slice %arg9[%dma_wait3A_289, %dma_wait3A_290, %dma_wait3A_291, %dma_wait3A_297] : memref<2x10x2x40xi32, #tpu.memory_space<vmem>> -> memref<1x1x1x40xi32, #tpu.memory_space<vmem>>
      %dma_wait3A_299 = tpu.memref_squeeze %dma_wait3A_298 : memref<1x1x1x40xi32, #tpu.memory_space<vmem>> -> memref<40xi32, #tpu.memory_space<vmem>>
      %dma_wait3A_300 = arith.constant 0 : i32
      %dma_wait3A_301 = arith.constant 0 : i32
      %dma_wait3A_302 = tpu.memref_slice %arg2[%dma_wait3A_300, %dma_wait3A_301] : memref<10000x128xf32, #tpu.memory_space<hbm>> -> memref<10000x128xf32, #tpu.memory_space<hbm>>
      tpu.wait_indirect_dma semaphore(%arg15 : memref<!tpu.dma_semaphore, #tpu.memory_space<semaphore_mem>>) src(%dma_wait3A_302 : memref<10000x128xf32, #tpu.memory_space<hbm>>) dst(%dma_wait3A_296 : memref<40x128xf32, #tpu.memory_space<vmem>>)
      %dma_wait3A_303 = arith.constant 0 : i32
      %dma_wait3A_304 = arith.constant 0 : i32
      %dma_wait3A_305 = arith.constant 0 : i32
      %dma_wait3A_306 = tpu.memref_slice %arg11[%dma_wait3A_303, %dma_wait3A_304, %dma_wait3A_305] : memref<2x40x128xf32, #tpu.memory_space<vmem>> -> memref<1x40x128xf32, #tpu.memory_space<vmem>>
      %dma_wait3A_307 = tpu.memref_squeeze %dma_wait3A_306 : memref<1x40x128xf32, #tpu.memory_space<vmem>> -> memref<40x128xf32, #tpu.memory_space<vmem>>
      %dma_wait3A_308 = arith.constant 0 : i32
      %dma_wait3A_309 = arith.constant 0 : i32
      %dma_wait3A_310 = tpu.memref_slice %arg3[%dma_wait3A_308, %dma_wait3A_309] : memref<320000x128xf32, #tpu.memory_space<hbm>> -> memref<40x128xf32, #tpu.memory_space<hbm>>
      %dma_wait3A_311 = arith.constant 0 : i32
      %dma_wait3A_312 = arith.constant 0 : i32
      %dma_wait3A_313 = tpu.memref_slice %arg11[%dma_wait3A_303, %dma_wait3A_311, %dma_wait3A_312] : memref<2x40x128xf32, #tpu.memory_space<vmem>> -> memref<1x40x128xf32, #tpu.memory_space<vmem>>
      %dma_wait3A_314 = tpu.memref_squeeze %dma_wait3A_313 : memref<1x40x128xf32, #tpu.memory_space<vmem>> -> memref<40x128xf32, #tpu.memory_space<vmem>>
      %dma_wait3A_315 = arith.constant 0 : i32
      %dma_wait3A_316 = arith.constant 0 : i32
      %dma_wait3A_317 = tpu.memref_slice %arg3[%dma_wait3A_315, %dma_wait3A_316] : memref<320000x128xf32, #tpu.memory_space<hbm>> -> memref<40x128xf32, #tpu.memory_space<hbm>>
      tpu.wait_dma2 semaphore(%arg17 : memref<!tpu.dma_semaphore, #tpu.memory_space<semaphore_mem>>) src(%dma_wait3A_317 : memref<40x128xf32, #tpu.memory_space<hbm>>) dst(%dma_wait3A_314 : memref<40x128xf32, #tpu.memory_space<vmem>>)
      %scan3A_318 = arith.constant 0 : i32
      %scan3A_319 = arith.constant 40 : i32
      %scan3A_320 = arith.addi %scan3A_318, %scan3A_319 : i32
      %scan3A_321 = arith.constant 1 : i32
      %scan3A_322:16 = scf.for %scan3A_494 = %scan3A_318 to %scan3A_320 step %scan3A_321 iter_args(%scan3A_495 = %scan3A_161, %scan3A_496 = %scan3A_162, %scan3A_497 = %scan3A_163, %scan3A_498 = %scan3A_164, %scan3A_499 = %scan3A_165, %scan3A_500 = %scan3A_166, %scan3A_501 = %scan3A_167, %scan3A_502 = %scan3A_168, %scan3A_503 = %scan3A_169, %scan3A_504 = %scan3A_170, %scan3A_505 = %scan3A_171, %scan3A_506 = %scan3A_172, %scan3A_507 = %scan3A_173, %scan3A_508 = %scan3A_174, %scan3A_509 = %scan3A_175, %scan3A_510 = %scan3A_176) -> (vector<16xf32>, vector<16xf32>, vector<16xf32>, vector<16xf32>, vector<16xf32>, vector<16xf32>, vector<16xf32>, vector<16xf32>, vector<16xf32>, vector<16xf32>, vector<16xf32>, vector<16xf32>, vector<16xf32>, vector<16xf32>, vector<16xf32>, vector<16xf32>)  : i32 {
        %get3A = arith.constant 0 : i32
        %get3A_511 = arith.index_cast %get3A : i32 to index
        %get3A_512 = arith.index_cast %scan3A_494 : i32 to index
        %get3A_513 = arith.constant 0 : index
        %get3A_514 = tpu.vector_load %arg10[%get3A_511, %get3A_512, %get3A_513] {strides = array<i32>} : memref<2x40x128xf32, #tpu.memory_space<vmem>>, vector<1x1x16xf32>,
        %get3A_515 = vector.shape_cast %get3A_514 : vector<1x1x16xf32> to vector<16xf32>
        %get3A_516 = arith.constant 0 : i32
        %get3A_517 = arith.index_cast %get3A_516 : i32 to index
        %get3A_518 = arith.index_cast %scan3A_494 : i32 to index
        %get3A_519 = arith.constant 0 : index
        %get3A_520 = tpu.vector_load %arg11[%get3A_517, %get3A_518, %get3A_519] {strides = array<i32>} : memref<2x40x128xf32, #tpu.memory_space<vmem>>, vector<1x1x16xf32>,
        %get3A_521 = vector.shape_cast %get3A_520 : vector<1x1x16xf32> to vector<16xf32>
        %add3A_522 = arith.addf %get3A_515, %get3A_521 : vector<16xf32>
        %add3A_523 = arith.addf %scan3A_495, %add3A_522 : vector<16xf32>
        %mul3A_524 = arith.mulf %add3A_522, %add3A_522 : vector<16xf32>
        %add3A_525 = arith.addf %scan3A_503, %mul3A_524 : vector<16xf32>
        %get3A_526 = arith.constant 0 : i32
        %get3A_527 = arith.index_cast %get3A_526 : i32 to index
        %get3A_528 = arith.index_cast %scan3A_494 : i32 to index
        %get3A_529 = arith.constant 16 : index
        %get3A_530 = tpu.vector_load %arg10[%get3A_527, %get3A_528, %get3A_529] {strides = array<i32>} : memref<2x40x128xf32, #tpu.memory_space<vmem>>, vector<1x1x16xf32>,
        %get3A_531 = vector.shape_cast %get3A_530 : vector<1x1x16xf32> to vector<16xf32>
        %get3A_532 = arith.constant 0 : i32
        %get3A_533 = arith.index_cast %get3A_532 : i32 to index
        %get3A_534 = arith.index_cast %scan3A_494 : i32 to index
        %get3A_535 = arith.constant 16 : index
        %get3A_536 = tpu.vector_load %arg11[%get3A_533, %get3A_534, %get3A_535] {strides = array<i32>} : memref<2x40x128xf32, #tpu.memory_space<vmem>>, vector<1x1x16xf32>,
        %get3A_537 = vector.shape_cast %get3A_536 : vector<1x1x16xf32> to vector<16xf32>
        %add3A_538 = arith.addf %get3A_531, %get3A_537 : vector<16xf32>
        %add3A_539 = arith.addf %scan3A_496, %add3A_538 : vector<16xf32>
        %mul3A_540 = arith.mulf %add3A_538, %add3A_538 : vector<16xf32>
        %add3A_541 = arith.addf %scan3A_504, %mul3A_540 : vector<16xf32>
        %get3A_542 = arith.constant 0 : i32
        %get3A_543 = arith.index_cast %get3A_542 : i32 to index
        %get3A_544 = arith.index_cast %scan3A_494 : i32 to index
        %get3A_545 = arith.constant 32 : index
        %get3A_546 = tpu.vector_load %arg10[%get3A_543, %get3A_544, %get3A_545] {strides = array<i32>} : memref<2x40x128xf32, #tpu.memory_space<vmem>>, vector<1x1x16xf32>,
        %get3A_547 = vector.shape_cast %get3A_546 : vector<1x1x16xf32> to vector<16xf32>
        %get3A_548 = arith.constant 0 : i32
        %get3A_549 = arith.index_cast %get3A_548 : i32 to index
        %get3A_550 = arith.index_cast %scan3A_494 : i32 to index
        %get3A_551 = arith.constant 32 : index
        %get3A_552 = tpu.vector_load %arg11[%get3A_549, %get3A_550, %get3A_551] {strides = array<i32>} : memref<2x40x128xf32, #tpu.memory_space<vmem>>, vector<1x1x16xf32>,
        %get3A_553 = vector.shape_cast %get3A_552 : vector<1x1x16xf32> to vector<16xf32>
        %add3A_554 = arith.addf %get3A_547, %get3A_553 : vector<16xf32>
        %add3A_555 = arith.addf %scan3A_497, %add3A_554 : vector<16xf32>
        %mul3A_556 = arith.mulf %add3A_554, %add3A_554 : vector<16xf32>
        %add3A_557 = arith.addf %scan3A_505, %mul3A_556 : vector<16xf32>
        %get3A_558 = arith.constant 0 : i32
        %get3A_559 = arith.index_cast %get3A_558 : i32 to index
        %get3A_560 = arith.index_cast %scan3A_494 : i32 to index
        %get3A_561 = arith.constant 48 : index
        %get3A_562 = tpu.vector_load %arg10[%get3A_559, %get3A_560, %get3A_561] {strides = array<i32>} : memref<2x40x128xf32, #tpu.memory_space<vmem>>, vector<1x1x16xf32>,
        %get3A_563 = vector.shape_cast %get3A_562 : vector<1x1x16xf32> to vector<16xf32>
        %get3A_564 = arith.constant 0 : i32
        %get3A_565 = arith.index_cast %get3A_564 : i32 to index
        %get3A_566 = arith.index_cast %scan3A_494 : i32 to index
        %get3A_567 = arith.constant 48 : index
        %get3A_568 = tpu.vector_load %arg11[%get3A_565, %get3A_566, %get3A_567] {strides = array<i32>} : memref<2x40x128xf32, #tpu.memory_space<vmem>>, vector<1x1x16xf32>,
        %get3A_569 = vector.shape_cast %get3A_568 : vector<1x1x16xf32> to vector<16xf32>
        %add3A_570 = arith.addf %get3A_563, %get3A_569 : vector<16xf32>
        %add3A_571 = arith.addf %scan3A_498, %add3A_570 : vector<16xf32>
        %mul3A_572 = arith.mulf %add3A_570, %add3A_570 : vector<16xf32>
        %add3A_573 = arith.addf %scan3A_506, %mul3A_572 : vector<16xf32>
        %get3A_574 = arith.constant 0 : i32
        %get3A_575 = arith.index_cast %get3A_574 : i32 to index
        %get3A_576 = arith.index_cast %scan3A_494 : i32 to index
        %get3A_577 = arith.constant 64 : index
        %get3A_578 = tpu.vector_load %arg10[%get3A_575, %get3A_576, %get3A_577] {strides = array<i32>} : memref<2x40x128xf32, #tpu.memory_space<vmem>>, vector<1x1x16xf32>,
        %get3A_579 = vector.shape_cast %get3A_578 : vector<1x1x16xf32> to vector<16xf32>
        %get3A_580 = arith.constant 0 : i32
        %get3A_581 = arith.index_cast %get3A_580 : i32 to index
        %get3A_582 = arith.index_cast %scan3A_494 : i32 to index
        %get3A_583 = arith.constant 64 : index
        %get3A_584 = tpu.vector_load %arg11[%get3A_581, %get3A_582, %get3A_583] {strides = array<i32>} : memref<2x40x128xf32, #tpu.memory_space<vmem>>, vector<1x1x16xf32>,
        %get3A_585 = vector.shape_cast %get3A_584 : vector<1x1x16xf32> to vector<16xf32>
        %add3A_586 = arith.addf %get3A_579, %get3A_585 : vector<16xf32>
        %add3A_587 = arith.addf %scan3A_499, %add3A_586 : vector<16xf32>
        %mul3A_588 = arith.mulf %add3A_586, %add3A_586 : vector<16xf32>
        %add3A_589 = arith.addf %scan3A_507, %mul3A_588 : vector<16xf32>
        %get3A_590 = arith.constant 0 : i32
        %get3A_591 = arith.index_cast %get3A_590 : i32 to index
        %get3A_592 = arith.index_cast %scan3A_494 : i32 to index
        %get3A_593 = arith.constant 80 : index
        %get3A_594 = tpu.vector_load %arg10[%get3A_591, %get3A_592, %get3A_593] {strides = array<i32>} : memref<2x40x128xf32, #tpu.memory_space<vmem>>, vector<1x1x16xf32>,
        %get3A_595 = vector.shape_cast %get3A_594 : vector<1x1x16xf32> to vector<16xf32>
        %get3A_596 = arith.constant 0 : i32
        %get3A_597 = arith.index_cast %get3A_596 : i32 to index
        %get3A_598 = arith.index_cast %scan3A_494 : i32 to index
        %get3A_599 = arith.constant 80 : index
        %get3A_600 = tpu.vector_load %arg11[%get3A_597, %get3A_598, %get3A_599] {strides = array<i32>} : memref<2x40x128xf32, #tpu.memory_space<vmem>>, vector<1x1x16xf32>,
        %get3A_601 = vector.shape_cast %get3A_600 : vector<1x1x16xf32> to vector<16xf32>
        %add3A_602 = arith.addf %get3A_595, %get3A_601 : vector<16xf32>
        %add3A_603 = arith.addf %scan3A_500, %add3A_602 : vector<16xf32>
        %mul3A_604 = arith.mulf %add3A_602, %add3A_602 : vector<16xf32>
        %add3A_605 = arith.addf %scan3A_508, %mul3A_604 : vector<16xf32>
        %get3A_606 = arith.constant 0 : i32
        %get3A_607 = arith.index_cast %get3A_606 : i32 to index
        %get3A_608 = arith.index_cast %scan3A_494 : i32 to index
        %get3A_609 = arith.constant 96 : index
        %get3A_610 = tpu.vector_load %arg10[%get3A_607, %get3A_608, %get3A_609] {strides = array<i32>} : memref<2x40x128xf32, #tpu.memory_space<vmem>>, vector<1x1x16xf32>,
        %get3A_611 = vector.shape_cast %get3A_610 : vector<1x1x16xf32> to vector<16xf32>
        %get3A_612 = arith.constant 0 : i32
        %get3A_613 = arith.index_cast %get3A_612 : i32 to index
        %get3A_614 = arith.index_cast %scan3A_494 : i32 to index
        %get3A_615 = arith.constant 96 : index
        %get3A_616 = tpu.vector_load %arg11[%get3A_613, %get3A_614, %get3A_615] {strides = array<i32>} : memref<2x40x128xf32, #tpu.memory_space<vmem>>, vector<1x1x16xf32>,
        %get3A_617 = vector.shape_cast %get3A_616 : vector<1x1x16xf32> to vector<16xf32>
        %add3A_618 = arith.addf %get3A_611, %get3A_617 : vector<16xf32>
        %add3A_619 = arith.addf %scan3A_501, %add3A_618 : vector<16xf32>
        %mul3A_620 = arith.mulf %add3A_618, %add3A_618 : vector<16xf32>
        %add3A_621 = arith.addf %scan3A_509, %mul3A_620 : vector<16xf32>
        %get3A_622 = arith.constant 0 : i32
        %get3A_623 = arith.index_cast %get3A_622 : i32 to index
        %get3A_624 = arith.index_cast %scan3A_494 : i32 to index
        %get3A_625 = arith.constant 112 : index
        %get3A_626 = tpu.vector_load %arg10[%get3A_623, %get3A_624, %get3A_625] {strides = array<i32>} : memref<2x40x128xf32, #tpu.memory_space<vmem>>, vector<1x1x16xf32>,
        %get3A_627 = vector.shape_cast %get3A_626 : vector<1x1x16xf32> to vector<16xf32>
        %get3A_628 = arith.constant 0 : i32
        %get3A_629 = arith.index_cast %get3A_628 : i32 to index
        %get3A_630 = arith.index_cast %scan3A_494 : i32 to index
        %get3A_631 = arith.constant 112 : index
        %get3A_632 = tpu.vector_load %arg11[%get3A_629, %get3A_630, %get3A_631] {strides = array<i32>} : memref<2x40x128xf32, #tpu.memory_space<vmem>>, vector<1x1x16xf32>,
        %get3A_633 = vector.shape_cast %get3A_632 : vector<1x1x16xf32> to vector<16xf32>
        %add3A_634 = arith.addf %get3A_627, %get3A_633 : vector<16xf32>
        %add3A_635 = arith.addf %scan3A_502, %add3A_634 : vector<16xf32>
        %mul3A_636 = arith.mulf %add3A_634, %add3A_634 : vector<16xf32>
        %add3A_637 = arith.addf %scan3A_510, %mul3A_636 : vector<16xf32>
        scf.yield %add3A_523, %add3A_539, %add3A_555, %add3A_571, %add3A_587, %add3A_603, %add3A_619, %add3A_635, %add3A_525, %add3A_541, %add3A_557, %add3A_573, %add3A_589, %add3A_605, %add3A_621, %add3A_637 : vector<16xf32>, vector<16xf32>, vector<16xf32>, vector<16xf32>, vector<16xf32>, vector<16xf32>, vector<16xf32>, vector<16xf32>, vector<16xf32>, vector<16xf32>, vector<16xf32>, vector<16xf32>, vector<16xf32>, vector<16xf32>, vector<16xf32>, vector<16xf32>
      }
      %scan3A_323 = arith.constant 40 : i32
      %jit3A_324 = arith.constant 10 : i32
      %div3A_325 = arith.divsi %add3A_180, %jit3A_324 : i32
      %sign3A_326 = arith.constant 0 : i32
      %sign3A_327 = arith.cmpi sgt, %add3A_180, %sign3A_326 : i32
      %sign3A_328 = arith.extui %sign3A_327 : i1 to i32
      %sign3A_329 = arith.constant 0 : i32
      %sign3A_330 = arith.cmpi slt, %add3A_180, %sign3A_329 : i32
      %sign3A_331 = arith.extui %sign3A_330 : i1 to i32
      %sign3A_332 = arith.subi %sign3A_328, %sign3A_331 : i32
      %sign3A_333 = arith.constant 0 : i32
      %sign3A_334 = arith.cmpi sgt, %jit3A_324, %sign3A_333 : i32
      %sign3A_335 = arith.extui %sign3A_334 : i1 to i32
      %sign3A_336 = arith.constant 0 : i32
      %sign3A_337 = arith.cmpi slt, %jit3A_324, %sign3A_336 : i32
      %sign3A_338 = arith.extui %sign3A_337 : i1 to i32
      %sign3A_339 = arith.subi %sign3A_335, %sign3A_338 : i32
      %ne3A_340 = arith.cmpi ne, %sign3A_332, %sign3A_339 : i32
      %rem3A_341 = arith.remsi %add3A_180, %jit3A_324 : i32
      %ne3A_342 = arith.constant 0 : i32
      %ne3A_343 = arith.cmpi ne, %rem3A_341, %ne3A_342 : i32
      %and3A_344 = arith.andi %ne3A_340, %ne3A_343 : i1
      %sub3A_345 = arith.constant 1 : i32
      %sub3A_346 = arith.subi %div3A_325, %sub3A_345 : i32
      %select_n3A_347 = arith.select %and3A_344, %sub3A_346, %div3A_325 : i32
      %jit3A_348 = arith.constant 2 : i32
      %eq3A_349 = arith.constant 0 : i32
      %eq3A_350 = arith.cmpi eq, %jit3A_348, %eq3A_349 : i32
      %jit3A_351 = arith.constant 1 : i32
      %select_n3A_352 = arith.select %eq3A_350, %jit3A_351, %jit3A_348 : i32
      %rem3A_353 = arith.remsi %select_n3A_347, %select_n3A_352 : i32
      %ne3A_354 = arith.constant 0 : i32
      %ne3A_355 = arith.cmpi ne, %rem3A_353, %ne3A_354 : i32
      %lt3A_356 = arith.constant 0 : i32
      %lt3A_357 = arith.cmpi slt, %rem3A_353, %lt3A_356 : i32
      %lt3A_358 = arith.constant 0 : i32
      %lt3A_359 = arith.cmpi slt, %select_n3A_352, %lt3A_358 : i32
      %ne3A_360 = arith.xori %lt3A_357, %lt3A_359 : i1
      %and3A_361 = arith.andi %ne3A_360, %ne3A_355 : i1
      %add3A_362 = arith.addi %rem3A_353, %select_n3A_352 : i32
      %select_n3A_363 = arith.select %and3A_361, %add3A_362, %rem3A_353 : i32
      %jit3A_364 = arith.constant 10 : i32
      %eq3A_365 = arith.constant 0 : i32
      %eq3A_366 = arith.cmpi eq, %jit3A_364, %eq3A_365 : i32
      %jit3A_367 = arith.constant 1 : i32
      %select_n3A_368 = arith.select %eq3A_366, %jit3A_367, %jit3A_364 : i32
      %rem3A_369 = arith.remsi %add3A_180, %select_n3A_368 : i32
      %ne3A_370 = arith.constant 0 : i32
      %ne3A_371 = arith.cmpi ne, %rem3A_369, %ne3A_370 : i32
      %lt3A_372 = arith.constant 0 : i32
      %lt3A_373 = arith.cmpi slt, %rem3A_369, %lt3A_372 : i32
      %lt3A_374 = arith.constant 0 : i32
      %lt3A_375 = arith.cmpi slt, %select_n3A_368, %lt3A_374 : i32
      %ne3A_376 = arith.xori %lt3A_373, %lt3A_375 : i1
      %and3A_377 = arith.andi %ne3A_376, %ne3A_371 : i1
      %add3A_378 = arith.addi %rem3A_369, %select_n3A_368 : i32
      %select_n3A_379 = arith.select %and3A_377, %add3A_378, %rem3A_369 : i32
      %dma_start3A_380 = arith.constant 1 : i32
      %dma_start3A_381 = arith.constant 0 : i32
      %dma_start3A_382 = tpu.memref_slice %arg9[%select_n3A_363, %select_n3A_379, %dma_start3A_380, %dma_start3A_381] : memref<2x10x2x40xi32, #tpu.memory_space<vmem>> -> memref<1x1x1x40xi32, #tpu.memory_space<vmem>>
      %dma_start3A_383 = tpu.memref_squeeze %dma_start3A_382 : memref<1x1x1x40xi32, #tpu.memory_space<vmem>> -> memref<40xi32, #tpu.memory_space<vmem>>
      %dma_start3A_384 = arith.constant 0 : i32
      %dma_start3A_385 = arith.constant 0 : i32
      %dma_start3A_386 = tpu.memref_slice %arg14[%dma_start3A_384, %dma_start3A_385] : memref<10000x128xf32, #tpu.memory_space<vmem_shared>> -> memref<10000x128xf32, #tpu.memory_space<vmem_shared>>
      tpu.enqueue_indirect_dma source(%arg13 : memref<40x128xf32, #tpu.memory_space<vmem>>) target(%dma_start3A_386 : memref<10000x128xf32, #tpu.memory_space<vmem_shared>>) offsets(%dma_start3A_383 : memref<40xi32, #tpu.memory_space<vmem>>) semaphore(%arg19 : memref<!tpu.dma_semaphore, #tpu.memory_space<semaphore_mem>>) {add = true}
      %mul3A_387 = arith.constant 2 : i32
      %mul3A_388 = arith.muli %mul3A_387, %scan3A_160 : i32
      %add3A_389 = arith.constant 1 : i32
      %add3A_390 = arith.addi %mul3A_388, %add3A_389 : i32
      %lt3A_391 = arith.constant 124 : i32
      %lt3A_392 = arith.cmpi slt, %scan3A_160, %lt3A_391 : i32
      %convert_element_type3A_393 = arith.extui %lt3A_392 : i1 to i32
      %cond3A_394 = arith.constant 0 : i32
      %cond3A_395 = arith.cmpi ne, %convert_element_type3A_393, %cond3A_394 : i32
      scf.if %cond3A_395 {
        %gt3A_494 = arith.constant 0 : i32
        %gt3A_495 = arith.cmpi sgt, %add3A_390, %gt3A_494 : i32
        %convert_element_type3A_496 = arith.extui %gt3A_495 : i1 to i32
        %cond3A_497 = arith.constant 0 : i32
        %cond3A_498 = arith.cmpi ne, %convert_element_type3A_496, %cond3A_497 : i32
        scf.if %cond3A_498 {
          %dma_wait3A_588 = arith.constant 0 : i32
          %dma_wait3A_589 = arith.constant 0 : i32
          %dma_wait3A_590 = tpu.memref_slice %arg5[%dma_wait3A_588, %dma_wait3A_589] : memref<624x128xf32, #tpu.memory_space<hbm>> -> memref<40x128xf32, #tpu.memory_space<hbm>>
          %dma_wait3A_591 = arith.constant 0 : i32
          %dma_wait3A_592 = arith.constant 0 : i32
          %dma_wait3A_593 = tpu.memref_slice %arg5[%dma_wait3A_591, %dma_wait3A_592] : memref<624x128xf32, #tpu.memory_space<hbm>> -> memref<40x128xf32, #tpu.memory_space<hbm>>
          tpu.wait_dma2 semaphore(%arg19 : memref<!tpu.dma_semaphore, #tpu.memory_space<semaphore_mem>>) src(%dma_wait3A_593 : memref<40x128xf32, #tpu.memory_space<hbm>>) dst(%arg13 : memref<40x128xf32, #tpu.memory_space<vmem>>)
        } else {
        }
        %add3A_499 = arith.constant 1 : i32
        %add3A_500 = arith.addi %add3A_390, %add3A_499 : i32
        %jit3A_501 = arith.constant 10 : i32
        %div3A_502 = arith.divsi %add3A_500, %jit3A_501 : i32
        %sign3A_503 = arith.constant 0 : i32
        %sign3A_504 = arith.cmpi sgt, %add3A_500, %sign3A_503 : i32
        %sign3A_505 = arith.extui %sign3A_504 : i1 to i32
        %sign3A_506 = arith.constant 0 : i32
        %sign3A_507 = arith.cmpi slt, %add3A_500, %sign3A_506 : i32
        %sign3A_508 = arith.extui %sign3A_507 : i1 to i32
        %sign3A_509 = arith.subi %sign3A_505, %sign3A_508 : i32
        %sign3A_510 = arith.constant 0 : i32
        %sign3A_511 = arith.cmpi sgt, %jit3A_501, %sign3A_510 : i32
        %sign3A_512 = arith.extui %sign3A_511 : i1 to i32
        %sign3A_513 = arith.constant 0 : i32
        %sign3A_514 = arith.cmpi slt, %jit3A_501, %sign3A_513 : i32
        %sign3A_515 = arith.extui %sign3A_514 : i1 to i32
        %sign3A_516 = arith.subi %sign3A_512, %sign3A_515 : i32
        %ne3A_517 = arith.cmpi ne, %sign3A_509, %sign3A_516 : i32
        %rem3A_518 = arith.remsi %add3A_500, %jit3A_501 : i32
        %ne3A_519 = arith.constant 0 : i32
        %ne3A_520 = arith.cmpi ne, %rem3A_518, %ne3A_519 : i32
        %and3A_521 = arith.andi %ne3A_517, %ne3A_520 : i1
        %sub3A_522 = arith.constant 1 : i32
        %sub3A_523 = arith.subi %div3A_502, %sub3A_522 : i32
        %select_n3A_524 = arith.select %and3A_521, %sub3A_523, %div3A_502 : i32
        %jit3A_525 = arith.constant 2 : i32
        %eq3A_526 = arith.constant 0 : i32
        %eq3A_527 = arith.cmpi eq, %jit3A_525, %eq3A_526 : i32
        %jit3A_528 = arith.constant 1 : i32
        %select_n3A_529 = arith.select %eq3A_527, %jit3A_528, %jit3A_525 : i32
        %rem3A_530 = arith.remsi %select_n3A_524, %select_n3A_529 : i32
        %ne3A_531 = arith.constant 0 : i32
        %ne3A_532 = arith.cmpi ne, %rem3A_530, %ne3A_531 : i32
        %lt3A_533 = arith.constant 0 : i32
        %lt3A_534 = arith.cmpi slt, %rem3A_530, %lt3A_533 : i32
        %lt3A_535 = arith.constant 0 : i32
        %lt3A_536 = arith.cmpi slt, %select_n3A_529, %lt3A_535 : i32
        %ne3A_537 = arith.xori %lt3A_534, %lt3A_536 : i1
        %and3A_538 = arith.andi %ne3A_537, %ne3A_532 : i1
        %add3A_539 = arith.addi %rem3A_530, %select_n3A_529 : i32
        %select_n3A_540 = arith.select %and3A_538, %add3A_539, %rem3A_530 : i32
        %jit3A_541 = arith.constant 10 : i32
        %eq3A_542 = arith.constant 0 : i32
        %eq3A_543 = arith.cmpi eq, %jit3A_541, %eq3A_542 : i32
        %jit3A_544 = arith.constant 1 : i32
        %select_n3A_545 = arith.select %eq3A_543, %jit3A_544, %jit3A_541 : i32
        %rem3A_546 = arith.remsi %add3A_500, %select_n3A_545 : i32
        %ne3A_547 = arith.constant 0 : i32
        %ne3A_548 = arith.cmpi ne, %rem3A_546, %ne3A_547 : i32
        %lt3A_549 = arith.constant 0 : i32
        %lt3A_550 = arith.cmpi slt, %rem3A_546, %lt3A_549 : i32
        %lt3A_551 = arith.constant 0 : i32
        %lt3A_552 = arith.cmpi slt, %select_n3A_545, %lt3A_551 : i32
        %ne3A_553 = arith.xori %lt3A_550, %lt3A_552 : i1
        %and3A_554 = arith.andi %ne3A_553, %ne3A_548 : i1
        %add3A_555 = arith.addi %rem3A_546, %select_n3A_545 : i32
        %select_n3A_556 = arith.select %and3A_554, %add3A_555, %rem3A_546 : i32
        %dma_start3A_557 = arith.constant 0 : i32
        %dma_start3A_558 = arith.constant 0 : i32
        %dma_start3A_559 = arith.constant 0 : i32
        %dma_start3A_560 = arith.constant 0 : i32
        %dma_start3A_561 = tpu.memref_slice %arg10[%dma_start3A_558, %dma_start3A_559, %dma_start3A_560] : memref<2x40x128xf32, #tpu.memory_space<vmem>> -> memref<1x40x128xf32, #tpu.memory_space<vmem>>
        %dma_start3A_562 = tpu.memref_squeeze %dma_start3A_561 : memref<1x40x128xf32, #tpu.memory_space<vmem>> -> memref<40x128xf32, #tpu.memory_space<vmem>>
        %dma_start3A_563 = arith.constant 0 : i32
        %dma_start3A_564 = tpu.memref_slice %arg9[%select_n3A_540, %select_n3A_556, %dma_start3A_557, %dma_start3A_563] : memref<2x10x2x40xi32, #tpu.memory_space<vmem>> -> memref<1x1x1x40xi32, #tpu.memory_space<vmem>>
        %dma_start3A_565 = tpu.memref_squeeze %dma_start3A_564 : memref<1x1x1x40xi32, #tpu.memory_space<vmem>> -> memref<40xi32, #tpu.memory_space<vmem>>
        %dma_start3A_566 = arith.constant 0 : i32
        %dma_start3A_567 = arith.constant 0 : i32
        %dma_start3A_568 = tpu.memref_slice %arg2[%dma_start3A_566, %dma_start3A_567] : memref<10000x128xf32, #tpu.memory_space<hbm>> -> memref<10000x128xf32, #tpu.memory_space<hbm>>
        tpu.enqueue_indirect_dma source(%dma_start3A_568 : memref<10000x128xf32, #tpu.memory_space<hbm>>) target(%dma_start3A_562 : memref<40x128xf32, #tpu.memory_space<vmem>>) offsets(%dma_start3A_565 : memref<40xi32, #tpu.memory_space<vmem>>) semaphore(%arg15 : memref<!tpu.dma_semaphore, #tpu.memory_space<semaphore_mem>>)
        %add3A_569 = arith.constant 1 : i32
        %add3A_570 = arith.addi %add3A_390, %add3A_569 : i32
        %add3A_571 = arith.addi %mul3A_2, %add3A_570 : i32
        %mul3A_572 = arith.constant 40 : i32
        %mul3A_573 = arith.muli %add3A_571, %mul3A_572 : i32
        %multiple_of3A_574 = tpu.assume_multiple %mul3A_573, 40 : i32
        %dma_start3A_575 = arith.constant 0 : i32
        %dma_start3A_576 = arith.constant 0 : i32
        %dma_start3A_577 = arith.constant 0 : i32
        %dma_start3A_578 = tpu.memref_slice %arg11[%dma_start3A_575, %dma_start3A_576, %dma_start3A_577] : memref<2x40x128xf32, #tpu.memory_space<vmem>> -> memref<1x40x128xf32, #tpu.memory_space<vmem>>
        %dma_start3A_579 = tpu.memref_squeeze %dma_start3A_578 : memref<1x40x128xf32, #tpu.memory_space<vmem>> -> memref<40x128xf32, #tpu.memory_space<vmem>>
        %dma_start3A_580 = arith.constant 0 : i32
        %dma_start3A_581 = tpu.memref_slice %arg3[%multiple_of3A_574, %dma_start3A_580] : memref<320000x128xf32, #tpu.memory_space<hbm>> -> memref<40x128xf32, #tpu.memory_space<hbm>>
        %dma_start3A_582 = arith.constant 0 : i32
        %dma_start3A_583 = arith.constant 0 : i32
        %dma_start3A_584 = tpu.memref_slice %arg11[%dma_start3A_575, %dma_start3A_582, %dma_start3A_583] : memref<2x40x128xf32, #tpu.memory_space<vmem>> -> memref<1x40x128xf32, #tpu.memory_space<vmem>>
        %dma_start3A_585 = tpu.memref_squeeze %dma_start3A_584 : memref<1x40x128xf32, #tpu.memory_space<vmem>> -> memref<40x128xf32, #tpu.memory_space<vmem>>
        %dma_start3A_586 = arith.constant 0 : i32
        %dma_start3A_587 = tpu.memref_slice %arg3[%multiple_of3A_574, %dma_start3A_586] : memref<320000x128xf32, #tpu.memory_space<hbm>> -> memref<40x128xf32, #tpu.memory_space<hbm>>
        tpu.enqueue_dma source(%dma_start3A_587 : memref<40x128xf32, #tpu.memory_space<hbm>>) target(%dma_start3A_585 : memref<40x128xf32, #tpu.memory_space<vmem>>) target_semaphore(%arg17 : memref<!tpu.dma_semaphore, #tpu.memory_space<semaphore_mem>>)
      } else {
      }
      %dma_wait3A_396 = arith.constant 0 : i32
      %dma_wait3A_397 = arith.constant 0 : i32
      %dma_wait3A_398 = arith.constant 0 : i32
      %dma_wait3A_399 = arith.constant 1 : i32
      %dma_wait3A_400 = arith.constant 0 : i32
      %dma_wait3A_401 = arith.constant 0 : i32
      %dma_wait3A_402 = tpu.memref_slice %arg10[%dma_wait3A_399, %dma_wait3A_400, %dma_wait3A_401] : memref<2x40x128xf32, #tpu.memory_space<vmem>> -> memref<1x40x128xf32, #tpu.memory_space<vmem>>
      %dma_wait3A_403 = tpu.memref_squeeze %dma_wait3A_402 : memref<1x40x128xf32, #tpu.memory_space<vmem>> -> memref<40x128xf32, #tpu.memory_space<vmem>>
      %dma_wait3A_404 = arith.constant 0 : i32
      %dma_wait3A_405 = tpu.memref_slice %arg9[%dma_wait3A_396, %dma_wait3A_397, %dma_wait3A_398, %dma_wait3A_404] : memref<2x10x2x40xi32, #tpu.memory_space<vmem>> -> memref<1x1x1x40xi32, #tpu.memory_space<vmem>>
      %dma_wait3A_406 = tpu.memref_squeeze %dma_wait3A_405 : memref<1x1x1x40xi32, #tpu.memory_space<vmem>> -> memref<40xi32, #tpu.memory_space<vmem>>
      %dma_wait3A_407 = arith.constant 0 : i32
      %dma_wait3A_408 = arith.constant 0 : i32
      %dma_wait3A_409 = tpu.memref_slice %arg2[%dma_wait3A_407, %dma_wait3A_408] : memref<10000x128xf32, #tpu.memory_space<hbm>> -> memref<10000x128xf32, #tpu.memory_space<hbm>>
      tpu.wait_indirect_dma semaphore(%arg16 : memref<!tpu.dma_semaphore, #tpu.memory_space<semaphore_mem>>) src(%dma_wait3A_409 : memref<10000x128xf32, #tpu.memory_space<hbm>>) dst(%dma_wait3A_403 : memref<40x128xf32, #tpu.memory_space<vmem>>)
      %dma_wait3A_410 = arith.constant 1 : i32
      %dma_wait3A_411 = arith.constant 0 : i32
      %dma_wait3A_412 = arith.constant 0 : i32
      %dma_wait3A_413 = tpu.memref_slice %arg11[%dma_wait3A_410, %dma_wait3A_411, %dma_wait3A_412] : memref<2x40x128xf32, #tpu.memory_space<vmem>> -> memref<1x40x128xf32, #tpu.memory_space<vmem>>
      %dma_wait3A_414 = tpu.memref_squeeze %dma_wait3A_413 : memref<1x40x128xf32, #tpu.memory_space<vmem>> -> memref<40x128xf32, #tpu.memory_space<vmem>>
      %dma_wait3A_415 = arith.constant 0 : i32
      %dma_wait3A_416 = arith.constant 0 : i32
      %dma_wait3A_417 = tpu.memref_slice %arg3[%dma_wait3A_415, %dma_wait3A_416] : memref<320000x128xf32, #tpu.memory_space<hbm>> -> memref<40x128xf32, #tpu.memory_space<hbm>>
      %dma_wait3A_418 = arith.constant 0 : i32
      %dma_wait3A_419 = arith.constant 0 : i32
      %dma_wait3A_420 = tpu.memref_slice %arg11[%dma_wait3A_410, %dma_wait3A_418, %dma_wait3A_419] : memref<2x40x128xf32, #tpu.memory_space<vmem>> -> memref<1x40x128xf32, #tpu.memory_space<vmem>>
      %dma_wait3A_421 = tpu.memref_squeeze %dma_wait3A_420 : memref<1x40x128xf32, #tpu.memory_space<vmem>> -> memref<40x128xf32, #tpu.memory_space<vmem>>
      %dma_wait3A_422 = arith.constant 0 : i32
      %dma_wait3A_423 = arith.constant 0 : i32
      %dma_wait3A_424 = tpu.memref_slice %arg3[%dma_wait3A_422, %dma_wait3A_423] : memref<320000x128xf32, #tpu.memory_space<hbm>> -> memref<40x128xf32, #tpu.memory_space<hbm>>
      tpu.wait_dma2 semaphore(%arg18 : memref<!tpu.dma_semaphore, #tpu.memory_space<semaphore_mem>>) src(%dma_wait3A_424 : memref<40x128xf32, #tpu.memory_space<hbm>>) dst(%dma_wait3A_421 : memref<40x128xf32, #tpu.memory_space<vmem>>)
      %scan3A_425 = arith.constant 0 : i32
      %scan3A_426 = arith.constant 40 : i32
      %scan3A_427 = arith.addi %scan3A_425, %scan3A_426 : i32
      %scan3A_428 = arith.constant 1 : i32
      %scan3A_429:16 = scf.for %scan3A_494 = %scan3A_425 to %scan3A_427 step %scan3A_428 iter_args(%scan3A_495 = %scan3A_322#0, %scan3A_496 = %scan3A_322#1, %scan3A_497 = %scan3A_322#2, %scan3A_498 = %scan3A_322#3, %scan3A_499 = %scan3A_322#4, %scan3A_500 = %scan3A_322#5, %scan3A_501 = %scan3A_322#6, %scan3A_502 = %scan3A_322#7, %scan3A_503 = %scan3A_322#8, %scan3A_504 = %scan3A_322#9, %scan3A_505 = %scan3A_322#10, %scan3A_506 = %scan3A_322#11, %scan3A_507 = %scan3A_322#12, %scan3A_508 = %scan3A_322#13, %scan3A_509 = %scan3A_322#14, %scan3A_510 = %scan3A_322#15) -> (vector<16xf32>, vector<16xf32>, vector<16xf32>, vector<16xf32>, vector<16xf32>, vector<16xf32>, vector<16xf32>, vector<16xf32>, vector<16xf32>, vector<16xf32>, vector<16xf32>, vector<16xf32>, vector<16xf32>, vector<16xf32>, vector<16xf32>, vector<16xf32>)  : i32 {
        %get3A = arith.constant 1 : i32
        %get3A_511 = arith.index_cast %get3A : i32 to index
        %get3A_512 = arith.index_cast %scan3A_494 : i32 to index
        %get3A_513 = arith.constant 0 : index
        %get3A_514 = tpu.vector_load %arg10[%get3A_511, %get3A_512, %get3A_513] {strides = array<i32>} : memref<2x40x128xf32, #tpu.memory_space<vmem>>, vector<1x1x16xf32>,
        %get3A_515 = vector.shape_cast %get3A_514 : vector<1x1x16xf32> to vector<16xf32>
        %get3A_516 = arith.constant 1 : i32
        %get3A_517 = arith.index_cast %get3A_516 : i32 to index
        %get3A_518 = arith.index_cast %scan3A_494 : i32 to index
        %get3A_519 = arith.constant 0 : index
        %get3A_520 = tpu.vector_load %arg11[%get3A_517, %get3A_518, %get3A_519] {strides = array<i32>} : memref<2x40x128xf32, #tpu.memory_space<vmem>>, vector<1x1x16xf32>,
        %get3A_521 = vector.shape_cast %get3A_520 : vector<1x1x16xf32> to vector<16xf32>
        %add3A_522 = arith.addf %get3A_515, %get3A_521 : vector<16xf32>
        %add3A_523 = arith.addf %scan3A_495, %add3A_522 : vector<16xf32>
        %mul3A_524 = arith.mulf %add3A_522, %add3A_522 : vector<16xf32>
        %add3A_525 = arith.addf %scan3A_503, %mul3A_524 : vector<16xf32>
        %get3A_526 = arith.constant 1 : i32
        %get3A_527 = arith.index_cast %get3A_526 : i32 to index
        %get3A_528 = arith.index_cast %scan3A_494 : i32 to index
        %get3A_529 = arith.constant 16 : index
        %get3A_530 = tpu.vector_load %arg10[%get3A_527, %get3A_528, %get3A_529] {strides = array<i32>} : memref<2x40x128xf32, #tpu.memory_space<vmem>>, vector<1x1x16xf32>,
        %get3A_531 = vector.shape_cast %get3A_530 : vector<1x1x16xf32> to vector<16xf32>
        %get3A_532 = arith.constant 1 : i32
        %get3A_533 = arith.index_cast %get3A_532 : i32 to index
        %get3A_534 = arith.index_cast %scan3A_494 : i32 to index
        %get3A_535 = arith.constant 16 : index
        %get3A_536 = tpu.vector_load %arg11[%get3A_533, %get3A_534, %get3A_535] {strides = array<i32>} : memref<2x40x128xf32, #tpu.memory_space<vmem>>, vector<1x1x16xf32>,
        %get3A_537 = vector.shape_cast %get3A_536 : vector<1x1x16xf32> to vector<16xf32>
        %add3A_538 = arith.addf %get3A_531, %get3A_537 : vector<16xf32>
        %add3A_539 = arith.addf %scan3A_496, %add3A_538 : vector<16xf32>
        %mul3A_540 = arith.mulf %add3A_538, %add3A_538 : vector<16xf32>
        %add3A_541 = arith.addf %scan3A_504, %mul3A_540 : vector<16xf32>
        %get3A_542 = arith.constant 1 : i32
        %get3A_543 = arith.index_cast %get3A_542 : i32 to index
        %get3A_544 = arith.index_cast %scan3A_494 : i32 to index
        %get3A_545 = arith.constant 32 : index
        %get3A_546 = tpu.vector_load %arg10[%get3A_543, %get3A_544, %get3A_545] {strides = array<i32>} : memref<2x40x128xf32, #tpu.memory_space<vmem>>, vector<1x1x16xf32>,
        %get3A_547 = vector.shape_cast %get3A_546 : vector<1x1x16xf32> to vector<16xf32>
        %get3A_548 = arith.constant 1 : i32
        %get3A_549 = arith.index_cast %get3A_548 : i32 to index
        %get3A_550 = arith.index_cast %scan3A_494 : i32 to index
        %get3A_551 = arith.constant 32 : index
        %get3A_552 = tpu.vector_load %arg11[%get3A_549, %get3A_550, %get3A_551] {strides = array<i32>} : memref<2x40x128xf32, #tpu.memory_space<vmem>>, vector<1x1x16xf32>,
        %get3A_553 = vector.shape_cast %get3A_552 : vector<1x1x16xf32> to vector<16xf32>
        %add3A_554 = arith.addf %get3A_547, %get3A_553 : vector<16xf32>
        %add3A_555 = arith.addf %scan3A_497, %add3A_554 : vector<16xf32>
        %mul3A_556 = arith.mulf %add3A_554, %add3A_554 : vector<16xf32>
        %add3A_557 = arith.addf %scan3A_505, %mul3A_556 : vector<16xf32>
        %get3A_558 = arith.constant 1 : i32
        %get3A_559 = arith.index_cast %get3A_558 : i32 to index
        %get3A_560 = arith.index_cast %scan3A_494 : i32 to index
        %get3A_561 = arith.constant 48 : index
        %get3A_562 = tpu.vector_load %arg10[%get3A_559, %get3A_560, %get3A_561] {strides = array<i32>} : memref<2x40x128xf32, #tpu.memory_space<vmem>>, vector<1x1x16xf32>,
        %get3A_563 = vector.shape_cast %get3A_562 : vector<1x1x16xf32> to vector<16xf32>
        %get3A_564 = arith.constant 1 : i32
        %get3A_565 = arith.index_cast %get3A_564 : i32 to index
        %get3A_566 = arith.index_cast %scan3A_494 : i32 to index
        %get3A_567 = arith.constant 48 : index
        %get3A_568 = tpu.vector_load %arg11[%get3A_565, %get3A_566, %get3A_567] {strides = array<i32>} : memref<2x40x128xf32, #tpu.memory_space<vmem>>, vector<1x1x16xf32>,
        %get3A_569 = vector.shape_cast %get3A_568 : vector<1x1x16xf32> to vector<16xf32>
        %add3A_570 = arith.addf %get3A_563, %get3A_569 : vector<16xf32>
        %add3A_571 = arith.addf %scan3A_498, %add3A_570 : vector<16xf32>
        %mul3A_572 = arith.mulf %add3A_570, %add3A_570 : vector<16xf32>
        %add3A_573 = arith.addf %scan3A_506, %mul3A_572 : vector<16xf32>
        %get3A_574 = arith.constant 1 : i32
        %get3A_575 = arith.index_cast %get3A_574 : i32 to index
        %get3A_576 = arith.index_cast %scan3A_494 : i32 to index
        %get3A_577 = arith.constant 64 : index
        %get3A_578 = tpu.vector_load %arg10[%get3A_575, %get3A_576, %get3A_577] {strides = array<i32>} : memref<2x40x128xf32, #tpu.memory_space<vmem>>, vector<1x1x16xf32>,
        %get3A_579 = vector.shape_cast %get3A_578 : vector<1x1x16xf32> to vector<16xf32>
        %get3A_580 = arith.constant 1 : i32
        %get3A_581 = arith.index_cast %get3A_580 : i32 to index
        %get3A_582 = arith.index_cast %scan3A_494 : i32 to index
        %get3A_583 = arith.constant 64 : index
        %get3A_584 = tpu.vector_load %arg11[%get3A_581, %get3A_582, %get3A_583] {strides = array<i32>} : memref<2x40x128xf32, #tpu.memory_space<vmem>>, vector<1x1x16xf32>,
        %get3A_585 = vector.shape_cast %get3A_584 : vector<1x1x16xf32> to vector<16xf32>
        %add3A_586 = arith.addf %get3A_579, %get3A_585 : vector<16xf32>
        %add3A_587 = arith.addf %scan3A_499, %add3A_586 : vector<16xf32>
        %mul3A_588 = arith.mulf %add3A_586, %add3A_586 : vector<16xf32>
        %add3A_589 = arith.addf %scan3A_507, %mul3A_588 : vector<16xf32>
        %get3A_590 = arith.constant 1 : i32
        %get3A_591 = arith.index_cast %get3A_590 : i32 to index
        %get3A_592 = arith.index_cast %scan3A_494 : i32 to index
        %get3A_593 = arith.constant 80 : index
        %get3A_594 = tpu.vector_load %arg10[%get3A_591, %get3A_592, %get3A_593] {strides = array<i32>} : memref<2x40x128xf32, #tpu.memory_space<vmem>>, vector<1x1x16xf32>,
        %get3A_595 = vector.shape_cast %get3A_594 : vector<1x1x16xf32> to vector<16xf32>
        %get3A_596 = arith.constant 1 : i32
        %get3A_597 = arith.index_cast %get3A_596 : i32 to index
        %get3A_598 = arith.index_cast %scan3A_494 : i32 to index
        %get3A_599 = arith.constant 80 : index
        %get3A_600 = tpu.vector_load %arg11[%get3A_597, %get3A_598, %get3A_599] {strides = array<i32>} : memref<2x40x128xf32, #tpu.memory_space<vmem>>, vector<1x1x16xf32>,
        %get3A_601 = vector.shape_cast %get3A_600 : vector<1x1x16xf32> to vector<16xf32>
        %add3A_602 = arith.addf %get3A_595, %get3A_601 : vector<16xf32>
        %add3A_603 = arith.addf %scan3A_500, %add3A_602 : vector<16xf32>
        %mul3A_604 = arith.mulf %add3A_602, %add3A_602 : vector<16xf32>
        %add3A_605 = arith.addf %scan3A_508, %mul3A_604 : vector<16xf32>
        %get3A_606 = arith.constant 1 : i32
        %get3A_607 = arith.index_cast %get3A_606 : i32 to index
        %get3A_608 = arith.index_cast %scan3A_494 : i32 to index
        %get3A_609 = arith.constant 96 : index
        %get3A_610 = tpu.vector_load %arg10[%get3A_607, %get3A_608, %get3A_609] {strides = array<i32>} : memref<2x40x128xf32, #tpu.memory_space<vmem>>, vector<1x1x16xf32>,
        %get3A_611 = vector.shape_cast %get3A_610 : vector<1x1x16xf32> to vector<16xf32>
        %get3A_612 = arith.constant 1 : i32
        %get3A_613 = arith.index_cast %get3A_612 : i32 to index
        %get3A_614 = arith.index_cast %scan3A_494 : i32 to index
        %get3A_615 = arith.constant 96 : index
        %get3A_616 = tpu.vector_load %arg11[%get3A_613, %get3A_614, %get3A_615] {strides = array<i32>} : memref<2x40x128xf32, #tpu.memory_space<vmem>>, vector<1x1x16xf32>,
        %get3A_617 = vector.shape_cast %get3A_616 : vector<1x1x16xf32> to vector<16xf32>
        %add3A_618 = arith.addf %get3A_611, %get3A_617 : vector<16xf32>
        %add3A_619 = arith.addf %scan3A_501, %add3A_618 : vector<16xf32>
        %mul3A_620 = arith.mulf %add3A_618, %add3A_618 : vector<16xf32>
        %add3A_621 = arith.addf %scan3A_509, %mul3A_620 : vector<16xf32>
        %get3A_622 = arith.constant 1 : i32
        %get3A_623 = arith.index_cast %get3A_622 : i32 to index
        %get3A_624 = arith.index_cast %scan3A_494 : i32 to index
        %get3A_625 = arith.constant 112 : index
        %get3A_626 = tpu.vector_load %arg10[%get3A_623, %get3A_624, %get3A_625] {strides = array<i32>} : memref<2x40x128xf32, #tpu.memory_space<vmem>>, vector<1x1x16xf32>,
        %get3A_627 = vector.shape_cast %get3A_626 : vector<1x1x16xf32> to vector<16xf32>
        %get3A_628 = arith.constant 1 : i32
        %get3A_629 = arith.index_cast %get3A_628 : i32 to index
        %get3A_630 = arith.index_cast %scan3A_494 : i32 to index
        %get3A_631 = arith.constant 112 : index
        %get3A_632 = tpu.vector_load %arg11[%get3A_629, %get3A_630, %get3A_631] {strides = array<i32>} : memref<2x40x128xf32, #tpu.memory_space<vmem>>, vector<1x1x16xf32>,
        %get3A_633 = vector.shape_cast %get3A_632 : vector<1x1x16xf32> to vector<16xf32>
        %add3A_634 = arith.addf %get3A_627, %get3A_633 : vector<16xf32>
        %add3A_635 = arith.addf %scan3A_502, %add3A_634 : vector<16xf32>
        %mul3A_636 = arith.mulf %add3A_634, %add3A_634 : vector<16xf32>
        %add3A_637 = arith.addf %scan3A_510, %mul3A_636 : vector<16xf32>
        scf.yield %add3A_523, %add3A_539, %add3A_555, %add3A_571, %add3A_587, %add3A_603, %add3A_619, %add3A_635, %add3A_525, %add3A_541, %add3A_557, %add3A_573, %add3A_589, %add3A_605, %add3A_621, %add3A_637 : vector<16xf32>, vector<16xf32>, vector<16xf32>, vector<16xf32>, vector<16xf32>, vector<16xf32>, vector<16xf32>, vector<16xf32>, vector<16xf32>, vector<16xf32>, vector<16xf32>, vector<16xf32>, vector<16xf32>, vector<16xf32>, vector<16xf32>, vector<16xf32>
      }
      %scan3A_430 = arith.constant 40 : i32
      %jit3A_431 = arith.constant 10 : i32
      %div3A_432 = arith.divsi %add3A_390, %jit3A_431 : i32
      %sign3A_433 = arith.constant 0 : i32
      %sign3A_434 = arith.cmpi sgt, %add3A_390, %sign3A_433 : i32
      %sign3A_435 = arith.extui %sign3A_434 : i1 to i32
      %sign3A_436 = arith.constant 0 : i32
      %sign3A_437 = arith.cmpi slt, %add3A_390, %sign3A_436 : i32
      %sign3A_438 = arith.extui %sign3A_437 : i1 to i32
      %sign3A_439 = arith.subi %sign3A_435, %sign3A_438 : i32
      %sign3A_440 = arith.constant 0 : i32
      %sign3A_441 = arith.cmpi sgt, %jit3A_431, %sign3A_440 : i32
      %sign3A_442 = arith.extui %sign3A_441 : i1 to i32
      %sign3A_443 = arith.constant 0 : i32
      %sign3A_444 = arith.cmpi slt, %jit3A_431, %sign3A_443 : i32
      %sign3A_445 = arith.extui %sign3A_444 : i1 to i32
      %sign3A_446 = arith.subi %sign3A_442, %sign3A_445 : i32
      %ne3A_447 = arith.cmpi ne, %sign3A_439, %sign3A_446 : i32
      %rem3A_448 = arith.remsi %add3A_390, %jit3A_431 : i32
      %ne3A_449 = arith.constant 0 : i32
      %ne3A_450 = arith.cmpi ne, %rem3A_448, %ne3A_449 : i32
      %and3A_451 = arith.andi %ne3A_447, %ne3A_450 : i1
      %sub3A_452 = arith.constant 1 : i32
      %sub3A_453 = arith.subi %div3A_432, %sub3A_452 : i32
      %select_n3A_454 = arith.select %and3A_451, %sub3A_453, %div3A_432 : i32
      %jit3A_455 = arith.constant 2 : i32
      %eq3A_456 = arith.constant 0 : i32
      %eq3A_457 = arith.cmpi eq, %jit3A_455, %eq3A_456 : i32
      %jit3A_458 = arith.constant 1 : i32
      %select_n3A_459 = arith.select %eq3A_457, %jit3A_458, %jit3A_455 : i32
      %rem3A_460 = arith.remsi %select_n3A_454, %select_n3A_459 : i32
      %ne3A_461 = arith.constant 0 : i32
      %ne3A_462 = arith.cmpi ne, %rem3A_460, %ne3A_461 : i32
      %lt3A_463 = arith.constant 0 : i32
      %lt3A_464 = arith.cmpi slt, %rem3A_460, %lt3A_463 : i32
      %lt3A_465 = arith.constant 0 : i32
      %lt3A_466 = arith.cmpi slt, %select_n3A_459, %lt3A_465 : i32
      %ne3A_467 = arith.xori %lt3A_464, %lt3A_466 : i1
      %and3A_468 = arith.andi %ne3A_467, %ne3A_462 : i1
      %add3A_469 = arith.addi %rem3A_460, %select_n3A_459 : i32
      %select_n3A_470 = arith.select %and3A_468, %add3A_469, %rem3A_460 : i32
      %jit3A_471 = arith.constant 10 : i32
      %eq3A_472 = arith.constant 0 : i32
      %eq3A_473 = arith.cmpi eq, %jit3A_471, %eq3A_472 : i32
      %jit3A_474 = arith.constant 1 : i32
      %select_n3A_475 = arith.select %eq3A_473, %jit3A_474, %jit3A_471 : i32
      %rem3A_476 = arith.remsi %add3A_390, %select_n3A_475 : i32
      %ne3A_477 = arith.constant 0 : i32
      %ne3A_478 = arith.cmpi ne, %rem3A_476, %ne3A_477 : i32
      %lt3A_479 = arith.constant 0 : i32
      %lt3A_480 = arith.cmpi slt, %rem3A_476, %lt3A_479 : i32
      %lt3A_481 = arith.constant 0 : i32
      %lt3A_482 = arith.cmpi slt, %select_n3A_475, %lt3A_481 : i32
      %ne3A_483 = arith.xori %lt3A_480, %lt3A_482 : i1
      %and3A_484 = arith.andi %ne3A_483, %ne3A_478 : i1
      %add3A_485 = arith.addi %rem3A_476, %select_n3A_475 : i32
      %select_n3A_486 = arith.select %and3A_484, %add3A_485, %rem3A_476 : i32
      %dma_start3A_487 = arith.constant 1 : i32
      %dma_start3A_488 = arith.constant 0 : i32
      %dma_start3A_489 = tpu.memref_slice %arg9[%select_n3A_470, %select_n3A_486, %dma_start3A_487, %dma_start3A_488] : memref<2x10x2x40xi32, #tpu.memory_space<vmem>> -> memref<1x1x1x40xi32, #tpu.memory_space<vmem>>
      %dma_start3A_490 = tpu.memref_squeeze %dma_start3A_489 : memref<1x1x1x40xi32, #tpu.memory_space<vmem>> -> memref<40xi32, #tpu.memory_space<vmem>>
      %dma_start3A_491 = arith.constant 0 : i32
      %dma_start3A_492 = arith.constant 0 : i32
      %dma_start3A_493 = tpu.memref_slice %arg14[%dma_start3A_491, %dma_start3A_492] : memref<10000x128xf32, #tpu.memory_space<vmem_shared>> -> memref<10000x128xf32, #tpu.memory_space<vmem_shared>>
      tpu.enqueue_indirect_dma source(%arg13 : memref<40x128xf32, #tpu.memory_space<vmem>>) target(%dma_start3A_493 : memref<10000x128xf32, #tpu.memory_space<vmem_shared>>) offsets(%dma_start3A_490 : memref<40xi32, #tpu.memory_space<vmem>>) semaphore(%arg20 : memref<!tpu.dma_semaphore, #tpu.memory_space<semaphore_mem>>) {add = true}
      scf.yield %scan3A_429#0, %scan3A_429#1, %scan3A_429#2, %scan3A_429#3, %scan3A_429#4, %scan3A_429#5, %scan3A_429#6, %scan3A_429#7, %scan3A_429#8, %scan3A_429#9, %scan3A_429#10, %scan3A_429#11, %scan3A_429#12, %scan3A_429#13, %scan3A_429#14, %scan3A_429#15 : vector<16xf32>, vector<16xf32>, vector<16xf32>, vector<16xf32>, vector<16xf32>, vector<16xf32>, vector<16xf32>, vector<16xf32>, vector<16xf32>, vector<16xf32>, vector<16xf32>, vector<16xf32>, vector<16xf32>, vector<16xf32>, vector<16xf32>, vector<16xf32>
    }
    %scan3A_47 = arith.constant 125 : i32
    %dma_wait3A = arith.constant 0 : i32
    %dma_wait3A_48 = arith.constant 0 : i32
    %dma_wait3A_49 = tpu.memref_slice %arg5[%dma_wait3A, %dma_wait3A_48] : memref<624x128xf32, #tpu.memory_space<hbm>> -> memref<40x128xf32, #tpu.memory_space<hbm>>
    %dma_wait3A_50 = arith.constant 0 : i32
    %dma_wait3A_51 = arith.constant 0 : i32
    %dma_wait3A_52 = tpu.memref_slice %arg5[%dma_wait3A_50, %dma_wait3A_51] : memref<624x128xf32, #tpu.memory_space<hbm>> -> memref<40x128xf32, #tpu.memory_space<hbm>>
    tpu.wait_dma2 semaphore(%arg19 : memref<!tpu.dma_semaphore, #tpu.memory_space<semaphore_mem>>) src(%dma_wait3A_52 : memref<40x128xf32, #tpu.memory_space<hbm>>) dst(%arg13 : memref<40x128xf32, #tpu.memory_space<vmem>>)
    %dma_wait3A_53 = arith.constant 0 : i32
    %dma_wait3A_54 = arith.constant 0 : i32
    %dma_wait3A_55 = tpu.memref_slice %arg5[%dma_wait3A_53, %dma_wait3A_54] : memref<624x128xf32, #tpu.memory_space<hbm>> -> memref<40x128xf32, #tpu.memory_space<hbm>>
    %dma_wait3A_56 = arith.constant 0 : i32
    %dma_wait3A_57 = arith.constant 0 : i32
    %dma_wait3A_58 = tpu.memref_slice %arg5[%dma_wait3A_56, %dma_wait3A_57] : memref<624x128xf32, #tpu.memory_space<hbm>> -> memref<40x128xf32, #tpu.memory_space<hbm>>
    tpu.wait_dma2 semaphore(%arg20 : memref<!tpu.dma_semaphore, #tpu.memory_space<semaphore_mem>>) src(%dma_wait3A_58 : memref<40x128xf32, #tpu.memory_space<hbm>>) dst(%arg13 : memref<40x128xf32, #tpu.memory_space<vmem>>)
    %swap3A = arith.constant 0 : i32
    %swap3A_59 = arith.index_cast %swap3A : i32 to index
    %swap3A_60 = arith.constant 0 : index
    %swap3A_61 = tpu.vector_load %arg12[%swap3A_59, %swap3A_60] {strides = array<i32>} : memref<16x16xf32, #tpu.memory_space<vmem>>, vector<1x16xf32>,
    %swap3A_62 = vector.shape_cast %swap3A_61 : vector<1x16xf32> to vector<16xf32>
    %swap3A_63 = vector.shape_cast %scan3A_46#0 : vector<16xf32> to vector<1x16xf32>
    tpu.vector_store %arg12[%swap3A_59, %swap3A_60], %swap3A_63 {strides = array<i32>} : memref<16x16xf32, #tpu.memory_space<vmem>>, vector<1x16xf32>,
    %swap3A_64 = arith.constant 1 : i32
    %swap3A_65 = arith.index_cast %swap3A_64 : i32 to index
    %swap3A_66 = arith.constant 0 : index
    %swap3A_67 = tpu.vector_load %arg12[%swap3A_65, %swap3A_66] {strides = array<i32>} : memref<16x16xf32, #tpu.memory_space<vmem>>, vector<1x16xf32>,
    %swap3A_68 = vector.shape_cast %swap3A_67 : vector<1x16xf32> to vector<16xf32>
    %swap3A_69 = vector.shape_cast %scan3A_46#1 : vector<16xf32> to vector<1x16xf32>
    tpu.vector_store %arg12[%swap3A_65, %swap3A_66], %swap3A_69 {strides = array<i32>} : memref<16x16xf32, #tpu.memory_space<vmem>>, vector<1x16xf32>,
    %swap3A_70 = arith.constant 2 : i32
    %swap3A_71 = arith.index_cast %swap3A_70 : i32 to index
    %swap3A_72 = arith.constant 0 : index
    %swap3A_73 = tpu.vector_load %arg12[%swap3A_71, %swap3A_72] {strides = array<i32>} : memref<16x16xf32, #tpu.memory_space<vmem>>, vector<1x16xf32>,
    %swap3A_74 = vector.shape_cast %swap3A_73 : vector<1x16xf32> to vector<16xf32>
    %swap3A_75 = vector.shape_cast %scan3A_46#2 : vector<16xf32> to vector<1x16xf32>
    tpu.vector_store %arg12[%swap3A_71, %swap3A_72], %swap3A_75 {strides = array<i32>} : memref<16x16xf32, #tpu.memory_space<vmem>>, vector<1x16xf32>,
    %swap3A_76 = arith.constant 3 : i32
    %swap3A_77 = arith.index_cast %swap3A_76 : i32 to index
    %swap3A_78 = arith.constant 0 : index
    %swap3A_79 = tpu.vector_load %arg12[%swap3A_77, %swap3A_78] {strides = array<i32>} : memref<16x16xf32, #tpu.memory_space<vmem>>, vector<1x16xf32>,
    %swap3A_80 = vector.shape_cast %swap3A_79 : vector<1x16xf32> to vector<16xf32>
    %swap3A_81 = vector.shape_cast %scan3A_46#3 : vector<16xf32> to vector<1x16xf32>
    tpu.vector_store %arg12[%swap3A_77, %swap3A_78], %swap3A_81 {strides = array<i32>} : memref<16x16xf32, #tpu.memory_space<vmem>>, vector<1x16xf32>,
    %swap3A_82 = arith.constant 4 : i32
    %swap3A_83 = arith.index_cast %swap3A_82 : i32 to index
    %swap3A_84 = arith.constant 0 : index
    %swap3A_85 = tpu.vector_load %arg12[%swap3A_83, %swap3A_84] {strides = array<i32>} : memref<16x16xf32, #tpu.memory_space<vmem>>, vector<1x16xf32>,
    %swap3A_86 = vector.shape_cast %swap3A_85 : vector<1x16xf32> to vector<16xf32>
    %swap3A_87 = vector.shape_cast %scan3A_46#4 : vector<16xf32> to vector<1x16xf32>
    tpu.vector_store %arg12[%swap3A_83, %swap3A_84], %swap3A_87 {strides = array<i32>} : memref<16x16xf32, #tpu.memory_space<vmem>>, vector<1x16xf32>,
    %swap3A_88 = arith.constant 5 : i32
    %swap3A_89 = arith.index_cast %swap3A_88 : i32 to index
    %swap3A_90 = arith.constant 0 : index
    %swap3A_91 = tpu.vector_load %arg12[%swap3A_89, %swap3A_90] {strides = array<i32>} : memref<16x16xf32, #tpu.memory_space<vmem>>, vector<1x16xf32>,
    %swap3A_92 = vector.shape_cast %swap3A_91 : vector<1x16xf32> to vector<16xf32>
    %swap3A_93 = vector.shape_cast %scan3A_46#5 : vector<16xf32> to vector<1x16xf32>
    tpu.vector_store %arg12[%swap3A_89, %swap3A_90], %swap3A_93 {strides = array<i32>} : memref<16x16xf32, #tpu.memory_space<vmem>>, vector<1x16xf32>,
    %swap3A_94 = arith.constant 6 : i32
    %swap3A_95 = arith.index_cast %swap3A_94 : i32 to index
    %swap3A_96 = arith.constant 0 : index
    %swap3A_97 = tpu.vector_load %arg12[%swap3A_95, %swap3A_96] {strides = array<i32>} : memref<16x16xf32, #tpu.memory_space<vmem>>, vector<1x16xf32>,
    %swap3A_98 = vector.shape_cast %swap3A_97 : vector<1x16xf32> to vector<16xf32>
    %swap3A_99 = vector.shape_cast %scan3A_46#6 : vector<16xf32> to vector<1x16xf32>
    tpu.vector_store %arg12[%swap3A_95, %swap3A_96], %swap3A_99 {strides = array<i32>} : memref<16x16xf32, #tpu.memory_space<vmem>>, vector<1x16xf32>,
    %swap3A_100 = arith.constant 7 : i32
    %swap3A_101 = arith.index_cast %swap3A_100 : i32 to index
    %swap3A_102 = arith.constant 0 : index
    %swap3A_103 = tpu.vector_load %arg12[%swap3A_101, %swap3A_102] {strides = array<i32>} : memref<16x16xf32, #tpu.memory_space<vmem>>, vector<1x16xf32>,
    %swap3A_104 = vector.shape_cast %swap3A_103 : vector<1x16xf32> to vector<16xf32>
    %swap3A_105 = vector.shape_cast %scan3A_46#7 : vector<16xf32> to vector<1x16xf32>
    tpu.vector_store %arg12[%swap3A_101, %swap3A_102], %swap3A_105 {strides = array<i32>} : memref<16x16xf32, #tpu.memory_space<vmem>>, vector<1x16xf32>,
    %swap3A_106 = arith.constant 8 : i32
    %swap3A_107 = arith.index_cast %swap3A_106 : i32 to index
    %swap3A_108 = arith.constant 0 : index
    %swap3A_109 = tpu.vector_load %arg12[%swap3A_107, %swap3A_108] {strides = array<i32>} : memref<16x16xf32, #tpu.memory_space<vmem>>, vector<1x16xf32>,
    %swap3A_110 = vector.shape_cast %swap3A_109 : vector<1x16xf32> to vector<16xf32>
    %swap3A_111 = vector.shape_cast %scan3A_46#8 : vector<16xf32> to vector<1x16xf32>
    tpu.vector_store %arg12[%swap3A_107, %swap3A_108], %swap3A_111 {strides = array<i32>} : memref<16x16xf32, #tpu.memory_space<vmem>>, vector<1x16xf32>,
    %swap3A_112 = arith.constant 9 : i32
    %swap3A_113 = arith.index_cast %swap3A_112 : i32 to index
    %swap3A_114 = arith.constant 0 : index
    %swap3A_115 = tpu.vector_load %arg12[%swap3A_113, %swap3A_114] {strides = array<i32>} : memref<16x16xf32, #tpu.memory_space<vmem>>, vector<1x16xf32>,
    %swap3A_116 = vector.shape_cast %swap3A_115 : vector<1x16xf32> to vector<16xf32>
    %swap3A_117 = vector.shape_cast %scan3A_46#9 : vector<16xf32> to vector<1x16xf32>
    tpu.vector_store %arg12[%swap3A_113, %swap3A_114], %swap3A_117 {strides = array<i32>} : memref<16x16xf32, #tpu.memory_space<vmem>>, vector<1x16xf32>,
    %swap3A_118 = arith.constant 10 : i32
    %swap3A_119 = arith.index_cast %swap3A_118 : i32 to index
    %swap3A_120 = arith.constant 0 : index
    %swap3A_121 = tpu.vector_load %arg12[%swap3A_119, %swap3A_120] {strides = array<i32>} : memref<16x16xf32, #tpu.memory_space<vmem>>, vector<1x16xf32>,
    %swap3A_122 = vector.shape_cast %swap3A_121 : vector<1x16xf32> to vector<16xf32>
    %swap3A_123 = vector.shape_cast %scan3A_46#10 : vector<16xf32> to vector<1x16xf32>
    tpu.vector_store %arg12[%swap3A_119, %swap3A_120], %swap3A_123 {strides = array<i32>} : memref<16x16xf32, #tpu.memory_space<vmem>>, vector<1x16xf32>,
    %swap3A_124 = arith.constant 11 : i32
    %swap3A_125 = arith.index_cast %swap3A_124 : i32 to index
    %swap3A_126 = arith.constant 0 : index
    %swap3A_127 = tpu.vector_load %arg12[%swap3A_125, %swap3A_126] {strides = array<i32>} : memref<16x16xf32, #tpu.memory_space<vmem>>, vector<1x16xf32>,
    %swap3A_128 = vector.shape_cast %swap3A_127 : vector<1x16xf32> to vector<16xf32>
    %swap3A_129 = vector.shape_cast %scan3A_46#11 : vector<16xf32> to vector<1x16xf32>
    tpu.vector_store %arg12[%swap3A_125, %swap3A_126], %swap3A_129 {strides = array<i32>} : memref<16x16xf32, #tpu.memory_space<vmem>>, vector<1x16xf32>,
    %swap3A_130 = arith.constant 12 : i32
    %swap3A_131 = arith.index_cast %swap3A_130 : i32 to index
    %swap3A_132 = arith.constant 0 : index
    %swap3A_133 = tpu.vector_load %arg12[%swap3A_131, %swap3A_132] {strides = array<i32>} : memref<16x16xf32, #tpu.memory_space<vmem>>, vector<1x16xf32>,
    %swap3A_134 = vector.shape_cast %swap3A_133 : vector<1x16xf32> to vector<16xf32>
    %swap3A_135 = vector.shape_cast %scan3A_46#12 : vector<16xf32> to vector<1x16xf32>
    tpu.vector_store %arg12[%swap3A_131, %swap3A_132], %swap3A_135 {strides = array<i32>} : memref<16x16xf32, #tpu.memory_space<vmem>>, vector<1x16xf32>,
    %swap3A_136 = arith.constant 13 : i32
    %swap3A_137 = arith.index_cast %swap3A_136 : i32 to index
    %swap3A_138 = arith.constant 0 : index
    %swap3A_139 = tpu.vector_load %arg12[%swap3A_137, %swap3A_138] {strides = array<i32>} : memref<16x16xf32, #tpu.memory_space<vmem>>, vector<1x16xf32>,
    %swap3A_140 = vector.shape_cast %swap3A_139 : vector<1x16xf32> to vector<16xf32>
    %swap3A_141 = vector.shape_cast %scan3A_46#13 : vector<16xf32> to vector<1x16xf32>
    tpu.vector_store %arg12[%swap3A_137, %swap3A_138], %swap3A_141 {strides = array<i32>} : memref<16x16xf32, #tpu.memory_space<vmem>>, vector<1x16xf32>,
    %swap3A_142 = arith.constant 14 : i32
    %swap3A_143 = arith.index_cast %swap3A_142 : i32 to index
    %swap3A_144 = arith.constant 0 : index
    %swap3A_145 = tpu.vector_load %arg12[%swap3A_143, %swap3A_144] {strides = array<i32>} : memref<16x16xf32, #tpu.memory_space<vmem>>, vector<1x16xf32>,
    %swap3A_146 = vector.shape_cast %swap3A_145 : vector<1x16xf32> to vector<16xf32>
    %swap3A_147 = vector.shape_cast %scan3A_46#14 : vector<16xf32> to vector<1x16xf32>
    tpu.vector_store %arg12[%swap3A_143, %swap3A_144], %swap3A_147 {strides = array<i32>} : memref<16x16xf32, #tpu.memory_space<vmem>>, vector<1x16xf32>,
    %swap3A_148 = arith.constant 15 : i32
    %swap3A_149 = arith.index_cast %swap3A_148 : i32 to index
    %swap3A_150 = arith.constant 0 : index
    %swap3A_151 = tpu.vector_load %arg12[%swap3A_149, %swap3A_150] {strides = array<i32>} : memref<16x16xf32, #tpu.memory_space<vmem>>, vector<1x16xf32>,
    %swap3A_152 = vector.shape_cast %swap3A_151 : vector<1x16xf32> to vector<16xf32>
    %swap3A_153 = vector.shape_cast %scan3A_46#15 : vector<16xf32> to vector<1x16xf32>
    tpu.vector_store %arg12[%swap3A_149, %swap3A_150], %swap3A_153 {strides = array<i32>} : memref<16x16xf32, #tpu.memory_space<vmem>>, vector<1x16xf32>,
    "tpu.region"() ({
      %run_scoped3A_160 = tpu.sem_alloc : memref<!tpu.dma_semaphore, #tpu.memory_space<semaphore_mem>>
      %dma_start3A_161 = arith.constant 0 : i32
      %dma_start3A_162 = arith.constant 0 : i32
      %dma_start3A_163 = tpu.memref_slice %arg7[%add3A, %dma_start3A_161, %dma_start3A_162] : memref<32x16x16xf32, #tpu.memory_space<hbm>> -> memref<1x16x16xf32, #tpu.memory_space<hbm>>
      %dma_start3A_164 = tpu.memref_squeeze %dma_start3A_163 : memref<1x16x16xf32, #tpu.memory_space<hbm>> -> memref<16x16xf32, #tpu.memory_space<hbm>>
      %dma_start3A_165 = arith.constant 0 : i32
      %dma_start3A_166 = arith.constant 0 : i32
      %dma_start3A_167 = tpu.memref_slice %arg7[%add3A, %dma_start3A_165, %dma_start3A_166] : memref<32x16x16xf32, #tpu.memory_space<hbm>> -> memref<1x16x16xf32, #tpu.memory_space<hbm>>
      %dma_start3A_168 = tpu.memref_squeeze %dma_start3A_167 : memref<1x16x16xf32, #tpu.memory_space<hbm>> -> memref<16x16xf32, #tpu.memory_space<hbm>>
      tpu.enqueue_dma source(%arg12 : memref<16x16xf32, #tpu.memory_space<vmem>>) target(%dma_start3A_168 : memref<16x16xf32, #tpu.memory_space<hbm>>) target_semaphore(%run_scoped3A_160 : memref<!tpu.dma_semaphore, #tpu.memory_space<semaphore_mem>>)
      %dma_wait3A_169 = arith.constant 0 : i32
      %dma_wait3A_170 = arith.constant 0 : i32
      %dma_wait3A_171 = tpu.memref_slice %arg7[%add3A, %dma_wait3A_169, %dma_wait3A_170] : memref<32x16x16xf32, #tpu.memory_space<hbm>> -> memref<1x16x16xf32, #tpu.memory_space<hbm>>
      %dma_wait3A_172 = tpu.memref_squeeze %dma_wait3A_171 : memref<1x16x16xf32, #tpu.memory_space<hbm>> -> memref<16x16xf32, #tpu.memory_space<hbm>>
      %dma_wait3A_173 = arith.constant 0 : i32
      %dma_wait3A_174 = arith.constant 0 : i32
      %dma_wait3A_175 = tpu.memref_slice %arg7[%add3A, %dma_wait3A_173, %dma_wait3A_174] : memref<32x16x16xf32, #tpu.memory_space<hbm>> -> memref<1x16x16xf32, #tpu.memory_space<hbm>>
      %dma_wait3A_176 = tpu.memref_squeeze %dma_wait3A_175 : memref<1x16x16xf32, #tpu.memory_space<hbm>> -> memref<16x16xf32, #tpu.memory_space<hbm>>
      tpu.wait_dma2 semaphore(%run_scoped3A_160 : memref<!tpu.dma_semaphore, #tpu.memory_space<semaphore_mem>>) src(%arg12 : memref<16x16xf32, #tpu.memory_space<vmem>>) dst(%dma_wait3A_176 : memref<16x16xf32, #tpu.memory_space<hbm>>)
      tpu.yield
    }) : () -> ()
    %barrier3A_154 = arith.constant 0 : index
    tpu.barrier barrier_id(%barrier3A_154)
    "tpu.region"() ({
      %run_scoped3A_160 = tpu.sem_alloc : memref<!tpu.dma_semaphore, #tpu.memory_space<semaphore_mem>>
      %dma_start3A_161 = arith.constant 0 : i32
      %dma_start3A_162 = tpu.memref_slice %arg8[%arg0, %mul3A_4, %dma_start3A_161] : memref<2x10000x128xf32, #tpu.memory_space<hbm>> -> memref<1x624x128xf32, #tpu.memory_space<hbm>>
      %dma_start3A_163 = tpu.memref_squeeze %dma_start3A_162 : memref<1x624x128xf32, #tpu.memory_space<hbm>> -> memref<624x128xf32, #tpu.memory_space<hbm>>
      %dma_start3A_164 = arith.constant 0 : i32
      %dma_start3A_165 = tpu.memref_slice %arg14[%mul3A_4, %dma_start3A_164] : memref<10000x128xf32, #tpu.memory_space<vmem_shared>> -> memref<624x128xf32, #tpu.memory_space<vmem_shared>>
      tpu.enqueue_dma source(%dma_start3A_165 : memref<624x128xf32, #tpu.memory_space<vmem_shared>>) target(%dma_start3A_163 : memref<624x128xf32, #tpu.memory_space<hbm>>) target_semaphore(%run_scoped3A_160 : memref<!tpu.dma_semaphore, #tpu.memory_space<semaphore_mem>>)
      %dma_wait3A_166 = arith.constant 0 : i32
      %dma_wait3A_167 = tpu.memref_slice %arg8[%arg0, %mul3A_4, %dma_wait3A_166] : memref<2x10000x128xf32, #tpu.memory_space<hbm>> -> memref<1x624x128xf32, #tpu.memory_space<hbm>>
      %dma_wait3A_168 = tpu.memref_squeeze %dma_wait3A_167 : memref<1x624x128xf32, #tpu.memory_space<hbm>> -> memref<624x128xf32, #tpu.memory_space<hbm>>
      %dma_wait3A_169 = arith.constant 0 : i32
      %dma_wait3A_170 = tpu.memref_slice %arg14[%mul3A_4, %dma_wait3A_169] : memref<10000x128xf32, #tpu.memory_space<vmem_shared>> -> memref<624x128xf32, #tpu.memory_space<vmem_shared>>
      tpu.wait_dma2 semaphore(%run_scoped3A_160 : memref<!tpu.dma_semaphore, #tpu.memory_space<semaphore_mem>>) src(%dma_wait3A_170 : memref<624x128xf32, #tpu.memory_space<vmem_shared>>) dst(%dma_wait3A_168 : memref<624x128xf32, #tpu.memory_space<hbm>>)
      tpu.yield
    }) : () -> ()
    %eq3A_155 = arith.constant 15 : i32
    %eq3A_156 = arith.cmpi eq, %arg1, %eq3A_155 : i32
    %convert_element_type3A_157 = arith.extui %eq3A_156 : i1 to i32
    %cond3A_158 = arith.constant 0 : i32
    %cond3A_159 = arith.cmpi ne, %convert_element_type3A_157, %cond3A_158 : i32
    scf.if %cond3A_159 {
      "tpu.region"() ({
        %run_scoped3A_160 = tpu.sem_alloc : memref<!tpu.dma_semaphore, #tpu.memory_space<semaphore_mem>>
        %dma_start3A_161 = arith.constant 9984 : i32
        %dma_start3A_162 = arith.constant 0 : i32
        %dma_start3A_163 = tpu.memref_slice %arg8[%arg0, %dma_start3A_161, %dma_start3A_162] : memref<2x10000x128xf32, #tpu.memory_space<hbm>> -> memref<1x16x128xf32, #tpu.memory_space<hbm>>
        %dma_start3A_164 = tpu.memref_squeeze %dma_start3A_163 : memref<1x16x128xf32, #tpu.memory_space<hbm>> -> memref<16x128xf32, #tpu.memory_space<hbm>>
        %dma_start3A_165 = arith.constant 9984 : i32
        %dma_start3A_166 = arith.constant 0 : i32
        %dma_start3A_167 = tpu.memref_slice %arg14[%dma_start3A_165, %dma_start3A_166] : memref<10000x128xf32, #tpu.memory_space<vmem_shared>> -> memref<16x128xf32, #tpu.memory_space<vmem_shared>>
        tpu.enqueue_dma source(%dma_start3A_167 : memref<16x128xf32, #tpu.memory_space<vmem_shared>>) target(%dma_start3A_164 : memref<16x128xf32, #tpu.memory_space<hbm>>) target_semaphore(%run_scoped3A_160 : memref<!tpu.dma_semaphore, #tpu.memory_space<semaphore_mem>>)
        %dma_wait3A_168 = arith.constant 9984 : i32
        %dma_wait3A_169 = arith.constant 0 : i32
        %dma_wait3A_170 = tpu.memref_slice %arg8[%arg0, %dma_wait3A_168, %dma_wait3A_169] : memref<2x10000x128xf32, #tpu.memory_space<hbm>> -> memref<1x16x128xf32, #tpu.memory_space<hbm>>
        %dma_wait3A_171 = tpu.memref_squeeze %dma_wait3A_170 : memref<1x16x128xf32, #tpu.memory_space<hbm>> -> memref<16x128xf32, #tpu.memory_space<hbm>>
        %dma_wait3A_172 = arith.constant 9984 : i32
        %dma_wait3A_173 = arith.constant 0 : i32
        %dma_wait3A_174 = tpu.memref_slice %arg14[%dma_wait3A_172, %dma_wait3A_173] : memref<10000x128xf32, #tpu.memory_space<vmem_shared>> -> memref<16x128xf32, #tpu.memory_space<vmem_shared>>
        tpu.wait_dma2 semaphore(%run_scoped3A_160 : memref<!tpu.dma_semaphore, #tpu.memory_space<semaphore_mem>>) src(%dma_wait3A_174 : memref<16x128xf32, #tpu.memory_space<vmem_shared>>) dst(%dma_wait3A_171 : memref<16x128xf32, #tpu.memory_space<hbm>>)
        tpu.yield
      }) : () -> ()
    } else {
    }
    return
  }
}

#map = affine_map<(d0, d1) -> (0, 0)>
#map1 = affine_map<(d0, d1) -> (0, 0, 0)>
#map2 = affine_map<(d0, d1) -> (0)>
module attributes {stable_mosaic.version = 14 : i64} {
  func.func @_sc_scatter(%arg0: i32, %arg1: i32, %arg2: memref<10000x128xf32, #tpu.memory_space<hbm>>, %arg3: memref<320000x128xf32, #tpu.memory_space<hbm>>, %arg4: memref<8000x2x40xi32, #tpu.memory_space<hbm>>, %arg5: memref<128xf32, #tpu.memory_space<hbm>>, %arg6: memref<128xf32, #tpu.memory_space<hbm>>, %arg7: memref<624x128xf32, #tpu.memory_space<hbm>>, %arg8: memref<2x10000x128xf32, #tpu.memory_space<hbm>>, %arg9: memref<2x10x2x40xi32, #tpu.memory_space<vmem>>, %arg10: memref<2x40x128xf32, #tpu.memory_space<vmem>>, %arg11: memref<2x40x128xf32, #tpu.memory_space<vmem>>, %arg12: memref<128xf32, #tpu.memory_space<vmem>>, %arg13: memref<128xf32, #tpu.memory_space<vmem>>, %arg14: memref<10000x128xf32, #tpu.memory_space<vmem_shared>>, %arg15: memref<!tpu.dma_semaphore, #tpu.memory_space<semaphore_mem>>, %arg16: memref<!tpu.dma_semaphore, #tpu.memory_space<semaphore_mem>>, %arg17: memref<!tpu.dma_semaphore, #tpu.memory_space<semaphore_mem>>, %arg18: memref<!tpu.dma_semaphore, #tpu.memory_space<semaphore_mem>>, %arg19: memref<!tpu.dma_semaphore, #tpu.memory_space<semaphore_mem>>, %arg20: memref<!tpu.dma_semaphore, #tpu.memory_space<semaphore_mem>>) attributes {dimension_semantics = [#tpu.dimension_semantics<core_parallel>, #tpu.dimension_semantics<subcore_parallel>], iteration_bounds = array<i64: 2, 16>, scalar_prefetch = 0 : i64, scratch_operands = 12 : i64, tpu.core_type = #tpu.core_type<sc_vector_subcore>, window_params = [{transform_indices = #map}, {transform_indices = #map}, {transform_indices = #map1}, {transform_indices = #map2}, {transform_indices = #map2}, {transform_indices = #map}, {transform_indices = #map1}]} {
    %mul3A = arith.constant 16 : i32
    %mul3A_0 = arith.muli %arg0, %mul3A : i32
    %add3A = arith.addi %mul3A_0, %arg1 : i32
    %mul3A_1 = arith.constant 250 : i32
    %mul3A_2 = arith.muli %add3A, %mul3A_1 : i32
    "tpu.region"() ({
      %run_scoped3A_129 = tpu.sem_alloc : memref<!tpu.dma_semaphore, #tpu.memory_space<semaphore_mem>>
      tpu.enqueue_dma source(%arg5 : memref<128xf32, #tpu.memory_space<hbm>>) target(%arg12 : memref<128xf32, #tpu.memory_space<vmem>>) target_semaphore(%run_scoped3A_129 : memref<!tpu.dma_semaphore, #tpu.memory_space<semaphore_mem>>)
      tpu.wait_dma2 semaphore(%run_scoped3A_129 : memref<!tpu.dma_semaphore, #tpu.memory_space<semaphore_mem>>) src(%arg5 : memref<128xf32, #tpu.memory_space<hbm>>) dst(%arg12 : memref<128xf32, #tpu.memory_space<vmem>>)
      tpu.yield
    }) : () -> ()
    "tpu.region"() ({
      %run_scoped3A_129 = tpu.sem_alloc : memref<!tpu.dma_semaphore, #tpu.memory_space<semaphore_mem>>
      tpu.enqueue_dma source(%arg6 : memref<128xf32, #tpu.memory_space<hbm>>) target(%arg13 : memref<128xf32, #tpu.memory_space<vmem>>) target_semaphore(%run_scoped3A_129 : memref<!tpu.dma_semaphore, #tpu.memory_space<semaphore_mem>>)
      tpu.wait_dma2 semaphore(%run_scoped3A_129 : memref<!tpu.dma_semaphore, #tpu.memory_space<semaphore_mem>>) src(%arg6 : memref<128xf32, #tpu.memory_space<hbm>>) dst(%arg13 : memref<128xf32, #tpu.memory_space<vmem>>)
      tpu.yield
    }) : () -> ()
    %mul3A_3 = arith.constant 624 : i32
    %mul3A_4 = arith.muli %arg1, %mul3A_3 : i32
    "tpu.region"() ({
      %run_scoped3A_129 = tpu.sem_alloc : memref<!tpu.dma_semaphore, #tpu.memory_space<semaphore_mem>>
      %dma_start3A_130 = arith.constant 0 : i32
      %dma_start3A_131 = tpu.memref_slice %arg14[%mul3A_4, %dma_start3A_130] : memref<10000x128xf32, #tpu.memory_space<vmem_shared>> -> memref<624x128xf32, #tpu.memory_space<vmem_shared>>
      %dma_start3A_132 = arith.constant 0 : i32
      %dma_start3A_133 = arith.constant 0 : i32
      %dma_start3A_134 = tpu.memref_slice %arg7[%dma_start3A_132, %dma_start3A_133] : memref<624x128xf32, #tpu.memory_space<hbm>> -> memref<624x128xf32, #tpu.memory_space<hbm>>
      tpu.enqueue_dma source(%dma_start3A_134 : memref<624x128xf32, #tpu.memory_space<hbm>>) target(%dma_start3A_131 : memref<624x128xf32, #tpu.memory_space<vmem_shared>>) target_semaphore(%run_scoped3A_129 : memref<!tpu.dma_semaphore, #tpu.memory_space<semaphore_mem>>)
      %dma_wait3A_135 = arith.constant 0 : i32
      %dma_wait3A_136 = tpu.memref_slice %arg14[%mul3A_4, %dma_wait3A_135] : memref<10000x128xf32, #tpu.memory_space<vmem_shared>> -> memref<624x128xf32, #tpu.memory_space<vmem_shared>>
      %dma_wait3A_137 = arith.constant 0 : i32
      %dma_wait3A_138 = arith.constant 0 : i32
      %dma_wait3A_139 = tpu.memref_slice %arg7[%dma_wait3A_137, %dma_wait3A_138] : memref<624x128xf32, #tpu.memory_space<hbm>> -> memref<624x128xf32, #tpu.memory_space<hbm>>
      tpu.wait_dma2 semaphore(%run_scoped3A_129 : memref<!tpu.dma_semaphore, #tpu.memory_space<semaphore_mem>>) src(%dma_wait3A_139 : memref<624x128xf32, #tpu.memory_space<hbm>>) dst(%dma_wait3A_136 : memref<624x128xf32, #tpu.memory_space<vmem_shared>>)
      tpu.yield
    }) : () -> ()
    %eq3A = arith.constant 15 : i32
    %eq3A_5 = arith.cmpi eq, %arg1, %eq3A : i32
    %convert_element_type3A = arith.extui %eq3A_5 : i1 to i32
    %cond3A = arith.constant 0 : i32
    %cond3A_6 = arith.cmpi ne, %convert_element_type3A, %cond3A : i32
    scf.if %cond3A_6 {
      "tpu.region"() ({
        %run_scoped3A_129 = tpu.sem_alloc : memref<!tpu.dma_semaphore, #tpu.memory_space<semaphore_mem>>
        %dma_start3A_130 = arith.constant 9984 : i32
        %dma_start3A_131 = arith.constant 0 : i32
        %dma_start3A_132 = tpu.memref_slice %arg14[%dma_start3A_130, %dma_start3A_131] : memref<10000x128xf32, #tpu.memory_space<vmem_shared>> -> memref<16x128xf32, #tpu.memory_space<vmem_shared>>
        %dma_start3A_133 = arith.constant 0 : i32
        %dma_start3A_134 = arith.constant 0 : i32
        %dma_start3A_135 = tpu.memref_slice %arg7[%dma_start3A_133, %dma_start3A_134] : memref<624x128xf32, #tpu.memory_space<hbm>> -> memref<16x128xf32, #tpu.memory_space<hbm>>
        tpu.enqueue_dma source(%dma_start3A_135 : memref<16x128xf32, #tpu.memory_space<hbm>>) target(%dma_start3A_132 : memref<16x128xf32, #tpu.memory_space<vmem_shared>>) target_semaphore(%run_scoped3A_129 : memref<!tpu.dma_semaphore, #tpu.memory_space<semaphore_mem>>)
        %dma_wait3A_136 = arith.constant 9984 : i32
        %dma_wait3A_137 = arith.constant 0 : i32
        %dma_wait3A_138 = tpu.memref_slice %arg14[%dma_wait3A_136, %dma_wait3A_137] : memref<10000x128xf32, #tpu.memory_space<vmem_shared>> -> memref<16x128xf32, #tpu.memory_space<vmem_shared>>
        %dma_wait3A_139 = arith.constant 0 : i32
        %dma_wait3A_140 = arith.constant 0 : i32
        %dma_wait3A_141 = tpu.memref_slice %arg7[%dma_wait3A_139, %dma_wait3A_140] : memref<624x128xf32, #tpu.memory_space<hbm>> -> memref<16x128xf32, #tpu.memory_space<hbm>>
        tpu.wait_dma2 semaphore(%run_scoped3A_129 : memref<!tpu.dma_semaphore, #tpu.memory_space<semaphore_mem>>) src(%dma_wait3A_141 : memref<16x128xf32, #tpu.memory_space<hbm>>) dst(%dma_wait3A_138 : memref<16x128xf32, #tpu.memory_space<vmem_shared>>)
        tpu.yield
      }) : () -> ()
    } else {
    }
    %barrier3A = arith.constant 0 : index
    tpu.barrier barrier_id(%barrier3A)
    %get3A = arith.constant 0 : index
    %get3A_7 = tpu.vector_load %arg12[%get3A] {strides = array<i32>} : memref<128xf32, #tpu.memory_space<vmem>>, vector<16xf32>,
    %get3A_8 = vector.shape_cast %get3A_7 : vector<16xf32> to vector<16xf32>
    %get3A_9 = arith.constant 16 : index
    %get3A_10 = tpu.vector_load %arg12[%get3A_9] {strides = array<i32>} : memref<128xf32, #tpu.memory_space<vmem>>, vector<16xf32>,
    %get3A_11 = vector.shape_cast %get3A_10 : vector<16xf32> to vector<16xf32>
    %get3A_12 = arith.constant 32 : index
    %get3A_13 = tpu.vector_load %arg12[%get3A_12] {strides = array<i32>} : memref<128xf32, #tpu.memory_space<vmem>>, vector<16xf32>,
    %get3A_14 = vector.shape_cast %get3A_13 : vector<16xf32> to vector<16xf32>
    %get3A_15 = arith.constant 48 : index
    %get3A_16 = tpu.vector_load %arg12[%get3A_15] {strides = array<i32>} : memref<128xf32, #tpu.memory_space<vmem>>, vector<16xf32>,
    %get3A_17 = vector.shape_cast %get3A_16 : vector<16xf32> to vector<16xf32>
    %get3A_18 = arith.constant 64 : index
    %get3A_19 = tpu.vector_load %arg12[%get3A_18] {strides = array<i32>} : memref<128xf32, #tpu.memory_space<vmem>>, vector<16xf32>,
    %get3A_20 = vector.shape_cast %get3A_19 : vector<16xf32> to vector<16xf32>
    %get3A_21 = arith.constant 80 : index
    %get3A_22 = tpu.vector_load %arg12[%get3A_21] {strides = array<i32>} : memref<128xf32, #tpu.memory_space<vmem>>, vector<16xf32>,
    %get3A_23 = vector.shape_cast %get3A_22 : vector<16xf32> to vector<16xf32>
    %get3A_24 = arith.constant 96 : index
    %get3A_25 = tpu.vector_load %arg12[%get3A_24] {strides = array<i32>} : memref<128xf32, #tpu.memory_space<vmem>>, vector<16xf32>,
    %get3A_26 = vector.shape_cast %get3A_25 : vector<16xf32> to vector<16xf32>
    %get3A_27 = arith.constant 112 : index
    %get3A_28 = tpu.vector_load %arg12[%get3A_27] {strides = array<i32>} : memref<128xf32, #tpu.memory_space<vmem>>, vector<16xf32>,
    %get3A_29 = vector.shape_cast %get3A_28 : vector<16xf32> to vector<16xf32>
    %get3A_30 = arith.constant 0 : index
    %get3A_31 = tpu.vector_load %arg13[%get3A_30] {strides = array<i32>} : memref<128xf32, #tpu.memory_space<vmem>>, vector<16xf32>,
    %get3A_32 = vector.shape_cast %get3A_31 : vector<16xf32> to vector<16xf32>
    %get3A_33 = arith.constant 16 : index
    %get3A_34 = tpu.vector_load %arg13[%get3A_33] {strides = array<i32>} : memref<128xf32, #tpu.memory_space<vmem>>, vector<16xf32>,
    %get3A_35 = vector.shape_cast %get3A_34 : vector<16xf32> to vector<16xf32>
    %get3A_36 = arith.constant 32 : index
    %get3A_37 = tpu.vector_load %arg13[%get3A_36] {strides = array<i32>} : memref<128xf32, #tpu.memory_space<vmem>>, vector<16xf32>,
    %get3A_38 = vector.shape_cast %get3A_37 : vector<16xf32> to vector<16xf32>
    %get3A_39 = arith.constant 48 : index
    %get3A_40 = tpu.vector_load %arg13[%get3A_39] {strides = array<i32>} : memref<128xf32, #tpu.memory_space<vmem>>, vector<16xf32>,
    %get3A_41 = vector.shape_cast %get3A_40 : vector<16xf32> to vector<16xf32>
    %get3A_42 = arith.constant 64 : index
    %get3A_43 = tpu.vector_load %arg13[%get3A_42] {strides = array<i32>} : memref<128xf32, #tpu.memory_space<vmem>>, vector<16xf32>,
    %get3A_44 = vector.shape_cast %get3A_43 : vector<16xf32> to vector<16xf32>
    %get3A_45 = arith.constant 80 : index
    %get3A_46 = tpu.vector_load %arg13[%get3A_45] {strides = array<i32>} : memref<128xf32, #tpu.memory_space<vmem>>, vector<16xf32>,
    %get3A_47 = vector.shape_cast %get3A_46 : vector<16xf32> to vector<16xf32>
    %get3A_48 = arith.constant 96 : index
    %get3A_49 = tpu.vector_load %arg13[%get3A_48] {strides = array<i32>} : memref<128xf32, #tpu.memory_space<vmem>>, vector<16xf32>,
    %get3A_50 = vector.shape_cast %get3A_49 : vector<16xf32> to vector<16xf32>
    %get3A_51 = arith.constant 112 : index
    %get3A_52 = tpu.vector_load %arg13[%get3A_51] {strides = array<i32>} : memref<128xf32, #tpu.memory_space<vmem>>, vector<16xf32>,
    %get3A_53 = vector.shape_cast %get3A_52 : vector<16xf32> to vector<16xf32>
    %add3A_54 = arith.constant 0 : i32
    %add3A_55 = arith.addi %mul3A_2, %add3A_54 : i32
    %run_scoped3A = arith.constant 0 : i32
    "tpu.region"() ({
      %run_scoped3A_129 = tpu.sem_alloc : memref<!tpu.dma_semaphore, #tpu.memory_space<semaphore_mem>>
      %dma_start3A_130 = arith.constant 0 : i32
      %dma_start3A_131 = arith.constant 0 : i32
      %dma_start3A_132 = arith.constant 0 : i32
      %dma_start3A_133 = tpu.memref_slice %arg9[%run_scoped3A, %dma_start3A_130, %dma_start3A_131, %dma_start3A_132] : memref<2x10x2x40xi32, #tpu.memory_space<vmem>> -> memref<1x10x2x40xi32, #tpu.memory_space<vmem>>
      %dma_start3A_134 = tpu.memref_squeeze %dma_start3A_133 : memref<1x10x2x40xi32, #tpu.memory_space<vmem>> -> memref<10x2x40xi32, #tpu.memory_space<vmem>>
      %dma_start3A_135 = arith.constant 0 : i32
      %dma_start3A_136 = arith.constant 0 : i32
      %dma_start3A_137 = tpu.memref_slice %arg4[%add3A_55, %dma_start3A_135, %dma_start3A_136] : memref<8000x2x40xi32, #tpu.memory_space<hbm>> -> memref<10x2x40xi32, #tpu.memory_space<hbm>>
      %dma_start3A_138 = arith.constant 0 : i32
      %dma_start3A_139 = arith.constant 0 : i32
      %dma_start3A_140 = arith.constant 0 : i32
      %dma_start3A_141 = tpu.memref_slice %arg9[%run_scoped3A, %dma_start3A_138, %dma_start3A_139, %dma_start3A_140] : memref<2x10x2x40xi32, #tpu.memory_space<vmem>> -> memref<1x10x2x40xi32, #tpu.memory_space<vmem>>
      %dma_start3A_142 = tpu.memref_squeeze %dma_start3A_141 : memref<1x10x2x40xi32, #tpu.memory_space<vmem>> -> memref<10x2x40xi32, #tpu.memory_space<vmem>>
      %dma_start3A_143 = arith.constant 0 : i32
      %dma_start3A_144 = arith.constant 0 : i32
      %dma_start3A_145 = tpu.memref_slice %arg4[%add3A_55, %dma_start3A_143, %dma_start3A_144] : memref<8000x2x40xi32, #tpu.memory_space<hbm>> -> memref<10x2x40xi32, #tpu.memory_space<hbm>>
      tpu.enqueue_dma source(%dma_start3A_145 : memref<10x2x40xi32, #tpu.memory_space<hbm>>) target(%dma_start3A_142 : memref<10x2x40xi32, #tpu.memory_space<vmem>>) target_semaphore(%run_scoped3A_129 : memref<!tpu.dma_semaphore, #tpu.memory_space<semaphore_mem>>)
      %dma_wait3A_146 = arith.constant 0 : i32
      %dma_wait3A_147 = arith.constant 0 : i32
      %dma_wait3A_148 = arith.constant 0 : i32
      %dma_wait3A_149 = tpu.memref_slice %arg9[%run_scoped3A, %dma_wait3A_146, %dma_wait3A_147, %dma_wait3A_148] : memref<2x10x2x40xi32, #tpu.memory_space<vmem>> -> memref<1x10x2x40xi32, #tpu.memory_space<vmem>>
      %dma_wait3A_150 = tpu.memref_squeeze %dma_wait3A_149 : memref<1x10x2x40xi32, #tpu.memory_space<vmem>> -> memref<10x2x40xi32, #tpu.memory_space<vmem>>
      %dma_wait3A_151 = arith.constant 0 : i32
      %dma_wait3A_152 = arith.constant 0 : i32
      %dma_wait3A_153 = tpu.memref_slice %arg4[%add3A_55, %dma_wait3A_151, %dma_wait3A_152] : memref<8000x2x40xi32, #tpu.memory_space<hbm>> -> memref<10x2x40xi32, #tpu.memory_space<hbm>>
      %dma_wait3A_154 = arith.constant 0 : i32
      %dma_wait3A_155 = arith.constant 0 : i32
      %dma_wait3A_156 = arith.constant 0 : i32
      %dma_wait3A_157 = tpu.memref_slice %arg9[%run_scoped3A, %dma_wait3A_154, %dma_wait3A_155, %dma_wait3A_156] : memref<2x10x2x40xi32, #tpu.memory_space<vmem>> -> memref<1x10x2x40xi32, #tpu.memory_space<vmem>>
      %dma_wait3A_158 = tpu.memref_squeeze %dma_wait3A_157 : memref<1x10x2x40xi32, #tpu.memory_space<vmem>> -> memref<10x2x40xi32, #tpu.memory_space<vmem>>
      %dma_wait3A_159 = arith.constant 0 : i32
      %dma_wait3A_160 = arith.constant 0 : i32
      %dma_wait3A_161 = tpu.memref_slice %arg4[%add3A_55, %dma_wait3A_159, %dma_wait3A_160] : memref<8000x2x40xi32, #tpu.memory_space<hbm>> -> memref<10x2x40xi32, #tpu.memory_space<hbm>>
      tpu.wait_dma2 semaphore(%run_scoped3A_129 : memref<!tpu.dma_semaphore, #tpu.memory_space<semaphore_mem>>) src(%dma_wait3A_161 : memref<10x2x40xi32, #tpu.memory_space<hbm>>) dst(%dma_wait3A_158 : memref<10x2x40xi32, #tpu.memory_space<vmem>>)
      tpu.yield
    }) : () -> ()
    %add3A_56 = arith.constant 10 : i32
    %add3A_57 = arith.addi %mul3A_2, %add3A_56 : i32
    %run_scoped3A_58 = arith.constant 1 : i32
    "tpu.region"() ({
      %run_scoped3A_129 = tpu.sem_alloc : memref<!tpu.dma_semaphore, #tpu.memory_space<semaphore_mem>>
      %dma_start3A_130 = arith.constant 0 : i32
      %dma_start3A_131 = arith.constant 0 : i32
      %dma_start3A_132 = arith.constant 0 : i32
      %dma_start3A_133 = tpu.memref_slice %arg9[%run_scoped3A_58, %dma_start3A_130, %dma_start3A_131, %dma_start3A_132] : memref<2x10x2x40xi32, #tpu.memory_space<vmem>> -> memref<1x10x2x40xi32, #tpu.memory_space<vmem>>
      %dma_start3A_134 = tpu.memref_squeeze %dma_start3A_133 : memref<1x10x2x40xi32, #tpu.memory_space<vmem>> -> memref<10x2x40xi32, #tpu.memory_space<vmem>>
      %dma_start3A_135 = arith.constant 0 : i32
      %dma_start3A_136 = arith.constant 0 : i32
      %dma_start3A_137 = tpu.memref_slice %arg4[%add3A_57, %dma_start3A_135, %dma_start3A_136] : memref<8000x2x40xi32, #tpu.memory_space<hbm>> -> memref<10x2x40xi32, #tpu.memory_space<hbm>>
      %dma_start3A_138 = arith.constant 0 : i32
      %dma_start3A_139 = arith.constant 0 : i32
      %dma_start3A_140 = arith.constant 0 : i32
      %dma_start3A_141 = tpu.memref_slice %arg9[%run_scoped3A_58, %dma_start3A_138, %dma_start3A_139, %dma_start3A_140] : memref<2x10x2x40xi32, #tpu.memory_space<vmem>> -> memref<1x10x2x40xi32, #tpu.memory_space<vmem>>
      %dma_start3A_142 = tpu.memref_squeeze %dma_start3A_141 : memref<1x10x2x40xi32, #tpu.memory_space<vmem>> -> memref<10x2x40xi32, #tpu.memory_space<vmem>>
      %dma_start3A_143 = arith.constant 0 : i32
      %dma_start3A_144 = arith.constant 0 : i32
      %dma_start3A_145 = tpu.memref_slice %arg4[%add3A_57, %dma_start3A_143, %dma_start3A_144] : memref<8000x2x40xi32, #tpu.memory_space<hbm>> -> memref<10x2x40xi32, #tpu.memory_space<hbm>>
      tpu.enqueue_dma source(%dma_start3A_145 : memref<10x2x40xi32, #tpu.memory_space<hbm>>) target(%dma_start3A_142 : memref<10x2x40xi32, #tpu.memory_space<vmem>>) target_semaphore(%run_scoped3A_129 : memref<!tpu.dma_semaphore, #tpu.memory_space<semaphore_mem>>)
      %dma_wait3A_146 = arith.constant 0 : i32
      %dma_wait3A_147 = arith.constant 0 : i32
      %dma_wait3A_148 = arith.constant 0 : i32
      %dma_wait3A_149 = tpu.memref_slice %arg9[%run_scoped3A_58, %dma_wait3A_146, %dma_wait3A_147, %dma_wait3A_148] : memref<2x10x2x40xi32, #tpu.memory_space<vmem>> -> memref<1x10x2x40xi32, #tpu.memory_space<vmem>>
      %dma_wait3A_150 = tpu.memref_squeeze %dma_wait3A_149 : memref<1x10x2x40xi32, #tpu.memory_space<vmem>> -> memref<10x2x40xi32, #tpu.memory_space<vmem>>
      %dma_wait3A_151 = arith.constant 0 : i32
      %dma_wait3A_152 = arith.constant 0 : i32
      %dma_wait3A_153 = tpu.memref_slice %arg4[%add3A_57, %dma_wait3A_151, %dma_wait3A_152] : memref<8000x2x40xi32, #tpu.memory_space<hbm>> -> memref<10x2x40xi32, #tpu.memory_space<hbm>>
      %dma_wait3A_154 = arith.constant 0 : i32
      %dma_wait3A_155 = arith.constant 0 : i32
      %dma_wait3A_156 = arith.constant 0 : i32
      %dma_wait3A_157 = tpu.memref_slice %arg9[%run_scoped3A_58, %dma_wait3A_154, %dma_wait3A_155, %dma_wait3A_156] : memref<2x10x2x40xi32, #tpu.memory_space<vmem>> -> memref<1x10x2x40xi32, #tpu.memory_space<vmem>>
      %dma_wait3A_158 = tpu.memref_squeeze %dma_wait3A_157 : memref<1x10x2x40xi32, #tpu.memory_space<vmem>> -> memref<10x2x40xi32, #tpu.memory_space<vmem>>
      %dma_wait3A_159 = arith.constant 0 : i32
      %dma_wait3A_160 = arith.constant 0 : i32
      %dma_wait3A_161 = tpu.memref_slice %arg4[%add3A_57, %dma_wait3A_159, %dma_wait3A_160] : memref<8000x2x40xi32, #tpu.memory_space<hbm>> -> memref<10x2x40xi32, #tpu.memory_space<hbm>>
      tpu.wait_dma2 semaphore(%run_scoped3A_129 : memref<!tpu.dma_semaphore, #tpu.memory_space<semaphore_mem>>) src(%dma_wait3A_161 : memref<10x2x40xi32, #tpu.memory_space<hbm>>) dst(%dma_wait3A_158 : memref<10x2x40xi32, #tpu.memory_space<vmem>>)
      tpu.yield
    }) : () -> ()
    %dma_start3A = arith.constant 0 : i32
    %dma_start3A_59 = arith.constant 0 : i32
    %dma_start3A_60 = arith.constant 0 : i32
    %dma_start3A_61 = arith.constant 0 : i32
    %dma_start3A_62 = arith.constant 0 : i32
    %dma_start3A_63 = arith.constant 0 : i32
    %dma_start3A_64 = tpu.memref_slice %arg10[%dma_start3A_61, %dma_start3A_62, %dma_start3A_63] : memref<2x40x128xf32, #tpu.memory_space<vmem>> -> memref<1x40x128xf32, #tpu.memory_space<vmem>>
    %dma_start3A_65 = tpu.memref_squeeze %dma_start3A_64 : memref<1x40x128xf32, #tpu.memory_space<vmem>> -> memref<40x128xf32, #tpu.memory_space<vmem>>
    %dma_start3A_66 = arith.constant 0 : i32
    %dma_start3A_67 = tpu.memref_slice %arg9[%dma_start3A, %dma_start3A_59, %dma_start3A_60, %dma_start3A_66] : memref<2x10x2x40xi32, #tpu.memory_space<vmem>> -> memref<1x1x1x40xi32, #tpu.memory_space<vmem>>
    %dma_start3A_68 = tpu.memref_squeeze %dma_start3A_67 : memref<1x1x1x40xi32, #tpu.memory_space<vmem>> -> memref<40xi32, #tpu.memory_space<vmem>>
    %dma_start3A_69 = arith.constant 0 : i32
    %dma_start3A_70 = arith.constant 0 : i32
    %dma_start3A_71 = tpu.memref_slice %arg2[%dma_start3A_69, %dma_start3A_70] : memref<10000x128xf32, #tpu.memory_space<hbm>> -> memref<10000x128xf32, #tpu.memory_space<hbm>>
    tpu.enqueue_indirect_dma source(%dma_start3A_71 : memref<10000x128xf32, #tpu.memory_space<hbm>>) target(%dma_start3A_65 : memref<40x128xf32, #tpu.memory_space<vmem>>) offsets(%dma_start3A_68 : memref<40xi32, #tpu.memory_space<vmem>>) semaphore(%arg15 : memref<!tpu.dma_semaphore, #tpu.memory_space<semaphore_mem>>)
    %add3A_72 = arith.constant 0 : i32
    %add3A_73 = arith.addi %mul3A_2, %add3A_72 : i32
    %mul3A_74 = arith.constant 40 : i32
    %mul3A_75 = arith.muli %add3A_73, %mul3A_74 : i32
    %multiple_of3A = tpu.assume_multiple %mul3A_75, 40 : i32
    %dma_start3A_76 = arith.constant 0 : i32
    %dma_start3A_77 = arith.constant 0 : i32
    %dma_start3A_78 = arith.constant 0 : i32
    %dma_start3A_79 = tpu.memref_slice %arg11[%dma_start3A_76, %dma_start3A_77, %dma_start3A_78] : memref<2x40x128xf32, #tpu.memory_space<vmem>> -> memref<1x40x128xf32, #tpu.memory_space<vmem>>
    %dma_start3A_80 = tpu.memref_squeeze %dma_start3A_79 : memref<1x40x128xf32, #tpu.memory_space<vmem>> -> memref<40x128xf32, #tpu.memory_space<vmem>>
    %dma_start3A_81 = arith.constant 0 : i32
    %dma_start3A_82 = tpu.memref_slice %arg3[%multiple_of3A, %dma_start3A_81] : memref<320000x128xf32, #tpu.memory_space<hbm>> -> memref<40x128xf32, #tpu.memory_space<hbm>>
    %dma_start3A_83 = arith.constant 0 : i32
    %dma_start3A_84 = arith.constant 0 : i32
    %dma_start3A_85 = tpu.memref_slice %arg11[%dma_start3A_76, %dma_start3A_83, %dma_start3A_84] : memref<2x40x128xf32, #tpu.memory_space<vmem>> -> memref<1x40x128xf32, #tpu.memory_space<vmem>>
    %dma_start3A_86 = tpu.memref_squeeze %dma_start3A_85 : memref<1x40x128xf32, #tpu.memory_space<vmem>> -> memref<40x128xf32, #tpu.memory_space<vmem>>
    %dma_start3A_87 = arith.constant 0 : i32
    %dma_start3A_88 = tpu.memref_slice %arg3[%multiple_of3A, %dma_start3A_87] : memref<320000x128xf32, #tpu.memory_space<hbm>> -> memref<40x128xf32, #tpu.memory_space<hbm>>
    tpu.enqueue_dma source(%dma_start3A_88 : memref<40x128xf32, #tpu.memory_space<hbm>>) target(%dma_start3A_86 : memref<40x128xf32, #tpu.memory_space<vmem>>) target_semaphore(%arg17 : memref<!tpu.dma_semaphore, #tpu.memory_space<semaphore_mem>>)
    %scan3A = arith.constant 0 : i32
    %scan3A_89 = arith.constant 0 : i32
    %scan3A_90 = arith.constant 125 : i32
    %scan3A_91 = arith.addi %scan3A_89, %scan3A_90 : i32
    %scan3A_92 = arith.constant 1 : i32
    scf.for %scan3A_129 = %scan3A_89 to %scan3A_91 step %scan3A_92  : i32 {
      %mul3A_130 = arith.constant 2 : i32
      %mul3A_131 = arith.muli %mul3A_130, %scan3A_129 : i32
      %add3A_132 = arith.constant 0 : i32
      %add3A_133 = arith.addi %mul3A_131, %add3A_132 : i32
      %gt3A = arith.constant 0 : i32
      %gt3A_134 = arith.cmpi sgt, %scan3A_129, %gt3A : i32
      %jit3A = arith.constant 5 : i32
      %eq3A_135 = arith.constant 0 : i32
      %eq3A_136 = arith.cmpi eq, %jit3A, %eq3A_135 : i32
      %jit3A_137 = arith.constant 1 : i32
      %select_n3A = arith.select %eq3A_136, %jit3A_137, %jit3A : i32
      %rem3A = arith.remsi %scan3A_129, %select_n3A : i32
      %ne3A = arith.constant 0 : i32
      %ne3A_138 = arith.cmpi ne, %rem3A, %ne3A : i32
      %lt3A = arith.constant 0 : i32
      %lt3A_139 = arith.cmpi slt, %rem3A, %lt3A : i32
      %lt3A_140 = arith.constant 0 : i32
      %lt3A_141 = arith.cmpi slt, %select_n3A, %lt3A_140 : i32
      %ne3A_142 = arith.xori %lt3A_139, %lt3A_141 : i1
      %and3A = arith.andi %ne3A_142, %ne3A_138 : i1
      %add3A_143 = arith.addi %rem3A, %select_n3A : i32
      %select_n3A_144 = arith.select %and3A, %add3A_143, %rem3A : i32
      %eq3A_145 = arith.constant 0 : i32
      %eq3A_146 = arith.cmpi eq, %select_n3A_144, %eq3A_145 : i32
      %and3A_147 = arith.andi %gt3A_134, %eq3A_146 : i1
      %convert_element_type3A_148 = arith.extui %and3A_147 : i1 to i32
      %cond3A_149 = arith.constant 0 : i32
      %cond3A_150 = arith.cmpi ne, %convert_element_type3A_148, %cond3A_149 : i32
      scf.if %cond3A_150 {
        %jit3A_457 = arith.constant 5 : i32
        %div3A_458 = arith.divsi %scan3A_129, %jit3A_457 : i32
        %sign3A_459 = arith.constant 0 : i32
        %sign3A_460 = arith.cmpi sgt, %scan3A_129, %sign3A_459 : i32
        %sign3A_461 = arith.extui %sign3A_460 : i1 to i32
        %sign3A_462 = arith.constant 0 : i32
        %sign3A_463 = arith.cmpi slt, %scan3A_129, %sign3A_462 : i32
        %sign3A_464 = arith.extui %sign3A_463 : i1 to i32
        %sign3A_465 = arith.subi %sign3A_461, %sign3A_464 : i32
        %sign3A_466 = arith.constant 0 : i32
        %sign3A_467 = arith.cmpi sgt, %jit3A_457, %sign3A_466 : i32
        %sign3A_468 = arith.extui %sign3A_467 : i1 to i32
        %sign3A_469 = arith.constant 0 : i32
        %sign3A_470 = arith.cmpi slt, %jit3A_457, %sign3A_469 : i32
        %sign3A_471 = arith.extui %sign3A_470 : i1 to i32
        %sign3A_472 = arith.subi %sign3A_468, %sign3A_471 : i32
        %ne3A_473 = arith.cmpi ne, %sign3A_465, %sign3A_472 : i32
        %rem3A_474 = arith.remsi %scan3A_129, %jit3A_457 : i32
        %ne3A_475 = arith.constant 0 : i32
        %ne3A_476 = arith.cmpi ne, %rem3A_474, %ne3A_475 : i32
        %and3A_477 = arith.andi %ne3A_473, %ne3A_476 : i1
        %sub3A_478 = arith.constant 1 : i32
        %sub3A_479 = arith.subi %div3A_458, %sub3A_478 : i32
        %select_n3A_480 = arith.select %and3A_477, %sub3A_479, %div3A_458 : i32
        %add3A_481 = arith.constant 1 : i32
        %add3A_482 = arith.addi %select_n3A_480, %add3A_481 : i32
        %lt3A_483 = arith.constant 25 : i32
        %lt3A_484 = arith.cmpi slt, %add3A_482, %lt3A_483 : i32
        %convert_element_type3A_485 = arith.extui %lt3A_484 : i1 to i32
        %cond3A_486 = arith.constant 0 : i32
        %cond3A_487 = arith.cmpi ne, %convert_element_type3A_485, %cond3A_486 : i32
        scf.if %cond3A_487 {
          %jit3A_488 = arith.constant 2 : i32
          %eq3A_489 = arith.constant 0 : i32
          %eq3A_490 = arith.cmpi eq, %jit3A_488, %eq3A_489 : i32
          %jit3A_491 = arith.constant 1 : i32
          %select_n3A_492 = arith.select %eq3A_490, %jit3A_491, %jit3A_488 : i32
          %rem3A_493 = arith.remsi %add3A_482, %select_n3A_492 : i32
          %ne3A_494 = arith.constant 0 : i32
          %ne3A_495 = arith.cmpi ne, %rem3A_493, %ne3A_494 : i32
          %lt3A_496 = arith.constant 0 : i32
          %lt3A_497 = arith.cmpi slt, %rem3A_493, %lt3A_496 : i32
          %lt3A_498 = arith.constant 0 : i32
          %lt3A_499 = arith.cmpi slt, %select_n3A_492, %lt3A_498 : i32
          %ne3A_500 = arith.xori %lt3A_497, %lt3A_499 : i1
          %and3A_501 = arith.andi %ne3A_500, %ne3A_495 : i1
          %add3A_502 = arith.addi %rem3A_493, %select_n3A_492 : i32
          %select_n3A_503 = arith.select %and3A_501, %add3A_502, %rem3A_493 : i32
          %mul3A_504 = arith.constant 10 : i32
          %mul3A_505 = arith.muli %add3A_482, %mul3A_504 : i32
          %add3A_506 = arith.addi %mul3A_2, %mul3A_505 : i32
          "tpu.region"() ({
            %run_scoped3A_507 = tpu.sem_alloc : memref<!tpu.dma_semaphore, #tpu.memory_space<semaphore_mem>>
            %dma_start3A_508 = arith.constant 0 : i32
            %dma_start3A_509 = arith.constant 0 : i32
            %dma_start3A_510 = arith.constant 0 : i32
            %dma_start3A_511 = tpu.memref_slice %arg9[%select_n3A_503, %dma_start3A_508, %dma_start3A_509, %dma_start3A_510] : memref<2x10x2x40xi32, #tpu.memory_space<vmem>> -> memref<1x10x2x40xi32, #tpu.memory_space<vmem>>
            %dma_start3A_512 = tpu.memref_squeeze %dma_start3A_511 : memref<1x10x2x40xi32, #tpu.memory_space<vmem>> -> memref<10x2x40xi32, #tpu.memory_space<vmem>>
            %dma_start3A_513 = arith.constant 0 : i32
            %dma_start3A_514 = arith.constant 0 : i32
            %dma_start3A_515 = tpu.memref_slice %arg4[%add3A_506, %dma_start3A_513, %dma_start3A_514] : memref<8000x2x40xi32, #tpu.memory_space<hbm>> -> memref<10x2x40xi32, #tpu.memory_space<hbm>>
            %dma_start3A_516 = arith.constant 0 : i32
            %dma_start3A_517 = arith.constant 0 : i32
            %dma_start3A_518 = arith.constant 0 : i32
            %dma_start3A_519 = tpu.memref_slice %arg9[%select_n3A_503, %dma_start3A_516, %dma_start3A_517, %dma_start3A_518] : memref<2x10x2x40xi32, #tpu.memory_space<vmem>> -> memref<1x10x2x40xi32, #tpu.memory_space<vmem>>
            %dma_start3A_520 = tpu.memref_squeeze %dma_start3A_519 : memref<1x10x2x40xi32, #tpu.memory_space<vmem>> -> memref<10x2x40xi32, #tpu.memory_space<vmem>>
            %dma_start3A_521 = arith.constant 0 : i32
            %dma_start3A_522 = arith.constant 0 : i32
            %dma_start3A_523 = tpu.memref_slice %arg4[%add3A_506, %dma_start3A_521, %dma_start3A_522] : memref<8000x2x40xi32, #tpu.memory_space<hbm>> -> memref<10x2x40xi32, #tpu.memory_space<hbm>>
            tpu.enqueue_dma source(%dma_start3A_523 : memref<10x2x40xi32, #tpu.memory_space<hbm>>) target(%dma_start3A_520 : memref<10x2x40xi32, #tpu.memory_space<vmem>>) target_semaphore(%run_scoped3A_507 : memref<!tpu.dma_semaphore, #tpu.memory_space<semaphore_mem>>)
            %dma_wait3A_524 = arith.constant 0 : i32
            %dma_wait3A_525 = arith.constant 0 : i32
            %dma_wait3A_526 = arith.constant 0 : i32
            %dma_wait3A_527 = tpu.memref_slice %arg9[%select_n3A_503, %dma_wait3A_524, %dma_wait3A_525, %dma_wait3A_526] : memref<2x10x2x40xi32, #tpu.memory_space<vmem>> -> memref<1x10x2x40xi32, #tpu.memory_space<vmem>>
            %dma_wait3A_528 = tpu.memref_squeeze %dma_wait3A_527 : memref<1x10x2x40xi32, #tpu.memory_space<vmem>> -> memref<10x2x40xi32, #tpu.memory_space<vmem>>
            %dma_wait3A_529 = arith.constant 0 : i32
            %dma_wait3A_530 = arith.constant 0 : i32
            %dma_wait3A_531 = tpu.memref_slice %arg4[%add3A_506, %dma_wait3A_529, %dma_wait3A_530] : memref<8000x2x40xi32, #tpu.memory_space<hbm>> -> memref<10x2x40xi32, #tpu.memory_space<hbm>>
            %dma_wait3A_532 = arith.constant 0 : i32
            %dma_wait3A_533 = arith.constant 0 : i32
            %dma_wait3A_534 = arith.constant 0 : i32
            %dma_wait3A_535 = tpu.memref_slice %arg9[%select_n3A_503, %dma_wait3A_532, %dma_wait3A_533, %dma_wait3A_534] : memref<2x10x2x40xi32, #tpu.memory_space<vmem>> -> memref<1x10x2x40xi32, #tpu.memory_space<vmem>>
            %dma_wait3A_536 = tpu.memref_squeeze %dma_wait3A_535 : memref<1x10x2x40xi32, #tpu.memory_space<vmem>> -> memref<10x2x40xi32, #tpu.memory_space<vmem>>
            %dma_wait3A_537 = arith.constant 0 : i32
            %dma_wait3A_538 = arith.constant 0 : i32
            %dma_wait3A_539 = tpu.memref_slice %arg4[%add3A_506, %dma_wait3A_537, %dma_wait3A_538] : memref<8000x2x40xi32, #tpu.memory_space<hbm>> -> memref<10x2x40xi32, #tpu.memory_space<hbm>>
            tpu.wait_dma2 semaphore(%run_scoped3A_507 : memref<!tpu.dma_semaphore, #tpu.memory_space<semaphore_mem>>) src(%dma_wait3A_539 : memref<10x2x40xi32, #tpu.memory_space<hbm>>) dst(%dma_wait3A_536 : memref<10x2x40xi32, #tpu.memory_space<vmem>>)
            tpu.yield
          }) : () -> ()
        } else {
        }
      } else {
      }
      %gt3A_151 = arith.constant 0 : i32
      %gt3A_152 = arith.cmpi sgt, %add3A_133, %gt3A_151 : i32
      %convert_element_type3A_153 = arith.extui %gt3A_152 : i1 to i32
      %cond3A_154 = arith.constant 0 : i32
      %cond3A_155 = arith.cmpi ne, %convert_element_type3A_153, %cond3A_154 : i32
      scf.if %cond3A_155 {
        %dma_wait3A_457 = arith.constant 1 : i32
        %dma_wait3A_458 = arith.constant 0 : i32
        %dma_wait3A_459 = arith.constant 0 : i32
        %dma_wait3A_460 = tpu.memref_slice %arg10[%dma_wait3A_457, %dma_wait3A_458, %dma_wait3A_459] : memref<2x40x128xf32, #tpu.memory_space<vmem>> -> memref<1x40x128xf32, #tpu.memory_space<vmem>>
        %dma_wait3A_461 = tpu.memref_squeeze %dma_wait3A_460 : memref<1x40x128xf32, #tpu.memory_space<vmem>> -> memref<40x128xf32, #tpu.memory_space<vmem>>
        %dma_wait3A_462 = arith.constant 0 : i32
        %dma_wait3A_463 = arith.constant 0 : i32
        %dma_wait3A_464 = tpu.memref_slice %arg7[%dma_wait3A_462, %dma_wait3A_463] : memref<624x128xf32, #tpu.memory_space<hbm>> -> memref<40x128xf32, #tpu.memory_space<hbm>>
        %dma_wait3A_465 = arith.constant 0 : i32
        %dma_wait3A_466 = arith.constant 0 : i32
        %dma_wait3A_467 = tpu.memref_slice %arg10[%dma_wait3A_457, %dma_wait3A_465, %dma_wait3A_466] : memref<2x40x128xf32, #tpu.memory_space<vmem>> -> memref<1x40x128xf32, #tpu.memory_space<vmem>>
        %dma_wait3A_468 = tpu.memref_squeeze %dma_wait3A_467 : memref<1x40x128xf32, #tpu.memory_space<vmem>> -> memref<40x128xf32, #tpu.memory_space<vmem>>
        %dma_wait3A_469 = arith.constant 0 : i32
        %dma_wait3A_470 = arith.constant 0 : i32
        %dma_wait3A_471 = tpu.memref_slice %arg7[%dma_wait3A_469, %dma_wait3A_470] : memref<624x128xf32, #tpu.memory_space<hbm>> -> memref<40x128xf32, #tpu.memory_space<hbm>>
        tpu.wait_dma2 semaphore(%arg20 : memref<!tpu.dma_semaphore, #tpu.memory_space<semaphore_mem>>) src(%dma_wait3A_471 : memref<40x128xf32, #tpu.memory_space<hbm>>) dst(%dma_wait3A_468 : memref<40x128xf32, #tpu.memory_space<vmem>>)
      } else {
      }
      %add3A_156 = arith.constant 1 : i32
      %add3A_157 = arith.addi %add3A_133, %add3A_156 : i32
      %jit3A_158 = arith.constant 10 : i32
      %div3A = arith.divsi %add3A_157, %jit3A_158 : i32
      %sign3A = arith.constant 0 : i32
      %sign3A_159 = arith.cmpi sgt, %add3A_157, %sign3A : i32
      %sign3A_160 = arith.extui %sign3A_159 : i1 to i32
      %sign3A_161 = arith.constant 0 : i32
      %sign3A_162 = arith.cmpi slt, %add3A_157, %sign3A_161 : i32
      %sign3A_163 = arith.extui %sign3A_162 : i1 to i32
      %sign3A_164 = arith.subi %sign3A_160, %sign3A_163 : i32
      %sign3A_165 = arith.constant 0 : i32
      %sign3A_166 = arith.cmpi sgt, %jit3A_158, %sign3A_165 : i32
      %sign3A_167 = arith.extui %sign3A_166 : i1 to i32
      %sign3A_168 = arith.constant 0 : i32
      %sign3A_169 = arith.cmpi slt, %jit3A_158, %sign3A_168 : i32
      %sign3A_170 = arith.extui %sign3A_169 : i1 to i32
      %sign3A_171 = arith.subi %sign3A_167, %sign3A_170 : i32
      %ne3A_172 = arith.cmpi ne, %sign3A_164, %sign3A_171 : i32
      %rem3A_173 = arith.remsi %add3A_157, %jit3A_158 : i32
      %ne3A_174 = arith.constant 0 : i32
      %ne3A_175 = arith.cmpi ne, %rem3A_173, %ne3A_174 : i32
      %and3A_176 = arith.andi %ne3A_172, %ne3A_175 : i1
      %sub3A = arith.constant 1 : i32
      %sub3A_177 = arith.subi %div3A, %sub3A : i32
      %select_n3A_178 = arith.select %and3A_176, %sub3A_177, %div3A : i32
      %jit3A_179 = arith.constant 2 : i32
      %eq3A_180 = arith.constant 0 : i32
      %eq3A_181 = arith.cmpi eq, %jit3A_179, %eq3A_180 : i32
      %jit3A_182 = arith.constant 1 : i32
      %select_n3A_183 = arith.select %eq3A_181, %jit3A_182, %jit3A_179 : i32
      %rem3A_184 = arith.remsi %select_n3A_178, %select_n3A_183 : i32
      %ne3A_185 = arith.constant 0 : i32
      %ne3A_186 = arith.cmpi ne, %rem3A_184, %ne3A_185 : i32
      %lt3A_187 = arith.constant 0 : i32
      %lt3A_188 = arith.cmpi slt, %rem3A_184, %lt3A_187 : i32
      %lt3A_189 = arith.constant 0 : i32
      %lt3A_190 = arith.cmpi slt, %select_n3A_183, %lt3A_189 : i32
      %ne3A_191 = arith.xori %lt3A_188, %lt3A_190 : i1
      %and3A_192 = arith.andi %ne3A_191, %ne3A_186 : i1
      %add3A_193 = arith.addi %rem3A_184, %select_n3A_183 : i32
      %select_n3A_194 = arith.select %and3A_192, %add3A_193, %rem3A_184 : i32
      %jit3A_195 = arith.constant 10 : i32
      %eq3A_196 = arith.constant 0 : i32
      %eq3A_197 = arith.cmpi eq, %jit3A_195, %eq3A_196 : i32
      %jit3A_198 = arith.constant 1 : i32
      %select_n3A_199 = arith.select %eq3A_197, %jit3A_198, %jit3A_195 : i32
      %rem3A_200 = arith.remsi %add3A_157, %select_n3A_199 : i32
      %ne3A_201 = arith.constant 0 : i32
      %ne3A_202 = arith.cmpi ne, %rem3A_200, %ne3A_201 : i32
      %lt3A_203 = arith.constant 0 : i32
      %lt3A_204 = arith.cmpi slt, %rem3A_200, %lt3A_203 : i32
      %lt3A_205 = arith.constant 0 : i32
      %lt3A_206 = arith.cmpi slt, %select_n3A_199, %lt3A_205 : i32
      %ne3A_207 = arith.xori %lt3A_204, %lt3A_206 : i1
      %and3A_208 = arith.andi %ne3A_207, %ne3A_202 : i1
      %add3A_209 = arith.addi %rem3A_200, %select_n3A_199 : i32
      %select_n3A_210 = arith.select %and3A_208, %add3A_209, %rem3A_200 : i32
      %dma_start3A_211 = arith.constant 0 : i32
      %dma_start3A_212 = arith.constant 1 : i32
      %dma_start3A_213 = arith.constant 0 : i32
      %dma_start3A_214 = arith.constant 0 : i32
      %dma_start3A_215 = tpu.memref_slice %arg10[%dma_start3A_212, %dma_start3A_213, %dma_start3A_214] : memref<2x40x128xf32, #tpu.memory_space<vmem>> -> memref<1x40x128xf32, #tpu.memory_space<vmem>>
      %dma_start3A_216 = tpu.memref_squeeze %dma_start3A_215 : memref<1x40x128xf32, #tpu.memory_space<vmem>> -> memref<40x128xf32, #tpu.memory_space<vmem>>
      %dma_start3A_217 = arith.constant 0 : i32
      %dma_start3A_218 = tpu.memref_slice %arg9[%select_n3A_194, %select_n3A_210, %dma_start3A_211, %dma_start3A_217] : memref<2x10x2x40xi32, #tpu.memory_space<vmem>> -> memref<1x1x1x40xi32, #tpu.memory_space<vmem>>
      %dma_start3A_219 = tpu.memref_squeeze %dma_start3A_218 : memref<1x1x1x40xi32, #tpu.memory_space<vmem>> -> memref<40xi32, #tpu.memory_space<vmem>>
      %dma_start3A_220 = arith.constant 0 : i32
      %dma_start3A_221 = arith.constant 0 : i32
      %dma_start3A_222 = tpu.memref_slice %arg2[%dma_start3A_220, %dma_start3A_221] : memref<10000x128xf32, #tpu.memory_space<hbm>> -> memref<10000x128xf32, #tpu.memory_space<hbm>>
      tpu.enqueue_indirect_dma source(%dma_start3A_222 : memref<10000x128xf32, #tpu.memory_space<hbm>>) target(%dma_start3A_216 : memref<40x128xf32, #tpu.memory_space<vmem>>) offsets(%dma_start3A_219 : memref<40xi32, #tpu.memory_space<vmem>>) semaphore(%arg16 : memref<!tpu.dma_semaphore, #tpu.memory_space<semaphore_mem>>)
      %add3A_223 = arith.constant 1 : i32
      %add3A_224 = arith.addi %add3A_133, %add3A_223 : i32
      %add3A_225 = arith.addi %mul3A_2, %add3A_224 : i32
      %mul3A_226 = arith.constant 40 : i32
      %mul3A_227 = arith.muli %add3A_225, %mul3A_226 : i32
      %multiple_of3A_228 = tpu.assume_multiple %mul3A_227, 40 : i32
      %dma_start3A_229 = arith.constant 1 : i32
      %dma_start3A_230 = arith.constant 0 : i32
      %dma_start3A_231 = arith.constant 0 : i32
      %dma_start3A_232 = tpu.memref_slice %arg11[%dma_start3A_229, %dma_start3A_230, %dma_start3A_231] : memref<2x40x128xf32, #tpu.memory_space<vmem>> -> memref<1x40x128xf32, #tpu.memory_space<vmem>>
      %dma_start3A_233 = tpu.memref_squeeze %dma_start3A_232 : memref<1x40x128xf32, #tpu.memory_space<vmem>> -> memref<40x128xf32, #tpu.memory_space<vmem>>
      %dma_start3A_234 = arith.constant 0 : i32
      %dma_start3A_235 = tpu.memref_slice %arg3[%multiple_of3A_228, %dma_start3A_234] : memref<320000x128xf32, #tpu.memory_space<hbm>> -> memref<40x128xf32, #tpu.memory_space<hbm>>
      %dma_start3A_236 = arith.constant 0 : i32
      %dma_start3A_237 = arith.constant 0 : i32
      %dma_start3A_238 = tpu.memref_slice %arg11[%dma_start3A_229, %dma_start3A_236, %dma_start3A_237] : memref<2x40x128xf32, #tpu.memory_space<vmem>> -> memref<1x40x128xf32, #tpu.memory_space<vmem>>
      %dma_start3A_239 = tpu.memref_squeeze %dma_start3A_238 : memref<1x40x128xf32, #tpu.memory_space<vmem>> -> memref<40x128xf32, #tpu.memory_space<vmem>>
      %dma_start3A_240 = arith.constant 0 : i32
      %dma_start3A_241 = tpu.memref_slice %arg3[%multiple_of3A_228, %dma_start3A_240] : memref<320000x128xf32, #tpu.memory_space<hbm>> -> memref<40x128xf32, #tpu.memory_space<hbm>>
      tpu.enqueue_dma source(%dma_start3A_241 : memref<40x128xf32, #tpu.memory_space<hbm>>) target(%dma_start3A_239 : memref<40x128xf32, #tpu.memory_space<vmem>>) target_semaphore(%arg18 : memref<!tpu.dma_semaphore, #tpu.memory_space<semaphore_mem>>)
      %dma_wait3A_242 = arith.constant 0 : i32
      %dma_wait3A_243 = arith.constant 0 : i32
      %dma_wait3A_244 = arith.constant 0 : i32
      %dma_wait3A_245 = arith.constant 0 : i32
      %dma_wait3A_246 = arith.constant 0 : i32
      %dma_wait3A_247 = arith.constant 0 : i32
      %dma_wait3A_248 = tpu.memref_slice %arg10[%dma_wait3A_245, %dma_wait3A_246, %dma_wait3A_247] : memref<2x40x128xf32, #tpu.memory_space<vmem>> -> memref<1x40x128xf32, #tpu.memory_space<vmem>>
      %dma_wait3A_249 = tpu.memref_squeeze %dma_wait3A_248 : memref<1x40x128xf32, #tpu.memory_space<vmem>> -> memref<40x128xf32, #tpu.memory_space<vmem>>
      %dma_wait3A_250 = arith.constant 0 : i32
      %dma_wait3A_251 = tpu.memref_slice %arg9[%dma_wait3A_242, %dma_wait3A_243, %dma_wait3A_244, %dma_wait3A_250] : memref<2x10x2x40xi32, #tpu.memory_space<vmem>> -> memref<1x1x1x40xi32, #tpu.memory_space<vmem>>
      %dma_wait3A_252 = tpu.memref_squeeze %dma_wait3A_251 : memref<1x1x1x40xi32, #tpu.memory_space<vmem>> -> memref<40xi32, #tpu.memory_space<vmem>>
      %dma_wait3A_253 = arith.constant 0 : i32
      %dma_wait3A_254 = arith.constant 0 : i32
      %dma_wait3A_255 = tpu.memref_slice %arg2[%dma_wait3A_253, %dma_wait3A_254] : memref<10000x128xf32, #tpu.memory_space<hbm>> -> memref<10000x128xf32, #tpu.memory_space<hbm>>
      tpu.wait_indirect_dma semaphore(%arg15 : memref<!tpu.dma_semaphore, #tpu.memory_space<semaphore_mem>>) src(%dma_wait3A_255 : memref<10000x128xf32, #tpu.memory_space<hbm>>) dst(%dma_wait3A_249 : memref<40x128xf32, #tpu.memory_space<vmem>>)
      %dma_wait3A_256 = arith.constant 0 : i32
      %dma_wait3A_257 = arith.constant 0 : i32
      %dma_wait3A_258 = arith.constant 0 : i32
      %dma_wait3A_259 = tpu.memref_slice %arg11[%dma_wait3A_256, %dma_wait3A_257, %dma_wait3A_258] : memref<2x40x128xf32, #tpu.memory_space<vmem>> -> memref<1x40x128xf32, #tpu.memory_space<vmem>>
      %dma_wait3A_260 = tpu.memref_squeeze %dma_wait3A_259 : memref<1x40x128xf32, #tpu.memory_space<vmem>> -> memref<40x128xf32, #tpu.memory_space<vmem>>
      %dma_wait3A_261 = arith.constant 0 : i32
      %dma_wait3A_262 = arith.constant 0 : i32
      %dma_wait3A_263 = tpu.memref_slice %arg3[%dma_wait3A_261, %dma_wait3A_262] : memref<320000x128xf32, #tpu.memory_space<hbm>> -> memref<40x128xf32, #tpu.memory_space<hbm>>
      %dma_wait3A_264 = arith.constant 0 : i32
      %dma_wait3A_265 = arith.constant 0 : i32
      %dma_wait3A_266 = tpu.memref_slice %arg11[%dma_wait3A_256, %dma_wait3A_264, %dma_wait3A_265] : memref<2x40x128xf32, #tpu.memory_space<vmem>> -> memref<1x40x128xf32, #tpu.memory_space<vmem>>
      %dma_wait3A_267 = tpu.memref_squeeze %dma_wait3A_266 : memref<1x40x128xf32, #tpu.memory_space<vmem>> -> memref<40x128xf32, #tpu.memory_space<vmem>>
      %dma_wait3A_268 = arith.constant 0 : i32
      %dma_wait3A_269 = arith.constant 0 : i32
      %dma_wait3A_270 = tpu.memref_slice %arg3[%dma_wait3A_268, %dma_wait3A_269] : memref<320000x128xf32, #tpu.memory_space<hbm>> -> memref<40x128xf32, #tpu.memory_space<hbm>>
      tpu.wait_dma2 semaphore(%arg17 : memref<!tpu.dma_semaphore, #tpu.memory_space<semaphore_mem>>) src(%dma_wait3A_270 : memref<40x128xf32, #tpu.memory_space<hbm>>) dst(%dma_wait3A_267 : memref<40x128xf32, #tpu.memory_space<vmem>>)
      %scan3A_271 = arith.constant 0 : i32
      %scan3A_272 = arith.constant 0 : i32
      %scan3A_273 = arith.constant 40 : i32
      %scan3A_274 = arith.addi %scan3A_272, %scan3A_273 : i32
      %scan3A_275 = arith.constant 1 : i32
      scf.for %scan3A_457 = %scan3A_272 to %scan3A_274 step %scan3A_275  : i32 {
        %get3A_458 = arith.constant 0 : i32
        %get3A_459 = arith.index_cast %get3A_458 : i32 to index
        %get3A_460 = arith.index_cast %scan3A_457 : i32 to index
        %get3A_461 = arith.constant 0 : index
        %get3A_462 = tpu.vector_load %arg10[%get3A_459, %get3A_460, %get3A_461] {strides = array<i32>} : memref<2x40x128xf32, #tpu.memory_space<vmem>>, vector<1x1x16xf32>,
        %get3A_463 = vector.shape_cast %get3A_462 : vector<1x1x16xf32> to vector<16xf32>
        %get3A_464 = arith.constant 0 : i32
        %get3A_465 = arith.index_cast %get3A_464 : i32 to index
        %get3A_466 = arith.index_cast %scan3A_457 : i32 to index
        %get3A_467 = arith.constant 0 : index
        %get3A_468 = tpu.vector_load %arg11[%get3A_465, %get3A_466, %get3A_467] {strides = array<i32>} : memref<2x40x128xf32, #tpu.memory_space<vmem>>, vector<1x1x16xf32>,
        %get3A_469 = vector.shape_cast %get3A_468 : vector<1x1x16xf32> to vector<16xf32>
        %add3A_470 = arith.addf %get3A_463, %get3A_469 : vector<16xf32>
        %mul3A_471 = arith.mulf %add3A_470, %get3A_8 : vector<16xf32>
        %add3A_472 = arith.addf %mul3A_471, %get3A_32 : vector<16xf32>
        %min3A = arith.constant 0.000000e+00 : f32
        %min3A_473 = vector.broadcast %min3A : f32 to vector<16xf32>
        %min3A_474 = arith.minimumf %add3A_472, %min3A_473 : vector<16xf32>
        %exp3A = math.exp %min3A_474 : vector<16xf32>
        %sub3A_475 = arith.constant 1.000000e+00 : f32
        %sub3A_476 = vector.broadcast %sub3A_475 : f32 to vector<16xf32>
        %sub3A_477 = arith.subf %exp3A, %sub3A_476 : vector<16xf32>
        %mul3A_478 = arith.constant 1.67326319 : f32
        %mul3A_479 = vector.broadcast %mul3A_478 : f32 to vector<16xf32>
        %mul3A_480 = arith.mulf %mul3A_479, %sub3A_477 : vector<16xf32>
        %gt3A_481 = arith.constant 0.000000e+00 : f32
        %gt3A_482 = vector.broadcast %gt3A_481 : f32 to vector<16xf32>
        %gt3A_483 = arith.cmpf ogt, %add3A_472, %gt3A_482 : vector<16xf32>
        %select_n3A_484 = arith.select %gt3A_483, %add3A_472, %mul3A_480 : vector<16xi1>, vector<16xf32>
        %mul3A_485 = arith.constant 1.05070102 : f32
        %mul3A_486 = vector.broadcast %mul3A_485 : f32 to vector<16xf32>
        %mul3A_487 = arith.mulf %mul3A_486, %select_n3A_484 : vector<16xf32>
        %swap3A = arith.constant 0 : i32
        %swap3A_488 = arith.index_cast %swap3A : i32 to index
        %swap3A_489 = arith.index_cast %scan3A_457 : i32 to index
        %swap3A_490 = arith.constant 0 : index
        %swap3A_491 = tpu.vector_load %arg10[%swap3A_488, %swap3A_489, %swap3A_490] {strides = array<i32>} : memref<2x40x128xf32, #tpu.memory_space<vmem>>, vector<1x1x16xf32>,
        %swap3A_492 = vector.shape_cast %swap3A_491 : vector<1x1x16xf32> to vector<16xf32>
        %swap3A_493 = vector.shape_cast %mul3A_487 : vector<16xf32> to vector<1x1x16xf32>
        tpu.vector_store %arg10[%swap3A_488, %swap3A_489, %swap3A_490], %swap3A_493 {strides = array<i32>} : memref<2x40x128xf32, #tpu.memory_space<vmem>>, vector<1x1x16xf32>,
        %get3A_494 = arith.constant 0 : i32
        %get3A_495 = arith.index_cast %get3A_494 : i32 to index
        %get3A_496 = arith.index_cast %scan3A_457 : i32 to index
        %get3A_497 = arith.constant 16 : index
        %get3A_498 = tpu.vector_load %arg10[%get3A_495, %get3A_496, %get3A_497] {strides = array<i32>} : memref<2x40x128xf32, #tpu.memory_space<vmem>>, vector<1x1x16xf32>,
        %get3A_499 = vector.shape_cast %get3A_498 : vector<1x1x16xf32> to vector<16xf32>
        %get3A_500 = arith.constant 0 : i32
        %get3A_501 = arith.index_cast %get3A_500 : i32 to index
        %get3A_502 = arith.index_cast %scan3A_457 : i32 to index
        %get3A_503 = arith.constant 16 : index
        %get3A_504 = tpu.vector_load %arg11[%get3A_501, %get3A_502, %get3A_503] {strides = array<i32>} : memref<2x40x128xf32, #tpu.memory_space<vmem>>, vector<1x1x16xf32>,
        %get3A_505 = vector.shape_cast %get3A_504 : vector<1x1x16xf32> to vector<16xf32>
        %add3A_506 = arith.addf %get3A_499, %get3A_505 : vector<16xf32>
        %mul3A_507 = arith.mulf %add3A_506, %get3A_11 : vector<16xf32>
        %add3A_508 = arith.addf %mul3A_507, %get3A_35 : vector<16xf32>
        %min3A_509 = arith.constant 0.000000e+00 : f32
        %min3A_510 = vector.broadcast %min3A_509 : f32 to vector<16xf32>
        %min3A_511 = arith.minimumf %add3A_508, %min3A_510 : vector<16xf32>
        %exp3A_512 = math.exp %min3A_511 : vector<16xf32>
        %sub3A_513 = arith.constant 1.000000e+00 : f32
        %sub3A_514 = vector.broadcast %sub3A_513 : f32 to vector<16xf32>
        %sub3A_515 = arith.subf %exp3A_512, %sub3A_514 : vector<16xf32>
        %mul3A_516 = arith.constant 1.67326319 : f32
        %mul3A_517 = vector.broadcast %mul3A_516 : f32 to vector<16xf32>
        %mul3A_518 = arith.mulf %mul3A_517, %sub3A_515 : vector<16xf32>
        %gt3A_519 = arith.constant 0.000000e+00 : f32
        %gt3A_520 = vector.broadcast %gt3A_519 : f32 to vector<16xf32>
        %gt3A_521 = arith.cmpf ogt, %add3A_508, %gt3A_520 : vector<16xf32>
        %select_n3A_522 = arith.select %gt3A_521, %add3A_508, %mul3A_518 : vector<16xi1>, vector<16xf32>
        %mul3A_523 = arith.constant 1.05070102 : f32
        %mul3A_524 = vector.broadcast %mul3A_523 : f32 to vector<16xf32>
        %mul3A_525 = arith.mulf %mul3A_524, %select_n3A_522 : vector<16xf32>
        %swap3A_526 = arith.constant 0 : i32
        %swap3A_527 = arith.index_cast %swap3A_526 : i32 to index
        %swap3A_528 = arith.index_cast %scan3A_457 : i32 to index
        %swap3A_529 = arith.constant 16 : index
        %swap3A_530 = tpu.vector_load %arg10[%swap3A_527, %swap3A_528, %swap3A_529] {strides = array<i32>} : memref<2x40x128xf32, #tpu.memory_space<vmem>>, vector<1x1x16xf32>,
        %swap3A_531 = vector.shape_cast %swap3A_530 : vector<1x1x16xf32> to vector<16xf32>
        %swap3A_532 = vector.shape_cast %mul3A_525 : vector<16xf32> to vector<1x1x16xf32>
        tpu.vector_store %arg10[%swap3A_527, %swap3A_528, %swap3A_529], %swap3A_532 {strides = array<i32>} : memref<2x40x128xf32, #tpu.memory_space<vmem>>, vector<1x1x16xf32>,
        %get3A_533 = arith.constant 0 : i32
        %get3A_534 = arith.index_cast %get3A_533 : i32 to index
        %get3A_535 = arith.index_cast %scan3A_457 : i32 to index
        %get3A_536 = arith.constant 32 : index
        %get3A_537 = tpu.vector_load %arg10[%get3A_534, %get3A_535, %get3A_536] {strides = array<i32>} : memref<2x40x128xf32, #tpu.memory_space<vmem>>, vector<1x1x16xf32>,
        %get3A_538 = vector.shape_cast %get3A_537 : vector<1x1x16xf32> to vector<16xf32>
        %get3A_539 = arith.constant 0 : i32
        %get3A_540 = arith.index_cast %get3A_539 : i32 to index
        %get3A_541 = arith.index_cast %scan3A_457 : i32 to index
        %get3A_542 = arith.constant 32 : index
        %get3A_543 = tpu.vector_load %arg11[%get3A_540, %get3A_541, %get3A_542] {strides = array<i32>} : memref<2x40x128xf32, #tpu.memory_space<vmem>>, vector<1x1x16xf32>,
        %get3A_544 = vector.shape_cast %get3A_543 : vector<1x1x16xf32> to vector<16xf32>
        %add3A_545 = arith.addf %get3A_538, %get3A_544 : vector<16xf32>
        %mul3A_546 = arith.mulf %add3A_545, %get3A_14 : vector<16xf32>
        %add3A_547 = arith.addf %mul3A_546, %get3A_38 : vector<16xf32>
        %min3A_548 = arith.constant 0.000000e+00 : f32
        %min3A_549 = vector.broadcast %min3A_548 : f32 to vector<16xf32>
        %min3A_550 = arith.minimumf %add3A_547, %min3A_549 : vector<16xf32>
        %exp3A_551 = math.exp %min3A_550 : vector<16xf32>
        %sub3A_552 = arith.constant 1.000000e+00 : f32
        %sub3A_553 = vector.broadcast %sub3A_552 : f32 to vector<16xf32>
        %sub3A_554 = arith.subf %exp3A_551, %sub3A_553 : vector<16xf32>
        %mul3A_555 = arith.constant 1.67326319 : f32
        %mul3A_556 = vector.broadcast %mul3A_555 : f32 to vector<16xf32>
        %mul3A_557 = arith.mulf %mul3A_556, %sub3A_554 : vector<16xf32>
        %gt3A_558 = arith.constant 0.000000e+00 : f32
        %gt3A_559 = vector.broadcast %gt3A_558 : f32 to vector<16xf32>
        %gt3A_560 = arith.cmpf ogt, %add3A_547, %gt3A_559 : vector<16xf32>
        %select_n3A_561 = arith.select %gt3A_560, %add3A_547, %mul3A_557 : vector<16xi1>, vector<16xf32>
        %mul3A_562 = arith.constant 1.05070102 : f32
        %mul3A_563 = vector.broadcast %mul3A_562 : f32 to vector<16xf32>
        %mul3A_564 = arith.mulf %mul3A_563, %select_n3A_561 : vector<16xf32>
        %swap3A_565 = arith.constant 0 : i32
        %swap3A_566 = arith.index_cast %swap3A_565 : i32 to index
        %swap3A_567 = arith.index_cast %scan3A_457 : i32 to index
        %swap3A_568 = arith.constant 32 : index
        %swap3A_569 = tpu.vector_load %arg10[%swap3A_566, %swap3A_567, %swap3A_568] {strides = array<i32>} : memref<2x40x128xf32, #tpu.memory_space<vmem>>, vector<1x1x16xf32>,
        %swap3A_570 = vector.shape_cast %swap3A_569 : vector<1x1x16xf32> to vector<16xf32>
        %swap3A_571 = vector.shape_cast %mul3A_564 : vector<16xf32> to vector<1x1x16xf32>
        tpu.vector_store %arg10[%swap3A_566, %swap3A_567, %swap3A_568], %swap3A_571 {strides = array<i32>} : memref<2x40x128xf32, #tpu.memory_space<vmem>>, vector<1x1x16xf32>,
        %get3A_572 = arith.constant 0 : i32
        %get3A_573 = arith.index_cast %get3A_572 : i32 to index
        %get3A_574 = arith.index_cast %scan3A_457 : i32 to index
        %get3A_575 = arith.constant 48 : index
        %get3A_576 = tpu.vector_load %arg10[%get3A_573, %get3A_574, %get3A_575] {strides = array<i32>} : memref<2x40x128xf32, #tpu.memory_space<vmem>>, vector<1x1x16xf32>,
        %get3A_577 = vector.shape_cast %get3A_576 : vector<1x1x16xf32> to vector<16xf32>
        %get3A_578 = arith.constant 0 : i32
        %get3A_579 = arith.index_cast %get3A_578 : i32 to index
        %get3A_580 = arith.index_cast %scan3A_457 : i32 to index
        %get3A_581 = arith.constant 48 : index
        %get3A_582 = tpu.vector_load %arg11[%get3A_579, %get3A_580, %get3A_581] {strides = array<i32>} : memref<2x40x128xf32, #tpu.memory_space<vmem>>, vector<1x1x16xf32>,
        %get3A_583 = vector.shape_cast %get3A_582 : vector<1x1x16xf32> to vector<16xf32>
        %add3A_584 = arith.addf %get3A_577, %get3A_583 : vector<16xf32>
        %mul3A_585 = arith.mulf %add3A_584, %get3A_17 : vector<16xf32>
        %add3A_586 = arith.addf %mul3A_585, %get3A_41 : vector<16xf32>
        %min3A_587 = arith.constant 0.000000e+00 : f32
        %min3A_588 = vector.broadcast %min3A_587 : f32 to vector<16xf32>
        %min3A_589 = arith.minimumf %add3A_586, %min3A_588 : vector<16xf32>
        %exp3A_590 = math.exp %min3A_589 : vector<16xf32>
        %sub3A_591 = arith.constant 1.000000e+00 : f32
        %sub3A_592 = vector.broadcast %sub3A_591 : f32 to vector<16xf32>
        %sub3A_593 = arith.subf %exp3A_590, %sub3A_592 : vector<16xf32>
        %mul3A_594 = arith.constant 1.67326319 : f32
        %mul3A_595 = vector.broadcast %mul3A_594 : f32 to vector<16xf32>
        %mul3A_596 = arith.mulf %mul3A_595, %sub3A_593 : vector<16xf32>
        %gt3A_597 = arith.constant 0.000000e+00 : f32
        %gt3A_598 = vector.broadcast %gt3A_597 : f32 to vector<16xf32>
        %gt3A_599 = arith.cmpf ogt, %add3A_586, %gt3A_598 : vector<16xf32>
        %select_n3A_600 = arith.select %gt3A_599, %add3A_586, %mul3A_596 : vector<16xi1>, vector<16xf32>
        %mul3A_601 = arith.constant 1.05070102 : f32
        %mul3A_602 = vector.broadcast %mul3A_601 : f32 to vector<16xf32>
        %mul3A_603 = arith.mulf %mul3A_602, %select_n3A_600 : vector<16xf32>
        %swap3A_604 = arith.constant 0 : i32
        %swap3A_605 = arith.index_cast %swap3A_604 : i32 to index
        %swap3A_606 = arith.index_cast %scan3A_457 : i32 to index
        %swap3A_607 = arith.constant 48 : index
        %swap3A_608 = tpu.vector_load %arg10[%swap3A_605, %swap3A_606, %swap3A_607] {strides = array<i32>} : memref<2x40x128xf32, #tpu.memory_space<vmem>>, vector<1x1x16xf32>,
        %swap3A_609 = vector.shape_cast %swap3A_608 : vector<1x1x16xf32> to vector<16xf32>
        %swap3A_610 = vector.shape_cast %mul3A_603 : vector<16xf32> to vector<1x1x16xf32>
        tpu.vector_store %arg10[%swap3A_605, %swap3A_606, %swap3A_607], %swap3A_610 {strides = array<i32>} : memref<2x40x128xf32, #tpu.memory_space<vmem>>, vector<1x1x16xf32>,
        %get3A_611 = arith.constant 0 : i32
        %get3A_612 = arith.index_cast %get3A_611 : i32 to index
        %get3A_613 = arith.index_cast %scan3A_457 : i32 to index
        %get3A_614 = arith.constant 64 : index
        %get3A_615 = tpu.vector_load %arg10[%get3A_612, %get3A_613, %get3A_614] {strides = array<i32>} : memref<2x40x128xf32, #tpu.memory_space<vmem>>, vector<1x1x16xf32>,
        %get3A_616 = vector.shape_cast %get3A_615 : vector<1x1x16xf32> to vector<16xf32>
        %get3A_617 = arith.constant 0 : i32
        %get3A_618 = arith.index_cast %get3A_617 : i32 to index
        %get3A_619 = arith.index_cast %scan3A_457 : i32 to index
        %get3A_620 = arith.constant 64 : index
        %get3A_621 = tpu.vector_load %arg11[%get3A_618, %get3A_619, %get3A_620] {strides = array<i32>} : memref<2x40x128xf32, #tpu.memory_space<vmem>>, vector<1x1x16xf32>,
        %get3A_622 = vector.shape_cast %get3A_621 : vector<1x1x16xf32> to vector<16xf32>
        %add3A_623 = arith.addf %get3A_616, %get3A_622 : vector<16xf32>
        %mul3A_624 = arith.mulf %add3A_623, %get3A_20 : vector<16xf32>
        %add3A_625 = arith.addf %mul3A_624, %get3A_44 : vector<16xf32>
        %min3A_626 = arith.constant 0.000000e+00 : f32
        %min3A_627 = vector.broadcast %min3A_626 : f32 to vector<16xf32>
        %min3A_628 = arith.minimumf %add3A_625, %min3A_627 : vector<16xf32>
        %exp3A_629 = math.exp %min3A_628 : vector<16xf32>
        %sub3A_630 = arith.constant 1.000000e+00 : f32
        %sub3A_631 = vector.broadcast %sub3A_630 : f32 to vector<16xf32>
        %sub3A_632 = arith.subf %exp3A_629, %sub3A_631 : vector<16xf32>
        %mul3A_633 = arith.constant 1.67326319 : f32
        %mul3A_634 = vector.broadcast %mul3A_633 : f32 to vector<16xf32>
        %mul3A_635 = arith.mulf %mul3A_634, %sub3A_632 : vector<16xf32>
        %gt3A_636 = arith.constant 0.000000e+00 : f32
        %gt3A_637 = vector.broadcast %gt3A_636 : f32 to vector<16xf32>
        %gt3A_638 = arith.cmpf ogt, %add3A_625, %gt3A_637 : vector<16xf32>
        %select_n3A_639 = arith.select %gt3A_638, %add3A_625, %mul3A_635 : vector<16xi1>, vector<16xf32>
        %mul3A_640 = arith.constant 1.05070102 : f32
        %mul3A_641 = vector.broadcast %mul3A_640 : f32 to vector<16xf32>
        %mul3A_642 = arith.mulf %mul3A_641, %select_n3A_639 : vector<16xf32>
        %swap3A_643 = arith.constant 0 : i32
        %swap3A_644 = arith.index_cast %swap3A_643 : i32 to index
        %swap3A_645 = arith.index_cast %scan3A_457 : i32 to index
        %swap3A_646 = arith.constant 64 : index
        %swap3A_647 = tpu.vector_load %arg10[%swap3A_644, %swap3A_645, %swap3A_646] {strides = array<i32>} : memref<2x40x128xf32, #tpu.memory_space<vmem>>, vector<1x1x16xf32>,
        %swap3A_648 = vector.shape_cast %swap3A_647 : vector<1x1x16xf32> to vector<16xf32>
        %swap3A_649 = vector.shape_cast %mul3A_642 : vector<16xf32> to vector<1x1x16xf32>
        tpu.vector_store %arg10[%swap3A_644, %swap3A_645, %swap3A_646], %swap3A_649 {strides = array<i32>} : memref<2x40x128xf32, #tpu.memory_space<vmem>>, vector<1x1x16xf32>,
        %get3A_650 = arith.constant 0 : i32
        %get3A_651 = arith.index_cast %get3A_650 : i32 to index
        %get3A_652 = arith.index_cast %scan3A_457 : i32 to index
        %get3A_653 = arith.constant 80 : index
        %get3A_654 = tpu.vector_load %arg10[%get3A_651, %get3A_652, %get3A_653] {strides = array<i32>} : memref<2x40x128xf32, #tpu.memory_space<vmem>>, vector<1x1x16xf32>,
        %get3A_655 = vector.shape_cast %get3A_654 : vector<1x1x16xf32> to vector<16xf32>
        %get3A_656 = arith.constant 0 : i32
        %get3A_657 = arith.index_cast %get3A_656 : i32 to index
        %get3A_658 = arith.index_cast %scan3A_457 : i32 to index
        %get3A_659 = arith.constant 80 : index
        %get3A_660 = tpu.vector_load %arg11[%get3A_657, %get3A_658, %get3A_659] {strides = array<i32>} : memref<2x40x128xf32, #tpu.memory_space<vmem>>, vector<1x1x16xf32>,
        %get3A_661 = vector.shape_cast %get3A_660 : vector<1x1x16xf32> to vector<16xf32>
        %add3A_662 = arith.addf %get3A_655, %get3A_661 : vector<16xf32>
        %mul3A_663 = arith.mulf %add3A_662, %get3A_23 : vector<16xf32>
        %add3A_664 = arith.addf %mul3A_663, %get3A_47 : vector<16xf32>
        %min3A_665 = arith.constant 0.000000e+00 : f32
        %min3A_666 = vector.broadcast %min3A_665 : f32 to vector<16xf32>
        %min3A_667 = arith.minimumf %add3A_664, %min3A_666 : vector<16xf32>
        %exp3A_668 = math.exp %min3A_667 : vector<16xf32>
        %sub3A_669 = arith.constant 1.000000e+00 : f32
        %sub3A_670 = vector.broadcast %sub3A_669 : f32 to vector<16xf32>
        %sub3A_671 = arith.subf %exp3A_668, %sub3A_670 : vector<16xf32>
        %mul3A_672 = arith.constant 1.67326319 : f32
        %mul3A_673 = vector.broadcast %mul3A_672 : f32 to vector<16xf32>
        %mul3A_674 = arith.mulf %mul3A_673, %sub3A_671 : vector<16xf32>
        %gt3A_675 = arith.constant 0.000000e+00 : f32
        %gt3A_676 = vector.broadcast %gt3A_675 : f32 to vector<16xf32>
        %gt3A_677 = arith.cmpf ogt, %add3A_664, %gt3A_676 : vector<16xf32>
        %select_n3A_678 = arith.select %gt3A_677, %add3A_664, %mul3A_674 : vector<16xi1>, vector<16xf32>
        %mul3A_679 = arith.constant 1.05070102 : f32
        %mul3A_680 = vector.broadcast %mul3A_679 : f32 to vector<16xf32>
        %mul3A_681 = arith.mulf %mul3A_680, %select_n3A_678 : vector<16xf32>
        %swap3A_682 = arith.constant 0 : i32
        %swap3A_683 = arith.index_cast %swap3A_682 : i32 to index
        %swap3A_684 = arith.index_cast %scan3A_457 : i32 to index
        %swap3A_685 = arith.constant 80 : index
        %swap3A_686 = tpu.vector_load %arg10[%swap3A_683, %swap3A_684, %swap3A_685] {strides = array<i32>} : memref<2x40x128xf32, #tpu.memory_space<vmem>>, vector<1x1x16xf32>,
        %swap3A_687 = vector.shape_cast %swap3A_686 : vector<1x1x16xf32> to vector<16xf32>
        %swap3A_688 = vector.shape_cast %mul3A_681 : vector<16xf32> to vector<1x1x16xf32>
        tpu.vector_store %arg10[%swap3A_683, %swap3A_684, %swap3A_685], %swap3A_688 {strides = array<i32>} : memref<2x40x128xf32, #tpu.memory_space<vmem>>, vector<1x1x16xf32>,
        %get3A_689 = arith.constant 0 : i32
        %get3A_690 = arith.index_cast %get3A_689 : i32 to index
        %get3A_691 = arith.index_cast %scan3A_457 : i32 to index
        %get3A_692 = arith.constant 96 : index
        %get3A_693 = tpu.vector_load %arg10[%get3A_690, %get3A_691, %get3A_692] {strides = array<i32>} : memref<2x40x128xf32, #tpu.memory_space<vmem>>, vector<1x1x16xf32>,
        %get3A_694 = vector.shape_cast %get3A_693 : vector<1x1x16xf32> to vector<16xf32>
        %get3A_695 = arith.constant 0 : i32
        %get3A_696 = arith.index_cast %get3A_695 : i32 to index
        %get3A_697 = arith.index_cast %scan3A_457 : i32 to index
        %get3A_698 = arith.constant 96 : index
        %get3A_699 = tpu.vector_load %arg11[%get3A_696, %get3A_697, %get3A_698] {strides = array<i32>} : memref<2x40x128xf32, #tpu.memory_space<vmem>>, vector<1x1x16xf32>,
        %get3A_700 = vector.shape_cast %get3A_699 : vector<1x1x16xf32> to vector<16xf32>
        %add3A_701 = arith.addf %get3A_694, %get3A_700 : vector<16xf32>
        %mul3A_702 = arith.mulf %add3A_701, %get3A_26 : vector<16xf32>
        %add3A_703 = arith.addf %mul3A_702, %get3A_50 : vector<16xf32>
        %min3A_704 = arith.constant 0.000000e+00 : f32
        %min3A_705 = vector.broadcast %min3A_704 : f32 to vector<16xf32>
        %min3A_706 = arith.minimumf %add3A_703, %min3A_705 : vector<16xf32>
        %exp3A_707 = math.exp %min3A_706 : vector<16xf32>
        %sub3A_708 = arith.constant 1.000000e+00 : f32
        %sub3A_709 = vector.broadcast %sub3A_708 : f32 to vector<16xf32>
        %sub3A_710 = arith.subf %exp3A_707, %sub3A_709 : vector<16xf32>
        %mul3A_711 = arith.constant 1.67326319 : f32
        %mul3A_712 = vector.broadcast %mul3A_711 : f32 to vector<16xf32>
        %mul3A_713 = arith.mulf %mul3A_712, %sub3A_710 : vector<16xf32>
        %gt3A_714 = arith.constant 0.000000e+00 : f32
        %gt3A_715 = vector.broadcast %gt3A_714 : f32 to vector<16xf32>
        %gt3A_716 = arith.cmpf ogt, %add3A_703, %gt3A_715 : vector<16xf32>
        %select_n3A_717 = arith.select %gt3A_716, %add3A_703, %mul3A_713 : vector<16xi1>, vector<16xf32>
        %mul3A_718 = arith.constant 1.05070102 : f32
        %mul3A_719 = vector.broadcast %mul3A_718 : f32 to vector<16xf32>
        %mul3A_720 = arith.mulf %mul3A_719, %select_n3A_717 : vector<16xf32>
        %swap3A_721 = arith.constant 0 : i32
        %swap3A_722 = arith.index_cast %swap3A_721 : i32 to index
        %swap3A_723 = arith.index_cast %scan3A_457 : i32 to index
        %swap3A_724 = arith.constant 96 : index
        %swap3A_725 = tpu.vector_load %arg10[%swap3A_722, %swap3A_723, %swap3A_724] {strides = array<i32>} : memref<2x40x128xf32, #tpu.memory_space<vmem>>, vector<1x1x16xf32>,
        %swap3A_726 = vector.shape_cast %swap3A_725 : vector<1x1x16xf32> to vector<16xf32>
        %swap3A_727 = vector.shape_cast %mul3A_720 : vector<16xf32> to vector<1x1x16xf32>
        tpu.vector_store %arg10[%swap3A_722, %swap3A_723, %swap3A_724], %swap3A_727 {strides = array<i32>} : memref<2x40x128xf32, #tpu.memory_space<vmem>>, vector<1x1x16xf32>,
        %get3A_728 = arith.constant 0 : i32
        %get3A_729 = arith.index_cast %get3A_728 : i32 to index
        %get3A_730 = arith.index_cast %scan3A_457 : i32 to index
        %get3A_731 = arith.constant 112 : index
        %get3A_732 = tpu.vector_load %arg10[%get3A_729, %get3A_730, %get3A_731] {strides = array<i32>} : memref<2x40x128xf32, #tpu.memory_space<vmem>>, vector<1x1x16xf32>,
        %get3A_733 = vector.shape_cast %get3A_732 : vector<1x1x16xf32> to vector<16xf32>
        %get3A_734 = arith.constant 0 : i32
        %get3A_735 = arith.index_cast %get3A_734 : i32 to index
        %get3A_736 = arith.index_cast %scan3A_457 : i32 to index
        %get3A_737 = arith.constant 112 : index
        %get3A_738 = tpu.vector_load %arg11[%get3A_735, %get3A_736, %get3A_737] {strides = array<i32>} : memref<2x40x128xf32, #tpu.memory_space<vmem>>, vector<1x1x16xf32>,
        %get3A_739 = vector.shape_cast %get3A_738 : vector<1x1x16xf32> to vector<16xf32>
        %add3A_740 = arith.addf %get3A_733, %get3A_739 : vector<16xf32>
        %mul3A_741 = arith.mulf %add3A_740, %get3A_29 : vector<16xf32>
        %add3A_742 = arith.addf %mul3A_741, %get3A_53 : vector<16xf32>
        %min3A_743 = arith.constant 0.000000e+00 : f32
        %min3A_744 = vector.broadcast %min3A_743 : f32 to vector<16xf32>
        %min3A_745 = arith.minimumf %add3A_742, %min3A_744 : vector<16xf32>
        %exp3A_746 = math.exp %min3A_745 : vector<16xf32>
        %sub3A_747 = arith.constant 1.000000e+00 : f32
        %sub3A_748 = vector.broadcast %sub3A_747 : f32 to vector<16xf32>
        %sub3A_749 = arith.subf %exp3A_746, %sub3A_748 : vector<16xf32>
        %mul3A_750 = arith.constant 1.67326319 : f32
        %mul3A_751 = vector.broadcast %mul3A_750 : f32 to vector<16xf32>
        %mul3A_752 = arith.mulf %mul3A_751, %sub3A_749 : vector<16xf32>
        %gt3A_753 = arith.constant 0.000000e+00 : f32
        %gt3A_754 = vector.broadcast %gt3A_753 : f32 to vector<16xf32>
        %gt3A_755 = arith.cmpf ogt, %add3A_742, %gt3A_754 : vector<16xf32>
        %select_n3A_756 = arith.select %gt3A_755, %add3A_742, %mul3A_752 : vector<16xi1>, vector<16xf32>
        %mul3A_757 = arith.constant 1.05070102 : f32
        %mul3A_758 = vector.broadcast %mul3A_757 : f32 to vector<16xf32>
        %mul3A_759 = arith.mulf %mul3A_758, %select_n3A_756 : vector<16xf32>
        %swap3A_760 = arith.constant 0 : i32
        %swap3A_761 = arith.index_cast %swap3A_760 : i32 to index
        %swap3A_762 = arith.index_cast %scan3A_457 : i32 to index
        %swap3A_763 = arith.constant 112 : index
        %swap3A_764 = tpu.vector_load %arg10[%swap3A_761, %swap3A_762, %swap3A_763] {strides = array<i32>} : memref<2x40x128xf32, #tpu.memory_space<vmem>>, vector<1x1x16xf32>,
        %swap3A_765 = vector.shape_cast %swap3A_764 : vector<1x1x16xf32> to vector<16xf32>
        %swap3A_766 = vector.shape_cast %mul3A_759 : vector<16xf32> to vector<1x1x16xf32>
        tpu.vector_store %arg10[%swap3A_761, %swap3A_762, %swap3A_763], %swap3A_766 {strides = array<i32>} : memref<2x40x128xf32, #tpu.memory_space<vmem>>, vector<1x1x16xf32>,
      }
      %scan3A_276 = arith.constant 40 : i32
      %jit3A_277 = arith.constant 10 : i32
      %div3A_278 = arith.divsi %add3A_133, %jit3A_277 : i32
      %sign3A_279 = arith.constant 0 : i32
      %sign3A_280 = arith.cmpi sgt, %add3A_133, %sign3A_279 : i32
      %sign3A_281 = arith.extui %sign3A_280 : i1 to i32
      %sign3A_282 = arith.constant 0 : i32
      %sign3A_283 = arith.cmpi slt, %add3A_133, %sign3A_282 : i32
      %sign3A_284 = arith.extui %sign3A_283 : i1 to i32
      %sign3A_285 = arith.subi %sign3A_281, %sign3A_284 : i32
      %sign3A_286 = arith.constant 0 : i32
      %sign3A_287 = arith.cmpi sgt, %jit3A_277, %sign3A_286 : i32
      %sign3A_288 = arith.extui %sign3A_287 : i1 to i32
      %sign3A_289 = arith.constant 0 : i32
      %sign3A_290 = arith.cmpi slt, %jit3A_277, %sign3A_289 : i32
      %sign3A_291 = arith.extui %sign3A_290 : i1 to i32
      %sign3A_292 = arith.subi %sign3A_288, %sign3A_291 : i32
      %ne3A_293 = arith.cmpi ne, %sign3A_285, %sign3A_292 : i32
      %rem3A_294 = arith.remsi %add3A_133, %jit3A_277 : i32
      %ne3A_295 = arith.constant 0 : i32
      %ne3A_296 = arith.cmpi ne, %rem3A_294, %ne3A_295 : i32
      %and3A_297 = arith.andi %ne3A_293, %ne3A_296 : i1
      %sub3A_298 = arith.constant 1 : i32
      %sub3A_299 = arith.subi %div3A_278, %sub3A_298 : i32
      %select_n3A_300 = arith.select %and3A_297, %sub3A_299, %div3A_278 : i32
      %jit3A_301 = arith.constant 2 : i32
      %eq3A_302 = arith.constant 0 : i32
      %eq3A_303 = arith.cmpi eq, %jit3A_301, %eq3A_302 : i32
      %jit3A_304 = arith.constant 1 : i32
      %select_n3A_305 = arith.select %eq3A_303, %jit3A_304, %jit3A_301 : i32
      %rem3A_306 = arith.remsi %select_n3A_300, %select_n3A_305 : i32
      %ne3A_307 = arith.constant 0 : i32
      %ne3A_308 = arith.cmpi ne, %rem3A_306, %ne3A_307 : i32
      %lt3A_309 = arith.constant 0 : i32
      %lt3A_310 = arith.cmpi slt, %rem3A_306, %lt3A_309 : i32
      %lt3A_311 = arith.constant 0 : i32
      %lt3A_312 = arith.cmpi slt, %select_n3A_305, %lt3A_311 : i32
      %ne3A_313 = arith.xori %lt3A_310, %lt3A_312 : i1
      %and3A_314 = arith.andi %ne3A_313, %ne3A_308 : i1
      %add3A_315 = arith.addi %rem3A_306, %select_n3A_305 : i32
      %select_n3A_316 = arith.select %and3A_314, %add3A_315, %rem3A_306 : i32
      %jit3A_317 = arith.constant 10 : i32
      %eq3A_318 = arith.constant 0 : i32
      %eq3A_319 = arith.cmpi eq, %jit3A_317, %eq3A_318 : i32
      %jit3A_320 = arith.constant 1 : i32
      %select_n3A_321 = arith.select %eq3A_319, %jit3A_320, %jit3A_317 : i32
      %rem3A_322 = arith.remsi %add3A_133, %select_n3A_321 : i32
      %ne3A_323 = arith.constant 0 : i32
      %ne3A_324 = arith.cmpi ne, %rem3A_322, %ne3A_323 : i32
      %lt3A_325 = arith.constant 0 : i32
      %lt3A_326 = arith.cmpi slt, %rem3A_322, %lt3A_325 : i32
      %lt3A_327 = arith.constant 0 : i32
      %lt3A_328 = arith.cmpi slt, %select_n3A_321, %lt3A_327 : i32
      %ne3A_329 = arith.xori %lt3A_326, %lt3A_328 : i1
      %and3A_330 = arith.andi %ne3A_329, %ne3A_324 : i1
      %add3A_331 = arith.addi %rem3A_322, %select_n3A_321 : i32
      %select_n3A_332 = arith.select %and3A_330, %add3A_331, %rem3A_322 : i32
      %dma_start3A_333 = arith.constant 0 : i32
      %dma_start3A_334 = arith.constant 1 : i32
      %dma_start3A_335 = arith.constant 0 : i32
      %dma_start3A_336 = arith.constant 0 : i32
      %dma_start3A_337 = tpu.memref_slice %arg10[%dma_start3A_333, %dma_start3A_335, %dma_start3A_336] : memref<2x40x128xf32, #tpu.memory_space<vmem>> -> memref<1x40x128xf32, #tpu.memory_space<vmem>>
      %dma_start3A_338 = tpu.memref_squeeze %dma_start3A_337 : memref<1x40x128xf32, #tpu.memory_space<vmem>> -> memref<40x128xf32, #tpu.memory_space<vmem>>
      %dma_start3A_339 = arith.constant 0 : i32
      %dma_start3A_340 = tpu.memref_slice %arg9[%select_n3A_316, %select_n3A_332, %dma_start3A_334, %dma_start3A_339] : memref<2x10x2x40xi32, #tpu.memory_space<vmem>> -> memref<1x1x1x40xi32, #tpu.memory_space<vmem>>
      %dma_start3A_341 = tpu.memref_squeeze %dma_start3A_340 : memref<1x1x1x40xi32, #tpu.memory_space<vmem>> -> memref<40xi32, #tpu.memory_space<vmem>>
      %dma_start3A_342 = arith.constant 0 : i32
      %dma_start3A_343 = arith.constant 0 : i32
      %dma_start3A_344 = tpu.memref_slice %arg14[%dma_start3A_342, %dma_start3A_343] : memref<10000x128xf32, #tpu.memory_space<vmem_shared>> -> memref<10000x128xf32, #tpu.memory_space<vmem_shared>>
      tpu.enqueue_indirect_dma source(%dma_start3A_338 : memref<40x128xf32, #tpu.memory_space<vmem>>) target(%dma_start3A_344 : memref<10000x128xf32, #tpu.memory_space<vmem_shared>>) offsets(%dma_start3A_341 : memref<40xi32, #tpu.memory_space<vmem>>) semaphore(%arg19 : memref<!tpu.dma_semaphore, #tpu.memory_space<semaphore_mem>>) {add = true}
      %mul3A_345 = arith.constant 2 : i32
      %mul3A_346 = arith.muli %mul3A_345, %scan3A_129 : i32
      %add3A_347 = arith.constant 1 : i32
      %add3A_348 = arith.addi %mul3A_346, %add3A_347 : i32
      %lt3A_349 = arith.constant 124 : i32
      %lt3A_350 = arith.cmpi slt, %scan3A_129, %lt3A_349 : i32
      %convert_element_type3A_351 = arith.extui %lt3A_350 : i1 to i32
      %cond3A_352 = arith.constant 0 : i32
      %cond3A_353 = arith.cmpi ne, %convert_element_type3A_351, %cond3A_352 : i32
      scf.if %cond3A_353 {
        %gt3A_457 = arith.constant 0 : i32
        %gt3A_458 = arith.cmpi sgt, %add3A_348, %gt3A_457 : i32
        %convert_element_type3A_459 = arith.extui %gt3A_458 : i1 to i32
        %cond3A_460 = arith.constant 0 : i32
        %cond3A_461 = arith.cmpi ne, %convert_element_type3A_459, %cond3A_460 : i32
        scf.if %cond3A_461 {
          %dma_wait3A_551 = arith.constant 0 : i32
          %dma_wait3A_552 = arith.constant 0 : i32
          %dma_wait3A_553 = arith.constant 0 : i32
          %dma_wait3A_554 = tpu.memref_slice %arg10[%dma_wait3A_551, %dma_wait3A_552, %dma_wait3A_553] : memref<2x40x128xf32, #tpu.memory_space<vmem>> -> memref<1x40x128xf32, #tpu.memory_space<vmem>>
          %dma_wait3A_555 = tpu.memref_squeeze %dma_wait3A_554 : memref<1x40x128xf32, #tpu.memory_space<vmem>> -> memref<40x128xf32, #tpu.memory_space<vmem>>
          %dma_wait3A_556 = arith.constant 0 : i32
          %dma_wait3A_557 = arith.constant 0 : i32
          %dma_wait3A_558 = tpu.memref_slice %arg7[%dma_wait3A_556, %dma_wait3A_557] : memref<624x128xf32, #tpu.memory_space<hbm>> -> memref<40x128xf32, #tpu.memory_space<hbm>>
          %dma_wait3A_559 = arith.constant 0 : i32
          %dma_wait3A_560 = arith.constant 0 : i32
          %dma_wait3A_561 = tpu.memref_slice %arg10[%dma_wait3A_551, %dma_wait3A_559, %dma_wait3A_560] : memref<2x40x128xf32, #tpu.memory_space<vmem>> -> memref<1x40x128xf32, #tpu.memory_space<vmem>>
          %dma_wait3A_562 = tpu.memref_squeeze %dma_wait3A_561 : memref<1x40x128xf32, #tpu.memory_space<vmem>> -> memref<40x128xf32, #tpu.memory_space<vmem>>
          %dma_wait3A_563 = arith.constant 0 : i32
          %dma_wait3A_564 = arith.constant 0 : i32
          %dma_wait3A_565 = tpu.memref_slice %arg7[%dma_wait3A_563, %dma_wait3A_564] : memref<624x128xf32, #tpu.memory_space<hbm>> -> memref<40x128xf32, #tpu.memory_space<hbm>>
          tpu.wait_dma2 semaphore(%arg19 : memref<!tpu.dma_semaphore, #tpu.memory_space<semaphore_mem>>) src(%dma_wait3A_565 : memref<40x128xf32, #tpu.memory_space<hbm>>) dst(%dma_wait3A_562 : memref<40x128xf32, #tpu.memory_space<vmem>>)
        } else {
        }
        %add3A_462 = arith.constant 1 : i32
        %add3A_463 = arith.addi %add3A_348, %add3A_462 : i32
        %jit3A_464 = arith.constant 10 : i32
        %div3A_465 = arith.divsi %add3A_463, %jit3A_464 : i32
        %sign3A_466 = arith.constant 0 : i32
        %sign3A_467 = arith.cmpi sgt, %add3A_463, %sign3A_466 : i32
        %sign3A_468 = arith.extui %sign3A_467 : i1 to i32
        %sign3A_469 = arith.constant 0 : i32
        %sign3A_470 = arith.cmpi slt, %add3A_463, %sign3A_469 : i32
        %sign3A_471 = arith.extui %sign3A_470 : i1 to i32
        %sign3A_472 = arith.subi %sign3A_468, %sign3A_471 : i32
        %sign3A_473 = arith.constant 0 : i32
        %sign3A_474 = arith.cmpi sgt, %jit3A_464, %sign3A_473 : i32
        %sign3A_475 = arith.extui %sign3A_474 : i1 to i32
        %sign3A_476 = arith.constant 0 : i32
        %sign3A_477 = arith.cmpi slt, %jit3A_464, %sign3A_476 : i32
        %sign3A_478 = arith.extui %sign3A_477 : i1 to i32
        %sign3A_479 = arith.subi %sign3A_475, %sign3A_478 : i32
        %ne3A_480 = arith.cmpi ne, %sign3A_472, %sign3A_479 : i32
        %rem3A_481 = arith.remsi %add3A_463, %jit3A_464 : i32
        %ne3A_482 = arith.constant 0 : i32
        %ne3A_483 = arith.cmpi ne, %rem3A_481, %ne3A_482 : i32
        %and3A_484 = arith.andi %ne3A_480, %ne3A_483 : i1
        %sub3A_485 = arith.constant 1 : i32
        %sub3A_486 = arith.subi %div3A_465, %sub3A_485 : i32
        %select_n3A_487 = arith.select %and3A_484, %sub3A_486, %div3A_465 : i32
        %jit3A_488 = arith.constant 2 : i32
        %eq3A_489 = arith.constant 0 : i32
        %eq3A_490 = arith.cmpi eq, %jit3A_488, %eq3A_489 : i32
        %jit3A_491 = arith.constant 1 : i32
        %select_n3A_492 = arith.select %eq3A_490, %jit3A_491, %jit3A_488 : i32
        %rem3A_493 = arith.remsi %select_n3A_487, %select_n3A_492 : i32
        %ne3A_494 = arith.constant 0 : i32
        %ne3A_495 = arith.cmpi ne, %rem3A_493, %ne3A_494 : i32
        %lt3A_496 = arith.constant 0 : i32
        %lt3A_497 = arith.cmpi slt, %rem3A_493, %lt3A_496 : i32
        %lt3A_498 = arith.constant 0 : i32
        %lt3A_499 = arith.cmpi slt, %select_n3A_492, %lt3A_498 : i32
        %ne3A_500 = arith.xori %lt3A_497, %lt3A_499 : i1
        %and3A_501 = arith.andi %ne3A_500, %ne3A_495 : i1
        %add3A_502 = arith.addi %rem3A_493, %select_n3A_492 : i32
        %select_n3A_503 = arith.select %and3A_501, %add3A_502, %rem3A_493 : i32
        %jit3A_504 = arith.constant 10 : i32
        %eq3A_505 = arith.constant 0 : i32
        %eq3A_506 = arith.cmpi eq, %jit3A_504, %eq3A_505 : i32
        %jit3A_507 = arith.constant 1 : i32
        %select_n3A_508 = arith.select %eq3A_506, %jit3A_507, %jit3A_504 : i32
        %rem3A_509 = arith.remsi %add3A_463, %select_n3A_508 : i32
        %ne3A_510 = arith.constant 0 : i32
        %ne3A_511 = arith.cmpi ne, %rem3A_509, %ne3A_510 : i32
        %lt3A_512 = arith.constant 0 : i32
        %lt3A_513 = arith.cmpi slt, %rem3A_509, %lt3A_512 : i32
        %lt3A_514 = arith.constant 0 : i32
        %lt3A_515 = arith.cmpi slt, %select_n3A_508, %lt3A_514 : i32
        %ne3A_516 = arith.xori %lt3A_513, %lt3A_515 : i1
        %and3A_517 = arith.andi %ne3A_516, %ne3A_511 : i1
        %add3A_518 = arith.addi %rem3A_509, %select_n3A_508 : i32
        %select_n3A_519 = arith.select %and3A_517, %add3A_518, %rem3A_509 : i32
        %dma_start3A_520 = arith.constant 0 : i32
        %dma_start3A_521 = arith.constant 0 : i32
        %dma_start3A_522 = arith.constant 0 : i32
        %dma_start3A_523 = arith.constant 0 : i32
        %dma_start3A_524 = tpu.memref_slice %arg10[%dma_start3A_521, %dma_start3A_522, %dma_start3A_523] : memref<2x40x128xf32, #tpu.memory_space<vmem>> -> memref<1x40x128xf32, #tpu.memory_space<vmem>>
        %dma_start3A_525 = tpu.memref_squeeze %dma_start3A_524 : memref<1x40x128xf32, #tpu.memory_space<vmem>> -> memref<40x128xf32, #tpu.memory_space<vmem>>
        %dma_start3A_526 = arith.constant 0 : i32
        %dma_start3A_527 = tpu.memref_slice %arg9[%select_n3A_503, %select_n3A_519, %dma_start3A_520, %dma_start3A_526] : memref<2x10x2x40xi32, #tpu.memory_space<vmem>> -> memref<1x1x1x40xi32, #tpu.memory_space<vmem>>
        %dma_start3A_528 = tpu.memref_squeeze %dma_start3A_527 : memref<1x1x1x40xi32, #tpu.memory_space<vmem>> -> memref<40xi32, #tpu.memory_space<vmem>>
        %dma_start3A_529 = arith.constant 0 : i32
        %dma_start3A_530 = arith.constant 0 : i32
        %dma_start3A_531 = tpu.memref_slice %arg2[%dma_start3A_529, %dma_start3A_530] : memref<10000x128xf32, #tpu.memory_space<hbm>> -> memref<10000x128xf32, #tpu.memory_space<hbm>>
        tpu.enqueue_indirect_dma source(%dma_start3A_531 : memref<10000x128xf32, #tpu.memory_space<hbm>>) target(%dma_start3A_525 : memref<40x128xf32, #tpu.memory_space<vmem>>) offsets(%dma_start3A_528 : memref<40xi32, #tpu.memory_space<vmem>>) semaphore(%arg15 : memref<!tpu.dma_semaphore, #tpu.memory_space<semaphore_mem>>)
        %add3A_532 = arith.constant 1 : i32
        %add3A_533 = arith.addi %add3A_348, %add3A_532 : i32
        %add3A_534 = arith.addi %mul3A_2, %add3A_533 : i32
        %mul3A_535 = arith.constant 40 : i32
        %mul3A_536 = arith.muli %add3A_534, %mul3A_535 : i32
        %multiple_of3A_537 = tpu.assume_multiple %mul3A_536, 40 : i32
        %dma_start3A_538 = arith.constant 0 : i32
        %dma_start3A_539 = arith.constant 0 : i32
        %dma_start3A_540 = arith.constant 0 : i32
        %dma_start3A_541 = tpu.memref_slice %arg11[%dma_start3A_538, %dma_start3A_539, %dma_start3A_540] : memref<2x40x128xf32, #tpu.memory_space<vmem>> -> memref<1x40x128xf32, #tpu.memory_space<vmem>>
        %dma_start3A_542 = tpu.memref_squeeze %dma_start3A_541 : memref<1x40x128xf32, #tpu.memory_space<vmem>> -> memref<40x128xf32, #tpu.memory_space<vmem>>
        %dma_start3A_543 = arith.constant 0 : i32
        %dma_start3A_544 = tpu.memref_slice %arg3[%multiple_of3A_537, %dma_start3A_543] : memref<320000x128xf32, #tpu.memory_space<hbm>> -> memref<40x128xf32, #tpu.memory_space<hbm>>
        %dma_start3A_545 = arith.constant 0 : i32
        %dma_start3A_546 = arith.constant 0 : i32
        %dma_start3A_547 = tpu.memref_slice %arg11[%dma_start3A_538, %dma_start3A_545, %dma_start3A_546] : memref<2x40x128xf32, #tpu.memory_space<vmem>> -> memref<1x40x128xf32, #tpu.memory_space<vmem>>
        %dma_start3A_548 = tpu.memref_squeeze %dma_start3A_547 : memref<1x40x128xf32, #tpu.memory_space<vmem>> -> memref<40x128xf32, #tpu.memory_space<vmem>>
        %dma_start3A_549 = arith.constant 0 : i32
        %dma_start3A_550 = tpu.memref_slice %arg3[%multiple_of3A_537, %dma_start3A_549] : memref<320000x128xf32, #tpu.memory_space<hbm>> -> memref<40x128xf32, #tpu.memory_space<hbm>>
        tpu.enqueue_dma source(%dma_start3A_550 : memref<40x128xf32, #tpu.memory_space<hbm>>) target(%dma_start3A_548 : memref<40x128xf32, #tpu.memory_space<vmem>>) target_semaphore(%arg17 : memref<!tpu.dma_semaphore, #tpu.memory_space<semaphore_mem>>)
      } else {
      }
      %dma_wait3A_354 = arith.constant 0 : i32
      %dma_wait3A_355 = arith.constant 0 : i32
      %dma_wait3A_356 = arith.constant 0 : i32
      %dma_wait3A_357 = arith.constant 1 : i32
      %dma_wait3A_358 = arith.constant 0 : i32
      %dma_wait3A_359 = arith.constant 0 : i32
      %dma_wait3A_360 = tpu.memref_slice %arg10[%dma_wait3A_357, %dma_wait3A_358, %dma_wait3A_359] : memref<2x40x128xf32, #tpu.memory_space<vmem>> -> memref<1x40x128xf32, #tpu.memory_space<vmem>>
      %dma_wait3A_361 = tpu.memref_squeeze %dma_wait3A_360 : memref<1x40x128xf32, #tpu.memory_space<vmem>> -> memref<40x128xf32, #tpu.memory_space<vmem>>
      %dma_wait3A_362 = arith.constant 0 : i32
      %dma_wait3A_363 = tpu.memref_slice %arg9[%dma_wait3A_354, %dma_wait3A_355, %dma_wait3A_356, %dma_wait3A_362] : memref<2x10x2x40xi32, #tpu.memory_space<vmem>> -> memref<1x1x1x40xi32, #tpu.memory_space<vmem>>
      %dma_wait3A_364 = tpu.memref_squeeze %dma_wait3A_363 : memref<1x1x1x40xi32, #tpu.memory_space<vmem>> -> memref<40xi32, #tpu.memory_space<vmem>>
      %dma_wait3A_365 = arith.constant 0 : i32
      %dma_wait3A_366 = arith.constant 0 : i32
      %dma_wait3A_367 = tpu.memref_slice %arg2[%dma_wait3A_365, %dma_wait3A_366] : memref<10000x128xf32, #tpu.memory_space<hbm>> -> memref<10000x128xf32, #tpu.memory_space<hbm>>
      tpu.wait_indirect_dma semaphore(%arg16 : memref<!tpu.dma_semaphore, #tpu.memory_space<semaphore_mem>>) src(%dma_wait3A_367 : memref<10000x128xf32, #tpu.memory_space<hbm>>) dst(%dma_wait3A_361 : memref<40x128xf32, #tpu.memory_space<vmem>>)
      %dma_wait3A_368 = arith.constant 1 : i32
      %dma_wait3A_369 = arith.constant 0 : i32
      %dma_wait3A_370 = arith.constant 0 : i32
      %dma_wait3A_371 = tpu.memref_slice %arg11[%dma_wait3A_368, %dma_wait3A_369, %dma_wait3A_370] : memref<2x40x128xf32, #tpu.memory_space<vmem>> -> memref<1x40x128xf32, #tpu.memory_space<vmem>>
      %dma_wait3A_372 = tpu.memref_squeeze %dma_wait3A_371 : memref<1x40x128xf32, #tpu.memory_space<vmem>> -> memref<40x128xf32, #tpu.memory_space<vmem>>
      %dma_wait3A_373 = arith.constant 0 : i32
      %dma_wait3A_374 = arith.constant 0 : i32
      %dma_wait3A_375 = tpu.memref_slice %arg3[%dma_wait3A_373, %dma_wait3A_374] : memref<320000x128xf32, #tpu.memory_space<hbm>> -> memref<40x128xf32, #tpu.memory_space<hbm>>
      %dma_wait3A_376 = arith.constant 0 : i32
      %dma_wait3A_377 = arith.constant 0 : i32
      %dma_wait3A_378 = tpu.memref_slice %arg11[%dma_wait3A_368, %dma_wait3A_376, %dma_wait3A_377] : memref<2x40x128xf32, #tpu.memory_space<vmem>> -> memref<1x40x128xf32, #tpu.memory_space<vmem>>
      %dma_wait3A_379 = tpu.memref_squeeze %dma_wait3A_378 : memref<1x40x128xf32, #tpu.memory_space<vmem>> -> memref<40x128xf32, #tpu.memory_space<vmem>>
      %dma_wait3A_380 = arith.constant 0 : i32
      %dma_wait3A_381 = arith.constant 0 : i32
      %dma_wait3A_382 = tpu.memref_slice %arg3[%dma_wait3A_380, %dma_wait3A_381] : memref<320000x128xf32, #tpu.memory_space<hbm>> -> memref<40x128xf32, #tpu.memory_space<hbm>>
      tpu.wait_dma2 semaphore(%arg18 : memref<!tpu.dma_semaphore, #tpu.memory_space<semaphore_mem>>) src(%dma_wait3A_382 : memref<40x128xf32, #tpu.memory_space<hbm>>) dst(%dma_wait3A_379 : memref<40x128xf32, #tpu.memory_space<vmem>>)
      %scan3A_383 = arith.constant 0 : i32
      %scan3A_384 = arith.constant 0 : i32
      %scan3A_385 = arith.constant 40 : i32
      %scan3A_386 = arith.addi %scan3A_384, %scan3A_385 : i32
      %scan3A_387 = arith.constant 1 : i32
      scf.for %scan3A_457 = %scan3A_384 to %scan3A_386 step %scan3A_387  : i32 {
        %get3A_458 = arith.constant 1 : i32
        %get3A_459 = arith.index_cast %get3A_458 : i32 to index
        %get3A_460 = arith.index_cast %scan3A_457 : i32 to index
        %get3A_461 = arith.constant 0 : index
        %get3A_462 = tpu.vector_load %arg10[%get3A_459, %get3A_460, %get3A_461] {strides = array<i32>} : memref<2x40x128xf32, #tpu.memory_space<vmem>>, vector<1x1x16xf32>,
        %get3A_463 = vector.shape_cast %get3A_462 : vector<1x1x16xf32> to vector<16xf32>
        %get3A_464 = arith.constant 1 : i32
        %get3A_465 = arith.index_cast %get3A_464 : i32 to index
        %get3A_466 = arith.index_cast %scan3A_457 : i32 to index
        %get3A_467 = arith.constant 0 : index
        %get3A_468 = tpu.vector_load %arg11[%get3A_465, %get3A_466, %get3A_467] {strides = array<i32>} : memref<2x40x128xf32, #tpu.memory_space<vmem>>, vector<1x1x16xf32>,
        %get3A_469 = vector.shape_cast %get3A_468 : vector<1x1x16xf32> to vector<16xf32>
        %add3A_470 = arith.addf %get3A_463, %get3A_469 : vector<16xf32>
        %mul3A_471 = arith.mulf %add3A_470, %get3A_8 : vector<16xf32>
        %add3A_472 = arith.addf %mul3A_471, %get3A_32 : vector<16xf32>
        %min3A = arith.constant 0.000000e+00 : f32
        %min3A_473 = vector.broadcast %min3A : f32 to vector<16xf32>
        %min3A_474 = arith.minimumf %add3A_472, %min3A_473 : vector<16xf32>
        %exp3A = math.exp %min3A_474 : vector<16xf32>
        %sub3A_475 = arith.constant 1.000000e+00 : f32
        %sub3A_476 = vector.broadcast %sub3A_475 : f32 to vector<16xf32>
        %sub3A_477 = arith.subf %exp3A, %sub3A_476 : vector<16xf32>
        %mul3A_478 = arith.constant 1.67326319 : f32
        %mul3A_479 = vector.broadcast %mul3A_478 : f32 to vector<16xf32>
        %mul3A_480 = arith.mulf %mul3A_479, %sub3A_477 : vector<16xf32>
        %gt3A_481 = arith.constant 0.000000e+00 : f32
        %gt3A_482 = vector.broadcast %gt3A_481 : f32 to vector<16xf32>
        %gt3A_483 = arith.cmpf ogt, %add3A_472, %gt3A_482 : vector<16xf32>
        %select_n3A_484 = arith.select %gt3A_483, %add3A_472, %mul3A_480 : vector<16xi1>, vector<16xf32>
        %mul3A_485 = arith.constant 1.05070102 : f32
        %mul3A_486 = vector.broadcast %mul3A_485 : f32 to vector<16xf32>
        %mul3A_487 = arith.mulf %mul3A_486, %select_n3A_484 : vector<16xf32>
        %swap3A = arith.constant 1 : i32
        %swap3A_488 = arith.index_cast %swap3A : i32 to index
        %swap3A_489 = arith.index_cast %scan3A_457 : i32 to index
        %swap3A_490 = arith.constant 0 : index
        %swap3A_491 = tpu.vector_load %arg10[%swap3A_488, %swap3A_489, %swap3A_490] {strides = array<i32>} : memref<2x40x128xf32, #tpu.memory_space<vmem>>, vector<1x1x16xf32>,
        %swap3A_492 = vector.shape_cast %swap3A_491 : vector<1x1x16xf32> to vector<16xf32>
        %swap3A_493 = vector.shape_cast %mul3A_487 : vector<16xf32> to vector<1x1x16xf32>
        tpu.vector_store %arg10[%swap3A_488, %swap3A_489, %swap3A_490], %swap3A_493 {strides = array<i32>} : memref<2x40x128xf32, #tpu.memory_space<vmem>>, vector<1x1x16xf32>,
        %get3A_494 = arith.constant 1 : i32
        %get3A_495 = arith.index_cast %get3A_494 : i32 to index
        %get3A_496 = arith.index_cast %scan3A_457 : i32 to index
        %get3A_497 = arith.constant 16 : index
        %get3A_498 = tpu.vector_load %arg10[%get3A_495, %get3A_496, %get3A_497] {strides = array<i32>} : memref<2x40x128xf32, #tpu.memory_space<vmem>>, vector<1x1x16xf32>,
        %get3A_499 = vector.shape_cast %get3A_498 : vector<1x1x16xf32> to vector<16xf32>
        %get3A_500 = arith.constant 1 : i32
        %get3A_501 = arith.index_cast %get3A_500 : i32 to index
        %get3A_502 = arith.index_cast %scan3A_457 : i32 to index
        %get3A_503 = arith.constant 16 : index
        %get3A_504 = tpu.vector_load %arg11[%get3A_501, %get3A_502, %get3A_503] {strides = array<i32>} : memref<2x40x128xf32, #tpu.memory_space<vmem>>, vector<1x1x16xf32>,
        %get3A_505 = vector.shape_cast %get3A_504 : vector<1x1x16xf32> to vector<16xf32>
        %add3A_506 = arith.addf %get3A_499, %get3A_505 : vector<16xf32>
        %mul3A_507 = arith.mulf %add3A_506, %get3A_11 : vector<16xf32>
        %add3A_508 = arith.addf %mul3A_507, %get3A_35 : vector<16xf32>
        %min3A_509 = arith.constant 0.000000e+00 : f32
        %min3A_510 = vector.broadcast %min3A_509 : f32 to vector<16xf32>
        %min3A_511 = arith.minimumf %add3A_508, %min3A_510 : vector<16xf32>
        %exp3A_512 = math.exp %min3A_511 : vector<16xf32>
        %sub3A_513 = arith.constant 1.000000e+00 : f32
        %sub3A_514 = vector.broadcast %sub3A_513 : f32 to vector<16xf32>
        %sub3A_515 = arith.subf %exp3A_512, %sub3A_514 : vector<16xf32>
        %mul3A_516 = arith.constant 1.67326319 : f32
        %mul3A_517 = vector.broadcast %mul3A_516 : f32 to vector<16xf32>
        %mul3A_518 = arith.mulf %mul3A_517, %sub3A_515 : vector<16xf32>
        %gt3A_519 = arith.constant 0.000000e+00 : f32
        %gt3A_520 = vector.broadcast %gt3A_519 : f32 to vector<16xf32>
        %gt3A_521 = arith.cmpf ogt, %add3A_508, %gt3A_520 : vector<16xf32>
        %select_n3A_522 = arith.select %gt3A_521, %add3A_508, %mul3A_518 : vector<16xi1>, vector<16xf32>
        %mul3A_523 = arith.constant 1.05070102 : f32
        %mul3A_524 = vector.broadcast %mul3A_523 : f32 to vector<16xf32>
        %mul3A_525 = arith.mulf %mul3A_524, %select_n3A_522 : vector<16xf32>
        %swap3A_526 = arith.constant 1 : i32
        %swap3A_527 = arith.index_cast %swap3A_526 : i32 to index
        %swap3A_528 = arith.index_cast %scan3A_457 : i32 to index
        %swap3A_529 = arith.constant 16 : index
        %swap3A_530 = tpu.vector_load %arg10[%swap3A_527, %swap3A_528, %swap3A_529] {strides = array<i32>} : memref<2x40x128xf32, #tpu.memory_space<vmem>>, vector<1x1x16xf32>,
        %swap3A_531 = vector.shape_cast %swap3A_530 : vector<1x1x16xf32> to vector<16xf32>
        %swap3A_532 = vector.shape_cast %mul3A_525 : vector<16xf32> to vector<1x1x16xf32>
        tpu.vector_store %arg10[%swap3A_527, %swap3A_528, %swap3A_529], %swap3A_532 {strides = array<i32>} : memref<2x40x128xf32, #tpu.memory_space<vmem>>, vector<1x1x16xf32>,
        %get3A_533 = arith.constant 1 : i32
        %get3A_534 = arith.index_cast %get3A_533 : i32 to index
        %get3A_535 = arith.index_cast %scan3A_457 : i32 to index
        %get3A_536 = arith.constant 32 : index
        %get3A_537 = tpu.vector_load %arg10[%get3A_534, %get3A_535, %get3A_536] {strides = array<i32>} : memref<2x40x128xf32, #tpu.memory_space<vmem>>, vector<1x1x16xf32>,
        %get3A_538 = vector.shape_cast %get3A_537 : vector<1x1x16xf32> to vector<16xf32>
        %get3A_539 = arith.constant 1 : i32
        %get3A_540 = arith.index_cast %get3A_539 : i32 to index
        %get3A_541 = arith.index_cast %scan3A_457 : i32 to index
        %get3A_542 = arith.constant 32 : index
        %get3A_543 = tpu.vector_load %arg11[%get3A_540, %get3A_541, %get3A_542] {strides = array<i32>} : memref<2x40x128xf32, #tpu.memory_space<vmem>>, vector<1x1x16xf32>,
        %get3A_544 = vector.shape_cast %get3A_543 : vector<1x1x16xf32> to vector<16xf32>
        %add3A_545 = arith.addf %get3A_538, %get3A_544 : vector<16xf32>
        %mul3A_546 = arith.mulf %add3A_545, %get3A_14 : vector<16xf32>
        %add3A_547 = arith.addf %mul3A_546, %get3A_38 : vector<16xf32>
        %min3A_548 = arith.constant 0.000000e+00 : f32
        %min3A_549 = vector.broadcast %min3A_548 : f32 to vector<16xf32>
        %min3A_550 = arith.minimumf %add3A_547, %min3A_549 : vector<16xf32>
        %exp3A_551 = math.exp %min3A_550 : vector<16xf32>
        %sub3A_552 = arith.constant 1.000000e+00 : f32
        %sub3A_553 = vector.broadcast %sub3A_552 : f32 to vector<16xf32>
        %sub3A_554 = arith.subf %exp3A_551, %sub3A_553 : vector<16xf32>
        %mul3A_555 = arith.constant 1.67326319 : f32
        %mul3A_556 = vector.broadcast %mul3A_555 : f32 to vector<16xf32>
        %mul3A_557 = arith.mulf %mul3A_556, %sub3A_554 : vector<16xf32>
        %gt3A_558 = arith.constant 0.000000e+00 : f32
        %gt3A_559 = vector.broadcast %gt3A_558 : f32 to vector<16xf32>
        %gt3A_560 = arith.cmpf ogt, %add3A_547, %gt3A_559 : vector<16xf32>
        %select_n3A_561 = arith.select %gt3A_560, %add3A_547, %mul3A_557 : vector<16xi1>, vector<16xf32>
        %mul3A_562 = arith.constant 1.05070102 : f32
        %mul3A_563 = vector.broadcast %mul3A_562 : f32 to vector<16xf32>
        %mul3A_564 = arith.mulf %mul3A_563, %select_n3A_561 : vector<16xf32>
        %swap3A_565 = arith.constant 1 : i32
        %swap3A_566 = arith.index_cast %swap3A_565 : i32 to index
        %swap3A_567 = arith.index_cast %scan3A_457 : i32 to index
        %swap3A_568 = arith.constant 32 : index
        %swap3A_569 = tpu.vector_load %arg10[%swap3A_566, %swap3A_567, %swap3A_568] {strides = array<i32>} : memref<2x40x128xf32, #tpu.memory_space<vmem>>, vector<1x1x16xf32>,
        %swap3A_570 = vector.shape_cast %swap3A_569 : vector<1x1x16xf32> to vector<16xf32>
        %swap3A_571 = vector.shape_cast %mul3A_564 : vector<16xf32> to vector<1x1x16xf32>
        tpu.vector_store %arg10[%swap3A_566, %swap3A_567, %swap3A_568], %swap3A_571 {strides = array<i32>} : memref<2x40x128xf32, #tpu.memory_space<vmem>>, vector<1x1x16xf32>,
        %get3A_572 = arith.constant 1 : i32
        %get3A_573 = arith.index_cast %get3A_572 : i32 to index
        %get3A_574 = arith.index_cast %scan3A_457 : i32 to index
        %get3A_575 = arith.constant 48 : index
        %get3A_576 = tpu.vector_load %arg10[%get3A_573, %get3A_574, %get3A_575] {strides = array<i32>} : memref<2x40x128xf32, #tpu.memory_space<vmem>>, vector<1x1x16xf32>,
        %get3A_577 = vector.shape_cast %get3A_576 : vector<1x1x16xf32> to vector<16xf32>
        %get3A_578 = arith.constant 1 : i32
        %get3A_579 = arith.index_cast %get3A_578 : i32 to index
        %get3A_580 = arith.index_cast %scan3A_457 : i32 to index
        %get3A_581 = arith.constant 48 : index
        %get3A_582 = tpu.vector_load %arg11[%get3A_579, %get3A_580, %get3A_581] {strides = array<i32>} : memref<2x40x128xf32, #tpu.memory_space<vmem>>, vector<1x1x16xf32>,
        %get3A_583 = vector.shape_cast %get3A_582 : vector<1x1x16xf32> to vector<16xf32>
        %add3A_584 = arith.addf %get3A_577, %get3A_583 : vector<16xf32>
        %mul3A_585 = arith.mulf %add3A_584, %get3A_17 : vector<16xf32>
        %add3A_586 = arith.addf %mul3A_585, %get3A_41 : vector<16xf32>
        %min3A_587 = arith.constant 0.000000e+00 : f32
        %min3A_588 = vector.broadcast %min3A_587 : f32 to vector<16xf32>
        %min3A_589 = arith.minimumf %add3A_586, %min3A_588 : vector<16xf32>
        %exp3A_590 = math.exp %min3A_589 : vector<16xf32>
        %sub3A_591 = arith.constant 1.000000e+00 : f32
        %sub3A_592 = vector.broadcast %sub3A_591 : f32 to vector<16xf32>
        %sub3A_593 = arith.subf %exp3A_590, %sub3A_592 : vector<16xf32>
        %mul3A_594 = arith.constant 1.67326319 : f32
        %mul3A_595 = vector.broadcast %mul3A_594 : f32 to vector<16xf32>
        %mul3A_596 = arith.mulf %mul3A_595, %sub3A_593 : vector<16xf32>
        %gt3A_597 = arith.constant 0.000000e+00 : f32
        %gt3A_598 = vector.broadcast %gt3A_597 : f32 to vector<16xf32>
        %gt3A_599 = arith.cmpf ogt, %add3A_586, %gt3A_598 : vector<16xf32>
        %select_n3A_600 = arith.select %gt3A_599, %add3A_586, %mul3A_596 : vector<16xi1>, vector<16xf32>
        %mul3A_601 = arith.constant 1.05070102 : f32
        %mul3A_602 = vector.broadcast %mul3A_601 : f32 to vector<16xf32>
        %mul3A_603 = arith.mulf %mul3A_602, %select_n3A_600 : vector<16xf32>
        %swap3A_604 = arith.constant 1 : i32
        %swap3A_605 = arith.index_cast %swap3A_604 : i32 to index
        %swap3A_606 = arith.index_cast %scan3A_457 : i32 to index
        %swap3A_607 = arith.constant 48 : index
        %swap3A_608 = tpu.vector_load %arg10[%swap3A_605, %swap3A_606, %swap3A_607] {strides = array<i32>} : memref<2x40x128xf32, #tpu.memory_space<vmem>>, vector<1x1x16xf32>,
        %swap3A_609 = vector.shape_cast %swap3A_608 : vector<1x1x16xf32> to vector<16xf32>
        %swap3A_610 = vector.shape_cast %mul3A_603 : vector<16xf32> to vector<1x1x16xf32>
        tpu.vector_store %arg10[%swap3A_605, %swap3A_606, %swap3A_607], %swap3A_610 {strides = array<i32>} : memref<2x40x128xf32, #tpu.memory_space<vmem>>, vector<1x1x16xf32>,
        %get3A_611 = arith.constant 1 : i32
        %get3A_612 = arith.index_cast %get3A_611 : i32 to index
        %get3A_613 = arith.index_cast %scan3A_457 : i32 to index
        %get3A_614 = arith.constant 64 : index
        %get3A_615 = tpu.vector_load %arg10[%get3A_612, %get3A_613, %get3A_614] {strides = array<i32>} : memref<2x40x128xf32, #tpu.memory_space<vmem>>, vector<1x1x16xf32>,
        %get3A_616 = vector.shape_cast %get3A_615 : vector<1x1x16xf32> to vector<16xf32>
        %get3A_617 = arith.constant 1 : i32
        %get3A_618 = arith.index_cast %get3A_617 : i32 to index
        %get3A_619 = arith.index_cast %scan3A_457 : i32 to index
        %get3A_620 = arith.constant 64 : index
        %get3A_621 = tpu.vector_load %arg11[%get3A_618, %get3A_619, %get3A_620] {strides = array<i32>} : memref<2x40x128xf32, #tpu.memory_space<vmem>>, vector<1x1x16xf32>,
        %get3A_622 = vector.shape_cast %get3A_621 : vector<1x1x16xf32> to vector<16xf32>
        %add3A_623 = arith.addf %get3A_616, %get3A_622 : vector<16xf32>
        %mul3A_624 = arith.mulf %add3A_623, %get3A_20 : vector<16xf32>
        %add3A_625 = arith.addf %mul3A_624, %get3A_44 : vector<16xf32>
        %min3A_626 = arith.constant 0.000000e+00 : f32
        %min3A_627 = vector.broadcast %min3A_626 : f32 to vector<16xf32>
        %min3A_628 = arith.minimumf %add3A_625, %min3A_627 : vector<16xf32>
        %exp3A_629 = math.exp %min3A_628 : vector<16xf32>
        %sub3A_630 = arith.constant 1.000000e+00 : f32
        %sub3A_631 = vector.broadcast %sub3A_630 : f32 to vector<16xf32>
        %sub3A_632 = arith.subf %exp3A_629, %sub3A_631 : vector<16xf32>
        %mul3A_633 = arith.constant 1.67326319 : f32
        %mul3A_634 = vector.broadcast %mul3A_633 : f32 to vector<16xf32>
        %mul3A_635 = arith.mulf %mul3A_634, %sub3A_632 : vector<16xf32>
        %gt3A_636 = arith.constant 0.000000e+00 : f32
        %gt3A_637 = vector.broadcast %gt3A_636 : f32 to vector<16xf32>
        %gt3A_638 = arith.cmpf ogt, %add3A_625, %gt3A_637 : vector<16xf32>
        %select_n3A_639 = arith.select %gt3A_638, %add3A_625, %mul3A_635 : vector<16xi1>, vector<16xf32>
        %mul3A_640 = arith.constant 1.05070102 : f32
        %mul3A_641 = vector.broadcast %mul3A_640 : f32 to vector<16xf32>
        %mul3A_642 = arith.mulf %mul3A_641, %select_n3A_639 : vector<16xf32>
        %swap3A_643 = arith.constant 1 : i32
        %swap3A_644 = arith.index_cast %swap3A_643 : i32 to index
        %swap3A_645 = arith.index_cast %scan3A_457 : i32 to index
        %swap3A_646 = arith.constant 64 : index
        %swap3A_647 = tpu.vector_load %arg10[%swap3A_644, %swap3A_645, %swap3A_646] {strides = array<i32>} : memref<2x40x128xf32, #tpu.memory_space<vmem>>, vector<1x1x16xf32>,
        %swap3A_648 = vector.shape_cast %swap3A_647 : vector<1x1x16xf32> to vector<16xf32>
        %swap3A_649 = vector.shape_cast %mul3A_642 : vector<16xf32> to vector<1x1x16xf32>
        tpu.vector_store %arg10[%swap3A_644, %swap3A_645, %swap3A_646], %swap3A_649 {strides = array<i32>} : memref<2x40x128xf32, #tpu.memory_space<vmem>>, vector<1x1x16xf32>,
        %get3A_650 = arith.constant 1 : i32
        %get3A_651 = arith.index_cast %get3A_650 : i32 to index
        %get3A_652 = arith.index_cast %scan3A_457 : i32 to index
        %get3A_653 = arith.constant 80 : index
        %get3A_654 = tpu.vector_load %arg10[%get3A_651, %get3A_652, %get3A_653] {strides = array<i32>} : memref<2x40x128xf32, #tpu.memory_space<vmem>>, vector<1x1x16xf32>,
        %get3A_655 = vector.shape_cast %get3A_654 : vector<1x1x16xf32> to vector<16xf32>
        %get3A_656 = arith.constant 1 : i32
        %get3A_657 = arith.index_cast %get3A_656 : i32 to index
        %get3A_658 = arith.index_cast %scan3A_457 : i32 to index
        %get3A_659 = arith.constant 80 : index
        %get3A_660 = tpu.vector_load %arg11[%get3A_657, %get3A_658, %get3A_659] {strides = array<i32>} : memref<2x40x128xf32, #tpu.memory_space<vmem>>, vector<1x1x16xf32>,
        %get3A_661 = vector.shape_cast %get3A_660 : vector<1x1x16xf32> to vector<16xf32>
        %add3A_662 = arith.addf %get3A_655, %get3A_661 : vector<16xf32>
        %mul3A_663 = arith.mulf %add3A_662, %get3A_23 : vector<16xf32>
        %add3A_664 = arith.addf %mul3A_663, %get3A_47 : vector<16xf32>
        %min3A_665 = arith.constant 0.000000e+00 : f32
        %min3A_666 = vector.broadcast %min3A_665 : f32 to vector<16xf32>
        %min3A_667 = arith.minimumf %add3A_664, %min3A_666 : vector<16xf32>
        %exp3A_668 = math.exp %min3A_667 : vector<16xf32>
        %sub3A_669 = arith.constant 1.000000e+00 : f32
        %sub3A_670 = vector.broadcast %sub3A_669 : f32 to vector<16xf32>
        %sub3A_671 = arith.subf %exp3A_668, %sub3A_670 : vector<16xf32>
        %mul3A_672 = arith.constant 1.67326319 : f32
        %mul3A_673 = vector.broadcast %mul3A_672 : f32 to vector<16xf32>
        %mul3A_674 = arith.mulf %mul3A_673, %sub3A_671 : vector<16xf32>
        %gt3A_675 = arith.constant 0.000000e+00 : f32
        %gt3A_676 = vector.broadcast %gt3A_675 : f32 to vector<16xf32>
        %gt3A_677 = arith.cmpf ogt, %add3A_664, %gt3A_676 : vector<16xf32>
        %select_n3A_678 = arith.select %gt3A_677, %add3A_664, %mul3A_674 : vector<16xi1>, vector<16xf32>
        %mul3A_679 = arith.constant 1.05070102 : f32
        %mul3A_680 = vector.broadcast %mul3A_679 : f32 to vector<16xf32>
        %mul3A_681 = arith.mulf %mul3A_680, %select_n3A_678 : vector<16xf32>
        %swap3A_682 = arith.constant 1 : i32
        %swap3A_683 = arith.index_cast %swap3A_682 : i32 to index
        %swap3A_684 = arith.index_cast %scan3A_457 : i32 to index
        %swap3A_685 = arith.constant 80 : index
        %swap3A_686 = tpu.vector_load %arg10[%swap3A_683, %swap3A_684, %swap3A_685] {strides = array<i32>} : memref<2x40x128xf32, #tpu.memory_space<vmem>>, vector<1x1x16xf32>,
        %swap3A_687 = vector.shape_cast %swap3A_686 : vector<1x1x16xf32> to vector<16xf32>
        %swap3A_688 = vector.shape_cast %mul3A_681 : vector<16xf32> to vector<1x1x16xf32>
        tpu.vector_store %arg10[%swap3A_683, %swap3A_684, %swap3A_685], %swap3A_688 {strides = array<i32>} : memref<2x40x128xf32, #tpu.memory_space<vmem>>, vector<1x1x16xf32>,
        %get3A_689 = arith.constant 1 : i32
        %get3A_690 = arith.index_cast %get3A_689 : i32 to index
        %get3A_691 = arith.index_cast %scan3A_457 : i32 to index
        %get3A_692 = arith.constant 96 : index
        %get3A_693 = tpu.vector_load %arg10[%get3A_690, %get3A_691, %get3A_692] {strides = array<i32>} : memref<2x40x128xf32, #tpu.memory_space<vmem>>, vector<1x1x16xf32>,
        %get3A_694 = vector.shape_cast %get3A_693 : vector<1x1x16xf32> to vector<16xf32>
        %get3A_695 = arith.constant 1 : i32
        %get3A_696 = arith.index_cast %get3A_695 : i32 to index
        %get3A_697 = arith.index_cast %scan3A_457 : i32 to index
        %get3A_698 = arith.constant 96 : index
        %get3A_699 = tpu.vector_load %arg11[%get3A_696, %get3A_697, %get3A_698] {strides = array<i32>} : memref<2x40x128xf32, #tpu.memory_space<vmem>>, vector<1x1x16xf32>,
        %get3A_700 = vector.shape_cast %get3A_699 : vector<1x1x16xf32> to vector<16xf32>
        %add3A_701 = arith.addf %get3A_694, %get3A_700 : vector<16xf32>
        %mul3A_702 = arith.mulf %add3A_701, %get3A_26 : vector<16xf32>
        %add3A_703 = arith.addf %mul3A_702, %get3A_50 : vector<16xf32>
        %min3A_704 = arith.constant 0.000000e+00 : f32
        %min3A_705 = vector.broadcast %min3A_704 : f32 to vector<16xf32>
        %min3A_706 = arith.minimumf %add3A_703, %min3A_705 : vector<16xf32>
        %exp3A_707 = math.exp %min3A_706 : vector<16xf32>
        %sub3A_708 = arith.constant 1.000000e+00 : f32
        %sub3A_709 = vector.broadcast %sub3A_708 : f32 to vector<16xf32>
        %sub3A_710 = arith.subf %exp3A_707, %sub3A_709 : vector<16xf32>
        %mul3A_711 = arith.constant 1.67326319 : f32
        %mul3A_712 = vector.broadcast %mul3A_711 : f32 to vector<16xf32>
        %mul3A_713 = arith.mulf %mul3A_712, %sub3A_710 : vector<16xf32>
        %gt3A_714 = arith.constant 0.000000e+00 : f32
        %gt3A_715 = vector.broadcast %gt3A_714 : f32 to vector<16xf32>
        %gt3A_716 = arith.cmpf ogt, %add3A_703, %gt3A_715 : vector<16xf32>
        %select_n3A_717 = arith.select %gt3A_716, %add3A_703, %mul3A_713 : vector<16xi1>, vector<16xf32>
        %mul3A_718 = arith.constant 1.05070102 : f32
        %mul3A_719 = vector.broadcast %mul3A_718 : f32 to vector<16xf32>
        %mul3A_720 = arith.mulf %mul3A_719, %select_n3A_717 : vector<16xf32>
        %swap3A_721 = arith.constant 1 : i32
        %swap3A_722 = arith.index_cast %swap3A_721 : i32 to index
        %swap3A_723 = arith.index_cast %scan3A_457 : i32 to index
        %swap3A_724 = arith.constant 96 : index
        %swap3A_725 = tpu.vector_load %arg10[%swap3A_722, %swap3A_723, %swap3A_724] {strides = array<i32>} : memref<2x40x128xf32, #tpu.memory_space<vmem>>, vector<1x1x16xf32>,
        %swap3A_726 = vector.shape_cast %swap3A_725 : vector<1x1x16xf32> to vector<16xf32>
        %swap3A_727 = vector.shape_cast %mul3A_720 : vector<16xf32> to vector<1x1x16xf32>
        tpu.vector_store %arg10[%swap3A_722, %swap3A_723, %swap3A_724], %swap3A_727 {strides = array<i32>} : memref<2x40x128xf32, #tpu.memory_space<vmem>>, vector<1x1x16xf32>,
        %get3A_728 = arith.constant 1 : i32
        %get3A_729 = arith.index_cast %get3A_728 : i32 to index
        %get3A_730 = arith.index_cast %scan3A_457 : i32 to index
        %get3A_731 = arith.constant 112 : index
        %get3A_732 = tpu.vector_load %arg10[%get3A_729, %get3A_730, %get3A_731] {strides = array<i32>} : memref<2x40x128xf32, #tpu.memory_space<vmem>>, vector<1x1x16xf32>,
        %get3A_733 = vector.shape_cast %get3A_732 : vector<1x1x16xf32> to vector<16xf32>
        %get3A_734 = arith.constant 1 : i32
        %get3A_735 = arith.index_cast %get3A_734 : i32 to index
        %get3A_736 = arith.index_cast %scan3A_457 : i32 to index
        %get3A_737 = arith.constant 112 : index
        %get3A_738 = tpu.vector_load %arg11[%get3A_735, %get3A_736, %get3A_737] {strides = array<i32>} : memref<2x40x128xf32, #tpu.memory_space<vmem>>, vector<1x1x16xf32>,
        %get3A_739 = vector.shape_cast %get3A_738 : vector<1x1x16xf32> to vector<16xf32>
        %add3A_740 = arith.addf %get3A_733, %get3A_739 : vector<16xf32>
        %mul3A_741 = arith.mulf %add3A_740, %get3A_29 : vector<16xf32>
        %add3A_742 = arith.addf %mul3A_741, %get3A_53 : vector<16xf32>
        %min3A_743 = arith.constant 0.000000e+00 : f32
        %min3A_744 = vector.broadcast %min3A_743 : f32 to vector<16xf32>
        %min3A_745 = arith.minimumf %add3A_742, %min3A_744 : vector<16xf32>
        %exp3A_746 = math.exp %min3A_745 : vector<16xf32>
        %sub3A_747 = arith.constant 1.000000e+00 : f32
        %sub3A_748 = vector.broadcast %sub3A_747 : f32 to vector<16xf32>
        %sub3A_749 = arith.subf %exp3A_746, %sub3A_748 : vector<16xf32>
        %mul3A_750 = arith.constant 1.67326319 : f32
        %mul3A_751 = vector.broadcast %mul3A_750 : f32 to vector<16xf32>
        %mul3A_752 = arith.mulf %mul3A_751, %sub3A_749 : vector<16xf32>
        %gt3A_753 = arith.constant 0.000000e+00 : f32
        %gt3A_754 = vector.broadcast %gt3A_753 : f32 to vector<16xf32>
        %gt3A_755 = arith.cmpf ogt, %add3A_742, %gt3A_754 : vector<16xf32>
        %select_n3A_756 = arith.select %gt3A_755, %add3A_742, %mul3A_752 : vector<16xi1>, vector<16xf32>
        %mul3A_757 = arith.constant 1.05070102 : f32
        %mul3A_758 = vector.broadcast %mul3A_757 : f32 to vector<16xf32>
        %mul3A_759 = arith.mulf %mul3A_758, %select_n3A_756 : vector<16xf32>
        %swap3A_760 = arith.constant 1 : i32
        %swap3A_761 = arith.index_cast %swap3A_760 : i32 to index
        %swap3A_762 = arith.index_cast %scan3A_457 : i32 to index
        %swap3A_763 = arith.constant 112 : index
        %swap3A_764 = tpu.vector_load %arg10[%swap3A_761, %swap3A_762, %swap3A_763] {strides = array<i32>} : memref<2x40x128xf32, #tpu.memory_space<vmem>>, vector<1x1x16xf32>,
        %swap3A_765 = vector.shape_cast %swap3A_764 : vector<1x1x16xf32> to vector<16xf32>
        %swap3A_766 = vector.shape_cast %mul3A_759 : vector<16xf32> to vector<1x1x16xf32>
        tpu.vector_store %arg10[%swap3A_761, %swap3A_762, %swap3A_763], %swap3A_766 {strides = array<i32>} : memref<2x40x128xf32, #tpu.memory_space<vmem>>, vector<1x1x16xf32>,
      }
      %scan3A_388 = arith.constant 40 : i32
      %jit3A_389 = arith.constant 10 : i32
      %div3A_390 = arith.divsi %add3A_348, %jit3A_389 : i32
      %sign3A_391 = arith.constant 0 : i32
      %sign3A_392 = arith.cmpi sgt, %add3A_348, %sign3A_391 : i32
      %sign3A_393 = arith.extui %sign3A_392 : i1 to i32
      %sign3A_394 = arith.constant 0 : i32
      %sign3A_395 = arith.cmpi slt, %add3A_348, %sign3A_394 : i32
      %sign3A_396 = arith.extui %sign3A_395 : i1 to i32
      %sign3A_397 = arith.subi %sign3A_393, %sign3A_396 : i32
      %sign3A_398 = arith.constant 0 : i32
      %sign3A_399 = arith.cmpi sgt, %jit3A_389, %sign3A_398 : i32
      %sign3A_400 = arith.extui %sign3A_399 : i1 to i32
      %sign3A_401 = arith.constant 0 : i32
      %sign3A_402 = arith.cmpi slt, %jit3A_389, %sign3A_401 : i32
      %sign3A_403 = arith.extui %sign3A_402 : i1 to i32
      %sign3A_404 = arith.subi %sign3A_400, %sign3A_403 : i32
      %ne3A_405 = arith.cmpi ne, %sign3A_397, %sign3A_404 : i32
      %rem3A_406 = arith.remsi %add3A_348, %jit3A_389 : i32
      %ne3A_407 = arith.constant 0 : i32
      %ne3A_408 = arith.cmpi ne, %rem3A_406, %ne3A_407 : i32
      %and3A_409 = arith.andi %ne3A_405, %ne3A_408 : i1
      %sub3A_410 = arith.constant 1 : i32
      %sub3A_411 = arith.subi %div3A_390, %sub3A_410 : i32
      %select_n3A_412 = arith.select %and3A_409, %sub3A_411, %div3A_390 : i32
      %jit3A_413 = arith.constant 2 : i32
      %eq3A_414 = arith.constant 0 : i32
      %eq3A_415 = arith.cmpi eq, %jit3A_413, %eq3A_414 : i32
      %jit3A_416 = arith.constant 1 : i32
      %select_n3A_417 = arith.select %eq3A_415, %jit3A_416, %jit3A_413 : i32
      %rem3A_418 = arith.remsi %select_n3A_412, %select_n3A_417 : i32
      %ne3A_419 = arith.constant 0 : i32
      %ne3A_420 = arith.cmpi ne, %rem3A_418, %ne3A_419 : i32
      %lt3A_421 = arith.constant 0 : i32
      %lt3A_422 = arith.cmpi slt, %rem3A_418, %lt3A_421 : i32
      %lt3A_423 = arith.constant 0 : i32
      %lt3A_424 = arith.cmpi slt, %select_n3A_417, %lt3A_423 : i32
      %ne3A_425 = arith.xori %lt3A_422, %lt3A_424 : i1
      %and3A_426 = arith.andi %ne3A_425, %ne3A_420 : i1
      %add3A_427 = arith.addi %rem3A_418, %select_n3A_417 : i32
      %select_n3A_428 = arith.select %and3A_426, %add3A_427, %rem3A_418 : i32
      %jit3A_429 = arith.constant 10 : i32
      %eq3A_430 = arith.constant 0 : i32
      %eq3A_431 = arith.cmpi eq, %jit3A_429, %eq3A_430 : i32
      %jit3A_432 = arith.constant 1 : i32
      %select_n3A_433 = arith.select %eq3A_431, %jit3A_432, %jit3A_429 : i32
      %rem3A_434 = arith.remsi %add3A_348, %select_n3A_433 : i32
      %ne3A_435 = arith.constant 0 : i32
      %ne3A_436 = arith.cmpi ne, %rem3A_434, %ne3A_435 : i32
      %lt3A_437 = arith.constant 0 : i32
      %lt3A_438 = arith.cmpi slt, %rem3A_434, %lt3A_437 : i32
      %lt3A_439 = arith.constant 0 : i32
      %lt3A_440 = arith.cmpi slt, %select_n3A_433, %lt3A_439 : i32
      %ne3A_441 = arith.xori %lt3A_438, %lt3A_440 : i1
      %and3A_442 = arith.andi %ne3A_441, %ne3A_436 : i1
      %add3A_443 = arith.addi %rem3A_434, %select_n3A_433 : i32
      %select_n3A_444 = arith.select %and3A_442, %add3A_443, %rem3A_434 : i32
      %dma_start3A_445 = arith.constant 1 : i32
      %dma_start3A_446 = arith.constant 1 : i32
      %dma_start3A_447 = arith.constant 0 : i32
      %dma_start3A_448 = arith.constant 0 : i32
      %dma_start3A_449 = tpu.memref_slice %arg10[%dma_start3A_445, %dma_start3A_447, %dma_start3A_448] : memref<2x40x128xf32, #tpu.memory_space<vmem>> -> memref<1x40x128xf32, #tpu.memory_space<vmem>>
      %dma_start3A_450 = tpu.memref_squeeze %dma_start3A_449 : memref<1x40x128xf32, #tpu.memory_space<vmem>> -> memref<40x128xf32, #tpu.memory_space<vmem>>
      %dma_start3A_451 = arith.constant 0 : i32
      %dma_start3A_452 = tpu.memref_slice %arg9[%select_n3A_428, %select_n3A_444, %dma_start3A_446, %dma_start3A_451] : memref<2x10x2x40xi32, #tpu.memory_space<vmem>> -> memref<1x1x1x40xi32, #tpu.memory_space<vmem>>
      %dma_start3A_453 = tpu.memref_squeeze %dma_start3A_452 : memref<1x1x1x40xi32, #tpu.memory_space<vmem>> -> memref<40xi32, #tpu.memory_space<vmem>>
      %dma_start3A_454 = arith.constant 0 : i32
      %dma_start3A_455 = arith.constant 0 : i32
      %dma_start3A_456 = tpu.memref_slice %arg14[%dma_start3A_454, %dma_start3A_455] : memref<10000x128xf32, #tpu.memory_space<vmem_shared>> -> memref<10000x128xf32, #tpu.memory_space<vmem_shared>>
      tpu.enqueue_indirect_dma source(%dma_start3A_450 : memref<40x128xf32, #tpu.memory_space<vmem>>) target(%dma_start3A_456 : memref<10000x128xf32, #tpu.memory_space<vmem_shared>>) offsets(%dma_start3A_453 : memref<40xi32, #tpu.memory_space<vmem>>) semaphore(%arg20 : memref<!tpu.dma_semaphore, #tpu.memory_space<semaphore_mem>>) {add = true}
    }
    %scan3A_93 = arith.constant 125 : i32
    %dma_wait3A = arith.constant 0 : i32
    %dma_wait3A_94 = arith.constant 0 : i32
    %dma_wait3A_95 = arith.constant 0 : i32
    %dma_wait3A_96 = tpu.memref_slice %arg10[%dma_wait3A, %dma_wait3A_94, %dma_wait3A_95] : memref<2x40x128xf32, #tpu.memory_space<vmem>> -> memref<1x40x128xf32, #tpu.memory_space<vmem>>
    %dma_wait3A_97 = tpu.memref_squeeze %dma_wait3A_96 : memref<1x40x128xf32, #tpu.memory_space<vmem>> -> memref<40x128xf32, #tpu.memory_space<vmem>>
    %dma_wait3A_98 = arith.constant 0 : i32
    %dma_wait3A_99 = arith.constant 0 : i32
    %dma_wait3A_100 = tpu.memref_slice %arg7[%dma_wait3A_98, %dma_wait3A_99] : memref<624x128xf32, #tpu.memory_space<hbm>> -> memref<40x128xf32, #tpu.memory_space<hbm>>
    %dma_wait3A_101 = arith.constant 0 : i32
    %dma_wait3A_102 = arith.constant 0 : i32
    %dma_wait3A_103 = tpu.memref_slice %arg10[%dma_wait3A, %dma_wait3A_101, %dma_wait3A_102] : memref<2x40x128xf32, #tpu.memory_space<vmem>> -> memref<1x40x128xf32, #tpu.memory_space<vmem>>
    %dma_wait3A_104 = tpu.memref_squeeze %dma_wait3A_103 : memref<1x40x128xf32, #tpu.memory_space<vmem>> -> memref<40x128xf32, #tpu.memory_space<vmem>>
    %dma_wait3A_105 = arith.constant 0 : i32
    %dma_wait3A_106 = arith.constant 0 : i32
    %dma_wait3A_107 = tpu.memref_slice %arg7[%dma_wait3A_105, %dma_wait3A_106] : memref<624x128xf32, #tpu.memory_space<hbm>> -> memref<40x128xf32, #tpu.memory_space<hbm>>
    tpu.wait_dma2 semaphore(%arg19 : memref<!tpu.dma_semaphore, #tpu.memory_space<semaphore_mem>>) src(%dma_wait3A_107 : memref<40x128xf32, #tpu.memory_space<hbm>>) dst(%dma_wait3A_104 : memref<40x128xf32, #tpu.memory_space<vmem>>)
    %dma_wait3A_108 = arith.constant 1 : i32
    %dma_wait3A_109 = arith.constant 0 : i32
    %dma_wait3A_110 = arith.constant 0 : i32
    %dma_wait3A_111 = tpu.memref_slice %arg10[%dma_wait3A_108, %dma_wait3A_109, %dma_wait3A_110] : memref<2x40x128xf32, #tpu.memory_space<vmem>> -> memref<1x40x128xf32, #tpu.memory_space<vmem>>
    %dma_wait3A_112 = tpu.memref_squeeze %dma_wait3A_111 : memref<1x40x128xf32, #tpu.memory_space<vmem>> -> memref<40x128xf32, #tpu.memory_space<vmem>>
    %dma_wait3A_113 = arith.constant 0 : i32
    %dma_wait3A_114 = arith.constant 0 : i32
    %dma_wait3A_115 = tpu.memref_slice %arg7[%dma_wait3A_113, %dma_wait3A_114] : memref<624x128xf32, #tpu.memory_space<hbm>> -> memref<40x128xf32, #tpu.memory_space<hbm>>
    %dma_wait3A_116 = arith.constant 0 : i32
    %dma_wait3A_117 = arith.constant 0 : i32
    %dma_wait3A_118 = tpu.memref_slice %arg10[%dma_wait3A_108, %dma_wait3A_116, %dma_wait3A_117] : memref<2x40x128xf32, #tpu.memory_space<vmem>> -> memref<1x40x128xf32, #tpu.memory_space<vmem>>
    %dma_wait3A_119 = tpu.memref_squeeze %dma_wait3A_118 : memref<1x40x128xf32, #tpu.memory_space<vmem>> -> memref<40x128xf32, #tpu.memory_space<vmem>>
    %dma_wait3A_120 = arith.constant 0 : i32
    %dma_wait3A_121 = arith.constant 0 : i32
    %dma_wait3A_122 = tpu.memref_slice %arg7[%dma_wait3A_120, %dma_wait3A_121] : memref<624x128xf32, #tpu.memory_space<hbm>> -> memref<40x128xf32, #tpu.memory_space<hbm>>
    tpu.wait_dma2 semaphore(%arg20 : memref<!tpu.dma_semaphore, #tpu.memory_space<semaphore_mem>>) src(%dma_wait3A_122 : memref<40x128xf32, #tpu.memory_space<hbm>>) dst(%dma_wait3A_119 : memref<40x128xf32, #tpu.memory_space<vmem>>)
    %barrier3A_123 = arith.constant 0 : index
    tpu.barrier barrier_id(%barrier3A_123)
    "tpu.region"() ({
      %run_scoped3A_129 = tpu.sem_alloc : memref<!tpu.dma_semaphore, #tpu.memory_space<semaphore_mem>>
      %dma_start3A_130 = arith.constant 0 : i32
      %dma_start3A_131 = tpu.memref_slice %arg8[%arg0, %mul3A_4, %dma_start3A_130] : memref<2x10000x128xf32, #tpu.memory_space<hbm>> -> memref<1x624x128xf32, #tpu.memory_space<hbm>>
      %dma_start3A_132 = tpu.memref_squeeze %dma_start3A_131 : memref<1x624x128xf32, #tpu.memory_space<hbm>> -> memref<624x128xf32, #tpu.memory_space<hbm>>
      %dma_start3A_133 = arith.constant 0 : i32
      %dma_start3A_134 = tpu.memref_slice %arg14[%mul3A_4, %dma_start3A_133] : memref<10000x128xf32, #tpu.memory_space<vmem_shared>> -> memref<624x128xf32, #tpu.memory_space<vmem_shared>>
      tpu.enqueue_dma source(%dma_start3A_134 : memref<624x128xf32, #tpu.memory_space<vmem_shared>>) target(%dma_start3A_132 : memref<624x128xf32, #tpu.memory_space<hbm>>) target_semaphore(%run_scoped3A_129 : memref<!tpu.dma_semaphore, #tpu.memory_space<semaphore_mem>>)
      %dma_wait3A_135 = arith.constant 0 : i32
      %dma_wait3A_136 = tpu.memref_slice %arg8[%arg0, %mul3A_4, %dma_wait3A_135] : memref<2x10000x128xf32, #tpu.memory_space<hbm>> -> memref<1x624x128xf32, #tpu.memory_space<hbm>>
      %dma_wait3A_137 = tpu.memref_squeeze %dma_wait3A_136 : memref<1x624x128xf32, #tpu.memory_space<hbm>> -> memref<624x128xf32, #tpu.memory_space<hbm>>
      %dma_wait3A_138 = arith.constant 0 : i32
      %dma_wait3A_139 = tpu.memref_slice %arg14[%mul3A_4, %dma_wait3A_138] : memref<10000x128xf32, #tpu.memory_space<vmem_shared>> -> memref<624x128xf32, #tpu.memory_space<vmem_shared>>
      tpu.wait_dma2 semaphore(%run_scoped3A_129 : memref<!tpu.dma_semaphore, #tpu.memory_space<semaphore_mem>>) src(%dma_wait3A_139 : memref<624x128xf32, #tpu.memory_space<vmem_shared>>) dst(%dma_wait3A_137 : memref<624x128xf32, #tpu.memory_space<hbm>>)
      tpu.yield
    }) : () -> ()
    %eq3A_124 = arith.constant 15 : i32
    %eq3A_125 = arith.cmpi eq, %arg1, %eq3A_124 : i32
    %convert_element_type3A_126 = arith.extui %eq3A_125 : i1 to i32
    %cond3A_127 = arith.constant 0 : i32
    %cond3A_128 = arith.cmpi ne, %convert_element_type3A_126, %cond3A_127 : i32
    scf.if %cond3A_128 {
      "tpu.region"() ({
        %run_scoped3A_129 = tpu.sem_alloc : memref<!tpu.dma_semaphore, #tpu.memory_space<semaphore_mem>>
        %dma_start3A_130 = arith.constant 9984 : i32
        %dma_start3A_131 = arith.constant 0 : i32
        %dma_start3A_132 = tpu.memref_slice %arg8[%arg0, %dma_start3A_130, %dma_start3A_131] : memref<2x10000x128xf32, #tpu.memory_space<hbm>> -> memref<1x16x128xf32, #tpu.memory_space<hbm>>
        %dma_start3A_133 = tpu.memref_squeeze %dma_start3A_132 : memref<1x16x128xf32, #tpu.memory_space<hbm>> -> memref<16x128xf32, #tpu.memory_space<hbm>>
        %dma_start3A_134 = arith.constant 9984 : i32
        %dma_start3A_135 = arith.constant 0 : i32
        %dma_start3A_136 = tpu.memref_slice %arg14[%dma_start3A_134, %dma_start3A_135] : memref<10000x128xf32, #tpu.memory_space<vmem_shared>> -> memref<16x128xf32, #tpu.memory_space<vmem_shared>>
        tpu.enqueue_dma source(%dma_start3A_136 : memref<16x128xf32, #tpu.memory_space<vmem_shared>>) target(%dma_start3A_133 : memref<16x128xf32, #tpu.memory_space<hbm>>) target_semaphore(%run_scoped3A_129 : memref<!tpu.dma_semaphore, #tpu.memory_space<semaphore_mem>>)
        %dma_wait3A_137 = arith.constant 9984 : i32
        %dma_wait3A_138 = arith.constant 0 : i32
        %dma_wait3A_139 = tpu.memref_slice %arg8[%arg0, %dma_wait3A_137, %dma_wait3A_138] : memref<2x10000x128xf32, #tpu.memory_space<hbm>> -> memref<1x16x128xf32, #tpu.memory_space<hbm>>
        %dma_wait3A_140 = tpu.memref_squeeze %dma_wait3A_139 : memref<1x16x128xf32, #tpu.memory_space<hbm>> -> memref<16x128xf32, #tpu.memory_space<hbm>>
        %dma_wait3A_141 = arith.constant 9984 : i32
        %dma_wait3A_142 = arith.constant 0 : i32
        %dma_wait3A_143 = tpu.memref_slice %arg14[%dma_wait3A_141, %dma_wait3A_142] : memref<10000x128xf32, #tpu.memory_space<vmem_shared>> -> memref<16x128xf32, #tpu.memory_space<vmem_shared>>
        tpu.wait_dma2 semaphore(%run_scoped3A_129 : memref<!tpu.dma_semaphore, #tpu.memory_space<semaphore_mem>>) src(%dma_wait3A_143 : memref<16x128xf32, #tpu.memory_space<vmem_shared>>) dst(%dma_wait3A_140 : memref<16x128xf32, #tpu.memory_space<hbm>>)
        tpu.yield
      }) : () -> ()
    } else {
    }
    return
  }
}

module attributes {stable_mosaic.version = 14 : i64} {
  func.func @_mm_kernel(%arg0: i32, %arg1: memref<2000x128xf32, #tpu.memory_space<vmem>>, %arg2: memref<128x1024xf32, #tpu.memory_space<vmem>>, %arg3: memref<8x1024xf32, #tpu.memory_space<vmem>>, %arg4: memref<2000x1024xf32, #tpu.memory_space<vmem>>) attributes {dimension_semantics = [#tpu.dimension_semantics<arbitrary>], iteration_bounds = array<i64: 20>, scalar_prefetch = 0 : i64, scratch_operands = 0 : i64, tpu.core_type = #tpu.core_type<tc>, window_params = [{transform_indices = @transform_0, window_bounds = array<i64: 2000, 128>}, {pipeline_mode = #tpu.pipeline_mode<synchronous>, transform_indices = @transform_1, window_bounds = array<i64: 128, 1024>}, {pipeline_mode = #tpu.pipeline_mode<synchronous>, transform_indices = @transform_2, window_bounds = array<i64: 8, 1024>}, {transform_indices = @transform_3, window_bounds = array<i64: 2000, 1024>}]} {
    %get3A = arith.constant 0 : index
    %get3A_0 = arith.constant 0 : index
    %get3A_1 = vector.load %arg1[%get3A, %get3A_0] : memref<2000x128xf32, #tpu.memory_space<vmem>>, vector<2000x128xf32>
    %get3A_2 = arith.constant 0 : index
    %get3A_3 = arith.constant 0 : index
    %get3A_4 = vector.load %arg2[%get3A_2, %get3A_3] : memref<128x1024xf32, #tpu.memory_space<vmem>>, vector<128x1024xf32>
    %dot_general3A = arith.constant dense<0.000000e+00> : vector<2000x1024xf32>
    %dot_general3A_5 = tpu.matmul %get3A_1, %get3A_4, %dot_general3A {dimension_numbers = #tpu.dot_dimension_numbers<[1], [0], [0], [1], [0, 0, 1, 1], [], []>, transpose_lhs_hint = false} : vector<2000x128xf32>, vector<128x1024xf32>, vector<2000x1024xf32> -> vector<2000x1024xf32>
    %get3A_6 = arith.constant 0 : index
    %get3A_7 = arith.constant 0 : index
    %get3A_8 = vector.load %arg3[%get3A_6, %get3A_7] : memref<8x1024xf32, #tpu.memory_space<vmem>>, vector<1x1024xf32>
    %add3A = vector.broadcast %get3A_8 : vector<1x1024xf32> to vector<2000x1024xf32>
    %add3A_9 = arith.addf %dot_general3A_5, %add3A : vector<2000x1024xf32>
    %swap3A = arith.constant 0 : index
    %swap3A_10 = arith.constant 0 : index
    %swap3A_11 = vector.load %arg4[%swap3A, %swap3A_10] : memref<2000x1024xf32, #tpu.memory_space<vmem>>, vector<2000x1024xf32>
    tpu.vector_store %arg4[%swap3A, %swap3A_10], %add3A_9 {strides = array<i32>} : memref<2000x1024xf32, #tpu.memory_space<vmem>>, vector<2000x1024xf32>,
    return
  }
  func.func @transform_0(%arg0: i32) -> (i32, i32) {
    %c0_i32 = arith.constant 0 : i32
    %c0_i32_0 = arith.constant 0 : i32
    return %arg0, %c0_i32 : i32, i32
  }
  func.func @transform_1(%arg0: i32) -> (i32, i32) {
    %c0_i32 = arith.constant 0 : i32
    %c0_i32_0 = arith.constant 0 : i32
    %c0_i32_1 = arith.constant 0 : i32
    return %c0_i32, %c0_i32_0 : i32, i32
  }
  func.func @transform_2(%arg0: i32) -> (i32, i32) {
    %c0_i32 = arith.constant 0 : i32
    %c0_i32_0 = arith.constant 0 : i32
    %c0_i32_1 = arith.constant 0 : i32
    return %c0_i32, %c0_i32_0 : i32, i32
  }
  func.func @transform_3(%arg0: i32) -> (i32, i32) {
    %c0_i32 = arith.constant 0 : i32
    %c0_i32_0 = arith.constant 0 : i32
    return %arg0, %c0_i32 : i32, i32
  }
}

module attributes {stable_mosaic.version = 14 : i64} {
  func.func @_mm_kernel(%arg0: i32, %arg1: memref<1000x128xf32, #tpu.memory_space<vmem>>, %arg2: memref<128x128xf32, #tpu.memory_space<vmem>>, %arg3: memref<8x128xf32, #tpu.memory_space<vmem>>, %arg4: memref<1000x128xf32, #tpu.memory_space<vmem>>) attributes {dimension_semantics = [#tpu.dimension_semantics<arbitrary>], iteration_bounds = array<i64: 10>, scalar_prefetch = 0 : i64, scratch_operands = 0 : i64, tpu.core_type = #tpu.core_type<tc>, window_params = [{transform_indices = @transform_0, window_bounds = array<i64: 1000, 128>}, {pipeline_mode = #tpu.pipeline_mode<synchronous>, transform_indices = @transform_1, window_bounds = array<i64: 128, 128>}, {pipeline_mode = #tpu.pipeline_mode<synchronous>, transform_indices = @transform_2, window_bounds = array<i64: 8, 128>}, {transform_indices = @transform_3, window_bounds = array<i64: 1000, 128>}]} {
    %get3A = arith.constant 0 : index
    %get3A_0 = arith.constant 0 : index
    %get3A_1 = vector.load %arg1[%get3A, %get3A_0] : memref<1000x128xf32, #tpu.memory_space<vmem>>, vector<1000x128xf32>
    %get3A_2 = arith.constant 0 : index
    %get3A_3 = arith.constant 0 : index
    %get3A_4 = vector.load %arg2[%get3A_2, %get3A_3] : memref<128x128xf32, #tpu.memory_space<vmem>>, vector<128x128xf32>
    %dot_general3A = arith.constant dense<0.000000e+00> : vector<1000x128xf32>
    %dot_general3A_5 = tpu.matmul %get3A_1, %get3A_4, %dot_general3A {dimension_numbers = #tpu.dot_dimension_numbers<[1], [0], [0], [1], [0, 0, 1, 1], [], []>, transpose_lhs_hint = false} : vector<1000x128xf32>, vector<128x128xf32>, vector<1000x128xf32> -> vector<1000x128xf32>
    %get3A_6 = arith.constant 0 : index
    %get3A_7 = arith.constant 0 : index
    %get3A_8 = vector.load %arg3[%get3A_6, %get3A_7] : memref<8x128xf32, #tpu.memory_space<vmem>>, vector<1x128xf32>
    %add3A = vector.broadcast %get3A_8 : vector<1x128xf32> to vector<1000x128xf32>
    %add3A_9 = arith.addf %dot_general3A_5, %add3A : vector<1000x128xf32>
    %swap3A = arith.constant 0 : index
    %swap3A_10 = arith.constant 0 : index
    %swap3A_11 = vector.load %arg4[%swap3A, %swap3A_10] : memref<1000x128xf32, #tpu.memory_space<vmem>>, vector<1000x128xf32>
    tpu.vector_store %arg4[%swap3A, %swap3A_10], %add3A_9 {strides = array<i32>} : memref<1000x128xf32, #tpu.memory_space<vmem>>, vector<1000x128xf32>,
    return
  }
  func.func @transform_0(%arg0: i32) -> (i32, i32) {
    %c0_i32 = arith.constant 0 : i32
    %c0_i32_0 = arith.constant 0 : i32
    return %arg0, %c0_i32 : i32, i32
  }
  func.func @transform_1(%arg0: i32) -> (i32, i32) {
    %c0_i32 = arith.constant 0 : i32
    %c0_i32_0 = arith.constant 0 : i32
    %c0_i32_1 = arith.constant 0 : i32
    return %c0_i32, %c0_i32_0 : i32, i32
  }
  func.func @transform_2(%arg0: i32) -> (i32, i32) {
    %c0_i32 = arith.constant 0 : i32
    %c0_i32_0 = arith.constant 0 : i32
    %c0_i32_1 = arith.constant 0 : i32
    return %c0_i32, %c0_i32_0 : i32, i32
  }
  func.func @transform_3(%arg0: i32) -> (i32, i32) {
    %c0_i32 = arith.constant 0 : i32
    %c0_i32_0 = arith.constant 0 : i32
    return %arg0, %c0_i32 : i32, i32
  }
}

module attributes {stable_mosaic.version = 14 : i64} {
  func.func @_stage2_kernel(%arg0: i32, %arg1: memref<1000x128xf32, #tpu.memory_space<vmem>>, %arg2: memref<1000x128xf32, #tpu.memory_space<vmem>>, %arg3: memref<1000x128xf32, #tpu.memory_space<vmem>>, %arg4: memref<1000x128xf32, #tpu.memory_space<vmem>>, %arg5: memref<1000x128xf32, #tpu.memory_space<vmem>>, %arg6: memref<128x128xf32, #tpu.memory_space<vmem>>, %arg7: memref<128x128xf32, #tpu.memory_space<vmem>>, %arg8: memref<128x128xf32, #tpu.memory_space<vmem>>, %arg9: memref<128x128xf32, #tpu.memory_space<vmem>>, %arg10: memref<8x128xf32, #tpu.memory_space<vmem>>, %arg11: memref<1000x128xf32, #tpu.memory_space<vmem>>, %arg12: memref<16x128xf32, #tpu.memory_space<vmem>>) attributes {dimension_semantics = [#tpu.dimension_semantics<arbitrary>], iteration_bounds = array<i64: 10>, scalar_prefetch = 0 : i64, scratch_operands = 0 : i64, tpu.core_type = #tpu.core_type<tc>, window_params = [{transform_indices = @transform_0, window_bounds = array<i64: 1000, 128>}, {transform_indices = @transform_1, window_bounds = array<i64: 1000, 128>}, {transform_indices = @transform_2, window_bounds = array<i64: 1000, 128>}, {transform_indices = @transform_3, window_bounds = array<i64: 1000, 128>}, {transform_indices = @transform_4, window_bounds = array<i64: 1000, 128>}, {pipeline_mode = #tpu.pipeline_mode<synchronous>, transform_indices = @transform_5, window_bounds = array<i64: 128, 128>}, {pipeline_mode = #tpu.pipeline_mode<synchronous>, transform_indices = @transform_6, window_bounds = array<i64: 128, 128>}, {pipeline_mode = #tpu.pipeline_mode<synchronous>, transform_indices = @transform_7, window_bounds = array<i64: 128, 128>}, {pipeline_mode = #tpu.pipeline_mode<synchronous>, transform_indices = @transform_8, window_bounds = array<i64: 128, 128>}, {pipeline_mode = #tpu.pipeline_mode<synchronous>, transform_indices = @transform_9, window_bounds = array<i64: 8, 128>}, {transform_indices = @transform_10, window_bounds = array<i64: 1000, 128>}, {pipeline_mode = #tpu.pipeline_mode<synchronous>, transform_indices = @transform_11, window_bounds = array<i64: 16, 128>}]} {
    %get3A = arith.constant 0 : index
    %get3A_0 = arith.constant 0 : index
    %get3A_1 = vector.load %arg1[%get3A, %get3A_0] : memref<1000x128xf32, #tpu.memory_space<vmem>>, vector<1000x128xf32>
    %get3A_2 = arith.constant 0 : index
    %get3A_3 = arith.constant 0 : index
    %get3A_4 = vector.load %arg2[%get3A_2, %get3A_3] : memref<1000x128xf32, #tpu.memory_space<vmem>>, vector<1000x128xf32>
    %add3A = arith.addf %get3A_1, %get3A_4 : vector<1000x128xf32>
    %get3A_5 = arith.constant 0 : index
    %get3A_6 = arith.constant 0 : index
    %get3A_7 = vector.load %arg6[%get3A_5, %get3A_6] : memref<128x128xf32, #tpu.memory_space<vmem>>, vector<128x128xf32>
    %dot_general3A = arith.constant dense<0.000000e+00> : vector<1000x128xf32>
    %dot_general3A_8 = tpu.matmul %add3A, %get3A_7, %dot_general3A {dimension_numbers = #tpu.dot_dimension_numbers<[1], [0], [0], [1], [0, 0, 1, 1], [], []>, transpose_lhs_hint = false} : vector<1000x128xf32>, vector<128x128xf32>, vector<1000x128xf32> -> vector<1000x128xf32>
    %get3A_9 = arith.constant 0 : index
    %get3A_10 = arith.constant 0 : index
    %get3A_11 = vector.load %arg3[%get3A_9, %get3A_10] : memref<1000x128xf32, #tpu.memory_space<vmem>>, vector<1000x128xf32>
    %mul3A = arith.mulf %dot_general3A_8, %get3A_11 : vector<1000x128xf32>
    %get3A_12 = arith.constant 0 : index
    %get3A_13 = arith.constant 0 : index
    %get3A_14 = vector.load %arg4[%get3A_12, %get3A_13] : memref<1000x128xf32, #tpu.memory_space<vmem>>, vector<1000x128xf32>
    %get3A_15 = arith.constant 0 : index
    %get3A_16 = arith.constant 0 : index
    %get3A_17 = vector.load %arg7[%get3A_15, %get3A_16] : memref<128x128xf32, #tpu.memory_space<vmem>>, vector<128x128xf32>
    %dot_general3A_18 = arith.constant dense<0.000000e+00> : vector<1000x128xf32>
    %dot_general3A_19 = tpu.matmul %get3A_14, %get3A_17, %dot_general3A_18 {dimension_numbers = #tpu.dot_dimension_numbers<[1], [0], [0], [1], [0, 0, 1, 1], [], []>, transpose_lhs_hint = false} : vector<1000x128xf32>, vector<128x128xf32>, vector<1000x128xf32> -> vector<1000x128xf32>
    %get3A_20 = arith.constant 0 : index
    %get3A_21 = arith.constant 0 : index
    %get3A_22 = vector.load %arg8[%get3A_20, %get3A_21] : memref<128x128xf32, #tpu.memory_space<vmem>>, vector<128x128xf32>
    %dot_general3A_23 = arith.constant dense<0.000000e+00> : vector<1000x128xf32>
    %dot_general3A_24 = tpu.matmul %mul3A, %get3A_22, %dot_general3A_23 {dimension_numbers = #tpu.dot_dimension_numbers<[1], [0], [0], [1], [0, 0, 1, 1], [], []>, transpose_lhs_hint = false} : vector<1000x128xf32>, vector<128x128xf32>, vector<1000x128xf32> -> vector<1000x128xf32>
    %add3A_25 = arith.addf %dot_general3A_19, %dot_general3A_24 : vector<1000x128xf32>
    %get3A_26 = arith.constant 0 : index
    %get3A_27 = arith.constant 0 : index
    %get3A_28 = vector.load %arg5[%get3A_26, %get3A_27] : memref<1000x128xf32, #tpu.memory_space<vmem>>, vector<1000x128xf32>
    %get3A_29 = arith.constant 0 : index
    %get3A_30 = arith.constant 0 : index
    %get3A_31 = vector.load %arg9[%get3A_29, %get3A_30] : memref<128x128xf32, #tpu.memory_space<vmem>>, vector<128x128xf32>
    %dot_general3A_32 = arith.constant dense<0.000000e+00> : vector<1000x128xf32>
    %dot_general3A_33 = tpu.matmul %get3A_28, %get3A_31, %dot_general3A_32 {dimension_numbers = #tpu.dot_dimension_numbers<[1], [0], [0], [1], [0, 0, 1, 1], [], []>, transpose_lhs_hint = false} : vector<1000x128xf32>, vector<128x128xf32>, vector<1000x128xf32> -> vector<1000x128xf32>
    %add3A_34 = arith.addf %add3A_25, %dot_general3A_33 : vector<1000x128xf32>
    %get3A_35 = arith.constant 0 : index
    %get3A_36 = arith.constant 0 : index
    %get3A_37 = vector.load %arg10[%get3A_35, %get3A_36] : memref<8x128xf32, #tpu.memory_space<vmem>>, vector<1x128xf32>
    %add3A_38 = vector.broadcast %get3A_37 : vector<1x128xf32> to vector<1000x128xf32>
    %add3A_39 = arith.addf %add3A_34, %add3A_38 : vector<1000x128xf32>
    %swap3A = arith.constant 0 : index
    %swap3A_40 = arith.constant 0 : index
    %swap3A_41 = vector.load %arg11[%swap3A, %swap3A_40] : memref<1000x128xf32, #tpu.memory_space<vmem>>, vector<1000x128xf32>
    tpu.vector_store %arg11[%swap3A, %swap3A_40], %add3A_39 {strides = array<i32>} : memref<1000x128xf32, #tpu.memory_space<vmem>>, vector<1000x128xf32>,
    %eq3A = arith.constant 0 : i32
    %eq3A_42 = arith.cmpi eq, %arg0, %eq3A : i32
    %convert_element_type3A = arith.extui %eq3A_42 : i1 to i32
    %cond3A = arith.constant 0 : i32
    %cond3A_43 = arith.cmpi ne, %convert_element_type3A, %cond3A : i32
    scf.if %cond3A_43 {
      %broadcast_in_dim3A_63 = arith.constant 0.000000e+00 : f32
      %broadcast_in_dim3A_64 = vector.broadcast %broadcast_in_dim3A_63 : f32 to vector<16x128xf32>
      %swap3A_65 = arith.constant 0 : index
      %swap3A_66 = arith.constant 0 : index
      %swap3A_67 = vector.load %arg12[%swap3A_65, %swap3A_66] : memref<16x128xf32, #tpu.memory_space<vmem>>, vector<16x128xf32>
      tpu.vector_store %arg12[%swap3A_65, %swap3A_66], %broadcast_in_dim3A_64 {strides = array<i32>} : memref<16x128xf32, #tpu.memory_space<vmem>>, vector<16x128xf32>,
    } else {
    }
    %get3A_44 = arith.constant 0 : index
    %get3A_45 = arith.constant 0 : index
    %get3A_46 = vector.load %arg12[%get3A_44, %get3A_45] : memref<16x128xf32, #tpu.memory_space<vmem>>, vector<1x128xf32>
    %reduce_sum3A = arith.constant dense<0.000000e+00> : vector<128xf32>
    %reduce_sum3A_47 = vector.multi_reduction <add>, %add3A_39, %reduce_sum3A [0] : vector<1000x128xf32> to vector<128xf32>
    %broadcast_in_dim3A = vector.shape_cast %reduce_sum3A_47 : vector<128xf32> to vector<1x128xf32>
    %add3A_48 = arith.addf %get3A_46, %broadcast_in_dim3A : vector<1x128xf32>
    %swap3A_49 = arith.constant 0 : index
    %swap3A_50 = arith.constant 0 : index
    %swap3A_51 = vector.load %arg12[%swap3A_49, %swap3A_50] : memref<16x128xf32, #tpu.memory_space<vmem>>, vector<1x128xf32>
    tpu.vector_store %arg12[%swap3A_49, %swap3A_50], %add3A_48 {strides = array<i32>} : memref<16x128xf32, #tpu.memory_space<vmem>>, vector<1x128xf32>,
    %get3A_52 = arith.constant 8 : index
    %get3A_53 = arith.constant 0 : index
    %get3A_54 = vector.load %arg12[%get3A_52, %get3A_53] : memref<16x128xf32, #tpu.memory_space<vmem>>, vector<1x128xf32>
    %mul3A_55 = arith.mulf %add3A_39, %add3A_39 : vector<1000x128xf32>
    %reduce_sum3A_56 = arith.constant dense<0.000000e+00> : vector<128xf32>
    %reduce_sum3A_57 = vector.multi_reduction <add>, %mul3A_55, %reduce_sum3A_56 [0] : vector<1000x128xf32> to vector<128xf32>
    %broadcast_in_dim3A_58 = vector.shape_cast %reduce_sum3A_57 : vector<128xf32> to vector<1x128xf32>
    %add3A_59 = arith.addf %get3A_54, %broadcast_in_dim3A_58 : vector<1x128xf32>
    %swap3A_60 = arith.constant 8 : index
    %swap3A_61 = arith.constant 0 : index
    %swap3A_62 = vector.load %arg12[%swap3A_60, %swap3A_61] : memref<16x128xf32, #tpu.memory_space<vmem>>, vector<1x128xf32>
    tpu.vector_store %arg12[%swap3A_60, %swap3A_61], %add3A_59 {strides = array<i32>} : memref<16x128xf32, #tpu.memory_space<vmem>>, vector<1x128xf32>,
    return
  }
  func.func @transform_0(%arg0: i32) -> (i32, i32) {
    %c0_i32 = arith.constant 0 : i32
    %c0_i32_0 = arith.constant 0 : i32
    return %arg0, %c0_i32 : i32, i32
  }
  func.func @transform_1(%arg0: i32) -> (i32, i32) {
    %c0_i32 = arith.constant 0 : i32
    %c0_i32_0 = arith.constant 0 : i32
    return %arg0, %c0_i32 : i32, i32
  }
  func.func @transform_2(%arg0: i32) -> (i32, i32) {
    %c0_i32 = arith.constant 0 : i32
    %c0_i32_0 = arith.constant 0 : i32
    return %arg0, %c0_i32 : i32, i32
  }
  func.func @transform_3(%arg0: i32) -> (i32, i32) {
    %c0_i32 = arith.constant 0 : i32
    %c0_i32_0 = arith.constant 0 : i32
    return %arg0, %c0_i32 : i32, i32
  }
  func.func @transform_4(%arg0: i32) -> (i32, i32) {
    %c0_i32 = arith.constant 0 : i32
    %c0_i32_0 = arith.constant 0 : i32
    return %arg0, %c0_i32 : i32, i32
  }
  func.func @transform_5(%arg0: i32) -> (i32, i32) {
    %c0_i32 = arith.constant 0 : i32
    %c0_i32_0 = arith.constant 0 : i32
    %c0_i32_1 = arith.constant 0 : i32
    return %c0_i32, %c0_i32_0 : i32, i32
  }
  func.func @transform_6(%arg0: i32) -> (i32, i32) {
    %c0_i32 = arith.constant 0 : i32
    %c0_i32_0 = arith.constant 0 : i32
    %c0_i32_1 = arith.constant 0 : i32
    return %c0_i32, %c0_i32_0 : i32, i32
  }
  func.func @transform_7(%arg0: i32) -> (i32, i32) {
    %c0_i32 = arith.constant 0 : i32
    %c0_i32_0 = arith.constant 0 : i32
    %c0_i32_1 = arith.constant 0 : i32
    return %c0_i32, %c0_i32_0 : i32, i32
  }
  func.func @transform_8(%arg0: i32) -> (i32, i32) {
    %c0_i32 = arith.constant 0 : i32
    %c0_i32_0 = arith.constant 0 : i32
    %c0_i32_1 = arith.constant 0 : i32
    return %c0_i32, %c0_i32_0 : i32, i32
  }
  func.func @transform_9(%arg0: i32) -> (i32, i32) {
    %c0_i32 = arith.constant 0 : i32
    %c0_i32_0 = arith.constant 0 : i32
    %c0_i32_1 = arith.constant 0 : i32
    return %c0_i32, %c0_i32_0 : i32, i32
  }
  func.func @transform_10(%arg0: i32) -> (i32, i32) {
    %c0_i32 = arith.constant 0 : i32
    %c0_i32_0 = arith.constant 0 : i32
    return %arg0, %c0_i32 : i32, i32
  }
  func.func @transform_11(%arg0: i32) -> (i32, i32) {
    %c0_i32 = arith.constant 0 : i32
    %c0_i32_0 = arith.constant 0 : i32
    %c0_i32_1 = arith.constant 0 : i32
    return %c0_i32, %c0_i32_0 : i32, i32
  }
}

module attributes {stable_mosaic.version = 14 : i64} {
  func.func @_affine_selu_mm_kernel(%arg0: i32, %arg1: memref<1000x128xf32, #tpu.memory_space<vmem>>, %arg2: memref<8x128xf32, #tpu.memory_space<vmem>>, %arg3: memref<8x128xf32, #tpu.memory_space<vmem>>, %arg4: memref<128x128xf32, #tpu.memory_space<vmem>>, %arg5: memref<8x128xf32, #tpu.memory_space<vmem>>, %arg6: memref<1000x128xf32, #tpu.memory_space<vmem>>) attributes {dimension_semantics = [#tpu.dimension_semantics<arbitrary>], iteration_bounds = array<i64: 10>, scalar_prefetch = 0 : i64, scratch_operands = 0 : i64, tpu.core_type = #tpu.core_type<tc>, window_params = [{transform_indices = @transform_0, window_bounds = array<i64: 1000, 128>}, {pipeline_mode = #tpu.pipeline_mode<synchronous>, transform_indices = @transform_1, window_bounds = array<i64: 8, 128>}, {pipeline_mode = #tpu.pipeline_mode<synchronous>, transform_indices = @transform_2, window_bounds = array<i64: 8, 128>}, {pipeline_mode = #tpu.pipeline_mode<synchronous>, transform_indices = @transform_3, window_bounds = array<i64: 128, 128>}, {pipeline_mode = #tpu.pipeline_mode<synchronous>, transform_indices = @transform_4, window_bounds = array<i64: 8, 128>}, {transform_indices = @transform_5, window_bounds = array<i64: 1000, 128>}]} {
    %get3A = arith.constant 0 : index
    %get3A_0 = arith.constant 0 : index
    %get3A_1 = vector.load %arg1[%get3A, %get3A_0] : memref<1000x128xf32, #tpu.memory_space<vmem>>, vector<1000x128xf32>
    %get3A_2 = arith.constant 0 : index
    %get3A_3 = arith.constant 0 : index
    %get3A_4 = vector.load %arg2[%get3A_2, %get3A_3] : memref<8x128xf32, #tpu.memory_space<vmem>>, vector<1x128xf32>
    %mul3A = vector.broadcast %get3A_4 : vector<1x128xf32> to vector<1000x128xf32>
    %mul3A_5 = arith.mulf %get3A_1, %mul3A : vector<1000x128xf32>
    %get3A_6 = arith.constant 0 : index
    %get3A_7 = arith.constant 0 : index
    %get3A_8 = vector.load %arg3[%get3A_6, %get3A_7] : memref<8x128xf32, #tpu.memory_space<vmem>>, vector<1x128xf32>
    %add3A = vector.broadcast %get3A_8 : vector<1x128xf32> to vector<1000x128xf32>
    %add3A_9 = arith.addf %mul3A_5, %add3A : vector<1000x128xf32>
    %gt3A = arith.constant 0.000000e+00 : f32
    %gt3A_10 = vector.broadcast %gt3A : f32 to vector<1000x128xf32>
    %gt3A_11 = arith.cmpf ogt, %add3A_9, %gt3A_10 : vector<1000x128xf32>
    %min3A = arith.constant 0.000000e+00 : f32
    %min3A_12 = vector.broadcast %min3A : f32 to vector<1000x128xf32>
    %min3A_13 = arith.minimumf %add3A_9, %min3A_12 : vector<1000x128xf32>
    %exp3A = math.exp %min3A_13 : vector<1000x128xf32>
    %sub3A = arith.constant 1.000000e+00 : f32
    %sub3A_14 = vector.broadcast %sub3A : f32 to vector<1000x128xf32>
    %sub3A_15 = arith.subf %exp3A, %sub3A_14 : vector<1000x128xf32>
    %mul3A_16 = arith.constant 1.67326319 : f32
    %mul3A_17 = vector.broadcast %mul3A_16 : f32 to vector<1000x128xf32>
    %mul3A_18 = arith.mulf %mul3A_17, %sub3A_15 : vector<1000x128xf32>
    %select_n3A = arith.select %gt3A_11, %add3A_9, %mul3A_18 : vector<1000x128xi1>, vector<1000x128xf32>
    %mul3A_19 = arith.constant 1.05070102 : f32
    %mul3A_20 = vector.broadcast %mul3A_19 : f32 to vector<1000x128xf32>
    %mul3A_21 = arith.mulf %mul3A_20, %select_n3A : vector<1000x128xf32>
    %get3A_22 = arith.constant 0 : index
    %get3A_23 = arith.constant 0 : index
    %get3A_24 = vector.load %arg4[%get3A_22, %get3A_23] : memref<128x128xf32, #tpu.memory_space<vmem>>, vector<128x128xf32>
    %dot_general3A = arith.constant dense<0.000000e+00> : vector<1000x128xf32>
    %dot_general3A_25 = tpu.matmul %mul3A_21, %get3A_24, %dot_general3A {dimension_numbers = #tpu.dot_dimension_numbers<[1], [0], [0], [1], [0, 0, 1, 1], [], []>, transpose_lhs_hint = false} : vector<1000x128xf32>, vector<128x128xf32>, vector<1000x128xf32> -> vector<1000x128xf32>
    %get3A_26 = arith.constant 0 : index
    %get3A_27 = arith.constant 0 : index
    %get3A_28 = vector.load %arg5[%get3A_26, %get3A_27] : memref<8x128xf32, #tpu.memory_space<vmem>>, vector<1x128xf32>
    %add3A_29 = vector.broadcast %get3A_28 : vector<1x128xf32> to vector<1000x128xf32>
    %add3A_30 = arith.addf %dot_general3A_25, %add3A_29 : vector<1000x128xf32>
    %swap3A = arith.constant 0 : index
    %swap3A_31 = arith.constant 0 : index
    %swap3A_32 = vector.load %arg6[%swap3A, %swap3A_31] : memref<1000x128xf32, #tpu.memory_space<vmem>>, vector<1000x128xf32>
    tpu.vector_store %arg6[%swap3A, %swap3A_31], %add3A_30 {strides = array<i32>} : memref<1000x128xf32, #tpu.memory_space<vmem>>, vector<1000x128xf32>,
    return
  }
  func.func @transform_0(%arg0: i32) -> (i32, i32) {
    %c0_i32 = arith.constant 0 : i32
    %c0_i32_0 = arith.constant 0 : i32
    return %arg0, %c0_i32 : i32, i32
  }
  func.func @transform_1(%arg0: i32) -> (i32, i32) {
    %c0_i32 = arith.constant 0 : i32
    %c0_i32_0 = arith.constant 0 : i32
    %c0_i32_1 = arith.constant 0 : i32
    return %c0_i32, %c0_i32_0 : i32, i32
  }
  func.func @transform_2(%arg0: i32) -> (i32, i32) {
    %c0_i32 = arith.constant 0 : i32
    %c0_i32_0 = arith.constant 0 : i32
    %c0_i32_1 = arith.constant 0 : i32
    return %c0_i32, %c0_i32_0 : i32, i32
  }
  func.func @transform_3(%arg0: i32) -> (i32, i32) {
    %c0_i32 = arith.constant 0 : i32
    %c0_i32_0 = arith.constant 0 : i32
    %c0_i32_1 = arith.constant 0 : i32
    return %c0_i32, %c0_i32_0 : i32, i32
  }
  func.func @transform_4(%arg0: i32) -> (i32, i32) {
    %c0_i32 = arith.constant 0 : i32
    %c0_i32_0 = arith.constant 0 : i32
    %c0_i32_1 = arith.constant 0 : i32
    return %c0_i32, %c0_i32_0 : i32, i32
  }
  func.func @transform_5(%arg0: i32) -> (i32, i32) {
    %c0_i32 = arith.constant 0 : i32
    %c0_i32_0 = arith.constant 0 : i32
    return %arg0, %c0_i32 : i32, i32
  }
}

</mosaic_0001>

<sc_bundles>
// kernel: kernel.11.cloned.1.call-start
scs
__scs_entry_jumppad:
0x0: {  	(pc) =	sbr.rel $0x88, $3  }
0x1: {  	(tag) =	ssettag $0x0;
	lr =	simm.s32 $0x1  }
0x2: {  	[smem:$0x3F91] =	sst lr;
	_ =	strace $0xD0000000  }
0x3: {  	_ = 	snop  }
0x4: {  	_ = 	snop  }
0x5: {  	_ = 	snop  }
0x6: {  	_ = 	snop  }
0x7: {  	_ = 	snop  }
__scs_overlays_trampoline_lowered:
0x8: {  	[smem:$0x3FA0] =	sst s0  }
0x9: {  	[smem:$0x3FA1] =	sst s1  }
0xa: {  	[smem:$0x3FA2] =	sst s2  }
0xb: {  	[smem:$0x3FA3] =	sst s3  }
0xc: {  	[smem:$0x3FA4] =	sst s4  }
0xd: {  	[smem:$0x3FA5] =	sst s5  }
0xe: {  	[smem:$0x3FA6] =	sst s6  }
0xf: {  	[smem:$0x3FA7] =	sst s7  }
0x10: {  	[smem:$0x3FA8] =	sst s8  }
0x11: {  	[smem:$0x3FA9] =	sst s9;
	s0 =	simm.s32 @!p0 $0x0  }
0x12: {  	s1 =	sld [smem:$0x3F8F];
	s0 =	simm.s32 @p0 $0x1  }
0x13: {  	[smem:$0x3FAA] =	sst s0;
	s0 =	simm.s32 @!p1 $0x0  }
0x14: {  	s2 =	sld [smem:$0x3F8E];
	s0 =	simm.s32 @p1 $0x1  }
0x15: {  	[smem:$0x3FAB] =	sst s0;
	s0 =	simm.s32 @!p2 $0x0  }
0x16: {  	s3 =	sld [smem:$0x3FDB];
	s0 =	simm.s32 @p2 $0x1  }
0x17: {  	s4 =	simm.s32 $0x1BF5;
	[smem:$0x3FAD] =	sst s0  }
0x18: {  	s0 =	sld [smem:$0x3F90];
	_ =	swait.ge [sflag:s4], $0x0  }
0x19: {  	s7 =	sld [smem:$0x3F91]  }
0x1a: {  	s8 =	sadd.s32 $0xFFFFE003, lr  }
0x1b: {  	s9 =	sadd.s32 $0xFFFFFEF7, lr;
	s5 =	simm.s32 $0xFFFFFFFF;
	p2 =	slt.u32 s8, $0xFFFFF086  }
0x1c: {  	p1 =	slt.u32 s9, $0xF7A;
	s5 =	simm.s32 @!p2 $0x0  }
0x1d: {  	s5 =	simm.s32 @p1 $0x1;
	p0 =	seq.s32 s7, s2  }
0x1e: {  	s7 =	smul.u32 @!p0 $0xF7A, s2;
	p2 =	seq.s32 @!p0 s5, $0x0  }
0x1f: {  	s9 =	smul.u32 $0xF7A, s1;
	s8 =	simm.s32 @!p0 $0x1BF5;
	p2 =	por !p2, p0  }
0x20: {  	[sflag:s8] =	ssyncset.s32 @!p0 $0xFFFFF086;
	s6 =	sadd.s32 @!p0 s3, s7;
	s7 =	simm.s32 @!p0 $0x108  }
0x21: {  	s3 =	sadd.s32 s3, s9;
	s6 =	sadd.s32 @!p0 $0x88, s6;
	s7 =	simm.s32 @p2 $0x1082  }
0x22: {  	[simem:s7], [sflag:s8] =	dma.local @!p0 [hbm:s6], $0xF7A  }
0x23: {  	s9 =	sor.u32 $0xD0000000, s2;
	s6 =	simm.s32 $0x108;
	_ =	swait.ge @!p0 [sflag:s8], $0x0  }
0x24: {  	s3 =	sadd.s32 $0x88, s3;
	s6 =	simm.s32 @!p1 $0x1082;
	[sflag:s4] =	ssyncset.s32 $0xFFFFF086  }
0x25: {  	[simem:s6], [sflag:s4] =	dma.local [hbm:s3], $0xF7A  }
0x26: {  	[smem:$0x3F91] =	sst s1;
	(tag) =	ssettag s2;
	_ =	strace s9  }
0x27: {  	s1 =	sld [smem:$0x3FA1]  }
0x28: {  	s2 =	sld [smem:$0x3FA2]  }
0x29: {  	s4 =	sld [smem:$0x3FA4]  }
0x2a: {  	p0 =	seq.s32 s5, $0x0;
	s5 =	sld [smem:$0x3FA5]  }
0x2b: {  	s6 =	sld [smem:$0x3FA6]  }
0x2c: {  	s7 =	sld [smem:$0x3FA7]  }
0x2d: {  	s3 =	simm.s32 $0x108;
	s8 =	sld [smem:$0x3FA8]  }
0x2e: {  	s3 =	simm.s32 @!p0 $0x1082;
	s9 =	sld [smem:$0x3FA9]  }
0x2f: {  	lr =	sadd.s32 s0, s3;
	s0 =	sld [smem:$0x3FA0]  }
0x30: {  	s3 =	sld [smem:$0x3FA3]  }
0x31: {  	[smem:$0x3FAC] =	sst s10  }
0x32: {  	s10 =	sld [smem:$0x3FAA];
	_ =	sdelay $0x3  }
0x33: {  	p0 =	seq.s32 s10, $0x1;
	s10 =	sld [smem:$0x3FAC];
	_ =	sdelay $0x3  }
0x34: {  	[smem:$0x3FAC] =	sst s10  }
0x35: {  	s10 =	sld [smem:$0x3FAB];
	_ =	sdelay $0x3  }
0x36: {  	p1 =	seq.s32 s10, $0x1;
	s10 =	sld [smem:$0x3FAC];
	_ =	sdelay $0x3  }
0x37: {  	[smem:$0x3FAC] =	sst s10  }
0x38: {  	s10 =	sld [smem:$0x3FAD]  }
0x39: {  	_ = 	snop;
	(pc) =	sbr.ind lr, $3  }
0x3a: {  	_ = 	snop  }
0x3b: {  	_ = 	snop  }
0x3c: {  	p2 =	seq.s32 s10, $0x1;
	s10 =	sld [smem:$0x3FAC]  }
0x3d: {  	_ =	shalt  }
0x3e: {  	_ =	shalt  }
0x3f: {  	_ =	shalt  }
0x40: {  	_ =	shalt  }
0x41: {  	_ =	shalt  }
0x42: {  	_ =	shalt  }
0x43: {  	_ =	shalt  }
0x44: {  	_ =	shalt  }
0x45: {  	_ =	shalt  }
0x46: {  	_ =	shalt  }
0x47: {  	_ =	shalt  }
0x48: {  	_ =	shalt  }
0x49: {  	_ =	shalt  }
0x4a: {  	_ =	shalt  }
0x4b: {  	_ =	shalt  }
0x4c: {  	_ =	shalt  }
0x4d: {  	_ =	shalt  }
0x4e: {  	_ =	shalt  }
0x4f: {  	_ =	shalt  }
0x50: {  	_ =	shalt  }
0x51: {  	_ =	shalt  }
0x52: {  	_ =	shalt  }
0x53: {  	_ =	shalt  }
0x54: {  	_ =	shalt  }
0x55: {  	_ =	shalt  }
0x56: {  	_ =	shalt  }
0x57: {  	_ =	shalt  }
0x58: {  	_ =	shalt  }
0x59: {  	_ =	shalt  }
0x5a: {  	_ =	shalt  }
0x5b: {  	_ =	shalt  }
0x5c: {  	_ =	shalt  }
0x5d: {  	_ =	shalt  }
0x5e: {  	_ =	shalt  }
0x5f: {  	_ =	shalt  }
0x60: {  	_ =	shalt  }
0x61: {  	_ =	shalt  }
0x62: {  	_ =	shalt  }
0x63: {  	_ =	shalt  }
0x64: {  	_ =	shalt  }
0x65: {  	_ =	shalt  }
0x66: {  	_ =	shalt  }
0x67: {  	_ =	shalt  }
0x68: {  	_ =	shalt  }
0x69: {  	_ =	shalt  }
0x6a: {  	_ =	shalt  }
0x6b: {  	_ =	shalt  }
0x6c: {  	_ =	shalt  }
0x6d: {  	_ =	shalt  }
0x6e: {  	_ =	shalt  }
0x6f: {  	_ =	shalt  }
0x70: {  	_ =	shalt  }
0x71: {  	_ =	shalt  }
0x72: {  	_ =	shalt  }
0x73: {  	_ =	shalt  }
0x74: {  	_ =	shalt  }
0x75: {  	_ =	shalt  }
0x76: {  	_ =	shalt  }
0x77: {  	_ =	shalt  }
0x78: {  	_ =	shalt  }
0x79: {  	_ =	shalt  }
0x7a: {  	_ =	shalt  }
0x7b: {  	_ =	shalt  }
0x7c: {  	_ =	shalt  }
0x7d: {  	_ =	shalt  }
0x7e: {  	_ =	shalt  }
0x7f: {  	_ =	shalt  }
0x80: {  	_ =	shalt  }
0x81: {  	_ =	shalt  }
0x82: {  	_ =	shalt  }
0x83: {  	_ =	shalt  }
0x84: {  	_ =	shalt  }
0x85: {  	_ =	shalt  }
0x86: {  	_ =	shalt  }
0x87: {  	_ =	shalt  }
.Lfunc_end0:
.L_simem_size_0:
called_computation.1_lowered:
.L_overlay_start_0:
0x88: {  	s2 =	sld [smem:$0x3FD9]  }
0x89: {  	s3 =	sld [smem:$0x3FFE];
	_ =	sdelay $0x1  }
0x8a: {  	s1 =	srdreg.scid  }
0x8b: {  	s0 =	sand.u32 $0x1, s1  }
0x8c: {  	s17 =	sshll.u32 s0, $0xA;
	s2 =	sadd.s32 s3, s2  }
0x8d: {  	s2 =	sadd.s32 s2, s17  }
0x8e: {  	[smem:$0x3FB8] =	sst s2  }
0x8f: {  	_ = 	snop  }
0x90: {  	s2 =	sld [smem:$0x3FD0];
	(tm) =	ssettm $0x1  }
0x91: {  	s18 =	sld [smem:$0x3FFB];
	_ =	sdelay $0x3  }
0x92: {  	_ =	strace s18  }
0x93: {  	s3 =	sld [smem:$0x3FFC];
	_ =	sdelay $0x3  }
0x94: {  	_ =	strace s3  }
0x95: {  	s3 =	sld [smem:$0x3FFD];
	_ =	sdelay $0x3  }
0x96: {  	_ =	strace s3  }
0x97: {  	_ =	strace $0x8FFFFFFF  }
0x98: {  	s19 =	sld [smem:$0x3FDB];
	_ =	sdelay $0x1  }
0x99: {  	s4 =	simm.s32 $_scs_section_size  }
0x9a: {  	s5 =	simm.s32 $_size__tile_overlayer_lowered;
	s6 =	simm.s32 $_tile_overlayer_lowered  }
0x9b: {  	s22 =	simm.s32 $0x1BFF;
	s21 =	sshll.u32 s6, $0x1;
	s3 =	sadd.s32 s4, s19  }
0x9c: {  	s7 =	simm.s32 $0x0;
	s20 =	sshll.u32 s5, $0x1;
	s5 =	sadd.s32 s21, s3  }
0x9d: {  	[timem:s7], [sflag:s22] =	dma.local [hbm:s5], s20  }
0x9e: {  	_ =	swait.ge [sflag:s22], s20  }
0x9f: {  	s4 =	ssub.s32 $0x0, s20;
	[sflag:s22] =	ssyncset.done $0x0  }
0xa0: {  	[sflag:s22] =	ssyncadd.s32 s4;
	_ =	sdelay $0x1  }
0xa1: {  	s23 =	simm.s32 $0x1B8B  }
0xa2: {  	_ =	swait.ge [sflag:s23], $0x1  }
0xa3: {  	[sflag:s23] =	ssyncset.done $0x0  }
0xa4: {  	s25 =	simm.s32 $0x1B8E;
	s24 =	sld [smem:$0x3FFE];
	[sflag:s23] =	ssyncadd.s32 $0xFFFFFFFF  }
0xa5: {  	s26 =	simm.s32 $execute0_lowered;
	[smem:$0x3FD2] =	sst s25  }
0xa6: {  	s5 =	sshll.u32 s26, $0x1;
	_ =	strace $0x80000049;
	[dreg:$0x1] =	wrdreg $0xFFFFFFFF  }
0xa7: {  	s28 =	simm.s32 $_size_execute0_lowered;
	s3 =	sadd.s32 s3, s5;
	[dreg:$0x0] =	wrdreg $0x0  }
0xa8: {  	s5 =	sshll.u32 s28, $0x1;
	[dreg:$0x2] =	wrdreg s3  }
0xa9: {  	[dreg:$0x3] =	wrdreg s5  }
0xaa: {  	[dreg:$0x4] =	wrdreg $0xC0  }
0xab: {  	_ =	task [dreg:s7], $0x5FFFF  }
0xac: {  	[dreg:$0x1] =	wrdreg $0xFFFFFFFF  }
0xad: {  	[dreg:$0x0] =	wrdreg $0x60  }
0xae: {  	[dreg:$0x2] =	wrdreg s2  }
0xaf: {  	[dreg:$0x3] =	wrdreg s24  }
0xb0: {  	[dreg:$0x4] =	wrdreg $0x65000  }
0xb1: {  	[dreg:$0x5] =	wrdreg $0x9  }
0xb2: {  	_ =	task.clear_ibuf [dreg:s7], $0x6FFFF;
	_ =	strace $0x90000049  }
0xb3: {  	s29 =	simm.s32 $0x9;
	_ =	strace $0x8000004B  }
0xb4: {  	_ =	swait.ge [sflag:s29], $0x1  }
0xb5: {  	[sflag:s29] =	ssyncadd.s32 $0xFFFFFFFF  }
0xb6: {  	_ =	strace $0x9000004B  }
0xb7: {  	_ =	sfence  }
0xb8: {  	s30 =	sld [smem:$0x0];
	_ =	sdelay $0x2  }
0xb9: {  	s31 =	sshll.u32 s1, $0xD;
	s1 =	sshrl.u32 s1, $0x2  }
0xba: {  	s3 =	sand.u32 $0x4000, s31;
	s1 =	sadd.s32 s1, s30  }
0xbb: {  	s0 =	sor.u32 s3, s0;
	s1 =	sshll.u32 s1, $0x11  }
0xbc: {  	s0 =	sor.u32 s1, s0  }
0xbd: {  	s0 =	sadd.s32 $0x8F2B, s0  }
0xbe: {  	[sflag:s0] =	ssyncadd.remote.s32 $0x1  }
0xbf: {  	_ =	sfence.sel $0xFFFF  }
0xc0: {  	[dreg:$0x0] =	wrdreg $0xFFFFFFFF;
	(pc) =	sbr.abs _section_cstart, $3  }
0xc1: {  	[dreg:$0x1] =	wrdreg $0xFFFFFFFF  }
0xc2: {  	_ =	task.clear_ibuf [dreg:s7], $0x2FFFF;
	_ =	strace $0x9FFFFFFF  }
0xc3: {  	(tm) =	ssettm $0x7FFFFFFF  }
tec
execute0_lowered:
.L_overlay_start_1:
0x0: {  	(tag) =	ssettag $0x1  }
0x1: {  	s1 =	rddreg [dreg:$0x0]  }
0x2: {  	s0 =	rddreg [dreg:$0x1]  }
0x3: {  	s2 =	rddreg [dreg:$0x2];
	s3 =	srdreg.scid;
	s4 =	simm.s32 $0x0  }
0x4: {  	s17 =	stileid.u32;
	s18 =	simm.s32 $0x7;
	s28 =	simm.s32 $0x6  }
0x5: {  	s29 =	simm.s32 $0x2800;
	s30 =	simm.s32 $0x5000;
	s31 =	simm.s32 $0x1  }
0x6: {  	s19 =	simm.s32 $0x5;
	s3 =	sand.u32 $0x1, s3;
	[smem:$0x7FF] =	sst s4  }
0x7: {  	s5 =	sadd.s32 $0x4E5200, s0;
	s8 =	sadd.s32 $0x44400, s0;
	s22 =	smul.u32 $0x4E000, s17  }
0x8: {  	s9 =	sadd.s32 $0x44200, s0;
	s10 =	sadd.s32 $0x41A00, s0;
	s15 =	smul.u32 $0x13800, s17  }
0x9: {  	p0 =	sne.s32 s17, $0xF;
	_ =	strace $0x8000004A;
	[dreg:$0x4] =	wrdreg s8  }
0xa: {  	s26 =	sshll.u32 s17, $0x6;
	s6 =	sshll.u32 s3, $0x4;
	[dreg:$0x5] =	wrdreg s9  }
0xb: {  	s11 =	ssub.s32 $0x2, s3;
	s3 =	smul.u32 $0x138800, s3;
	s7 =	sor.u32 s17, s6  }
0xc: {  	s20 =	sor.u32 $0x1C07, s26;
	s6 =	sadd.s32 $0x3200, s0;
	s8 =	smul.u32 $0xFA, s7  }
0xd: {  	s0 =	sadd.s32 $0x94800, s0;
	s13 =	sshrl.u32 s11, $0x1;
	s12 =	smul.u32 $0x1F40, s7  }
0xe: {  	s9 =	sshrl.u32 s22, $0x2;
	s17 =	simm.s32 $0x4;
	s14 =	smul.u32 $0xFA00, s7  }
0xf: {  	s11 =	ssub.s32 s11, s13;
	s9 =	sadd.s32 s9, s2;
	s13 =	sadd.s32 $0x138000, s2  }
0x10: {  	s7 =	smul.u32 $0x27100, s7;
	s24 =	sadd.s32 s15, s3;
	s3 =	sshrl.u32 s3, $0x3  }
0x11: {  	s25 =	sshrl.u32 s24, $0x3;
	s3 =	sadd.s32 s0, s3;
	s16 =	smax.u32 s11, $0x1  }
0x12: {  	s21 =	sshrl.u32 s9, $0x3;
	s22 =	sshrl.u32 @!p0 s13, $0x3;
	s24 =	simm.s32 $0x28  }
0x13: {  	s14 =	sshrl.u32 s14, $0x3;
	s12 =	sadd.s32 s6, s12;
	s7 =	sadd.s32 s5, s7  }
0x14: {  	s0 =	sadd.s32 s0, s25;
	s15 =	sadd.s32 $0x27000, s3;
	[dreg:$0x6] =	wrdreg s12  }
0x15: {  	s25 =	simm.s32 $0x1400;
	s23 =	sadd.s32 s6, s14;
	[dreg:$0x8] =	wrdreg s7  }
0x16: {  	s3 =	simm.s32 $0x2;
	[dreg:$0x9] =	wrdreg s0;
	s12 =	sadd.s32 $0x140, s23  }
0x17: {  	s0 =	simm.s32 $0x3;
	s23 =	simm.s32 $0x0;
	[dreg:$0x7] =	wrdreg s12  }
.LBB2_1:
0x18: {  	s7 =	rddreg [dreg:$0x4];
	s9 =	simm.s32 $0x6400  }
0x19: {  	[tilespmem:s9], [sflag:$0x7] =	stream.linear.gather [hbm4b:s7+s4], $0x80, $0x38;
	[tilespmem:$0x19D80] =	vst v63  }
0x1a: {  	_ =	swait.ge [sflag:s18], $0x80  }
0x1b: {  	[sflag:s18] =	ssyncset.done $0x0  }
0x1c: {  	s26 =	simm.s32 $0x6480;
	s14 =	rddreg [dreg:$0x5];
	[sflag:s18] =	ssyncadd.s32 $0xFFFFFF80  }
0x1d: {  	[tilespmem:s26], [sflag:$0x7] =	stream.linear.gather [hbm4b:s14+s4], $0x80, $0x38;
	[tilespmem:$0x19D80] =	vst v63  }
0x1e: {  	_ =	swait.ge [sflag:s18], $0x80  }
0x1f: {  	[sflag:s18] =	ssyncset.done $0x0  }
0x20: {  	[sflag:s18] =	ssyncadd.s32 $0xFFFFFF80  }
0x21: {  	[spmem:s21], [sflag:s20] =	dma.local [hbm:s10], $0x2700  }
0x22: {  	_ =	swait.ge [sflag:s18], $0x2700  }
0x23: {  	[sflag:s18] =	ssyncset.done $0x0  }
0x24: {  	s7 =	simm.s32 @!p0 $0x7;
	[sflag:s18] =	ssyncadd.s32 $0xFFFFD900  }
0x25: {  	[spmem:s22], [sflag:s20] =	dma.local @!p0 [hbm:s10], $0x100  }
0x26: {  	_ =	swait.ge @!p0 [sflag:s7], $0x100  }
0x27: {  	[sflag:s7] =	ssyncset.done @!p0 $0x0  }
0x28: {  	[sflag:s7] =	ssyncadd.s32 @!p0 $0xFFFFFF00  }
0x29: {  	[bflag:$0x0] =	sbarrier.arrive $0xFFFF  }
0x2a: {  	v0 =	vld [tilespmem:$0x6400]  }
0x2b: {  	v1 =	vld [tilespmem:$0x6410]  }
0x2c: {  	v2 =	vld [tilespmem:$0x6420]  }
0x2d: {  	v3 =	vld [tilespmem:$0x6430]  }
0x2e: {  	v4 =	vld [tilespmem:$0x6440]  }
0x2f: {  	v5 =	vld [tilespmem:$0x6450]  }
0x30: {  	v6 =	vld [tilespmem:$0x6460]  }
0x31: {  	v7 =	vld [tilespmem:$0x6470]  }
0x32: {  	v8 =	vld [tilespmem:$0x6480]  }
0x33: {  	v9 =	vld [tilespmem:$0x6490]  }
0x34: {  	v10 =	vld [tilespmem:$0x64A0]  }
0x35: {  	v11 =	vld [tilespmem:$0x64B0]  }
0x36: {  	v12 =	vld [tilespmem:$0x64C0]  }
0x37: {  	v13 =	vld [tilespmem:$0x64D0]  }
0x38: {  	v14 =	vld [tilespmem:$0x64E0];
	s11 =	rddreg [dreg:$0x6]  }
0x39: {  	v15 =	vld [tilespmem:$0x64F0];
	[tilespmem:s4], [sflag:$0x7] =	stream.linear.gather [hbm4b:s11+s4], $0xA00, $0x38  }
0x3a: {  	_ =	swait.ge [sflag:s18], $0xA00  }
0x3b: {  	[sflag:s18] =	ssyncset.done $0x0  }
0x3c: {  	s13 =	simm.s32 $0xA00;
	s12 =	rddreg [dreg:$0x7];
	[sflag:s18] =	ssyncadd.s32 $0xFFFFF600  }
0x3d: {  	[tilespmem:s13], [sflag:$0x7] =	stream.linear.gather [hbm4b:s12+s4], $0xA00, $0x38;
	[tilespmem:$0x19D80] =	vst v63  }
0x3e: {  	_ =	swait.ge [sflag:s18], $0xA00  }
0x3f: {  	[sflag:s18] =	ssyncset.done $0x0  }
0x40: {  	[sflag:s18] =	ssyncadd.s32 $0xFFFFF600  }
0x41: {  	[tilespmem:s25], [sflag:$0x1] =	stream.indirect.gather [hbm4b:s1+s24], $0x80, s4, s24, $0xb8;
	[tilespmem:$0x19D80] =	vst v63  }
0x42: {  	s26 =	simm.s32 $0x3C00;
	s14 =	rddreg [dreg:$0x8]  }
0x43: {  	[tilespmem:s26], [sflag:$0x3] =	stream.linear.gather [hbm4b:s14+s4], $0x1400, $0x38;
	[tilespmem:$0x19D80] =	vst v63  }
0x44: {  	s26 =	simm.s32 $0x0  }
.LBB2_2:
0x45: {  	s7 =	smul.u32 $0xCD, s26;
	_ =	sdelay $0x1  }
0x46: {  	s7 =	sshrl.u32 s7, $0xA  }
0x47: {  	s7 =	sand.u32 $0x3F, s7  }
0x48: {  	s9 =	smul.u32 $0x5, s7;
	_ =	sdelay $0x1  }
0x49: {  	p1 =	seq.s32 s26, $0x0;
	s9 =	ssub.s32 s26, s9  }
0x4a: {  	s9 =	sand.u32 @!p1 $0xFF, s9  }
0x4b: {  	p2 =	sne.s32 @!p1 s9, $0x0  }
0x4c: {  	p2 =	por p1, p2  }
0x4d: {  	p3 =	sgt.u32 @!p2 s26, $0x77  }
0x4e: {  	p2 =	por p2, p3  }
.Ltmp0:
0x4f: {  	_ = 	snop;
	(pc) =	sbr.rel @p2 .LBB2_4-.Ltmp0, $1  }
0x50: {  	_ =	sdelay $0x3  }
0x51: {  	s9 =	sadd.s32 $0x1, s7  }
0x52: {  	s11 =	smul.u32 $0xA, s9;
	_ =	sdelay $0x1  }
0x53: {  	s11 =	sadd.s32 s8, s11  }
0x54: {  	s9 =	sand.u32 $0x1, s9;
	s11 =	sshll.u32 s11, $0x5  }
0x55: {  	p1 =	seq.s32 s9, $0x1;
	s9 =	simm.s32 $0xA00;
	s11 =	sand.u32 $0x7FFC0, s11  }
.Ltmp1:
0x56: {  	s9 =	simm.s32 @!p1 $0x0;
	s11 =	sadd.s32 s6, s11;
	(pc) =	sbr.rel .LBB2_5-.Ltmp1, $4  }
0x57: {  	[tilespmem:s9], [sflag:$0x7] =	stream.linear.gather [hbm4b:s11+s4], $0xA00, $0x38;
	[tilespmem:$0x19D80] =	vst v63  }
0x58: {  	_ =	swait.ge [sflag:s18], $0xA00  }
0x59: {  	[sflag:s18] =	ssyncset.done $0x0  }
0x5a: {  	[sflag:s18] =	ssyncadd.s32 $0xFFFFF600  }
.LBB2_4:
.Ltmp2:
0x5b: {  	(pc) =	sbr.rel @p1 .LBB2_6-.Ltmp2, $1  }
0x5c: {  	_ =	sdelay $0x3  }
.LBB2_5:
0x5d: {  	_ =	swait.ge [sflag:s28], $0x1400  }
0x5e: {  	[sflag:s28] =	ssyncset.done $0x0  }
0x5f: {  	[sflag:s28] =	ssyncadd.s32 $0xFFFFEC00  }
.LBB2_6:
0x60: {  	s9 =	sshll.u32 s26, $0x1  }
0x61: {  	s12 =	sor.u32 $0x1, s9  }
0x62: {  	s11 =	smul.u32 $0xCD, s12;
	_ =	sdelay $0x1  }
0x63: {  	s11 =	sshrl.u32 s11, $0xB  }
0x64: {  	s11 =	sand.u32 $0x1F, s11  }
0x65: {  	s11 =	smul.u32 $0xA, s11;
	_ =	sdelay $0x1  }
0x66: {  	s7 =	sand.u32 $0x1, s7;
	s11 =	ssub.s32 s12, s11  }
0x67: {  	p1 =	seq.s32 s7, $0x1;
	s13 =	sand.u32 $0xFF, s11;
	s11 =	simm.s32 $0xA00  }
0x68: {  	s12 =	sadd.s32 s8, s12;
	s11 =	simm.s32 @!p1 $0x0;
	s13 =	sshll.u32 s13, $0x8  }
0x69: {  	s12 =	smul.u32 $0x280, s12;
	s7 =	sadd.s32 s13, s11  }
0x6a: {  	[tilespmem:s29], [sflag:$0x2] =	stream.indirect.gather [hbm4b:s1+s24], $0x80, s7, s24, $0xb8;
	[tilespmem:$0x19D80] =	vst v63  }
0x6b: {  	s14 =	simm.s32 $0x0;
	s12 =	sadd.s32 s5, s12  }
0x6c: {  	[tilespmem:s30], [sflag:$0x4] =	stream.linear.gather [hbm4b:s12+s14], $0x1400, $0x38;
	[tilespmem:$0x19D80] =	vst v63  }
0x6d: {  	_ =	swait.ge [sflag:s31], $0x1400  }
0x6e: {  	[sflag:s31] =	ssyncset.done $0x0  }
0x6f: {  	[sflag:s31] =	ssyncadd.s32 $0xFFFFEC00  }
0x70: {  	_ =	swait.ge [sflag:s0], $0x1400  }
0x71: {  	[sflag:s0] =	ssyncset.done $0x0  }
0x72: {  	s12 =	simm.s32 $0x0;
	[sflag:s0] =	ssyncadd.s32 $0xFFFFEC00  }
0x73: {  	v17 =	vld [tilespmem:s12+$0x3C70]  }
0x74: {  	v16 =	vld [tilespmem:s12+$0x3C40]  }
0x75: {  	v18 =	vld [tilespmem:s12+$0x3C30]  }
0x76: {  	v19 =	vld [tilespmem:s12+$0x3C00]  }
0x77: {  	v20 =	vld [tilespmem:s12+$0x1400]  }
0x78: {  	v21 =	vld [tilespmem:s12+$0x1430]  }
0x79: {  	v22 =	vld [tilespmem:s12+$0x1440]  }
0x7a: {  	v23 =	vld [tilespmem:s12+$0x3C60]  }
0x7b: {  	v25 =	vld [tilespmem:s12+$0x1460]  }
0x7c: {  	v26 =	vld [tilespmem:s12+$0x1470]  }
0x7d: {  	v24 =	vld [tilespmem:s12+$0x3C20];
	v19 =	vadd.f32 v19, v20  }
0x7e: {  	v20 =	vld [tilespmem:s12+$0x1420];
	v18 =	vadd.f32 v18, v21;
	v16 =	vadd.f32 v16, v22  }
0x7f: {  	v27 =	vld [tilespmem:s12+$0x1410];
	v19 =	vmul.f32 v19, v0  }
0x80: {  	v28 =	vld [tilespmem:s12+$0x3C50];
	v25 =	vadd.f32 v23, v25;
	v18 =	vmul.f32 v18, v3;
	v16 =	vmul.f32 v16, v4  }
0x81: {  	v17 =	vadd.f32 v17, v26;
	v21 =	vadd.f32 v19, v8;
	v19 =	vld [tilespmem:s12+$0x3C10]  }
0x82: {  	v23 =	vadd.f32 v18, v11;
	v18 =	vld [tilespmem:s12+$0x1450];
	v22 =	vadd.f32 v16, v12  }
0x83: {  	v16 =	vmul.f32 v25, v6;
	v20 =	vadd.f32 v24, v20;
	v24 =	vmin.f32 v21, $0.0e+00  }
0x84: {  	v17 =	vmul.f32 v17, v7;
	v25 =	vmin.f32 v23, $0.0e+00;
	v24 =	vmul.f32 $1.442695020e+00, v24  }
0x85: {  	v16 =	vadd.f32 v16, v14;
	v26 =	vmin.f32 v22, $0.0e+00;
	v20 =	vmul.f32 v20, v2  }
0x86: {  	v25 =	vmul.f32 $1.442695020e+00, v25;
	v19 =	vadd.f32 v19, v27;
	(erf) = vpow2.f32 v24  }
0x87: {  	v24 =	vmul.f32 $1.442695020e+00, v26;
	v18 =	vadd.f32 v28, v18;
	v20 =	vadd.f32 v20, v10  }
0x88: {  	(erf) = vpow2.f32 v25;
	v25 =	vmin.f32 v16, $0.0e+00;
	v26 =	vmul.f32 v19, v1  }
0x89: {  	v19 =	vadd.f32 v17, v15;
	(erf) = vpow2.f32 v24;
	v17 =	vmul.f32 v18, v5  }
0x8a: {  	v24 =	vmin.f32 v20, $0.0e+00;
	v25 =	vmul.f32 $1.442695020e+00, v25;
	v18 =	vadd.f32 v26, v9  }
0x8b: {  	v24 =	vmul.f32 $1.442695020e+00, v24;
	v26 =	vmin.f32 v19, $0.0e+00;
	v17 =	vadd.f32 v17, v13  }
0x8c: {  	(erf) = vpow2.f32 v25;
	v26 =	vmul.f32 $1.442695020e+00, v26;
	v25 =	vmin.f32 v18, $0.0e+00  }
0x8d: {  	(erf) = vpow2.f32 v24;
	v24 =	vmul.f32 $1.442695020e+00, v25;
	v25 =	vmin.f32 v17, $0.0e+00  }
0x8e: {  	(erf) = vpow2.f32 v26  }
0x8f: {  	v26 =	vmul.f32 $1.442695020e+00, v25  }
0x90: {  	(erf) = vpow2.f32 v24;
	v25 =	vpop (erf)  }
0x91: {  	s13 =	simm.s32 $0x200;
	(erf) = vpow2.f32 v26;
	v24 =	vadd.f32 $-1.000000000e+00, v25;
	v25 =	vpop (erf)  }
.LBB2_7:
0x92: {  	p1 =	sne.s32 s13, $0x4E00;
	vm3 =	vgt.f32 v21, $0.0e+00;
	v25 =	vadd.f32 $-1.000000000e+00, v25;
	v26 =	vpop (erf);
	s14 =	smov.u32 s13;
	s13 =	sadd.s32 $0x200, s13  }
0x93: {  	vm0 =	vgt.f32 v20, $0.0e+00;
	vm2 =	vgt.f32 v16, $0.0e+00;
	v26 =	vadd.f32 $-1.000000000e+00, v26  }
0x94: {  	v24 =	vmul.f32 $1.673263190e+00, v24;
	vm4 =	vgt.f32 v23, $0.0e+00;
	s14 =	sshra.s32 s14, $0x2;
	v30 =	vmul.f32 $1.673263190e+00, v25  }
0x95: {  	vm5 =	vgt.f32 v22, $0.0e+00;
	vm1 =	vgt.f32 v19, $0.0e+00;
	v27 =	vld [tilespmem:s14+$0x3C70];
	v31 =	vmul.f32 $1.673263190e+00, v26;
	v28 =	vpop (erf)  }
0x96: {  	v21 =	vsel vm3, v21, v24;
	v29 =	vld [tilespmem:s14+$0x3C60];
	v23 =	vsel vm4, v23, v30;
	v24 =	vadd.f32 $-1.000000000e+00, v28;
	v25 =	vpop (erf)  }
0x97: {  	v21 =	vmul.f32 $1.050701020e+00, v21;
	v28 =	vld [tilespmem:s14+$0x3C40];
	v32 =	vadd.f32 $-1.000000000e+00, v25;
	v22 =	vsel vm5, v22, v31;
	v26 =	vpop (erf)  }
0x98: {  	v23 =	vmul.f32 $1.050701020e+00, v23;
	v30 =	vld [tilespmem:s14+$0x3C30];
	v33 =	vmul.f32 $1.673263190e+00, v24;
	v26 =	vadd.f32 $-1.000000000e+00, v26  }
0x99: {  	vm3 =	vgt.f32 v18, $0.0e+00;
	v22 =	vmul.f32 $1.050701020e+00, v22;
	v31 =	vld [tilespmem:s14+$0x3C00];
	[tilespmem:s12+$0x1400] =	vst v21;
	v21 =	vmul.f32 $1.673263190e+00, v32;
	v25 =	vpop (erf)  }
0x9a: {  	v32 =	vld [tilespmem:s14+$0x1400];
	v25 =	vadd.f32 $-1.000000000e+00, v25;
	[tilespmem:s12+$0x1430] =	vst v23;
	v16 =	vsel vm2, v16, v33;
	v23 =	vmul.f32 $1.673263190e+00, v26;
	v24 =	vpop (erf)  }
0x9b: {  	v26 =	vld [tilespmem:s14+$0x1430];
	v20 =	vsel vm0, v20, v21;
	[tilespmem:s12+$0x1440] =	vst v22;
	v21 =	vadd.f32 $-1.000000000e+00, v24;
	v16 =	vmul.f32 $1.050701020e+00, v16  }
0x9c: {  	v22 =	vld [tilespmem:s14+$0x1440];
	v24 =	vmul.f32 $1.673263190e+00, v25;
	v20 =	vmul.f32 $1.050701020e+00, v20;
	v19 =	vsel vm1, v19, v23  }
0x9d: {  	v23 =	vld [tilespmem:s14+$0x3C20];
	v21 =	vmul.f32 $1.673263190e+00, v21;
	[tilespmem:s12+$0x1460] =	vst v16;
	v16 =	vmul.f32 $1.050701020e+00, v19  }
0x9e: {  	vm0 =	vgt.f32 v17, $0.0e+00;
	v19 =	vld [tilespmem:s14+$0x1460];
	v18 =	vsel vm3, v18, v24;
	[tilespmem:s12+$0x1420] =	vst v20  }
0x9f: {  	v20 =	vadd.f32 v31, v32;
	v24 =	vld [tilespmem:s14+$0x1420];
	v18 =	vmul.f32 $1.050701020e+00, v18;
	v17 =	vsel vm0, v17, v21;
	[tilespmem:s12+$0x1470] =	vst v16  }
0xa0: {  	v16 =	vadd.f32 v30, v26;
	v25 =	vld [tilespmem:s14+$0x1470];
	v17 =	vmul.f32 $1.050701020e+00, v17  }
0xa1: {  	v20 =	vmul.f32 v20, v0;
	v22 =	vadd.f32 v28, v22;
	[tilespmem:s12+$0x1410] =	vst v18  }
0xa2: {  	v18 =	vld [tilespmem:s14+$0x1410];
	v16 =	vmul.f32 v16, v3;
	[tilespmem:s12+$0x1450] =	vst v17;
	s12 =	smov.u32 s14  }
0xa3: {  	v21 =	vadd.f32 v20, v8;
	v17 =	vld [tilespmem:s12+$0x3C10];
	v20 =	vmul.f32 v22, v4;
	v19 =	vadd.f32 v29, v19  }
0xa4: {  	v24 =	vadd.f32 v23, v24;
	v23 =	vadd.f32 v16, v11;
	v26 =	vld [tilespmem:s12+$0x1450]  }
0xa5: {  	v16 =	vmin.f32 v21, $0.0e+00;
	v22 =	vadd.f32 v20, v12;
	v28 =	vld [tilespmem:s12+$0x3C50];
	v19 =	vmul.f32 v19, v6  }
0xa6: {  	v20 =	vmul.f32 $1.442695020e+00, v16;
	v24 =	vmul.f32 v24, v2;
	v16 =	vmin.f32 v23, $0.0e+00  }
0xa7: {  	v29 =	vmul.f32 $1.442695020e+00, v16;
	v16 =	vadd.f32 v19, v14;
	v19 =	vadd.f32 v27, v25  }
0xa8: {  	v17 =	vadd.f32 v17, v18;
	v18 =	vmin.f32 v22, $0.0e+00;
	(erf) = vpow2.f32 v20  }
0xa9: {  	v20 =	vadd.f32 v24, v10;
	v18 =	vmul.f32 $1.442695020e+00, v18;
	v19 =	vmul.f32 v19, v7  }
0xaa: {  	v25 =	vmin.f32 v16, $0.0e+00;
	v24 =	vadd.f32 v28, v26;
	(erf) = vpow2.f32 v29  }
0xab: {  	v17 =	vmul.f32 v17, v1;
	v19 =	vadd.f32 v19, v15;
	(erf) = vpow2.f32 v18  }
0xac: {  	v26 =	vmin.f32 v20, $0.0e+00;
	v25 =	vmul.f32 $1.442695020e+00, v25;
	v24 =	vmul.f32 v24, v5  }
0xad: {  	v26 =	vmul.f32 $1.442695020e+00, v26;
	v18 =	vadd.f32 v17, v9;
	v27 =	vmin.f32 v19, $0.0e+00  }
0xae: {  	v17 =	vadd.f32 v24, v13;
	v27 =	vmul.f32 $1.442695020e+00, v27;
	(erf) = vpow2.f32 v25  }
.Ltmp3:
0xaf: {  	v25 =	vmin.f32 v18, $0.0e+00;
	(erf) = vpow2.f32 v26;
	(pc) =	sbr.rel @p1 .LBB2_7-.Ltmp3, $4  }
0xb0: {  	v28 =	vmul.f32 $1.442695020e+00, v25;
	v26 =	vmin.f32 v17, $0.0e+00;
	(erf) = vpow2.f32 v27  }
0xb1: {  	v26 =	vmul.f32 $1.442695020e+00, v26;
	v24 =	vpop (erf)  }
0xb2: {  	v24 =	vadd.f32 $-1.000000000e+00, v24;
	(erf) = vpow2.f32 v28  }
0xb3: {  	v25 =	vpop (erf);
	(erf) = vpow2.f32 v26  }
0xb4: {  	v26 =	vpop (erf);
	v25 =	vadd.f32 $-1.000000000e+00, v25  }
0xb5: {  	v26 =	vadd.f32 $-1.000000000e+00, v26  }
0xb6: {  	v25 =	vmul.f32 $1.673263190e+00, v25  }
0xb7: {  	vm0 =	vgt.f32 v21, $0.0e+00;
	vm1 =	vgt.f32 v20, $0.0e+00;
	v26 =	vmul.f32 $1.673263190e+00, v26  }
0xb8: {  	vm2 =	vgt.f32 v16, $0.0e+00;
	v24 =	vmul.f32 $1.673263190e+00, v24;
	vm3 =	vgt.f32 v23, $0.0e+00  }
0xb9: {  	vm4 =	vgt.f32 v22, $0.0e+00;
	vm5 =	vgt.f32 v19, $0.0e+00;
	vm14 =	vgt.f32 v18, $0.0e+00;
	v27 =	vpop (erf)  }
0xba: {  	v21 =	vsel vm0, v21, v24;
	v23 =	vsel vm3, v23, v25;
	v24 =	vadd.f32 $-1.000000000e+00, v27;
	v25 =	vpop (erf)  }
0xbb: {  	v21 =	vmul.f32 $1.050701020e+00, v21;
	v22 =	vsel vm4, v22, v26;
	v25 =	vadd.f32 $-1.000000000e+00, v25;
	v26 =	vpop (erf)  }
0xbc: {  	v23 =	vmul.f32 $1.050701020e+00, v23;
	v24 =	vmul.f32 $1.673263190e+00, v24;
	v26 =	vadd.f32 $-1.000000000e+00, v26;
	v27 =	vpop (erf)  }
0xbd: {  	s13 =	smulhi.u32 $0x66666667, s9;
	v22 =	vmul.f32 $1.050701020e+00, v22;
	v25 =	vmul.f32 $1.673263190e+00, v25;
	v27 =	vadd.f32 $-1.000000000e+00, v27;
	v28 =	vpop (erf)  }
0xbe: {  	[tilespmem:s12+$0x1400] =	vst v21;
	v16 =	vsel vm2, v16, v24;
	v21 =	vmul.f32 $1.673263190e+00, v26;
	v24 =	vadd.f32 $-1.000000000e+00, v28  }
0xbf: {  	s13 =	sshrl.u32 s13, $0x2;
	[tilespmem:s12+$0x1430] =	vst v23;
	v16 =	vmul.f32 $1.050701020e+00, v16;
	v20 =	vsel vm1, v20, v25;
	v23 =	vmul.f32 $1.673263190e+00, v27  }
0xc0: {  	s13 =	smul.u32 $0xA, s13;
	[tilespmem:s12+$0x1440] =	vst v22;
	v20 =	vmul.f32 $1.050701020e+00, v20;
	v19 =	vsel vm5, v19, v21;
	v21 =	vmul.f32 $1.673263190e+00, v24  }
0xc1: {  	vm15 =	vgt.f32 v17, $0.0e+00;
	[tilespmem:s12+$0x1460] =	vst v16;
	v16 =	vmul.f32 $1.050701020e+00, v19;
	v18 =	vsel vm14, v18, v23  }
0xc2: {  	s13 =	ssub.s32 s9, s13;
	[tilespmem:s12+$0x1420] =	vst v20;
	v18 =	vmul.f32 $1.050701020e+00, v18;
	v17 =	vsel vm15, v17, v21  }
0xc3: {  	p1 =	seq.s32 s26, $0x7C;
	s13 =	sshll.u32 s13, $0x8;
	[tilespmem:s12+$0x1470] =	vst v16;
	v16 =	vmul.f32 $1.050701020e+00, v17  }
0xc4: {  	s9 =	sadd.s32 @!p1 $0x2, s9;
	s11 =	sadd.s32 s13, s11;
	[tilespmem:s12+$0x1410] =	vst v18  }
0xc5: {  	s11 =	sadd.s32 $0x80, s11;
	[tilespmem:s12+$0x1450] =	vst v16;
	s12 =	smulhi.u32 @!p1 $0x66666667, s9  }
0xc6: {  	[spmem:s2] =	stream.indirect.scatter.add.f32 [tilespmem:s25], [sflag:$0x5], $0x80, s11, s24, $0xb8;
	[tilespmem:$0x19D80] =	vst v63  }
0xc7: {  	s11 =	sshrl.u32 @!p1 s12, $0x2  }
0xc8: {  	s12 =	simm.s32 @!p1 $0x5;
	s13 =	smul.u32 @!p1 $0xA, s11;
	s11 =	sand.u32 @!p1 $0x1, s11  }
0xc9: {  	_ =	swait.ge @!p1 [sflag:s12], $0x1400;
	p2 =	seq.s32 @!p1 s11, $0x1  }
0xca: {  	[sflag:s12] =	ssyncset.done @!p1 $0x0;
	s11 =	ssub.s32 @!p1 s9, s13;
	s13 =	simm.s32 @!p1 $0xA00  }
0xcb: {  	p2 =	por !p2, p1;
	[sflag:s12] =	ssyncadd.s32 @!p1 $0xFFFFEC00;
	s9 =	sadd.s32 @!p1 s8, s9  }
0xcc: {  	s12 =	simm.s32 @!p1 $0x28;
	s13 =	simm.s32 @p2 $0x0;
	s11 =	sshll.u32 @!p1 s11, $0x8  }
0xcd: {  	s9 =	smul.u32 @!p1 $0x280, s9;
	s11 =	sadd.s32 @!p1 s11, s13;
	s13 =	simm.s32 @!p1 $0x1400  }
0xce: {  	[tilespmem:s13], [sflag:$0x1] =	stream.indirect.gather @!p1 [hbm4b:s1+s12], $0x80, s11, s12, $0xb8;
	[tilespmem:$0x19D80] =	vst v63  }
0xcf: {  	s9 =	sadd.s32 @!p1 s5, s9;
	s11 =	simm.s32 @!p1 $0x0;
	s12 =	simm.s32 @!p1 $0x3C00  }
0xd0: {  	[tilespmem:s12], [sflag:$0x3] =	stream.linear.gather @!p1 [hbm4b:s9+s11], $0x1400, $0x38;
	[tilespmem:$0x19D80] =	vst v63  }
0xd1: {  	_ =	swait.ge [sflag:s3], $0x1400  }
0xd2: {  	[sflag:s3] =	ssyncset.done $0x0  }
0xd3: {  	[sflag:s3] =	ssyncadd.s32 $0xFFFFEC00  }
0xd4: {  	_ =	swait.ge [sflag:s17], $0x1400  }
0xd5: {  	[sflag:s17] =	ssyncset.done $0x0  }
0xd6: {  	s9 =	simm.s32 $0x0;
	[sflag:s17] =	ssyncadd.s32 $0xFFFFEC00  }
0xd7: {  	v17 =	vld [tilespmem:s9+$0x5070]  }
0xd8: {  	v16 =	vld [tilespmem:s9+$0x5040]  }
0xd9: {  	v18 =	vld [tilespmem:s9+$0x5030]  }
0xda: {  	v19 =	vld [tilespmem:s9+$0x5000]  }
0xdb: {  	v20 =	vld [tilespmem:s9+$0x2800]  }
0xdc: {  	v21 =	vld [tilespmem:s9+$0x2830]  }
0xdd: {  	v22 =	vld [tilespmem:s9+$0x2840]  }
0xde: {  	v23 =	vld [tilespmem:s9+$0x5060]  }
0xdf: {  	v25 =	vld [tilespmem:s9+$0x2860]  }
0xe0: {  	v26 =	vld [tilespmem:s9+$0x2870]  }
0xe1: {  	v24 =	vld [tilespmem:s9+$0x5020];
	v19 =	vadd.f32 v19, v20  }
0xe2: {  	v20 =	vld [tilespmem:s9+$0x2820];
	v18 =	vadd.f32 v18, v21;
	v16 =	vadd.f32 v16, v22  }
0xe3: {  	v27 =	vld [tilespmem:s9+$0x2810];
	v19 =	vmul.f32 v19, v0  }
0xe4: {  	v63 =	vld [tilespmem:s9+$0x5050];
	v25 =	vadd.f32 v23, v25;
	v18 =	vmul.f32 v18, v3;
	v16 =	vmul.f32 v16, v4  }
0xe5: {  	v17 =	vadd.f32 v17, v26;
	v21 =	vadd.f32 v19, v8;
	v19 =	vld [tilespmem:s9+$0x5010]  }
0xe6: {  	v23 =	vadd.f32 v18, v11;
	v18 =	vld [tilespmem:s9+$0x2850];
	v22 =	vadd.f32 v16, v12  }
0xe7: {  	v16 =	vmul.f32 v25, v6;
	v20 =	vadd.f32 v24, v20;
	v24 =	vmin.f32 v21, $0.0e+00  }
0xe8: {  	v17 =	vmul.f32 v17, v7;
	v25 =	vmin.f32 v23, $0.0e+00;
	v24 =	vmul.f32 $1.442695020e+00, v24  }
0xe9: {  	v16 =	vadd.f32 v16, v14;
	v26 =	vmin.f32 v22, $0.0e+00;
	v20 =	vmul.f32 v20, v2  }
0xea: {  	v25 =	vmul.f32 $1.442695020e+00, v25;
	v19 =	vadd.f32 v19, v27;
	(erf) = vpow2.f32 v24  }
0xeb: {  	v24 =	vmul.f32 $1.442695020e+00, v26;
	v26 =	vadd.f32 v63, v18;
	v20 =	vadd.f32 v20, v10  }
0xec: {  	v18 =	vadd.f32 v17, v15;
	(erf) = vpow2.f32 v25;
	v19 =	vmul.f32 v19, v1  }
0xed: {  	v25 =	vmin.f32 v16, $0.0e+00;
	(erf) = vpow2.f32 v24;
	v17 =	vmul.f32 v26, v5  }
0xee: {  	v24 =	vmin.f32 v20, $0.0e+00;
	v25 =	vmul.f32 $1.442695020e+00, v25;
	v19 =	vadd.f32 v19, v9  }
0xef: {  	v26 =	vmin.f32 v18, $0.0e+00;
	v24 =	vmul.f32 $1.442695020e+00, v24;
	v17 =	vadd.f32 v17, v13  }
0xf0: {  	v26 =	vmul.f32 $1.442695020e+00, v26;
	(erf) = vpow2.f32 v25;
	v25 =	vmin.f32 v19, $0.0e+00  }
0xf1: {  	(erf) = vpow2.f32 v24;
	v24 =	vmul.f32 $1.442695020e+00, v25;
	v25 =	vmin.f32 v17, $0.0e+00  }
0xf2: {  	(erf) = vpow2.f32 v26  }
0xf3: {  	v26 =	vmul.f32 $1.442695020e+00, v25  }
0xf4: {  	v25 =	vpop (erf);
	(erf) = vpow2.f32 v24  }
0xf5: {  	s11 =	simm.s32 $0x200;
	v24 =	vadd.f32 $-1.000000000e+00, v25;
	v25 =	vpop (erf);
	(erf) = vpow2.f32 v26  }
.LBB2_9:
0xf6: {  	p1 =	sne.s32 s11, $0x4E00;
	vm3 =	vgt.f32 v21, $0.0e+00;
	v25 =	vadd.f32 $-1.000000000e+00, v25;
	v26 =	vpop (erf);
	s12 =	smov.u32 s11;
	s11 =	sadd.s32 $0x200, s11  }
0xf7: {  	vm0 =	vgt.f32 v20, $0.0e+00;
	vm2 =	vgt.f32 v16, $0.0e+00;
	v26 =	vadd.f32 $-1.000000000e+00, v26  }
0xf8: {  	v24 =	vmul.f32 $1.673263190e+00, v24;
	vm4 =	vgt.f32 v23, $0.0e+00;
	s12 =	sshra.s32 s12, $0x2;
	v30 =	vmul.f32 $1.673263190e+00, v25  }
0xf9: {  	vm5 =	vgt.f32 v22, $0.0e+00;
	vm1 =	vgt.f32 v18, $0.0e+00;
	v27 =	vld [tilespmem:s12+$0x5070];
	v31 =	vmul.f32 $1.673263190e+00, v26;
	v28 =	vpop (erf)  }
0xfa: {  	v21 =	vsel vm3, v21, v24;
	v29 =	vld [tilespmem:s12+$0x5060];
	v23 =	vsel vm4, v23, v30;
	v24 =	vadd.f32 $-1.000000000e+00, v28;
	v25 =	vpop (erf)  }
0xfb: {  	v21 =	vmul.f32 $1.050701020e+00, v21;
	v28 =	vld [tilespmem:s12+$0x5040];
	v32 =	vadd.f32 $-1.000000000e+00, v25;
	v22 =	vsel vm5, v22, v31;
	v26 =	vpop (erf)  }
0xfc: {  	v23 =	vmul.f32 $1.050701020e+00, v23;
	v30 =	vld [tilespmem:s12+$0x5030];
	v33 =	vmul.f32 $1.673263190e+00, v24;
	v26 =	vadd.f32 $-1.000000000e+00, v26  }
0xfd: {  	vm3 =	vgt.f32 v19, $0.0e+00;
	v22 =	vmul.f32 $1.050701020e+00, v22;
	v31 =	vld [tilespmem:s12+$0x5000];
	[tilespmem:s9+$0x2800] =	vst v21;
	v21 =	vmul.f32 $1.673263190e+00, v32;
	v25 =	vpop (erf)  }
0xfe: {  	v32 =	vld [tilespmem:s12+$0x2800];
	v25 =	vadd.f32 $-1.000000000e+00, v25;
	[tilespmem:s9+$0x2830] =	vst v23;
	v16 =	vsel vm2, v16, v33;
	v23 =	vmul.f32 $1.673263190e+00, v26;
	v24 =	vpop (erf)  }
0xff: {  	v26 =	vld [tilespmem:s12+$0x2830];
	v20 =	vsel vm0, v20, v21;
	[tilespmem:s9+$0x2840] =	vst v22;
	v21 =	vadd.f32 $-1.000000000e+00, v24;
	v16 =	vmul.f32 $1.050701020e+00, v16  }
0x100: {  	v22 =	vld [tilespmem:s12+$0x2840];
	v24 =	vmul.f32 $1.673263190e+00, v25;
	v20 =	vmul.f32 $1.050701020e+00, v20;
	v18 =	vsel vm1, v18, v23  }
0x101: {  	v23 =	vld [tilespmem:s12+$0x5020];
	v21 =	vmul.f32 $1.673263190e+00, v21;
	[tilespmem:s9+$0x2860] =	vst v16;
	v16 =	vmul.f32 $1.050701020e+00, v18  }
0x102: {  	vm0 =	vgt.f32 v17, $0.0e+00;
	v18 =	vld [tilespmem:s12+$0x2860];
	v19 =	vsel vm3, v19, v24;
	[tilespmem:s9+$0x2820] =	vst v20  }
0x103: {  	v20 =	vadd.f32 v31, v32;
	v24 =	vld [tilespmem:s12+$0x2820];
	v19 =	vmul.f32 $1.050701020e+00, v19;
	v17 =	vsel vm0, v17, v21;
	[tilespmem:s9+$0x2870] =	vst v16  }
0x104: {  	v16 =	vadd.f32 v30, v26;
	v25 =	vld [tilespmem:s12+$0x2870];
	v17 =	vmul.f32 $1.050701020e+00, v17  }
0x105: {  	v20 =	vmul.f32 v20, v0;
	v22 =	vadd.f32 v28, v22;
	[tilespmem:s9+$0x2810] =	vst v19  }
0x106: {  	v19 =	vld [tilespmem:s12+$0x2810];
	v16 =	vmul.f32 v16, v3;
	[tilespmem:s9+$0x2850] =	vst v17;
	s9 =	smov.u32 s12  }
0x107: {  	v21 =	vadd.f32 v20, v8;
	v17 =	vld [tilespmem:s9+$0x5010];
	v20 =	vmul.f32 v22, v4;
	v18 =	vadd.f32 v29, v18  }
0x108: {  	v24 =	vadd.f32 v23, v24;
	v23 =	vadd.f32 v16, v11;
	v26 =	vld [tilespmem:s9+$0x2850]  }
0x109: {  	v16 =	vmin.f32 v21, $0.0e+00;
	v22 =	vadd.f32 v20, v12;
	v28 =	vld [tilespmem:s9+$0x5050];
	v18 =	vmul.f32 v18, v6  }
0x10a: {  	v20 =	vmul.f32 $1.442695020e+00, v16;
	v24 =	vmul.f32 v24, v2;
	v16 =	vmin.f32 v23, $0.0e+00  }
0x10b: {  	v29 =	vmul.f32 $1.442695020e+00, v16;
	v16 =	vadd.f32 v18, v14;
	v18 =	vadd.f32 v27, v25  }
0x10c: {  	v17 =	vadd.f32 v17, v19;
	v19 =	vmin.f32 v22, $0.0e+00;
	(erf) = vpow2.f32 v20  }
0x10d: {  	v20 =	vadd.f32 v24, v10;
	v19 =	vmul.f32 $1.442695020e+00, v19;
	v18 =	vmul.f32 v18, v7  }
0x10e: {  	v25 =	vmin.f32 v16, $0.0e+00;
	v24 =	vadd.f32 v28, v26;
	(erf) = vpow2.f32 v29  }
0x10f: {  	v17 =	vmul.f32 v17, v1;
	v18 =	vadd.f32 v18, v15;
	(erf) = vpow2.f32 v19  }
0x110: {  	v26 =	vmin.f32 v20, $0.0e+00;
	v25 =	vmul.f32 $1.442695020e+00, v25;
	v24 =	vmul.f32 v24, v5  }
0x111: {  	v26 =	vmul.f32 $1.442695020e+00, v26;
	v19 =	vadd.f32 v17, v9;
	v27 =	vmin.f32 v18, $0.0e+00  }
0x112: {  	v17 =	vadd.f32 v24, v13;
	v27 =	vmul.f32 $1.442695020e+00, v27;
	(erf) = vpow2.f32 v25  }
.Ltmp4:
0x113: {  	v25 =	vmin.f32 v19, $0.0e+00;
	(erf) = vpow2.f32 v26;
	(pc) =	sbr.rel @p1 .LBB2_9-.Ltmp4, $4  }
0x114: {  	v28 =	vmul.f32 $1.442695020e+00, v25;
	v26 =	vmin.f32 v17, $0.0e+00;
	(erf) = vpow2.f32 v27  }
0x115: {  	v26 =	vmul.f32 $1.442695020e+00, v26;
	v24 =	vpop (erf)  }
0x116: {  	v24 =	vadd.f32 $-1.000000000e+00, v24;
	(erf) = vpow2.f32 v28  }
0x117: {  	v25 =	vpop (erf);
	(erf) = vpow2.f32 v26  }
0x118: {  	_ = 	snop  }
0x119: {  	v26 =	vpop (erf);
	vm0 =	vgt.f32 v21, $0.0e+00;
	v25 =	vadd.f32 $-1.000000000e+00, v25;
	vm1 =	vgt.f32 v20, $0.0e+00  }
0x11a: {  	vm2 =	vgt.f32 v16, $0.0e+00;
	v24 =	vmul.f32 $1.673263190e+00, v24;
	v26 =	vadd.f32 $-1.000000000e+00, v26  }
0x11b: {  	vm3 =	vgt.f32 v23, $0.0e+00;
	vm4 =	vgt.f32 v22, $0.0e+00;
	vm5 =	vgt.f32 v18, $0.0e+00  }
0x11c: {  	v25 =	vmul.f32 $1.673263190e+00, v25;
	v21 =	vsel vm0, v21, v24;
	v26 =	vmul.f32 $1.673263190e+00, v26;
	v27 =	vpop (erf)  }
0x11d: {  	vm14 =	vgt.f32 v19, $0.0e+00;
	v21 =	vmul.f32 $1.050701020e+00, v21;
	v55 =	vadd.f32 $-1.000000000e+00, v27;
	v56 =	vpop (erf)  }
0x11e: {  	v23 =	vsel vm3, v23, v25;
	v25 =	vadd.f32 $-1.000000000e+00, v56;
	v22 =	vsel vm4, v22, v26;
	v57 =	vpop (erf)  }
0x11f: {  	v23 =	vmul.f32 $1.050701020e+00, v23;
	v24 =	vmul.f32 $1.673263190e+00, v55;
	v26 =	vadd.f32 $-1.000000000e+00, v57;
	v58 =	vpop (erf)  }
0x120: {  	v22 =	vmul.f32 $1.050701020e+00, v22;
	v25 =	vmul.f32 $1.673263190e+00, v25;
	v27 =	vadd.f32 $-1.000000000e+00, v58;
	v28 =	vpop (erf)  }
0x121: {  	[tilespmem:s9+$0x2800] =	vst v21;
	v16 =	vsel vm2, v16, v24;
	v59 =	vmul.f32 $1.673263190e+00, v26;
	v60 =	vadd.f32 $-1.000000000e+00, v28  }
0x122: {  	[tilespmem:s9+$0x2830] =	vst v23;
	v20 =	vsel vm1, v20, v25;
	v16 =	vmul.f32 $1.050701020e+00, v16;
	v61 =	vmul.f32 $1.673263190e+00, v27  }
0x123: {  	s26 =	sadd.s32 $0x1, s26;
	[tilespmem:s9+$0x2840] =	vst v22;
	v20 =	vmul.f32 $1.050701020e+00, v20;
	v18 =	vsel vm5, v18, v59;
	v62 =	vmul.f32 $1.673263190e+00, v60  }
0x124: {  	vm15 =	vgt.f32 v17, $0.0e+00;
	p1 =	sne.s32 s26, $0x7D;
	[tilespmem:s9+$0x2860] =	vst v16;
	v16 =	vmul.f32 $1.050701020e+00, v18;
	v63 =	vsel vm14, v19, v61  }
.Ltmp5:
0x125: {  	[tilespmem:s9+$0x2820] =	vst v20;
	v18 =	vmul.f32 $1.050701020e+00, v63;
	v17 =	vsel vm15, v17, v62;
	(pc) =	sbr.rel @p1 .LBB2_2-.Ltmp5, $4  }
0x126: {  	[tilespmem:s9+$0x2870] =	vst v16;
	v16 =	vmul.f32 $1.050701020e+00, v17  }
0x127: {  	[tilespmem:s9+$0x2810] =	vst v18  }
0x128: {  	s7 =	sadd.s32 $0x80, s7;
	[tilespmem:s9+$0x2850] =	vst v16  }
0x129: {  	[spmem:s2] =	stream.indirect.scatter.add.f32 [tilespmem:s29], [sflag:$0x6], $0x80, s7, s24, $0xb8;
	[tilespmem:$0x19D80] =	vst v63  }
0x12a: {  	_ =	swait.ge [sflag:s19], $0x1400  }
0x12b: {  	[sflag:s19] =	ssyncset.done $0x0  }
0x12c: {  	[sflag:s19] =	ssyncadd.s32 $0xFFFFEC00  }
0x12d: {  	_ =	swait.ge [sflag:s28], $0x1400  }
0x12e: {  	[sflag:s28] =	ssyncset.done $0x0  }
0x12f: {  	[sflag:s28] =	ssyncadd.s32 $0xFFFFEC00  }
0x130: {  	[bflag:$0x0] =	sbarrier.arrive $0xFFFF  }
0x131: {  	s7 =	rddreg [dreg:$0x9]  }
0x132: {  	[hbm:s7], [sflag:s20] =	dma.local [spmem:s21], $0x2700  }
0x133: {  	s23 =	sadd.s32 $0x1, s23;
	_ =	swait.ge [sflag:s18], $0x2700  }
0x134: {  	p1 =	sne.s32 s23, s16;
	[sflag:s18] =	ssyncset.done $0x0  }
.Ltmp6:
0x135: {  	s7 =	simm.s32 @!p0 $0x7;
	[sflag:s18] =	ssyncadd.s32 $0xFFFFD900;
	(pc) =	sbr.rel @p1 .LBB2_1-.Ltmp6, $4  }
0x136: {  	[hbm:s15], [sflag:s20] =	dma.local @!p0 [spmem:s22], $0x100  }
0x137: {  	_ =	swait.ge @!p0 [sflag:s7], $0x100  }
0x138: {  	[sflag:s7] =	ssyncset.done @!p0 $0x0  }
0x139: {  	[sflag:s7] =	ssyncadd.s32 @!p0 $0xFFFFFF00  }
0x13a: {  	_ =	sfence.sel $0x180000  }
0x13b: {  	[bflag:$0x0] =	sbarrier.arrive $0xFFFF  }
0x13c: {  	_ =	strace $0x9000004A  }
0x13d: {  	s0 =	stileid.u32;
	[bflag:$0x2] =	sbarrier.arrive $0xFFFF  }
0x13e: {  	p0 =	sne.s32 s0, $0x0;
	s0 =	rddreg [dreg:$0x3]  }
0x13f: {  	s0 =	sadd.s32 @!p0 $0x100000, s0  }
0x140: {  	[sflag:s0] =	ssyncadd.tile.s32 @!p0 $0x1;
	_ =	shalt  }
.Lfunc_end2:
_tile_overlayer_lowered:
.L_overlay_start_2:
0x141: {  	(tag) =	ssettag $0x2  }
0x142: {  	s0 =	rddreg [dreg:$0x0];
	s2 =	stileid.u32  }
0x143: {  	s1 =	rddreg [dreg:$0x1];
	p0 =	sne.s32 s2, $0x0  }
0x144: {  	s3 =	rddreg [dreg:$0x2];
	[bflag:$0x3] =	sbarrier.arrive $0xFFFF;
	s2 =	simm.s32 @!p0 $0x1C07  }
0x145: {  	[timem:s3], [sflag:s2] =	dma.local @!p0 [hbm:s0], s1  }
0x146: {  	s0 =	simm.s32 @!p0 $0x7  }
0x147: {  	_ =	swait.ge @!p0 [sflag:s0], s1  }
0x148: {  	s1 =	ssub.s32 @!p0 $0x0, s1;
	[sflag:s0] =	ssyncset.done @!p0 $0x0  }
0x149: {  	[sflag:s0] =	ssyncadd.s32 @!p0 s1  }
0x14a: {  	[bflag:$0x3] =	sbarrier.arrive $0xFFFF  }
0x14b: {  	_ =	shalt  }

// kernel: kernel.8.cloned.1.call-start
scs
__scs_entry_jumppad:
0x0: {  	(pc) =	sbr.rel $0x88, $3  }
0x1: {  	(tag) =	ssettag $0x0;
	lr =	simm.s32 $0x1  }
0x2: {  	[smem:$0x3F91] =	sst lr;
	_ =	strace $0xD0000000  }
0x3: {  	_ = 	snop  }
0x4: {  	_ = 	snop  }
0x5: {  	_ = 	snop  }
0x6: {  	_ = 	snop  }
0x7: {  	_ = 	snop  }
__scs_overlays_trampoline_lowered:
0x8: {  	[smem:$0x3FA0] =	sst s0  }
0x9: {  	[smem:$0x3FA1] =	sst s1  }
0xa: {  	[smem:$0x3FA2] =	sst s2  }
0xb: {  	[smem:$0x3FA3] =	sst s3  }
0xc: {  	[smem:$0x3FA4] =	sst s4  }
0xd: {  	[smem:$0x3FA5] =	sst s5  }
0xe: {  	[smem:$0x3FA6] =	sst s6  }
0xf: {  	[smem:$0x3FA7] =	sst s7  }
0x10: {  	[smem:$0x3FA8] =	sst s8  }
0x11: {  	[smem:$0x3FA9] =	sst s9;
	s0 =	simm.s32 @!p0 $0x0  }
0x12: {  	s1 =	sld [smem:$0x3F8F];
	s0 =	simm.s32 @p0 $0x1  }
0x13: {  	[smem:$0x3FAA] =	sst s0;
	s0 =	simm.s32 @!p1 $0x0  }
0x14: {  	s2 =	sld [smem:$0x3F8E];
	s0 =	simm.s32 @p1 $0x1  }
0x15: {  	[smem:$0x3FAB] =	sst s0;
	s0 =	simm.s32 @!p2 $0x0  }
0x16: {  	s3 =	sld [smem:$0x3FDB];
	s0 =	simm.s32 @p2 $0x1  }
0x17: {  	s4 =	simm.s32 $0x1BF5;
	[smem:$0x3FAD] =	sst s0  }
0x18: {  	s0 =	sld [smem:$0x3F90];
	_ =	swait.ge [sflag:s4], $0x0  }
0x19: {  	s7 =	sld [smem:$0x3F91]  }
0x1a: {  	s8 =	sadd.s32 $0xFFFFE003, lr  }
0x1b: {  	s9 =	sadd.s32 $0xFFFFFEF7, lr;
	s5 =	simm.s32 $0xFFFFFFFF;
	p2 =	slt.u32 s8, $0xFFFFF086  }
0x1c: {  	p1 =	slt.u32 s9, $0xF7A;
	s5 =	simm.s32 @!p2 $0x0  }
0x1d: {  	s5 =	simm.s32 @p1 $0x1;
	p0 =	seq.s32 s7, s2  }
0x1e: {  	s7 =	smul.u32 @!p0 $0xF7A, s2;
	p2 =	seq.s32 @!p0 s5, $0x0  }
0x1f: {  	s9 =	smul.u32 $0xF7A, s1;
	s8 =	simm.s32 @!p0 $0x1BF5;
	p2 =	por !p2, p0  }
0x20: {  	[sflag:s8] =	ssyncset.s32 @!p0 $0xFFFFF086;
	s6 =	sadd.s32 @!p0 s3, s7;
	s7 =	simm.s32 @!p0 $0x108  }
0x21: {  	s3 =	sadd.s32 s3, s9;
	s6 =	sadd.s32 @!p0 $0x88, s6;
	s7 =	simm.s32 @p2 $0x1082  }
0x22: {  	[simem:s7], [sflag:s8] =	dma.local @!p0 [hbm:s6], $0xF7A  }
0x23: {  	s9 =	sor.u32 $0xD0000000, s2;
	s6 =	simm.s32 $0x108;
	_ =	swait.ge @!p0 [sflag:s8], $0x0  }
0x24: {  	s3 =	sadd.s32 $0x88, s3;
	s6 =	simm.s32 @!p1 $0x1082;
	[sflag:s4] =	ssyncset.s32 $0xFFFFF086  }
0x25: {  	[simem:s6], [sflag:s4] =	dma.local [hbm:s3], $0xF7A  }
0x26: {  	[smem:$0x3F91] =	sst s1;
	(tag) =	ssettag s2;
	_ =	strace s9  }
0x27: {  	s1 =	sld [smem:$0x3FA1]  }
0x28: {  	s2 =	sld [smem:$0x3FA2]  }
0x29: {  	s4 =	sld [smem:$0x3FA4]  }
0x2a: {  	p0 =	seq.s32 s5, $0x0;
	s5 =	sld [smem:$0x3FA5]  }
0x2b: {  	s6 =	sld [smem:$0x3FA6]  }
0x2c: {  	s7 =	sld [smem:$0x3FA7]  }
0x2d: {  	s3 =	simm.s32 $0x108;
	s8 =	sld [smem:$0x3FA8]  }
0x2e: {  	s3 =	simm.s32 @!p0 $0x1082;
	s9 =	sld [smem:$0x3FA9]  }
0x2f: {  	lr =	sadd.s32 s0, s3;
	s0 =	sld [smem:$0x3FA0]  }
0x30: {  	s3 =	sld [smem:$0x3FA3]  }
0x31: {  	[smem:$0x3FAC] =	sst s10  }
0x32: {  	s10 =	sld [smem:$0x3FAA];
	_ =	sdelay $0x3  }
0x33: {  	p0 =	seq.s32 s10, $0x1;
	s10 =	sld [smem:$0x3FAC];
	_ =	sdelay $0x3  }
0x34: {  	[smem:$0x3FAC] =	sst s10  }
0x35: {  	s10 =	sld [smem:$0x3FAB];
	_ =	sdelay $0x3  }
0x36: {  	p1 =	seq.s32 s10, $0x1;
	s10 =	sld [smem:$0x3FAC];
	_ =	sdelay $0x3  }
0x37: {  	[smem:$0x3FAC] =	sst s10  }
0x38: {  	s10 =	sld [smem:$0x3FAD]  }
0x39: {  	_ = 	snop;
	(pc) =	sbr.ind lr, $3  }
0x3a: {  	_ = 	snop  }
0x3b: {  	_ = 	snop  }
0x3c: {  	p2 =	seq.s32 s10, $0x1;
	s10 =	sld [smem:$0x3FAC]  }
0x3d: {  	_ =	shalt  }
0x3e: {  	_ =	shalt  }
0x3f: {  	_ =	shalt  }
0x40: {  	_ =	shalt  }
0x41: {  	_ =	shalt  }
0x42: {  	_ =	shalt  }
0x43: {  	_ =	shalt  }
0x44: {  	_ =	shalt  }
0x45: {  	_ =	shalt  }
0x46: {  	_ =	shalt  }
0x47: {  	_ =	shalt  }
0x48: {  	_ =	shalt  }
0x49: {  	_ =	shalt  }
0x4a: {  	_ =	shalt  }
0x4b: {  	_ =	shalt  }
0x4c: {  	_ =	shalt  }
0x4d: {  	_ =	shalt  }
0x4e: {  	_ =	shalt  }
0x4f: {  	_ =	shalt  }
0x50: {  	_ =	shalt  }
0x51: {  	_ =	shalt  }
0x52: {  	_ =	shalt  }
0x53: {  	_ =	shalt  }
0x54: {  	_ =	shalt  }
0x55: {  	_ =	shalt  }
0x56: {  	_ =	shalt  }
0x57: {  	_ =	shalt  }
0x58: {  	_ =	shalt  }
0x59: {  	_ =	shalt  }
0x5a: {  	_ =	shalt  }
0x5b: {  	_ =	shalt  }
0x5c: {  	_ =	shalt  }
0x5d: {  	_ =	shalt  }
0x5e: {  	_ =	shalt  }
0x5f: {  	_ =	shalt  }
0x60: {  	_ =	shalt  }
0x61: {  	_ =	shalt  }
0x62: {  	_ =	shalt  }
0x63: {  	_ =	shalt  }
0x64: {  	_ =	shalt  }
0x65: {  	_ =	shalt  }
0x66: {  	_ =	shalt  }
0x67: {  	_ =	shalt  }
0x68: {  	_ =	shalt  }
0x69: {  	_ =	shalt  }
0x6a: {  	_ =	shalt  }
0x6b: {  	_ =	shalt  }
0x6c: {  	_ =	shalt  }
0x6d: {  	_ =	shalt  }
0x6e: {  	_ =	shalt  }
0x6f: {  	_ =	shalt  }
0x70: {  	_ =	shalt  }
0x71: {  	_ =	shalt  }
0x72: {  	_ =	shalt  }
0x73: {  	_ =	shalt  }
0x74: {  	_ =	shalt  }
0x75: {  	_ =	shalt  }
0x76: {  	_ =	shalt  }
0x77: {  	_ =	shalt  }
0x78: {  	_ =	shalt  }
0x79: {  	_ =	shalt  }
0x7a: {  	_ =	shalt  }
0x7b: {  	_ =	shalt  }
0x7c: {  	_ =	shalt  }
0x7d: {  	_ =	shalt  }
0x7e: {  	_ =	shalt  }
0x7f: {  	_ =	shalt  }
0x80: {  	_ =	shalt  }
0x81: {  	_ =	shalt  }
0x82: {  	_ =	shalt  }
0x83: {  	_ =	shalt  }
0x84: {  	_ =	shalt  }
0x85: {  	_ =	shalt  }
0x86: {  	_ =	shalt  }
0x87: {  	_ =	shalt  }
.Lfunc_end0:
.L_simem_size_0:
called_computation_lowered:
.L_overlay_start_0:
0x88: {  	s2 =	sld [smem:$0x3FD9]  }
0x89: {  	s3 =	sld [smem:$0x3FFE];
	_ =	sdelay $0x1  }
0x8a: {  	s1 =	srdreg.scid  }
0x8b: {  	s0 =	sand.u32 $0x1, s1  }
0x8c: {  	s17 =	sshll.u32 s0, $0xA;
	s2 =	sadd.s32 s3, s2  }
0x8d: {  	s2 =	sadd.s32 s2, s17  }
0x8e: {  	[smem:$0x3FB8] =	sst s2  }
0x8f: {  	_ = 	snop  }
0x90: {  	s2 =	sld [smem:$0x3FD0];
	(tm) =	ssettm $0x1  }
0x91: {  	s18 =	sld [smem:$0x3FFB];
	_ =	sdelay $0x3  }
0x92: {  	_ =	strace s18  }
0x93: {  	s3 =	sld [smem:$0x3FFC];
	_ =	sdelay $0x3  }
0x94: {  	_ =	strace s3  }
0x95: {  	s3 =	sld [smem:$0x3FFD];
	_ =	sdelay $0x3  }
0x96: {  	_ =	strace s3  }
0x97: {  	_ =	strace $0x8FFFFFFF  }
0x98: {  	s19 =	sld [smem:$0x3FDB];
	_ =	sdelay $0x1  }
0x99: {  	s4 =	simm.s32 $_scs_section_size  }
0x9a: {  	s5 =	simm.s32 $_size__tile_overlayer_lowered;
	s6 =	simm.s32 $_tile_overlayer_lowered  }
0x9b: {  	s22 =	simm.s32 $0x1BFF;
	s21 =	sshll.u32 s6, $0x1;
	s3 =	sadd.s32 s4, s19  }
0x9c: {  	s7 =	simm.s32 $0x0;
	s20 =	sshll.u32 s5, $0x1;
	s5 =	sadd.s32 s21, s3  }
0x9d: {  	[timem:s7], [sflag:s22] =	dma.local [hbm:s5], s20  }
0x9e: {  	_ =	swait.ge [sflag:s22], s20  }
0x9f: {  	s4 =	ssub.s32 $0x0, s20;
	[sflag:s22] =	ssyncset.done $0x0  }
0xa0: {  	[sflag:s22] =	ssyncadd.s32 s4;
	_ =	sdelay $0x1  }
0xa1: {  	s23 =	simm.s32 $0x1B8B  }
0xa2: {  	_ =	swait.ge [sflag:s23], $0x1  }
0xa3: {  	[sflag:s23] =	ssyncset.done $0x0  }
0xa4: {  	s25 =	simm.s32 $0x1B8E;
	s24 =	sld [smem:$0x3FFE];
	[sflag:s23] =	ssyncadd.s32 $0xFFFFFFFF  }
0xa5: {  	s26 =	simm.s32 $execute0_lowered;
	[smem:$0x3FD2] =	sst s25  }
0xa6: {  	s5 =	sshll.u32 s26, $0x1;
	_ =	strace $0x80000046;
	[dreg:$0x1] =	wrdreg $0xFFFFFFFF  }
0xa7: {  	s28 =	simm.s32 $_size_execute0_lowered;
	s3 =	sadd.s32 s3, s5;
	[dreg:$0x0] =	wrdreg $0x0  }
0xa8: {  	s5 =	sshll.u32 s28, $0x1;
	[dreg:$0x2] =	wrdreg s3  }
0xa9: {  	[dreg:$0x3] =	wrdreg s5  }
0xaa: {  	[dreg:$0x4] =	wrdreg $0xC0  }
0xab: {  	_ =	task [dreg:s7], $0x5FFFF  }
0xac: {  	[dreg:$0x1] =	wrdreg $0xFFFFFFFF  }
0xad: {  	[dreg:$0x0] =	wrdreg $0x60  }
0xae: {  	[dreg:$0x2] =	wrdreg s2  }
0xaf: {  	[dreg:$0x3] =	wrdreg s24  }
0xb0: {  	[dreg:$0x4] =	wrdreg $0x80000  }
0xb1: {  	[dreg:$0x5] =	wrdreg $0x9  }
0xb2: {  	_ =	task.clear_ibuf [dreg:s7], $0x6FFFF;
	_ =	strace $0x90000046  }
0xb3: {  	s29 =	simm.s32 $0x9;
	_ =	strace $0x80000048  }
0xb4: {  	_ =	swait.ge [sflag:s29], $0x1  }
0xb5: {  	[sflag:s29] =	ssyncadd.s32 $0xFFFFFFFF  }
0xb6: {  	_ =	strace $0x90000048  }
0xb7: {  	_ =	sfence  }
0xb8: {  	s30 =	sld [smem:$0x0];
	_ =	sdelay $0x2  }
0xb9: {  	s31 =	sshll.u32 s1, $0xD;
	s1 =	sshrl.u32 s1, $0x2  }
0xba: {  	s3 =	sand.u32 $0x4000, s31;
	s1 =	sadd.s32 s1, s30  }
0xbb: {  	s0 =	sor.u32 s3, s0;
	s1 =	sshll.u32 s1, $0x11  }
0xbc: {  	s0 =	sor.u32 s1, s0  }
0xbd: {  	s0 =	sadd.s32 $0x8F2B, s0  }
0xbe: {  	[sflag:s0] =	ssyncadd.remote.s32 $0x1  }
0xbf: {  	_ =	sfence.sel $0xFFFF  }
0xc0: {  	[dreg:$0x0] =	wrdreg $0xFFFFFFFF;
	(pc) =	sbr.abs _section_cstart, $3  }
0xc1: {  	[dreg:$0x1] =	wrdreg $0xFFFFFFFF  }
0xc2: {  	_ =	task.clear_ibuf [dreg:s7], $0x2FFFF;
	_ =	strace $0x9FFFFFFF  }
0xc3: {  	(tm) =	ssettm $0x7FFFFFFF  }
tec
execute0_lowered:
.L_overlay_start_1:
0x0: {  	(tag) =	ssettag $0x1  }
0x1: {  	s1 =	rddreg [dreg:$0x0]  }
0x2: {  	s0 =	rddreg [dreg:$0x1]  }
0x3: {  	s2 =	rddreg [dreg:$0x2]  }
0x4: {  	s3 =	srdreg.scid;
	s4 =	simm.s32 $0x0;
	s18 =	stileid.u32  }
0x5: {  	s17 =	simm.s32 $0x6C00;
	s28 =	simm.s32 $0x2800;
	s29 =	simm.s32 $0x5000  }
0x6: {  	s30 =	simm.s32 $0x1;
	s31 =	simm.s32 $0x3;
	s3 =	sand.u32 $0x1, s3  }
0x7: {  	[smem:$0x7FF] =	sst s4;
	s6 =	sadd.s32 $0x3200, s0;
	s21 =	smul.u32 $0x4E000, s18  }
0x8: {  	s8 =	sadd.s32 $0x41A00, s0;
	s10 =	sadd.s32 $0x44200, s0;
	s23 =	smul.u32 $0x13800, s18  }
0x9: {  	p0 =	sne.s32 s18, $0xF;
	s26 =	sshll.u32 s18, $0x6;
	s5 =	sshll.u32 s3, $0x4  }
0xa: {  	_ =	strace $0x80000047;
	[dreg:$0x4] =	wrdreg s10;
	s12 =	ssub.s32 $0x2, s3  }
0xb: {  	s3 =	smul.u32 $0x138800, s3;
	s19 =	sor.u32 $0x1C07, s26;
	s9 =	sor.u32 s18, s5  }
0xc: {  	s26 =	simm.s32 $0x6;
	s5 =	sadd.s32 $0x4E5200, s0;
	s7 =	smul.u32 $0xFA, s9  }
0xd: {  	s14 =	sshrl.u32 s12, $0x1;
	s10 =	sshrl.u32 s21, $0x2;
	s13 =	smul.u32 $0x1F40, s9  }
0xe: {  	s21 =	sadd.s32 $0x138000, s2;
	s18 =	simm.s32 $0x7;
	s15 =	smul.u32 $0xFA00, s9  }
0xf: {  	s11 =	sshll.u32 s9, $0x8;
	s12 =	ssub.s32 s12, s14;
	s9 =	smul.u32 $0x27100, s9  }
0x10: {  	s10 =	sadd.s32 s10, s2;
	s25 =	sadd.s32 s23, s3;
	s3 =	sshrl.u32 s3, $0x3  }
0x11: {  	s21 =	sshrl.u32 @!p0 s21, $0x3;
	s23 =	simm.s32 $0x28;
	s11 =	sadd.s32 s11, s0  }
0x12: {  	s0 =	sadd.s32 $0x46600, s0;
	s16 =	smax.u32 s12, $0x1;
	s13 =	sadd.s32 s6, s13  }
0x13: {  	s20 =	sshrl.u32 s10, $0x3;
	s9 =	sadd.s32 s5, s9;
	[dreg:$0x5] =	wrdreg s13  }
0x14: {  	s22 =	sshrl.u32 s15, $0x3;
	s11 =	sadd.s32 $0x44600, s11;
	[dreg:$0x7] =	wrdreg s9  }
0x15: {  	s3 =	sadd.s32 s0, s3;
	s14 =	sadd.s32 s6, s22;
	[dreg:$0x8] =	wrdreg s11  }
0x16: {  	s9 =	sshrl.u32 s25, $0x3;
	s15 =	sadd.s32 $0x27000, s3;
	s3 =	simm.s32 $0x4  }
0x17: {  	s22 =	simm.s32 $0x5;
	s25 =	simm.s32 $0x0;
	s24 =	sadd.s32 $0x140, s14  }
0x18: {  	s14 =	sadd.s32 s0, s9;
	s0 =	simm.s32 $0x2;
	[dreg:$0x6] =	wrdreg s24  }
.LBB2_1:
0x19: {  	s9 =	rddreg [dreg:$0x4]  }
0x1a: {  	[tilespmem:s17], [sflag:$0x7] =	stream.linear.gather [hbm4b:s9+s4], $0x1400, $0x38;
	[tilespmem:$0x1B880] =	vst v63  }
0x1b: {  	_ =	swait.ge [sflag:s18], $0x1400  }
0x1c: {  	[sflag:s18] =	ssyncset.done $0x0  }
0x1d: {  	[sflag:s18] =	ssyncadd.s32 $0xFFFFEC00  }
0x1e: {  	[spmem:s20], [sflag:s19] =	dma.local [hbm:s8], $0x2700  }
0x1f: {  	_ =	swait.ge [sflag:s18], $0x2700  }
0x20: {  	[sflag:s18] =	ssyncset.done $0x0  }
0x21: {  	s9 =	simm.s32 @!p0 $0x7;
	[sflag:s18] =	ssyncadd.s32 $0xFFFFD900  }
0x22: {  	[spmem:s21], [sflag:s19] =	dma.local @!p0 [hbm:s8], $0x100  }
0x23: {  	_ =	swait.ge @!p0 [sflag:s9], $0x100  }
0x24: {  	[sflag:s9] =	ssyncset.done @!p0 $0x0  }
0x25: {  	[sflag:s9] =	ssyncadd.s32 @!p0 $0xFFFFFF00  }
0x26: {  	[bflag:$0x0] =	sbarrier.arrive $0xFFFF  }
0x27: {  	s10 =	rddreg [dreg:$0x5]  }
0x28: {  	[tilespmem:s4], [sflag:$0x7] =	stream.linear.gather [hbm4b:s10+s4], $0xA00, $0x38;
	[tilespmem:$0x1B880] =	vst v63  }
0x29: {  	_ =	swait.ge [sflag:s18], $0xA00  }
0x2a: {  	[sflag:s18] =	ssyncset.done $0x0  }
0x2b: {  	s10 =	simm.s32 $0xA00;
	s11 =	rddreg [dreg:$0x6];
	[sflag:s18] =	ssyncadd.s32 $0xFFFFF600  }
0x2c: {  	[tilespmem:s10], [sflag:$0x7] =	stream.linear.gather [hbm4b:s11+s4], $0xA00, $0x38;
	[tilespmem:$0x1B880] =	vst v63  }
0x2d: {  	_ =	swait.ge [sflag:s18], $0xA00  }
0x2e: {  	v8 =	vimm.f32 $0.0e+00;
	[sflag:s18] =	ssyncset.done $0x0  }
0x2f: {  	s12 =	simm.s32 $0x1400;
	v0 =	vimm.f32 $0.0e+00;
	v1 =	vimm.f32 $0.0e+00;
	v2 =	vimm.f32 $0.0e+00;
	[sflag:s18] =	ssyncadd.s32 $0xFFFFF600  }
0x30: {  	v3 =	vimm.f32 $0.0e+00;
	v15 =	vimm.f32 $0.0e+00;
	v13 =	vimm.f32 $0.0e+00;
	[tilespmem:s12], [sflag:$0x1] =	stream.indirect.gather [hbm4b:s1+s23], $0x80, s4, s23, $0xb8;
	[tilespmem:$0x1B880] =	vst v63  }
0x31: {  	s24 =	simm.s32 $0x3C00;
	v11 =	vimm.f32 $0.0e+00;
	v9 =	vimm.f32 $0.0e+00;
	v4 =	vimm.f32 $0.0e+00;
	s13 =	rddreg [dreg:$0x7]  }
0x32: {  	v5 =	vimm.f32 $0.0e+00;
	v6 =	vimm.f32 $0.0e+00;
	v7 =	vimm.f32 $0.0e+00;
	[tilespmem:s24], [sflag:$0x3] =	stream.linear.gather [hbm4b:s13+s4], $0x1400, $0x38;
	[tilespmem:$0x1B880] =	vst v63  }
0x33: {  	v16 =	vimm.f32 $0.0e+00;
	v12 =	vimm.f32 $0.0e+00;
	v10 =	vimm.f32 $0.0e+00;
	s24 =	simm.s32 $0x0  }
.LBB2_2:
0x34: {  	s9 =	smul.u32 $0xCD, s24;
	_ =	sdelay $0x1  }
0x35: {  	s9 =	sshrl.u32 s9, $0xA  }
0x36: {  	s9 =	sand.u32 $0x3F, s9  }
0x37: {  	s10 =	smul.u32 $0x5, s9;
	_ =	sdelay $0x1  }
0x38: {  	p1 =	seq.s32 s24, $0x0;
	s10 =	ssub.s32 s24, s10  }
0x39: {  	s10 =	sand.u32 @!p1 $0xFF, s10  }
0x3a: {  	p2 =	sne.s32 @!p1 s10, $0x0  }
0x3b: {  	p2 =	por p1, p2  }
0x3c: {  	p3 =	sgt.u32 @!p2 s24, $0x77  }
0x3d: {  	p2 =	por p2, p3  }
.Ltmp0:
0x3e: {  	_ = 	snop;
	(pc) =	sbr.rel @p2 .LBB2_4-.Ltmp0, $1  }
0x3f: {  	_ =	sdelay $0x3  }
0x40: {  	s10 =	sadd.s32 $0x1, s9  }
0x41: {  	s11 =	smul.u32 $0xA, s10;
	_ =	sdelay $0x1  }
0x42: {  	s11 =	sadd.s32 s7, s11  }
0x43: {  	s10 =	sand.u32 $0x1, s10;
	s11 =	sshll.u32 s11, $0x5  }
0x44: {  	p1 =	seq.s32 s10, $0x1;
	s10 =	simm.s32 $0xA00;
	s11 =	sand.u32 $0x7FFC0, s11  }
.Ltmp1:
0x45: {  	s10 =	simm.s32 @!p1 $0x0;
	s11 =	sadd.s32 s6, s11;
	(pc) =	sbr.rel .LBB2_5-.Ltmp1, $4  }
0x46: {  	[tilespmem:s10], [sflag:$0x7] =	stream.linear.gather [hbm4b:s11+s4], $0xA00, $0x38;
	[tilespmem:$0x1B880] =	vst v63  }
0x47: {  	_ =	swait.ge [sflag:s18], $0xA00  }
0x48: {  	[sflag:s18] =	ssyncset.done $0x0  }
0x49: {  	[sflag:s18] =	ssyncadd.s32 $0xFFFFF600  }
.LBB2_4:
.Ltmp2:
0x4a: {  	(pc) =	sbr.rel @p1 .LBB2_6-.Ltmp2, $1  }
0x4b: {  	_ =	sdelay $0x3  }
.LBB2_5:
0x4c: {  	_ =	swait.ge [sflag:s26], $0x1400  }
0x4d: {  	[sflag:s26] =	ssyncset.done $0x0  }
0x4e: {  	[sflag:s26] =	ssyncadd.s32 $0xFFFFEC00  }
.LBB2_6:
0x4f: {  	s10 =	sshll.u32 s24, $0x1  }
0x50: {  	s12 =	sor.u32 $0x1, s10  }
0x51: {  	s11 =	smul.u32 $0xCD, s12;
	_ =	sdelay $0x1  }
0x52: {  	s11 =	sshrl.u32 s11, $0xB  }
0x53: {  	s11 =	sand.u32 $0x1F, s11  }
0x54: {  	s11 =	smul.u32 $0xA, s11;
	_ =	sdelay $0x1  }
0x55: {  	s9 =	sand.u32 $0x1, s9;
	s11 =	ssub.s32 s12, s11  }
0x56: {  	p1 =	seq.s32 s9, $0x1;
	s13 =	sand.u32 $0xFF, s11;
	s11 =	simm.s32 $0xA00  }
0x57: {  	s12 =	sadd.s32 s7, s12;
	s11 =	simm.s32 @!p1 $0x0;
	s13 =	sshll.u32 s13, $0x8  }
0x58: {  	s12 =	smul.u32 $0x280, s12;
	s9 =	sadd.s32 s13, s11  }
0x59: {  	[tilespmem:s28], [sflag:$0x2] =	stream.indirect.gather [hbm4b:s1+s23], $0x80, s9, s23, $0xb8;
	[tilespmem:$0x1B880] =	vst v63  }
0x5a: {  	s12 =	sadd.s32 s5, s12;
	s13 =	simm.s32 $0x0  }
0x5b: {  	[tilespmem:s29], [sflag:$0x4] =	stream.linear.gather [hbm4b:s12+s13], $0x1400, $0x38;
	[tilespmem:$0x1B880] =	vst v63  }
0x5c: {  	_ =	swait.ge [sflag:s30], $0x1400  }
0x5d: {  	[sflag:s30] =	ssyncset.done $0x0  }
0x5e: {  	[sflag:s30] =	ssyncadd.s32 $0xFFFFEC00  }
0x5f: {  	_ =	swait.ge [sflag:s31], $0x1400  }
0x60: {  	[sflag:s31] =	ssyncset.done $0x0  }
0x61: {  	s13 =	simm.s32 $0x0;
	[sflag:s31] =	ssyncadd.s32 $0xFFFFEC00  }
0x62: {  	v14 =	vld [tilespmem:s13+$0x1470]  }
0x63: {  	v17 =	vld [tilespmem:s13+$0x3C70]  }
0x64: {  	v18 =	vld [tilespmem:s13+$0x1400]  }
0x65: {  	v19 =	vld [tilespmem:s13+$0x3C00]  }
0x66: {  	v20 =	vld [tilespmem:s13+$0x1410]  }
0x67: {  	v21 =	vld [tilespmem:s13+$0x3C10]  }
0x68: {  	v22 =	vld [tilespmem:s13+$0x1420]  }
0x69: {  	v23 =	vld [tilespmem:s13+$0x3C20]  }
0x6a: {  	v24 =	vld [tilespmem:s13+$0x1430]  }
0x6b: {  	v25 =	vld [tilespmem:s13+$0x3C30];
	v14 =	vadd.f32 v17, v14  }
0x6c: {  	v18 =	vadd.f32 v19, v18  }
0x6d: {  	v26 =	vld [tilespmem:s13+$0x1440];
	v17 =	vmul.f32 v14, v14  }
0x6e: {  	v27 =	vld [tilespmem:s13+$0x3C40];
	v20 =	vadd.f32 v21, v20;
	v14 =	vadd.f32 v14, v9;
	v19 =	vmul.f32 v18, v18  }
0x6f: {  	v9 =	vadd.f32 v17, v8;
	v8 =	vadd.f32 v23, v22;
	v17 =	vld [tilespmem:s13+$0x1450]  }
0x70: {  	v21 =	vadd.f32 v25, v24;
	v11 =	vadd.f32 v19, v11;
	v22 =	vmul.f32 v20, v20;
	v19 =	vld [tilespmem:s13+$0x3C50]  }
0x71: {  	v10 =	vadd.f32 v18, v10;
	v12 =	vadd.f32 v20, v12;
	v18 =	vld [tilespmem:s13+$0x1460];
	v23 =	vmul.f32 v8, v8  }
0x72: {  	s12 =	simm.s32 $0x80;
	v20 =	vld [tilespmem:s13+$0x3C60];
	v13 =	vadd.f32 v22, v13;
	v8 =	vadd.f32 v8, v16  }
0x73: {  	s13 =	simm.s32 $0x400;
	v16 =	vld [tilespmem:s12+$0x1470];
	v22 =	vadd.f32 v27, v26;
	v15 =	vadd.f32 v23, v15;
	v23 =	vmul.f32 v21, v21  }
.LBB2_7:
0x74: {  	p1 =	sne.s32 s13, $0x4E00;
	v24 =	vld [tilespmem:s12+$0x3C70];
	v7 =	vadd.f32 v21, v7  }
0x75: {  	v21 =	vld [tilespmem:s12+$0x1400];
	v3 =	vadd.f32 v23, v3;
	v23 =	vmul.f32 v22, v22;
	v17 =	vadd.f32 v19, v17  }
0x76: {  	v6 =	vadd.f32 v22, v6;
	v19 =	vld [tilespmem:s12+$0x3C00]  }
0x77: {  	v22 =	vld [tilespmem:s12+$0x1410];
	v2 =	vadd.f32 v23, v2;
	v23 =	vmul.f32 v17, v17;
	v18 =	vadd.f32 v20, v18  }
0x78: {  	v5 =	vadd.f32 v17, v5;
	v20 =	vld [tilespmem:s12+$0x3C10]  }
0x79: {  	v17 =	vld [tilespmem:s12+$0x1420];
	v16 =	vadd.f32 v24, v16;
	v1 =	vadd.f32 v23, v1;
	v23 =	vmul.f32 v18, v18  }
0x7a: {  	v4 =	vadd.f32 v18, v4;
	v24 =	vld [tilespmem:s12+$0x3C20]  }
0x7b: {  	v18 =	vadd.f32 v19, v21;
	v21 =	vld [tilespmem:s12+$0x1430];
	v19 =	vmul.f32 v16, v16;
	v0 =	vadd.f32 v23, v0  }
0x7c: {  	v14 =	vadd.f32 v16, v14;
	v23 =	vld [tilespmem:s12+$0x3C30]  }
0x7d: {  	v16 =	vmul.f32 v18, v18;
	v20 =	vadd.f32 v20, v22;
	v22 =	vld [tilespmem:s12+$0x1440];
	v9 =	vadd.f32 v19, v9  }
0x7e: {  	v10 =	vadd.f32 v18, v10;
	v25 =	vld [tilespmem:s12+$0x3C40]  }
.Ltmp3:
0x7f: {  	v11 =	vadd.f32 v16, v11;
	v16 =	vmul.f32 v20, v20;
	v24 =	vadd.f32 v24, v17;
	v17 =	vld [tilespmem:s12+$0x1450];
	(pc) =	sbr.rel @p1 .LBB2_7-.Ltmp3, $4  }
0x80: {  	v12 =	vadd.f32 v20, v12;
	v19 =	vld [tilespmem:s12+$0x3C50]  }
0x81: {  	v13 =	vadd.f32 v16, v13;
	v26 =	vmul.f32 v24, v24;
	v21 =	vadd.f32 v23, v21;
	v18 =	vld [tilespmem:s12+$0x1460]  }
0x82: {  	v8 =	vadd.f32 v24, v8;
	v20 =	vld [tilespmem:s12+$0x3C60];
	s12 =	sshra.s32 s13, $0x2  }
0x83: {  	s13 =	sadd.s32 $0x200, s13;
	v16 =	vld [tilespmem:s12+$0x1470];
	v15 =	vadd.f32 v26, v15;
	v23 =	vmul.f32 v21, v21;
	v22 =	vadd.f32 v25, v22  }
0x84: {  	v24 =	vld [tilespmem:s12+$0x3C70]  }
0x85: {  	v25 =	vld [tilespmem:s12+$0x1400]  }
0x86: {  	v26 =	vld [tilespmem:s12+$0x3C00]  }
0x87: {  	v27 =	vld [tilespmem:s12+$0x1410]  }
0x88: {  	v28 =	vld [tilespmem:s12+$0x3C10]  }
0x89: {  	v29 =	vld [tilespmem:s12+$0x1420]  }
0x8a: {  	v30 =	vld [tilespmem:s12+$0x3C20];
	s13 =	smulhi.u32 $0x66666667, s10  }
0x8b: {  	v31 =	vld [tilespmem:s12+$0x1430]  }
0x8c: {  	v32 =	vld [tilespmem:s12+$0x3C30];
	s13 =	sshrl.u32 s13, $0x2  }
0x8d: {  	v33 =	vld [tilespmem:s12+$0x1440];
	s13 =	smul.u32 $0xA, s13  }
0x8e: {  	v34 =	vld [tilespmem:s12+$0x3C40]  }
0x8f: {  	v35 =	vld [tilespmem:s12+$0x1450];
	s13 =	ssub.s32 s10, s13  }
0x90: {  	v36 =	vld [tilespmem:s12+$0x3C50];
	p1 =	seq.s32 s24, $0x7C;
	s13 =	sshll.u32 s13, $0x8  }
0x91: {  	v37 =	vld [tilespmem:s12+$0x1460];
	s10 =	sadd.s32 @!p1 $0x2, s10;
	s11 =	sadd.s32 s13, s11  }
0x92: {  	v38 =	vld [tilespmem:s12+$0x3C60];
	s12 =	smulhi.u32 @!p1 $0x66666667, s10;
	s11 =	sadd.s32 $0x80, s11  }
0x93: {  	[spmem:s2] =	stream.indirect.scatter.add.f32 [tilespmem:s17], [sflag:$0x5], $0x80, s11, s23, $0xb8;
	[tilespmem:$0x1B880] =	vst v63  }
0x94: {  	s11 =	sshrl.u32 @!p1 s12, $0x2  }
0x95: {  	s12 =	simm.s32 @!p1 $0x5;
	s13 =	smul.u32 @!p1 $0xA, s11;
	s11 =	sand.u32 @!p1 $0x1, s11  }
0x96: {  	_ =	swait.ge @!p1 [sflag:s12], $0x1400;
	p2 =	seq.s32 @!p1 s11, $0x1  }
0x97: {  	[sflag:s12] =	ssyncset.done @!p1 $0x0;
	s11 =	ssub.s32 @!p1 s10, s13;
	s13 =	simm.s32 @!p1 $0xA00  }
0x98: {  	p2 =	por !p2, p1;
	[sflag:s12] =	ssyncadd.s32 @!p1 $0xFFFFEC00;
	s10 =	sadd.s32 @!p1 s7, s10  }
0x99: {  	s12 =	simm.s32 @!p1 $0x28;
	s13 =	simm.s32 @p2 $0x0;
	s11 =	sshll.u32 @!p1 s11, $0x8  }
0x9a: {  	s10 =	smul.u32 @!p1 $0x280, s10;
	s11 =	sadd.s32 @!p1 s11, s13;
	s13 =	simm.s32 @!p1 $0x1400  }
0x9b: {  	[tilespmem:s13], [sflag:$0x1] =	stream.indirect.gather @!p1 [hbm4b:s1+s12], $0x80, s11, s12, $0xb8;
	[tilespmem:$0x1B880] =	vst v63  }
0x9c: {  	s10 =	sadd.s32 @!p1 s5, s10;
	s11 =	simm.s32 @!p1 $0x0;
	s12 =	simm.s32 @!p1 $0x3C00  }
0x9d: {  	v17 =	vadd.f32 v19, v17;
	v19 =	vmul.f32 v22, v22;
	[tilespmem:s12], [sflag:$0x3] =	stream.linear.gather @!p1 [hbm4b:s10+s11], $0x1400, $0x38;
	[tilespmem:$0x1B880] =	vst v63  }
0x9e: {  	v7 =	vadd.f32 v21, v7;
	v3 =	vadd.f32 v23, v3;
	_ =	swait.ge [sflag:s0], $0x1400  }
0x9f: {  	v18 =	vadd.f32 v20, v18;
	v19 =	vadd.f32 v19, v2;
	v2 =	vmul.f32 v17, v17;
	[sflag:s0] =	ssyncset.done $0x0  }
0xa0: {  	v5 =	vadd.f32 v17, v5;
	v16 =	vadd.f32 v24, v16;
	[sflag:s0] =	ssyncadd.s32 $0xFFFFEC00  }
0xa1: {  	v17 =	vmul.f32 v18, v18;
	v20 =	vadd.f32 v2, v1;
	v1 =	vadd.f32 v26, v25;
	_ =	swait.ge [sflag:s3], $0x1400  }
0xa2: {  	v18 =	vadd.f32 v18, v4;
	v4 =	vadd.f32 v28, v27;
	v2 =	vmul.f32 v16, v16;
	[sflag:s3] =	ssyncset.done $0x0  }
0xa3: {  	v0 =	vadd.f32 v17, v0;
	v14 =	vadd.f32 v16, v14;
	s13 =	simm.s32 $0x0;
	[sflag:s3] =	ssyncadd.s32 $0xFFFFEC00  }
0xa4: {  	v16 =	vmul.f32 v1, v1;
	v9 =	vadd.f32 v2, v9;
	v2 =	vadd.f32 v30, v29;
	v17 =	vld [tilespmem:s13+$0x2870]  }
0xa5: {  	v6 =	vadd.f32 v22, v6;
	v21 =	vadd.f32 v1, v10;
	v1 =	vmul.f32 v4, v4;
	v10 =	vld [tilespmem:s13+$0x5070]  }
0xa6: {  	v12 =	vadd.f32 v4, v12;
	v11 =	vadd.f32 v16, v11;
	v4 =	vmul.f32 v2, v2;
	v22 =	vld [tilespmem:s13+$0x2800]  }
0xa7: {  	v16 =	vadd.f32 v32, v31;
	v23 =	vadd.f32 v1, v13;
	v58 =	vld [tilespmem:s13+$0x5000]  }
0xa8: {  	v13 =	vadd.f32 v34, v33;
	v60 =	vadd.f32 v4, v15;
	v15 =	vld [tilespmem:s13+$0x2810]  }
0xa9: {  	v59 =	vadd.f32 v2, v8;
	v2 =	vmul.f32 v16, v16;
	v1 =	vadd.f32 v16, v7;
	v16 =	vld [tilespmem:s13+$0x5010]  }
0xaa: {  	v7 =	vadd.f32 v36, v35;
	v8 =	vadd.f32 v38, v37;
	v61 =	vld [tilespmem:s13+$0x2820]  }
0xab: {  	v4 =	vmul.f32 v13, v13;
	v2 =	vadd.f32 v2, v3;
	v3 =	vadd.f32 v13, v6;
	v13 =	vld [tilespmem:s13+$0x5020]  }
0xac: {  	v6 =	vmul.f32 v7, v7;
	v5 =	vadd.f32 v7, v5;
	v62 =	vld [tilespmem:s13+$0x2840]  }
0xad: {  	v4 =	vadd.f32 v4, v19;
	v19 =	vmul.f32 v8, v8;
	v10 =	vadd.f32 v10, v17;
	v17 =	vld [tilespmem:s13+$0x2830]  }
0xae: {  	v6 =	vadd.f32 v6, v20;
	v20 =	vadd.f32 v58, v22;
	v22 =	vld [tilespmem:s13+$0x5030]  }
0xaf: {  	v7 =	vadd.f32 v8, v18;
	v0 =	vadd.f32 v19, v0;
	v63 =	vld [tilespmem:s13+$0x5040]  }
0xb0: {  	v15 =	vadd.f32 v16, v15;
	v16 =	vadd.f32 v13, v61;
	v18 =	vmul.f32 v10, v10  }
0xb1: {  	v19 =	vld [tilespmem:s13+$0x5050];
	v8 =	vadd.f32 v10, v14;
	v14 =	vmul.f32 v20, v20;
	v13 =	vadd.f32 v20, v21  }
0xb2: {  	v12 =	vadd.f32 v15, v12;
	v27 =	vmul.f32 v16, v16;
	v10 =	vadd.f32 v18, v9;
	v9 =	vld [tilespmem:s13+$0x2850]  }
0xb3: {  	v20 =	vld [tilespmem:s13+$0x5060];
	v11 =	vadd.f32 v14, v11;
	v14 =	vmul.f32 v15, v15;
	v21 =	vadd.f32 v22, v17  }
0xb4: {  	s10 =	simm.s32 $0x80;
	v18 =	vld [tilespmem:s13+$0x2860];
	v17 =	vadd.f32 v27, v60;
	v22 =	vadd.f32 v63, v62  }
0xb5: {  	s11 =	simm.s32 $0x400;
	v15 =	vadd.f32 v14, v23;
	v14 =	vadd.f32 v16, v59;
	v16 =	vld [tilespmem:s10+$0x2870];
	v23 =	vmul.f32 v21, v21  }
.LBB2_9:
0xb6: {  	p1 =	sne.s32 s11, $0x4E00;
	v24 =	vld [tilespmem:s10+$0x5070];
	v1 =	vadd.f32 v21, v1  }
0xb7: {  	v21 =	vld [tilespmem:s10+$0x2800];
	v2 =	vadd.f32 v23, v2;
	v23 =	vmul.f32 v22, v22;
	v9 =	vadd.f32 v19, v9  }
0xb8: {  	v3 =	vadd.f32 v22, v3;
	v19 =	vld [tilespmem:s10+$0x5000]  }
0xb9: {  	v22 =	vld [tilespmem:s10+$0x2810];
	v4 =	vadd.f32 v23, v4;
	v23 =	vmul.f32 v9, v9;
	v18 =	vadd.f32 v20, v18  }
0xba: {  	v5 =	vadd.f32 v9, v5;
	v20 =	vld [tilespmem:s10+$0x5010]  }
0xbb: {  	v9 =	vld [tilespmem:s10+$0x2820];
	v16 =	vadd.f32 v24, v16;
	v6 =	vadd.f32 v23, v6;
	v23 =	vmul.f32 v18, v18  }
0xbc: {  	v7 =	vadd.f32 v18, v7;
	v24 =	vld [tilespmem:s10+$0x5020]  }
0xbd: {  	v18 =	vadd.f32 v19, v21;
	v21 =	vld [tilespmem:s10+$0x2830];
	v19 =	vmul.f32 v16, v16;
	v0 =	vadd.f32 v23, v0  }
0xbe: {  	v8 =	vadd.f32 v16, v8;
	v23 =	vld [tilespmem:s10+$0x5030]  }
0xbf: {  	v16 =	vmul.f32 v18, v18;
	v20 =	vadd.f32 v20, v22;
	v22 =	vld [tilespmem:s10+$0x2840];
	v10 =	vadd.f32 v19, v10  }
0xc0: {  	v13 =	vadd.f32 v18, v13;
	v25 =	vld [tilespmem:s10+$0x5040]  }
.Ltmp4:
0xc1: {  	v11 =	vadd.f32 v16, v11;
	v16 =	vmul.f32 v20, v20;
	v24 =	vadd.f32 v24, v9;
	v9 =	vld [tilespmem:s10+$0x2850];
	(pc) =	sbr.rel @p1 .LBB2_9-.Ltmp4, $4  }
0xc2: {  	v12 =	vadd.f32 v20, v12;
	v19 =	vld [tilespmem:s10+$0x5050]  }
0xc3: {  	v15 =	vadd.f32 v16, v15;
	v26 =	vmul.f32 v24, v24;
	v21 =	vadd.f32 v23, v21;
	v18 =	vld [tilespmem:s10+$0x2860]  }
0xc4: {  	v14 =	vadd.f32 v24, v14;
	v20 =	vld [tilespmem:s10+$0x5060];
	s10 =	sshra.s32 s11, $0x2  }
0xc5: {  	s11 =	sadd.s32 $0x200, s11;
	v16 =	vld [tilespmem:s10+$0x2870];
	v17 =	vadd.f32 v26, v17;
	v23 =	vmul.f32 v21, v21;
	v22 =	vadd.f32 v25, v22  }
0xc6: {  	v24 =	vld [tilespmem:s10+$0x5070]  }
0xc7: {  	v25 =	vld [tilespmem:s10+$0x2800]  }
0xc8: {  	v26 =	vld [tilespmem:s10+$0x5000]  }
0xc9: {  	v27 =	vld [tilespmem:s10+$0x2810]  }
0xca: {  	v28 =	vld [tilespmem:s10+$0x5010]  }
0xcb: {  	v29 =	vld [tilespmem:s10+$0x2820]  }
0xcc: {  	v55 =	vld [tilespmem:s10+$0x2840];
	v9 =	vadd.f32 v19, v9  }
0xcd: {  	v1 =	vadd.f32 v21, v1;
	v56 =	vld [tilespmem:s10+$0x5040];
	v52 =	vmul.f32 v22, v22;
	v2 =	vadd.f32 v23, v2  }
0xce: {  	v30 =	vld [tilespmem:s10+$0x5020];
	v54 =	vadd.f32 v22, v3;
	v18 =	vadd.f32 v20, v18;
	v3 =	vmul.f32 v9, v9  }
0xcf: {  	v53 =	vld [tilespmem:s10+$0x5030];
	v4 =	vadd.f32 v52, v4;
	v5 =	vadd.f32 v9, v5  }
0xd0: {  	v19 =	vld [tilespmem:s10+$0x2830];
	v9 =	vadd.f32 v24, v16;
	v57 =	vadd.f32 v3, v6  }
0xd1: {  	v58 =	vld [tilespmem:s10+$0x5050];
	v16 =	vmul.f32 v18, v18;
	v3 =	vadd.f32 v26, v25;
	v18 =	vadd.f32 v18, v7  }
0xd2: {  	v6 =	vld [tilespmem:s10+$0x2850];
	v59 =	vadd.f32 v28, v27;
	v61 =	vadd.f32 v56, v55;
	v7 =	vmul.f32 v9, v9  }
0xd3: {  	v60 =	vld [tilespmem:s10+$0x2860];
	v0 =	vadd.f32 v16, v0;
	v9 =	vadd.f32 v9, v8  }
0xd4: {  	v16 =	vmul.f32 v3, v3;
	v8 =	vadd.f32 v7, v10;
	v10 =	vadd.f32 v3, v13;
	v3 =	vld [tilespmem:s10+$0x5060]  }
0xd5: {  	v19 =	vadd.f32 v53, v19;
	v12 =	vadd.f32 v59, v12  }
0xd6: {  	v11 =	vadd.f32 v16, v11;
	v7 =	vadd.f32 v30, v29;
	v13 =	vmul.f32 v59, v59  }
0xd7: {  	s24 =	sadd.s32 $0x1, s24;
	v62 =	vadd.f32 v58, v6;
	v6 =	vadd.f32 v61, v54  }
0xd8: {  	p1 =	sne.s32 s24, $0x7D;
	v13 =	vadd.f32 v13, v15;
	v15 =	vmul.f32 v7, v7;
	v16 =	vadd.f32 v7, v14  }
.Ltmp5:
0xd9: {  	v14 =	vmul.f32 v19, v19;
	v7 =	vadd.f32 v19, v1;
	v63 =	vadd.f32 v3, v60;
	(pc) =	sbr.rel @p1 .LBB2_2-.Ltmp5, $4  }
0xda: {  	v1 =	vmul.f32 v62, v62;
	v15 =	vadd.f32 v15, v17;
	v17 =	vmul.f32 v61, v61  }
0xdb: {  	v5 =	vadd.f32 v62, v5;
	v3 =	vadd.f32 v14, v2;
	v14 =	vmul.f32 v63, v63  }
0xdc: {  	s9 =	sadd.s32 $0x80, s9;
	v1 =	vadd.f32 v1, v57;
	v2 =	vadd.f32 v17, v4  }
0xdd: {  	[spmem:s2] =	stream.indirect.scatter.add.f32 [tilespmem:s17], [sflag:$0x6], $0x80, s9, s23, $0xb8;
	v4 =	vadd.f32 v63, v18;
	v0 =	vadd.f32 v14, v0;
	[tilespmem:$0x1B880] =	vst v63  }
0xde: {  	_ =	swait.ge [sflag:s22], $0x1400  }
0xdf: {  	[sflag:s22] =	ssyncset.done $0x0  }
0xe0: {  	[sflag:s22] =	ssyncadd.s32 $0xFFFFEC00  }
0xe1: {  	_ =	swait.ge [sflag:s26], $0x1400  }
0xe2: {  	[sflag:s26] =	ssyncset.done $0x0  }
0xe3: {  	[sflag:s26] =	ssyncadd.s32 $0xFFFFEC00  }
0xe4: {  	[tilespmem:$0x6400] =	vst v10  }
0xe5: {  	[tilespmem:$0x6480] =	vst v12  }
0xe6: {  	[tilespmem:$0x6500] =	vst v16  }
0xe7: {  	[tilespmem:$0x6580] =	vst v7  }
0xe8: {  	[tilespmem:$0x6600] =	vst v6  }
0xe9: {  	[tilespmem:$0x6680] =	vst v5  }
0xea: {  	[tilespmem:$0x6700] =	vst v4  }
0xeb: {  	[tilespmem:$0x6780] =	vst v9  }
0xec: {  	[tilespmem:$0x6800] =	vst v11  }
0xed: {  	[tilespmem:$0x6880] =	vst v13  }
0xee: {  	[tilespmem:$0x6900] =	vst v15  }
0xef: {  	[tilespmem:$0x6980] =	vst v3  }
0xf0: {  	[tilespmem:$0x6A00] =	vst v2  }
0xf1: {  	[tilespmem:$0x6A80] =	vst v1  }
0xf2: {  	[tilespmem:$0x6B00] =	vst v0  }
0xf3: {  	s10 =	simm.s32 $0x6400;
	s9 =	rddreg [dreg:$0x8];
	[tilespmem:$0x6B80] =	vst v8  }
0xf4: {  	[hbm4b:s9+s4] =	stream.linear.scatter [tilespmem:s10], [sflag:$0x7], $0x800, $0x38;
	[tilespmem:$0x1B880] =	vst v63  }
0xf5: {  	_ =	swait.ge [sflag:s18], $0x800  }
0xf6: {  	[sflag:s18] =	ssyncset.done $0x0  }
0xf7: {  	[sflag:s18] =	ssyncadd.s32 $0xFFFFF800  }
0xf8: {  	[bflag:$0x0] =	sbarrier.arrive $0xFFFF  }
0xf9: {  	[hbm:s14], [sflag:s19] =	dma.local [spmem:s20], $0x2700  }
0xfa: {  	s25 =	sadd.s32 $0x1, s25;
	_ =	swait.ge [sflag:s18], $0x2700  }
0xfb: {  	p1 =	sne.s32 s25, s16;
	[sflag:s18] =	ssyncset.done $0x0  }
.Ltmp6:
0xfc: {  	s9 =	simm.s32 @!p0 $0x7;
	[sflag:s18] =	ssyncadd.s32 $0xFFFFD900;
	(pc) =	sbr.rel @p1 .LBB2_1-.Ltmp6, $4  }
0xfd: {  	[hbm:s15], [sflag:s19] =	dma.local @!p0 [spmem:s21], $0x100  }
0xfe: {  	_ =	swait.ge @!p0 [sflag:s9], $0x100  }
0xff: {  	[sflag:s9] =	ssyncset.done @!p0 $0x0  }
0x100: {  	[sflag:s9] =	ssyncadd.s32 @!p0 $0xFFFFFF00  }
0x101: {  	_ =	sfence.sel $0x180000  }
0x102: {  	[bflag:$0x0] =	sbarrier.arrive $0xFFFF  }
0x103: {  	_ =	strace $0x90000047  }
0x104: {  	s0 =	stileid.u32;
	[bflag:$0x2] =	sbarrier.arrive $0xFFFF  }
0x105: {  	p0 =	sne.s32 s0, $0x0;
	s0 =	rddreg [dreg:$0x3]  }
0x106: {  	s0 =	sadd.s32 @!p0 $0x100000, s0  }
0x107: {  	[sflag:s0] =	ssyncadd.tile.s32 @!p0 $0x1;
	_ =	shalt  }
.Lfunc_end2:
_tile_overlayer_lowered:
.L_overlay_start_2:
0x108: {  	(tag) =	ssettag $0x2  }
0x109: {  	s0 =	rddreg [dreg:$0x0];
	s2 =	stileid.u32  }
0x10a: {  	s1 =	rddreg [dreg:$0x1];
	p0 =	sne.s32 s2, $0x0  }
0x10b: {  	s3 =	rddreg [dreg:$0x2];
	[bflag:$0x3] =	sbarrier.arrive $0xFFFF;
	s2 =	simm.s32 @!p0 $0x1C07  }
0x10c: {  	[timem:s3], [sflag:s2] =	dma.local @!p0 [hbm:s0], s1  }
0x10d: {  	s0 =	simm.s32 @!p0 $0x7  }
0x10e: {  	_ =	swait.ge @!p0 [sflag:s0], s1  }
0x10f: {  	s1 =	ssub.s32 @!p0 $0x0, s1;
	[sflag:s0] =	ssyncset.done @!p0 $0x0  }
0x110: {  	[sflag:s0] =	ssyncadd.s32 @!p0 s1  }
0x111: {  	[bflag:$0x3] =	sbarrier.arrive $0xFFFF  }
0x112: {  	_ =	shalt  }

</sc_bundles>
